<compile_context>
chip_gen: v7x
topology: tpu7x:2x2x1
jax: 0.10.2.dev20260603
libtpu: 0.0.44.dev20260713+nightly
codegen_flags: <defaults>
</compile_context>

<pallas_src>
import functools

import jax
import jax.numpy as jnp
from jax import lax
from jax.experimental import pallas as pl
from jax.experimental.pallas import tpu as pltpu
from jax.experimental.pallas import tpu_sc as plsc

NC = 2
NS = 16
L = 16
NW = NC * NS

N_ROWS = 16384
D = 127
RPW = N_ROWS // NW
G = RPW // L
U = 4
NU = 16
NB = 24


def _splat(vec, i):
    return vec.at[jnp.full((L,), i, dtype=jnp.int32)].get(
        mode="promise_in_bounds")


def _sc_body(x_hbm, y_hbm, uv_hbm, w0_hbm, w1_hbm, bv1_hbm, bv2_hbm,
             w00_hbm, w01_hbm, w10_hbm, w11_hbm, out_hbm,
             xv, yv, accv, uvv, w0v, w1v, bv1v, bv2v, w00v, w01v, w10v,
             w11v, sem):
    wid = lax.axis_index("s") * NC + lax.axis_index("c")
    base = wid * RPW

    copies = [
        pltpu.async_copy(x_hbm.at[pl.ds(base * D, RPW * D)], xv, sem),
        pltpu.async_copy(y_hbm.at[pl.ds(base, RPW)], yv, sem),
        pltpu.async_copy(uv_hbm, uvv, sem),
        pltpu.async_copy(w0_hbm, w0v, sem),
        pltpu.async_copy(w1_hbm, w1v, sem),
        pltpu.async_copy(bv1_hbm, bv1v, sem),
        pltpu.async_copy(bv2_hbm, bv2v, sem),
        pltpu.async_copy(w00_hbm, w00v, sem),
        pltpu.async_copy(w01_hbm, w01v, sem),
        pltpu.async_copy(w10_hbm, w10v, sem),
        pltpu.async_copy(w11_hbm, w11v, sem),
    ]
    for c in copies:
        c.wait()

    lane = lax.iota(jnp.int32, L)

    uvec = uvv[...]
    avec = w1v[...] - w0v[...]

    def chunks(ref):
        return ref[pl.ds(0, L)], ref[pl.ds(8, L)]

    i1, i2 = chunks(bv1v)
    j1, j2 = chunks(bv2v)
    w00a, w00b = chunks(w00v)
    w01a, w01b = chunks(w01v)
    w10a, w10b = chunks(w10v)
    w11a, w11b = chunks(w11v)
    b1a, b1b = w10a - w00a, w10b - w00b
    b2a, b2b = w01a - w00a, w01b - w00b
    bba, bbb = w00a - w01a - w10a + w11a, w00b - w01b - w10b + w11b

    zeros = jnp.zeros((L,), jnp.float32)
    c0_parts = (w0v[...] + w00a + jnp.where(lane >= 8, w00b, zeros))
    c0 = jnp.sum(c0_parts)
    c0v = jnp.full((L,), c0, dtype=jnp.float32)

    def iter_body(it, _):
        g0 = it * U
        rowoffs = [(g0 + u) * (L * D) + lane * D for u in range(U)]
        ygs = [yv[pl.ds((g0 + u) * L, L)] for u in range(U)]
        accs = [c0v for _ in range(U)]

        for t in range(NU):
            idxs = _splat(uvec, t)
            cl = jnp.minimum(idxs, D - 1)
            isy = idxs == D
            at = _splat(avec, t)
            for u in range(U):
                tv = plsc.load_gather(xv, [rowoffs[u] + cl])
                tv = jnp.where(isy, ygs[u], tv)
                accs[u] = accs[u] + at * tv

        for t in range(NB):
            if t < 8:
                iv, jv = i1, j1
                b1, b2, bb = b1a, b2a, bba
                e = t
            else:
                iv, jv = i2, j2
                b1, b2, bb = b1b, b2b, bbb
                e = t - 8
            iis = _splat(iv, e)
            jjs = _splat(jv, e)
            cli = jnp.minimum(iis, D - 1)
            clj = jnp.minimum(jjs, D - 1)
            isyi = iis == D
            isyj = jjs == D
            b1t = _splat(b1, e)
            b2t = _splat(b2, e)
            bbt = _splat(bb, e)
            for u in range(U):
                t1 = plsc.load_gather(xv, [rowoffs[u] + cli])
                t1 = jnp.where(isyi, ygs[u], t1)
                t2 = plsc.load_gather(xv, [rowoffs[u] + clj])
                t2 = jnp.where(isyj, ygs[u], t2)
                accs[u] = accs[u] + t1 * (b1t + bbt * t2) + b2t * t2

        for u in range(U):
            accv[pl.ds((g0 + u) * L, L)] = accs[u]
        return _

    lax.fori_loop(0, G // U, iter_body, None)
    pltpu.sync_copy(accv, out_hbm.at[pl.ds(base, RPW)])


@functools.partial(
    pl.kernel,
    out_type=jax.ShapeDtypeStruct((N_ROWS,), jnp.float32),
    mesh=plsc.VectorSubcoreMesh(core_axis_name="c", subcore_axis_name="s",
                                num_cores=NC, num_subcores=NS),
    scratch_types=[
        pltpu.VMEM((RPW * D,), jnp.float32),
        pltpu.VMEM((RPW,), jnp.float32),
        pltpu.VMEM((RPW,), jnp.float32),
        pltpu.VMEM((NU,), jnp.int32),
        pltpu.VMEM((NU,), jnp.float32),
        pltpu.VMEM((NU,), jnp.float32),
        pltpu.VMEM((NB,), jnp.int32),
        pltpu.VMEM((NB,), jnp.int32),
        pltpu.VMEM((NB,), jnp.float32),
        pltpu.VMEM((NB,), jnp.float32),
        pltpu.VMEM((NB,), jnp.float32),
        pltpu.VMEM((NB,), jnp.float32),
        pltpu.SemaphoreType.DMA,
    ],
    compiler_params=pltpu.CompilerParams(needs_layout_passes=False),
)
def _pgm_loss_sc(x_hbm, y_hbm, uv_hbm, w0_hbm, w1_hbm, bv1_hbm, bv2_hbm,
                 w00_hbm, w01_hbm, w10_hbm, w11_hbm, out_hbm,
                 xv, yv, accv, uvv, w0v, w1v, bv1v, bv2v, w00v, w01v, w10v,
                 w11v, sem):
    _sc_body(x_hbm, y_hbm, uv_hbm, w0_hbm, w1_hbm, bv1_hbm, bv2_hbm,
             w00_hbm, w01_hbm, w10_hbm, w11_hbm, out_hbm,
             xv, yv, accv, uvv, w0v, w1v, bv1v, bv2v, w00v, w01v, w10v,
             w11v, sem)


def kernel(X, y, univariate_vars, univariate_weights_0, univariate_weights_1,
           bivariate_vars_1, bivariate_vars_2, bivariate_weights_00,
           bivariate_weights_01, bivariate_weights_10, bivariate_weights_11):
    return _pgm_loss_sc(X.reshape(-1), y[:, 0], univariate_vars,
                        univariate_weights_0, univariate_weights_1,
                        bivariate_vars_1, bivariate_vars_2,
                        bivariate_weights_00, bivariate_weights_01,
                        bivariate_weights_10, bivariate_weights_11)

# --- scband reference (transcript-rebuilt; emitter-appended) ---
"""Pipeline reference for scband-pgmloss-48713519071779 (READ-ONLY COPY).

The authoritative reference and input builder live on the scoring server;
editing this copy changes nothing except your own understanding.
"""

import jax, jax.numpy as jnp
import numpy as np

UNI = [[0,0.1,-0.2],[5,0.3,0.4],[12,-0.5,0.6],[20,0.7,-0.1],[33,0.2,0.9],[47,-0.3,0.5],[58,0.4,-0.6],[64,0.8,0.1],[71,-0.7,0.2],[85,0.6,-0.4],[92,0.15,0.25],[101,-0.35,0.45],[110,0.55,-0.65],[118,0.05,0.95],[124,-0.15,0.35],[127,0.65,-0.25]]
BIV = [[0,1,0.1,-0.1,0.2,-0.2],[2,3,0.3,-0.3,0.4,-0.4],[4,5,0.5,-0.5,0.6,-0.6],[6,7,0.7,-0.7,0.8,-0.8],[8,9,0.9,-0.9,0.15,-0.15],[10,20,0.25,-0.25,0.35,-0.35],[11,30,0.45,-0.45,0.55,-0.55],[12,40,0.65,-0.65,0.75,-0.75],[13,50,0.85,-0.85,0.95,-0.95],[14,60,0.05,-0.05,0.12,-0.12],[15,70,0.22,-0.22,0.32,-0.32],[16,80,0.42,-0.42,0.52,-0.52],[17,90,0.62,-0.62,0.72,-0.72],[18,100,0.82,-0.82,0.92,-0.92],[19,110,0.02,-0.02,0.13,-0.13],[21,120,0.23,-0.23,0.33,-0.33],[22,127,0.43,-0.43,0.53,-0.53],[23,126,0.63,-0.63,0.73,-0.73],[24,125,0.83,-0.83,0.93,-0.93],[25,124,0.03,-0.03,0.14,-0.14],[26,123,0.24,-0.24,0.34,-0.34],[27,122,0.44,-0.44,0.54,-0.54],[28,121,0.64,-0.64,0.74,-0.74],[29,119,0.84,-0.84,0.94,-0.94]]

def setup_inputs(seed: int = 0) -> dict:
    key = jax.random.key(seed)
    k1, k2 = jax.random.split(key)
    X = jax.random.uniform(k1, (16384, 127), dtype=jnp.float32)
    y = jax.random.uniform(k2, (16384, 1), dtype=jnp.float32)
    uni = np.array(UNI, dtype=np.float32)
    biv = np.array(BIV, dtype=np.float32)
    return {
        'X': X,
        'y': y,
        'univariate_vars': jnp.asarray(uni[:, 0].astype(np.int32)),
        'univariate_weights_0': jnp.asarray(uni[:, 1]),
        'univariate_weights_1': jnp.asarray(uni[:, 2]),
        'bivariate_vars_1': jnp.asarray(biv[:, 0].astype(np.int32)),
        'bivariate_vars_2': jnp.asarray(biv[:, 1].astype(np.int32)),
        'bivariate_weights_00': jnp.asarray(biv[:, 2]),
        'bivariate_weights_01': jnp.asarray(biv[:, 3]),
        'bivariate_weights_10': jnp.asarray(biv[:, 4]),
        'bivariate_weights_11': jnp.asarray(biv[:, 5]),
    }

def reference(X, y, univariate_vars, univariate_weights_0, univariate_weights_1, bivariate_vars_1, bivariate_vars_2, bivariate_weights_00, bivariate_weights_01, bivariate_weights_10, bivariate_weights_11):
    total = jnp.concatenate((X, y), axis=1)
    tu = jnp.take(total, univariate_vars, axis=1)
    uni_contrib = (1 - tu) * univariate_weights_0 + tu * univariate_weights_1
    t1 = jnp.take(total, bivariate_vars_1, axis=1)
    t2 = jnp.take(total, bivariate_vars_2, axis=1)
    bi_contrib = ((1 - t1) * (1 - t2) * bivariate_weights_00[None, :]
                  + (1 - t1) * t2 * bivariate_weights_01[None, :]
                  + t1 * (1 - t2) * bivariate_weights_10[None, :]
                  + t1 * t2 * bivariate_weights_11[None, :])
    loss_val = jnp.sum(uni_contrib, axis=1) + jnp.sum(bi_contrib, axis=1)
    return loss_val

if __name__ == "__main__":
    import jax
    _d = setup_inputs()
    print(jax.jit(kernel)(*tuple(_d.values())))

</pallas_src>

<mosaic_0001>
#map = affine_map<(d0, d1) -> (0)>
module attributes {stable_mosaic.version = 14 : i64} {
  func.func @_pgm_loss_sc(%arg0: i32, %arg1: i32, %arg2: memref<2080768xf32, #tpu.memory_space<hbm>>, %arg3: memref<16384xf32, #tpu.memory_space<hbm>>, %arg4: memref<16xi32, #tpu.memory_space<hbm>>, %arg5: memref<16xf32, #tpu.memory_space<hbm>>, %arg6: memref<16xf32, #tpu.memory_space<hbm>>, %arg7: memref<24xi32, #tpu.memory_space<hbm>>, %arg8: memref<24xi32, #tpu.memory_space<hbm>>, %arg9: memref<24xf32, #tpu.memory_space<hbm>>, %arg10: memref<24xf32, #tpu.memory_space<hbm>>, %arg11: memref<24xf32, #tpu.memory_space<hbm>>, %arg12: memref<24xf32, #tpu.memory_space<hbm>>, %arg13: memref<16384xf32, #tpu.memory_space<hbm>>, %arg14: memref<65024xf32, #tpu.memory_space<vmem>>, %arg15: memref<512xf32, #tpu.memory_space<vmem>>, %arg16: memref<512xf32, #tpu.memory_space<vmem>>, %arg17: memref<16xi32, #tpu.memory_space<vmem>>, %arg18: memref<16xf32, #tpu.memory_space<vmem>>, %arg19: memref<16xf32, #tpu.memory_space<vmem>>, %arg20: memref<24xi32, #tpu.memory_space<vmem>>, %arg21: memref<24xi32, #tpu.memory_space<vmem>>, %arg22: memref<24xf32, #tpu.memory_space<vmem>>, %arg23: memref<24xf32, #tpu.memory_space<vmem>>, %arg24: memref<24xf32, #tpu.memory_space<vmem>>, %arg25: memref<24xf32, #tpu.memory_space<vmem>>, %arg26: memref<!tpu.dma_semaphore, #tpu.memory_space<semaphore_mem>>) attributes {dimension_semantics = [#tpu.dimension_semantics<core_parallel>, #tpu.dimension_semantics<subcore_parallel>], iteration_bounds = array<i64: 2, 16>, scalar_prefetch = 0 : i64, scratch_operands = 13 : i64, tpu.core_type = #tpu.core_type<sc_vector_subcore>, window_params = [{transform_indices = #map}, {transform_indices = #map}, {transform_indices = #map}, {transform_indices = #map}, {transform_indices = #map}, {transform_indices = #map}, {transform_indices = #map}, {transform_indices = #map}, {transform_indices = #map}, {transform_indices = #map}, {transform_indices = #map}, {transform_indices = #map}]} {
    %mul3A = arith.constant 2 : i32
    %mul3A_0 = arith.muli %arg1, %mul3A : i32
    %add3A = arith.addi %mul3A_0, %arg0 : i32
    %mul3A_1 = arith.constant 512 : i32
    %mul3A_2 = arith.muli %add3A, %mul3A_1 : i32
    %mul3A_3 = arith.constant 127 : i32
    %mul3A_4 = arith.muli %mul3A_2, %mul3A_3 : i32
    %dma_start3A = tpu.memref_slice %arg2[%mul3A_4] : memref<2080768xf32, #tpu.memory_space<hbm>> -> memref<65024xf32, #tpu.memory_space<hbm>>
    %dma_start3A_5 = tpu.memref_slice %arg2[%mul3A_4] : memref<2080768xf32, #tpu.memory_space<hbm>> -> memref<65024xf32, #tpu.memory_space<hbm>>
    tpu.enqueue_dma source(%dma_start3A_5 : memref<65024xf32, #tpu.memory_space<hbm>>) target(%arg14 : memref<65024xf32, #tpu.memory_space<vmem>>) target_semaphore(%arg26 : memref<!tpu.dma_semaphore, #tpu.memory_space<semaphore_mem>>)
    %dma_start3A_6 = tpu.memref_slice %arg3[%mul3A_2] : memref<16384xf32, #tpu.memory_space<hbm>> -> memref<512xf32, #tpu.memory_space<hbm>>
    %dma_start3A_7 = tpu.memref_slice %arg3[%mul3A_2] : memref<16384xf32, #tpu.memory_space<hbm>> -> memref<512xf32, #tpu.memory_space<hbm>>
    tpu.enqueue_dma source(%dma_start3A_7 : memref<512xf32, #tpu.memory_space<hbm>>) target(%arg15 : memref<512xf32, #tpu.memory_space<vmem>>) target_semaphore(%arg26 : memref<!tpu.dma_semaphore, #tpu.memory_space<semaphore_mem>>)
    tpu.enqueue_dma source(%arg4 : memref<16xi32, #tpu.memory_space<hbm>>) target(%arg17 : memref<16xi32, #tpu.memory_space<vmem>>) target_semaphore(%arg26 : memref<!tpu.dma_semaphore, #tpu.memory_space<semaphore_mem>>)
    tpu.enqueue_dma source(%arg5 : memref<16xf32, #tpu.memory_space<hbm>>) target(%arg18 : memref<16xf32, #tpu.memory_space<vmem>>) target_semaphore(%arg26 : memref<!tpu.dma_semaphore, #tpu.memory_space<semaphore_mem>>)
    tpu.enqueue_dma source(%arg6 : memref<16xf32, #tpu.memory_space<hbm>>) target(%arg19 : memref<16xf32, #tpu.memory_space<vmem>>) target_semaphore(%arg26 : memref<!tpu.dma_semaphore, #tpu.memory_space<semaphore_mem>>)
    tpu.enqueue_dma source(%arg7 : memref<24xi32, #tpu.memory_space<hbm>>) target(%arg20 : memref<24xi32, #tpu.memory_space<vmem>>) target_semaphore(%arg26 : memref<!tpu.dma_semaphore, #tpu.memory_space<semaphore_mem>>)
    tpu.enqueue_dma source(%arg8 : memref<24xi32, #tpu.memory_space<hbm>>) target(%arg21 : memref<24xi32, #tpu.memory_space<vmem>>) target_semaphore(%arg26 : memref<!tpu.dma_semaphore, #tpu.memory_space<semaphore_mem>>)
    tpu.enqueue_dma source(%arg9 : memref<24xf32, #tpu.memory_space<hbm>>) target(%arg22 : memref<24xf32, #tpu.memory_space<vmem>>) target_semaphore(%arg26 : memref<!tpu.dma_semaphore, #tpu.memory_space<semaphore_mem>>)
    tpu.enqueue_dma source(%arg10 : memref<24xf32, #tpu.memory_space<hbm>>) target(%arg23 : memref<24xf32, #tpu.memory_space<vmem>>) target_semaphore(%arg26 : memref<!tpu.dma_semaphore, #tpu.memory_space<semaphore_mem>>)
    tpu.enqueue_dma source(%arg11 : memref<24xf32, #tpu.memory_space<hbm>>) target(%arg24 : memref<24xf32, #tpu.memory_space<vmem>>) target_semaphore(%arg26 : memref<!tpu.dma_semaphore, #tpu.memory_space<semaphore_mem>>)
    tpu.enqueue_dma source(%arg12 : memref<24xf32, #tpu.memory_space<hbm>>) target(%arg25 : memref<24xf32, #tpu.memory_space<vmem>>) target_semaphore(%arg26 : memref<!tpu.dma_semaphore, #tpu.memory_space<semaphore_mem>>)
    %dma_wait3A = tpu.memref_slice %arg2[%mul3A_4] : memref<2080768xf32, #tpu.memory_space<hbm>> -> memref<65024xf32, #tpu.memory_space<hbm>>
    %dma_wait3A_8 = tpu.memref_slice %arg2[%mul3A_4] : memref<2080768xf32, #tpu.memory_space<hbm>> -> memref<65024xf32, #tpu.memory_space<hbm>>
    tpu.wait_dma2 semaphore(%arg26 : memref<!tpu.dma_semaphore, #tpu.memory_space<semaphore_mem>>) src(%dma_wait3A_8 : memref<65024xf32, #tpu.memory_space<hbm>>) dst(%arg14 : memref<65024xf32, #tpu.memory_space<vmem>>)
    %dma_wait3A_9 = tpu.memref_slice %arg3[%mul3A_2] : memref<16384xf32, #tpu.memory_space<hbm>> -> memref<512xf32, #tpu.memory_space<hbm>>
    %dma_wait3A_10 = tpu.memref_slice %arg3[%mul3A_2] : memref<16384xf32, #tpu.memory_space<hbm>> -> memref<512xf32, #tpu.memory_space<hbm>>
    tpu.wait_dma2 semaphore(%arg26 : memref<!tpu.dma_semaphore, #tpu.memory_space<semaphore_mem>>) src(%dma_wait3A_10 : memref<512xf32, #tpu.memory_space<hbm>>) dst(%arg15 : memref<512xf32, #tpu.memory_space<vmem>>)
    tpu.wait_dma2 semaphore(%arg26 : memref<!tpu.dma_semaphore, #tpu.memory_space<semaphore_mem>>) src(%arg4 : memref<16xi32, #tpu.memory_space<hbm>>) dst(%arg17 : memref<16xi32, #tpu.memory_space<vmem>>)
    tpu.wait_dma2 semaphore(%arg26 : memref<!tpu.dma_semaphore, #tpu.memory_space<semaphore_mem>>) src(%arg5 : memref<16xf32, #tpu.memory_space<hbm>>) dst(%arg18 : memref<16xf32, #tpu.memory_space<vmem>>)
    tpu.wait_dma2 semaphore(%arg26 : memref<!tpu.dma_semaphore, #tpu.memory_space<semaphore_mem>>) src(%arg6 : memref<16xf32, #tpu.memory_space<hbm>>) dst(%arg19 : memref<16xf32, #tpu.memory_space<vmem>>)
    tpu.wait_dma2 semaphore(%arg26 : memref<!tpu.dma_semaphore, #tpu.memory_space<semaphore_mem>>) src(%arg7 : memref<24xi32, #tpu.memory_space<hbm>>) dst(%arg20 : memref<24xi32, #tpu.memory_space<vmem>>)
    tpu.wait_dma2 semaphore(%arg26 : memref<!tpu.dma_semaphore, #tpu.memory_space<semaphore_mem>>) src(%arg8 : memref<24xi32, #tpu.memory_space<hbm>>) dst(%arg21 : memref<24xi32, #tpu.memory_space<vmem>>)
    tpu.wait_dma2 semaphore(%arg26 : memref<!tpu.dma_semaphore, #tpu.memory_space<semaphore_mem>>) src(%arg9 : memref<24xf32, #tpu.memory_space<hbm>>) dst(%arg22 : memref<24xf32, #tpu.memory_space<vmem>>)
    tpu.wait_dma2 semaphore(%arg26 : memref<!tpu.dma_semaphore, #tpu.memory_space<semaphore_mem>>) src(%arg10 : memref<24xf32, #tpu.memory_space<hbm>>) dst(%arg23 : memref<24xf32, #tpu.memory_space<vmem>>)
    tpu.wait_dma2 semaphore(%arg26 : memref<!tpu.dma_semaphore, #tpu.memory_space<semaphore_mem>>) src(%arg11 : memref<24xf32, #tpu.memory_space<hbm>>) dst(%arg24 : memref<24xf32, #tpu.memory_space<vmem>>)
    tpu.wait_dma2 semaphore(%arg26 : memref<!tpu.dma_semaphore, #tpu.memory_space<semaphore_mem>>) src(%arg12 : memref<24xf32, #tpu.memory_space<hbm>>) dst(%arg25 : memref<24xf32, #tpu.memory_space<vmem>>)
    %iota3A = tpu.iota {dimensions = array<i32: 0>} : vector<16xi32>
    %get3A = arith.constant 0 : index
    %get3A_11 = tpu.vector_load %arg17[%get3A] {strides = array<i32>} : memref<16xi32, #tpu.memory_space<vmem>>, vector<16xi32>,
    %get3A_12 = arith.constant 0 : index
    %get3A_13 = tpu.vector_load %arg19[%get3A_12] {strides = array<i32>} : memref<16xf32, #tpu.memory_space<vmem>>, vector<16xf32>,
    %get3A_14 = arith.constant 0 : index
    %get3A_15 = tpu.vector_load %arg18[%get3A_14] {strides = array<i32>} : memref<16xf32, #tpu.memory_space<vmem>>, vector<16xf32>,
    %sub3A = arith.subf %get3A_13, %get3A_15 : vector<16xf32>
    %get3A_16 = arith.constant 0 : index
    %get3A_17 = tpu.vector_load %arg20[%get3A_16] {strides = array<i32>} : memref<24xi32, #tpu.memory_space<vmem>>, vector<16xi32>,
    %get3A_18 = arith.constant 8 : index
    %get3A_19 = tpu.vector_load %arg20[%get3A_18] {strides = array<i32>} : memref<24xi32, #tpu.memory_space<vmem>>, vector<16xi32>,
    %get3A_20 = arith.constant 0 : index
    %get3A_21 = tpu.vector_load %arg21[%get3A_20] {strides = array<i32>} : memref<24xi32, #tpu.memory_space<vmem>>, vector<16xi32>,
    %get3A_22 = arith.constant 8 : index
    %get3A_23 = tpu.vector_load %arg21[%get3A_22] {strides = array<i32>} : memref<24xi32, #tpu.memory_space<vmem>>, vector<16xi32>,
    %get3A_24 = arith.constant 0 : index
    %get3A_25 = tpu.vector_load %arg22[%get3A_24] {strides = array<i32>} : memref<24xf32, #tpu.memory_space<vmem>>, vector<16xf32>,
    %get3A_26 = arith.constant 8 : index
    %get3A_27 = tpu.vector_load %arg22[%get3A_26] {strides = array<i32>} : memref<24xf32, #tpu.memory_space<vmem>>, vector<16xf32>,
    %get3A_28 = arith.constant 0 : index
    %get3A_29 = tpu.vector_load %arg23[%get3A_28] {strides = array<i32>} : memref<24xf32, #tpu.memory_space<vmem>>, vector<16xf32>,
    %get3A_30 = arith.constant 8 : index
    %get3A_31 = tpu.vector_load %arg23[%get3A_30] {strides = array<i32>} : memref<24xf32, #tpu.memory_space<vmem>>, vector<16xf32>,
    %get3A_32 = arith.constant 0 : index
    %get3A_33 = tpu.vector_load %arg24[%get3A_32] {strides = array<i32>} : memref<24xf32, #tpu.memory_space<vmem>>, vector<16xf32>,
    %get3A_34 = arith.constant 8 : index
    %get3A_35 = tpu.vector_load %arg24[%get3A_34] {strides = array<i32>} : memref<24xf32, #tpu.memory_space<vmem>>, vector<16xf32>,
    %get3A_36 = arith.constant 0 : index
    %get3A_37 = tpu.vector_load %arg25[%get3A_36] {strides = array<i32>} : memref<24xf32, #tpu.memory_space<vmem>>, vector<16xf32>,
    %get3A_38 = arith.constant 8 : index
    %get3A_39 = tpu.vector_load %arg25[%get3A_38] {strides = array<i32>} : memref<24xf32, #tpu.memory_space<vmem>>, vector<16xf32>,
    %sub3A_40 = arith.subf %get3A_33, %get3A_25 : vector<16xf32>
    %sub3A_41 = arith.subf %get3A_35, %get3A_27 : vector<16xf32>
    %sub3A_42 = arith.subf %get3A_29, %get3A_25 : vector<16xf32>
    %sub3A_43 = arith.subf %get3A_31, %get3A_27 : vector<16xf32>
    %sub3A_44 = arith.subf %get3A_25, %get3A_29 : vector<16xf32>
    %sub3A_45 = arith.subf %sub3A_44, %get3A_33 : vector<16xf32>
    %add3A_46 = arith.addf %sub3A_45, %get3A_37 : vector<16xf32>
    %sub3A_47 = arith.subf %get3A_27, %get3A_31 : vector<16xf32>
    %sub3A_48 = arith.subf %sub3A_47, %get3A_35 : vector<16xf32>
    %add3A_49 = arith.addf %sub3A_48, %get3A_39 : vector<16xf32>
    %broadcast_in_dim3A = arith.constant 0.000000e+00 : f32
    %broadcast_in_dim3A_50 = vector.broadcast %broadcast_in_dim3A : f32 to vector<16xf32>
    %get3A_51 = arith.constant 0 : index
    %get3A_52 = tpu.vector_load %arg18[%get3A_51] {strides = array<i32>} : memref<16xf32, #tpu.memory_space<vmem>>, vector<16xf32>,
    %add3A_53 = arith.addf %get3A_52, %get3A_25 : vector<16xf32>
    %ge3A = arith.constant 8 : i32
    %ge3A_54 = vector.broadcast %ge3A : i32 to vector<16xi32>
    %ge3A_55 = arith.cmpi sge, %iota3A, %ge3A_54 : vector<16xi32>
    %select_n3A = arith.select %ge3A_55, %get3A_27, %broadcast_in_dim3A_50 : vector<16xi1>, vector<16xf32>
    %add3A_56 = arith.addf %add3A_53, %select_n3A : vector<16xf32>
    %reduce_sum3A = arith.constant true
    %reduce_sum3A_57 = vector.broadcast %reduce_sum3A : i1 to vector<16xi1>
    %reduce_sum3A_58 = tpu.scan <sum>, %add3A_56 masked %reduce_sum3A_57 : vector<16xf32>, vector<16xi1> -> vector<16xf32>
    %reduce_sum3A_59 = vector.extract %reduce_sum3A_58[15] : f32 from vector<16xf32>
    %broadcast_in_dim3A_60 = vector.broadcast %reduce_sum3A_59 : f32 to vector<16xf32>
    %scan3A = arith.constant 0 : i32
    %scan3A_61 = arith.constant 8 : i32
    %scan3A_62 = arith.addi %scan3A, %scan3A_61 : i32
    %scan3A_63 = arith.constant 1 : i32
    scf.for %scan3A_65 = %scan3A to %scan3A_62 step %scan3A_63  : i32 {
      %mul3A_66 = arith.constant 4 : i32
      %mul3A_67 = arith.muli %scan3A_65, %mul3A_66 : i32
      %add3A_68 = arith.constant 0 : i32
      %add3A_69 = arith.addi %mul3A_67, %add3A_68 : i32
      %mul3A_70 = arith.constant 2032 : i32
      %mul3A_71 = arith.muli %add3A_69, %mul3A_70 : i32
      %mul3A_72 = arith.constant 127 : i32
      %mul3A_73 = vector.broadcast %mul3A_72 : i32 to vector<16xi32>
      %mul3A_74 = arith.muli %iota3A, %mul3A_73 : vector<16xi32>
      %add3A_75 = vector.broadcast %mul3A_71 : i32 to vector<16xi32>
      %add3A_76 = arith.addi %add3A_75, %mul3A_74 : vector<16xi32>
      %add3A_77 = arith.constant 1 : i32
      %add3A_78 = arith.addi %mul3A_67, %add3A_77 : i32
      %mul3A_79 = arith.constant 2032 : i32
      %mul3A_80 = arith.muli %add3A_78, %mul3A_79 : i32
      %mul3A_81 = arith.constant 127 : i32
      %mul3A_82 = vector.broadcast %mul3A_81 : i32 to vector<16xi32>
      %mul3A_83 = arith.muli %iota3A, %mul3A_82 : vector<16xi32>
      %add3A_84 = vector.broadcast %mul3A_80 : i32 to vector<16xi32>
      %add3A_85 = arith.addi %add3A_84, %mul3A_83 : vector<16xi32>
      %add3A_86 = arith.constant 2 : i32
      %add3A_87 = arith.addi %mul3A_67, %add3A_86 : i32
      %mul3A_88 = arith.constant 2032 : i32
      %mul3A_89 = arith.muli %add3A_87, %mul3A_88 : i32
      %mul3A_90 = arith.constant 127 : i32
      %mul3A_91 = vector.broadcast %mul3A_90 : i32 to vector<16xi32>
      %mul3A_92 = arith.muli %iota3A, %mul3A_91 : vector<16xi32>
      %add3A_93 = vector.broadcast %mul3A_89 : i32 to vector<16xi32>
      %add3A_94 = arith.addi %add3A_93, %mul3A_92 : vector<16xi32>
      %add3A_95 = arith.constant 3 : i32
      %add3A_96 = arith.addi %mul3A_67, %add3A_95 : i32
      %mul3A_97 = arith.constant 2032 : i32
      %mul3A_98 = arith.muli %add3A_96, %mul3A_97 : i32
      %mul3A_99 = arith.constant 127 : i32
      %mul3A_100 = vector.broadcast %mul3A_99 : i32 to vector<16xi32>
      %mul3A_101 = arith.muli %iota3A, %mul3A_100 : vector<16xi32>
      %add3A_102 = vector.broadcast %mul3A_98 : i32 to vector<16xi32>
      %add3A_103 = arith.addi %add3A_102, %mul3A_101 : vector<16xi32>
      %add3A_104 = arith.constant 0 : i32
      %add3A_105 = arith.addi %mul3A_67, %add3A_104 : i32
      %mul3A_106 = arith.constant 16 : i32
      %mul3A_107 = arith.muli %add3A_105, %mul3A_106 : i32
      %get3A_108 = arith.index_cast %mul3A_107 : i32 to index
      %get3A_109 = tpu.vector_load %arg15[%get3A_108] {strides = array<i32>} : memref<512xf32, #tpu.memory_space<vmem>>, vector<16xf32>,
      %add3A_110 = arith.constant 1 : i32
      %add3A_111 = arith.addi %mul3A_67, %add3A_110 : i32
      %mul3A_112 = arith.constant 16 : i32
      %mul3A_113 = arith.muli %add3A_111, %mul3A_112 : i32
      %get3A_114 = arith.index_cast %mul3A_113 : i32 to index
      %get3A_115 = tpu.vector_load %arg15[%get3A_114] {strides = array<i32>} : memref<512xf32, #tpu.memory_space<vmem>>, vector<16xf32>,
      %add3A_116 = arith.constant 2 : i32
      %add3A_117 = arith.addi %mul3A_67, %add3A_116 : i32
      %mul3A_118 = arith.constant 16 : i32
      %mul3A_119 = arith.muli %add3A_117, %mul3A_118 : i32
      %get3A_120 = arith.index_cast %mul3A_119 : i32 to index
      %get3A_121 = tpu.vector_load %arg15[%get3A_120] {strides = array<i32>} : memref<512xf32, #tpu.memory_space<vmem>>, vector<16xf32>,
      %add3A_122 = arith.constant 3 : i32
      %add3A_123 = arith.addi %mul3A_67, %add3A_122 : i32
      %mul3A_124 = arith.constant 16 : i32
      %mul3A_125 = arith.muli %add3A_123, %mul3A_124 : i32
      %get3A_126 = arith.index_cast %mul3A_125 : i32 to index
      %get3A_127 = tpu.vector_load %arg15[%get3A_126] {strides = array<i32>} : memref<512xf32, #tpu.memory_space<vmem>>, vector<16xf32>,
      %broadcast_in_dim3A_128 = arith.constant 0 : i32
      %broadcast_in_dim3A_129 = vector.broadcast %broadcast_in_dim3A_128 : i32 to vector<16xi32>
      %lt3A = arith.constant 0 : i32
      %lt3A_130 = vector.broadcast %lt3A : i32 to vector<16xi32>
      %lt3A_131 = arith.cmpi slt, %broadcast_in_dim3A_129, %lt3A_130 : vector<16xi32>
      %add3A_132 = arith.constant 16 : i32
      %add3A_133 = vector.broadcast %add3A_132 : i32 to vector<16xi32>
      %add3A_134 = arith.addi %broadcast_in_dim3A_129, %add3A_133 : vector<16xi32>
      %select_n3A_135 = arith.select %lt3A_131, %add3A_134, %broadcast_in_dim3A_129 : vector<16xi1>, vector<16xi32>
      %broadcast_in_dim3A_136 = vector.shape_cast %select_n3A_135 : vector<16xi32> to vector<16x1xi32>
      %gather3A = vector.shape_cast %broadcast_in_dim3A_136 : vector<16x1xi32> to vector<16xi32>
      %gather3A_137 = tpu.dynamic_gather %get3A_11[%gather3A] in [0] : vector<16xi32>, vector<16xi32> -> vector<16xi32>
      %min3A = arith.constant 126 : i32
      %min3A_138 = vector.broadcast %min3A : i32 to vector<16xi32>
      %min3A_139 = arith.minsi %gather3A_137, %min3A_138 : vector<16xi32>
      %eq3A = arith.constant 127 : i32
      %eq3A_140 = vector.broadcast %eq3A : i32 to vector<16xi32>
      %eq3A_141 = arith.cmpi eq, %gather3A_137, %eq3A_140 : vector<16xi32>
      %broadcast_in_dim3A_142 = arith.constant 0 : i32
      %broadcast_in_dim3A_143 = vector.broadcast %broadcast_in_dim3A_142 : i32 to vector<16xi32>
      %lt3A_144 = arith.constant 0 : i32
      %lt3A_145 = vector.broadcast %lt3A_144 : i32 to vector<16xi32>
      %lt3A_146 = arith.cmpi slt, %broadcast_in_dim3A_143, %lt3A_145 : vector<16xi32>
      %add3A_147 = arith.constant 16 : i32
      %add3A_148 = vector.broadcast %add3A_147 : i32 to vector<16xi32>
      %add3A_149 = arith.addi %broadcast_in_dim3A_143, %add3A_148 : vector<16xi32>
      %select_n3A_150 = arith.select %lt3A_146, %add3A_149, %broadcast_in_dim3A_143 : vector<16xi1>, vector<16xi32>
      %broadcast_in_dim3A_151 = vector.shape_cast %select_n3A_150 : vector<16xi32> to vector<16x1xi32>
      %gather3A_152 = vector.shape_cast %broadcast_in_dim3A_151 : vector<16x1xi32> to vector<16xi32>
      %gather3A_153 = tpu.dynamic_gather %sub3A[%gather3A_152] in [0] : vector<16xf32>, vector<16xi32> -> vector<16xf32>
      %add3A_154 = arith.addi %add3A_76, %min3A_139 : vector<16xi32>
      %gather3A_155 = tpu.vector_load_idx %arg14[%add3A_154] : memref<65024xf32, #tpu.memory_space<vmem>>[vector<16xi32>], vector<16xf32>,
      %select_n3A_156 = arith.select %eq3A_141, %get3A_109, %gather3A_155 : vector<16xi1>, vector<16xf32>
      %mul3A_157 = arith.mulf %gather3A_153, %select_n3A_156 : vector<16xf32>
      %add3A_158 = arith.addf %broadcast_in_dim3A_60, %mul3A_157 : vector<16xf32>
      %add3A_159 = arith.addi %add3A_85, %min3A_139 : vector<16xi32>
      %gather3A_160 = tpu.vector_load_idx %arg14[%add3A_159] : memref<65024xf32, #tpu.memory_space<vmem>>[vector<16xi32>], vector<16xf32>,
      %select_n3A_161 = arith.select %eq3A_141, %get3A_115, %gather3A_160 : vector<16xi1>, vector<16xf32>
      %mul3A_162 = arith.mulf %gather3A_153, %select_n3A_161 : vector<16xf32>
      %add3A_163 = arith.addf %broadcast_in_dim3A_60, %mul3A_162 : vector<16xf32>
      %add3A_164 = arith.addi %add3A_94, %min3A_139 : vector<16xi32>
      %gather3A_165 = tpu.vector_load_idx %arg14[%add3A_164] : memref<65024xf32, #tpu.memory_space<vmem>>[vector<16xi32>], vector<16xf32>,
      %select_n3A_166 = arith.select %eq3A_141, %get3A_121, %gather3A_165 : vector<16xi1>, vector<16xf32>
      %mul3A_167 = arith.mulf %gather3A_153, %select_n3A_166 : vector<16xf32>
      %add3A_168 = arith.addf %broadcast_in_dim3A_60, %mul3A_167 : vector<16xf32>
      %add3A_169 = arith.addi %add3A_103, %min3A_139 : vector<16xi32>
      %gather3A_170 = tpu.vector_load_idx %arg14[%add3A_169] : memref<65024xf32, #tpu.memory_space<vmem>>[vector<16xi32>], vector<16xf32>,
      %select_n3A_171 = arith.select %eq3A_141, %get3A_127, %gather3A_170 : vector<16xi1>, vector<16xf32>
      %mul3A_172 = arith.mulf %gather3A_153, %select_n3A_171 : vector<16xf32>
      %add3A_173 = arith.addf %broadcast_in_dim3A_60, %mul3A_172 : vector<16xf32>
      %broadcast_in_dim3A_174 = arith.constant 1 : i32
      %broadcast_in_dim3A_175 = vector.broadcast %broadcast_in_dim3A_174 : i32 to vector<16xi32>
      %lt3A_176 = arith.constant 0 : i32
      %lt3A_177 = vector.broadcast %lt3A_176 : i32 to vector<16xi32>
      %lt3A_178 = arith.cmpi slt, %broadcast_in_dim3A_175, %lt3A_177 : vector<16xi32>
      %add3A_179 = arith.constant 16 : i32
      %add3A_180 = vector.broadcast %add3A_179 : i32 to vector<16xi32>
      %add3A_181 = arith.addi %broadcast_in_dim3A_175, %add3A_180 : vector<16xi32>
      %select_n3A_182 = arith.select %lt3A_178, %add3A_181, %broadcast_in_dim3A_175 : vector<16xi1>, vector<16xi32>
      %broadcast_in_dim3A_183 = vector.shape_cast %select_n3A_182 : vector<16xi32> to vector<16x1xi32>
      %gather3A_184 = vector.shape_cast %broadcast_in_dim3A_183 : vector<16x1xi32> to vector<16xi32>
      %gather3A_185 = tpu.dynamic_gather %get3A_11[%gather3A_184] in [0] : vector<16xi32>, vector<16xi32> -> vector<16xi32>
      %min3A_186 = arith.constant 126 : i32
      %min3A_187 = vector.broadcast %min3A_186 : i32 to vector<16xi32>
      %min3A_188 = arith.minsi %gather3A_185, %min3A_187 : vector<16xi32>
      %eq3A_189 = arith.constant 127 : i32
      %eq3A_190 = vector.broadcast %eq3A_189 : i32 to vector<16xi32>
      %eq3A_191 = arith.cmpi eq, %gather3A_185, %eq3A_190 : vector<16xi32>
      %broadcast_in_dim3A_192 = arith.constant 1 : i32
      %broadcast_in_dim3A_193 = vector.broadcast %broadcast_in_dim3A_192 : i32 to vector<16xi32>
      %lt3A_194 = arith.constant 0 : i32
      %lt3A_195 = vector.broadcast %lt3A_194 : i32 to vector<16xi32>
      %lt3A_196 = arith.cmpi slt, %broadcast_in_dim3A_193, %lt3A_195 : vector<16xi32>
      %add3A_197 = arith.constant 16 : i32
      %add3A_198 = vector.broadcast %add3A_197 : i32 to vector<16xi32>
      %add3A_199 = arith.addi %broadcast_in_dim3A_193, %add3A_198 : vector<16xi32>
      %select_n3A_200 = arith.select %lt3A_196, %add3A_199, %broadcast_in_dim3A_193 : vector<16xi1>, vector<16xi32>
      %broadcast_in_dim3A_201 = vector.shape_cast %select_n3A_200 : vector<16xi32> to vector<16x1xi32>
      %gather3A_202 = vector.shape_cast %broadcast_in_dim3A_201 : vector<16x1xi32> to vector<16xi32>
      %gather3A_203 = tpu.dynamic_gather %sub3A[%gather3A_202] in [0] : vector<16xf32>, vector<16xi32> -> vector<16xf32>
      %add3A_204 = arith.addi %add3A_76, %min3A_188 : vector<16xi32>
      %gather3A_205 = tpu.vector_load_idx %arg14[%add3A_204] : memref<65024xf32, #tpu.memory_space<vmem>>[vector<16xi32>], vector<16xf32>,
      %select_n3A_206 = arith.select %eq3A_191, %get3A_109, %gather3A_205 : vector<16xi1>, vector<16xf32>
      %mul3A_207 = arith.mulf %gather3A_203, %select_n3A_206 : vector<16xf32>
      %add3A_208 = arith.addf %add3A_158, %mul3A_207 : vector<16xf32>
      %add3A_209 = arith.addi %add3A_85, %min3A_188 : vector<16xi32>
      %gather3A_210 = tpu.vector_load_idx %arg14[%add3A_209] : memref<65024xf32, #tpu.memory_space<vmem>>[vector<16xi32>], vector<16xf32>,
      %select_n3A_211 = arith.select %eq3A_191, %get3A_115, %gather3A_210 : vector<16xi1>, vector<16xf32>
      %mul3A_212 = arith.mulf %gather3A_203, %select_n3A_211 : vector<16xf32>
      %add3A_213 = arith.addf %add3A_163, %mul3A_212 : vector<16xf32>
      %add3A_214 = arith.addi %add3A_94, %min3A_188 : vector<16xi32>
      %gather3A_215 = tpu.vector_load_idx %arg14[%add3A_214] : memref<65024xf32, #tpu.memory_space<vmem>>[vector<16xi32>], vector<16xf32>,
      %select_n3A_216 = arith.select %eq3A_191, %get3A_121, %gather3A_215 : vector<16xi1>, vector<16xf32>
      %mul3A_217 = arith.mulf %gather3A_203, %select_n3A_216 : vector<16xf32>
      %add3A_218 = arith.addf %add3A_168, %mul3A_217 : vector<16xf32>
      %add3A_219 = arith.addi %add3A_103, %min3A_188 : vector<16xi32>
      %gather3A_220 = tpu.vector_load_idx %arg14[%add3A_219] : memref<65024xf32, #tpu.memory_space<vmem>>[vector<16xi32>], vector<16xf32>,
      %select_n3A_221 = arith.select %eq3A_191, %get3A_127, %gather3A_220 : vector<16xi1>, vector<16xf32>
      %mul3A_222 = arith.mulf %gather3A_203, %select_n3A_221 : vector<16xf32>
      %add3A_223 = arith.addf %add3A_173, %mul3A_222 : vector<16xf32>
      %broadcast_in_dim3A_224 = arith.constant 2 : i32
      %broadcast_in_dim3A_225 = vector.broadcast %broadcast_in_dim3A_224 : i32 to vector<16xi32>
      %lt3A_226 = arith.constant 0 : i32
      %lt3A_227 = vector.broadcast %lt3A_226 : i32 to vector<16xi32>
      %lt3A_228 = arith.cmpi slt, %broadcast_in_dim3A_225, %lt3A_227 : vector<16xi32>
      %add3A_229 = arith.constant 16 : i32
      %add3A_230 = vector.broadcast %add3A_229 : i32 to vector<16xi32>
      %add3A_231 = arith.addi %broadcast_in_dim3A_225, %add3A_230 : vector<16xi32>
      %select_n3A_232 = arith.select %lt3A_228, %add3A_231, %broadcast_in_dim3A_225 : vector<16xi1>, vector<16xi32>
      %broadcast_in_dim3A_233 = vector.shape_cast %select_n3A_232 : vector<16xi32> to vector<16x1xi32>
      %gather3A_234 = vector.shape_cast %broadcast_in_dim3A_233 : vector<16x1xi32> to vector<16xi32>
      %gather3A_235 = tpu.dynamic_gather %get3A_11[%gather3A_234] in [0] : vector<16xi32>, vector<16xi32> -> vector<16xi32>
      %min3A_236 = arith.constant 126 : i32
      %min3A_237 = vector.broadcast %min3A_236 : i32 to vector<16xi32>
      %min3A_238 = arith.minsi %gather3A_235, %min3A_237 : vector<16xi32>
      %eq3A_239 = arith.constant 127 : i32
      %eq3A_240 = vector.broadcast %eq3A_239 : i32 to vector<16xi32>
      %eq3A_241 = arith.cmpi eq, %gather3A_235, %eq3A_240 : vector<16xi32>
      %broadcast_in_dim3A_242 = arith.constant 2 : i32
      %broadcast_in_dim3A_243 = vector.broadcast %broadcast_in_dim3A_242 : i32 to vector<16xi32>
      %lt3A_244 = arith.constant 0 : i32
      %lt3A_245 = vector.broadcast %lt3A_244 : i32 to vector<16xi32>
      %lt3A_246 = arith.cmpi slt, %broadcast_in_dim3A_243, %lt3A_245 : vector<16xi32>
      %add3A_247 = arith.constant 16 : i32
      %add3A_248 = vector.broadcast %add3A_247 : i32 to vector<16xi32>
      %add3A_249 = arith.addi %broadcast_in_dim3A_243, %add3A_248 : vector<16xi32>
      %select_n3A_250 = arith.select %lt3A_246, %add3A_249, %broadcast_in_dim3A_243 : vector<16xi1>, vector<16xi32>
      %broadcast_in_dim3A_251 = vector.shape_cast %select_n3A_250 : vector<16xi32> to vector<16x1xi32>
      %gather3A_252 = vector.shape_cast %broadcast_in_dim3A_251 : vector<16x1xi32> to vector<16xi32>
      %gather3A_253 = tpu.dynamic_gather %sub3A[%gather3A_252] in [0] : vector<16xf32>, vector<16xi32> -> vector<16xf32>
      %add3A_254 = arith.addi %add3A_76, %min3A_238 : vector<16xi32>
      %gather3A_255 = tpu.vector_load_idx %arg14[%add3A_254] : memref<65024xf32, #tpu.memory_space<vmem>>[vector<16xi32>], vector<16xf32>,
      %select_n3A_256 = arith.select %eq3A_241, %get3A_109, %gather3A_255 : vector<16xi1>, vector<16xf32>
      %mul3A_257 = arith.mulf %gather3A_253, %select_n3A_256 : vector<16xf32>
      %add3A_258 = arith.addf %add3A_208, %mul3A_257 : vector<16xf32>
      %add3A_259 = arith.addi %add3A_85, %min3A_238 : vector<16xi32>
      %gather3A_260 = tpu.vector_load_idx %arg14[%add3A_259] : memref<65024xf32, #tpu.memory_space<vmem>>[vector<16xi32>], vector<16xf32>,
      %select_n3A_261 = arith.select %eq3A_241, %get3A_115, %gather3A_260 : vector<16xi1>, vector<16xf32>
      %mul3A_262 = arith.mulf %gather3A_253, %select_n3A_261 : vector<16xf32>
      %add3A_263 = arith.addf %add3A_213, %mul3A_262 : vector<16xf32>
      %add3A_264 = arith.addi %add3A_94, %min3A_238 : vector<16xi32>
      %gather3A_265 = tpu.vector_load_idx %arg14[%add3A_264] : memref<65024xf32, #tpu.memory_space<vmem>>[vector<16xi32>], vector<16xf32>,
      %select_n3A_266 = arith.select %eq3A_241, %get3A_121, %gather3A_265 : vector<16xi1>, vector<16xf32>
      %mul3A_267 = arith.mulf %gather3A_253, %select_n3A_266 : vector<16xf32>
      %add3A_268 = arith.addf %add3A_218, %mul3A_267 : vector<16xf32>
      %add3A_269 = arith.addi %add3A_103, %min3A_238 : vector<16xi32>
      %gather3A_270 = tpu.vector_load_idx %arg14[%add3A_269] : memref<65024xf32, #tpu.memory_space<vmem>>[vector<16xi32>], vector<16xf32>,
      %select_n3A_271 = arith.select %eq3A_241, %get3A_127, %gather3A_270 : vector<16xi1>, vector<16xf32>
      %mul3A_272 = arith.mulf %gather3A_253, %select_n3A_271 : vector<16xf32>
      %add3A_273 = arith.addf %add3A_223, %mul3A_272 : vector<16xf32>
      %broadcast_in_dim3A_274 = arith.constant 3 : i32
      %broadcast_in_dim3A_275 = vector.broadcast %broadcast_in_dim3A_274 : i32 to vector<16xi32>
      %lt3A_276 = arith.constant 0 : i32
      %lt3A_277 = vector.broadcast %lt3A_276 : i32 to vector<16xi32>
      %lt3A_278 = arith.cmpi slt, %broadcast_in_dim3A_275, %lt3A_277 : vector<16xi32>
      %add3A_279 = arith.constant 16 : i32
      %add3A_280 = vector.broadcast %add3A_279 : i32 to vector<16xi32>
      %add3A_281 = arith.addi %broadcast_in_dim3A_275, %add3A_280 : vector<16xi32>
      %select_n3A_282 = arith.select %lt3A_278, %add3A_281, %broadcast_in_dim3A_275 : vector<16xi1>, vector<16xi32>
      %broadcast_in_dim3A_283 = vector.shape_cast %select_n3A_282 : vector<16xi32> to vector<16x1xi32>
      %gather3A_284 = vector.shape_cast %broadcast_in_dim3A_283 : vector<16x1xi32> to vector<16xi32>
      %gather3A_285 = tpu.dynamic_gather %get3A_11[%gather3A_284] in [0] : vector<16xi32>, vector<16xi32> -> vector<16xi32>
      %min3A_286 = arith.constant 126 : i32
      %min3A_287 = vector.broadcast %min3A_286 : i32 to vector<16xi32>
      %min3A_288 = arith.minsi %gather3A_285, %min3A_287 : vector<16xi32>
      %eq3A_289 = arith.constant 127 : i32
      %eq3A_290 = vector.broadcast %eq3A_289 : i32 to vector<16xi32>
      %eq3A_291 = arith.cmpi eq, %gather3A_285, %eq3A_290 : vector<16xi32>
      %broadcast_in_dim3A_292 = arith.constant 3 : i32
      %broadcast_in_dim3A_293 = vector.broadcast %broadcast_in_dim3A_292 : i32 to vector<16xi32>
      %lt3A_294 = arith.constant 0 : i32
      %lt3A_295 = vector.broadcast %lt3A_294 : i32 to vector<16xi32>
      %lt3A_296 = arith.cmpi slt, %broadcast_in_dim3A_293, %lt3A_295 : vector<16xi32>
      %add3A_297 = arith.constant 16 : i32
      %add3A_298 = vector.broadcast %add3A_297 : i32 to vector<16xi32>
      %add3A_299 = arith.addi %broadcast_in_dim3A_293, %add3A_298 : vector<16xi32>
      %select_n3A_300 = arith.select %lt3A_296, %add3A_299, %broadcast_in_dim3A_293 : vector<16xi1>, vector<16xi32>
      %broadcast_in_dim3A_301 = vector.shape_cast %select_n3A_300 : vector<16xi32> to vector<16x1xi32>
      %gather3A_302 = vector.shape_cast %broadcast_in_dim3A_301 : vector<16x1xi32> to vector<16xi32>
      %gather3A_303 = tpu.dynamic_gather %sub3A[%gather3A_302] in [0] : vector<16xf32>, vector<16xi32> -> vector<16xf32>
      %add3A_304 = arith.addi %add3A_76, %min3A_288 : vector<16xi32>
      %gather3A_305 = tpu.vector_load_idx %arg14[%add3A_304] : memref<65024xf32, #tpu.memory_space<vmem>>[vector<16xi32>], vector<16xf32>,
      %select_n3A_306 = arith.select %eq3A_291, %get3A_109, %gather3A_305 : vector<16xi1>, vector<16xf32>
      %mul3A_307 = arith.mulf %gather3A_303, %select_n3A_306 : vector<16xf32>
      %add3A_308 = arith.addf %add3A_258, %mul3A_307 : vector<16xf32>
      %add3A_309 = arith.addi %add3A_85, %min3A_288 : vector<16xi32>
      %gather3A_310 = tpu.vector_load_idx %arg14[%add3A_309] : memref<65024xf32, #tpu.memory_space<vmem>>[vector<16xi32>], vector<16xf32>,
      %select_n3A_311 = arith.select %eq3A_291, %get3A_115, %gather3A_310 : vector<16xi1>, vector<16xf32>
      %mul3A_312 = arith.mulf %gather3A_303, %select_n3A_311 : vector<16xf32>
      %add3A_313 = arith.addf %add3A_263, %mul3A_312 : vector<16xf32>
      %add3A_314 = arith.addi %add3A_94, %min3A_288 : vector<16xi32>
      %gather3A_315 = tpu.vector_load_idx %arg14[%add3A_314] : memref<65024xf32, #tpu.memory_space<vmem>>[vector<16xi32>], vector<16xf32>,
      %select_n3A_316 = arith.select %eq3A_291, %get3A_121, %gather3A_315 : vector<16xi1>, vector<16xf32>
      %mul3A_317 = arith.mulf %gather3A_303, %select_n3A_316 : vector<16xf32>
      %add3A_318 = arith.addf %add3A_268, %mul3A_317 : vector<16xf32>
      %add3A_319 = arith.addi %add3A_103, %min3A_288 : vector<16xi32>
      %gather3A_320 = tpu.vector_load_idx %arg14[%add3A_319] : memref<65024xf32, #tpu.memory_space<vmem>>[vector<16xi32>], vector<16xf32>,
      %select_n3A_321 = arith.select %eq3A_291, %get3A_127, %gather3A_320 : vector<16xi1>, vector<16xf32>
      %mul3A_322 = arith.mulf %gather3A_303, %select_n3A_321 : vector<16xf32>
      %add3A_323 = arith.addf %add3A_273, %mul3A_322 : vector<16xf32>
      %broadcast_in_dim3A_324 = arith.constant 4 : i32
      %broadcast_in_dim3A_325 = vector.broadcast %broadcast_in_dim3A_324 : i32 to vector<16xi32>
      %lt3A_326 = arith.constant 0 : i32
      %lt3A_327 = vector.broadcast %lt3A_326 : i32 to vector<16xi32>
      %lt3A_328 = arith.cmpi slt, %broadcast_in_dim3A_325, %lt3A_327 : vector<16xi32>
      %add3A_329 = arith.constant 16 : i32
      %add3A_330 = vector.broadcast %add3A_329 : i32 to vector<16xi32>
      %add3A_331 = arith.addi %broadcast_in_dim3A_325, %add3A_330 : vector<16xi32>
      %select_n3A_332 = arith.select %lt3A_328, %add3A_331, %broadcast_in_dim3A_325 : vector<16xi1>, vector<16xi32>
      %broadcast_in_dim3A_333 = vector.shape_cast %select_n3A_332 : vector<16xi32> to vector<16x1xi32>
      %gather3A_334 = vector.shape_cast %broadcast_in_dim3A_333 : vector<16x1xi32> to vector<16xi32>
      %gather3A_335 = tpu.dynamic_gather %get3A_11[%gather3A_334] in [0] : vector<16xi32>, vector<16xi32> -> vector<16xi32>
      %min3A_336 = arith.constant 126 : i32
      %min3A_337 = vector.broadcast %min3A_336 : i32 to vector<16xi32>
      %min3A_338 = arith.minsi %gather3A_335, %min3A_337 : vector<16xi32>
      %eq3A_339 = arith.constant 127 : i32
      %eq3A_340 = vector.broadcast %eq3A_339 : i32 to vector<16xi32>
      %eq3A_341 = arith.cmpi eq, %gather3A_335, %eq3A_340 : vector<16xi32>
      %broadcast_in_dim3A_342 = arith.constant 4 : i32
      %broadcast_in_dim3A_343 = vector.broadcast %broadcast_in_dim3A_342 : i32 to vector<16xi32>
      %lt3A_344 = arith.constant 0 : i32
      %lt3A_345 = vector.broadcast %lt3A_344 : i32 to vector<16xi32>
      %lt3A_346 = arith.cmpi slt, %broadcast_in_dim3A_343, %lt3A_345 : vector<16xi32>
      %add3A_347 = arith.constant 16 : i32
      %add3A_348 = vector.broadcast %add3A_347 : i32 to vector<16xi32>
      %add3A_349 = arith.addi %broadcast_in_dim3A_343, %add3A_348 : vector<16xi32>
      %select_n3A_350 = arith.select %lt3A_346, %add3A_349, %broadcast_in_dim3A_343 : vector<16xi1>, vector<16xi32>
      %broadcast_in_dim3A_351 = vector.shape_cast %select_n3A_350 : vector<16xi32> to vector<16x1xi32>
      %gather3A_352 = vector.shape_cast %broadcast_in_dim3A_351 : vector<16x1xi32> to vector<16xi32>
      %gather3A_353 = tpu.dynamic_gather %sub3A[%gather3A_352] in [0] : vector<16xf32>, vector<16xi32> -> vector<16xf32>
      %add3A_354 = arith.addi %add3A_76, %min3A_338 : vector<16xi32>
      %gather3A_355 = tpu.vector_load_idx %arg14[%add3A_354] : memref<65024xf32, #tpu.memory_space<vmem>>[vector<16xi32>], vector<16xf32>,
      %select_n3A_356 = arith.select %eq3A_341, %get3A_109, %gather3A_355 : vector<16xi1>, vector<16xf32>
      %mul3A_357 = arith.mulf %gather3A_353, %select_n3A_356 : vector<16xf32>
      %add3A_358 = arith.addf %add3A_308, %mul3A_357 : vector<16xf32>
      %add3A_359 = arith.addi %add3A_85, %min3A_338 : vector<16xi32>
      %gather3A_360 = tpu.vector_load_idx %arg14[%add3A_359] : memref<65024xf32, #tpu.memory_space<vmem>>[vector<16xi32>], vector<16xf32>,
      %select_n3A_361 = arith.select %eq3A_341, %get3A_115, %gather3A_360 : vector<16xi1>, vector<16xf32>
      %mul3A_362 = arith.mulf %gather3A_353, %select_n3A_361 : vector<16xf32>
      %add3A_363 = arith.addf %add3A_313, %mul3A_362 : vector<16xf32>
      %add3A_364 = arith.addi %add3A_94, %min3A_338 : vector<16xi32>
      %gather3A_365 = tpu.vector_load_idx %arg14[%add3A_364] : memref<65024xf32, #tpu.memory_space<vmem>>[vector<16xi32>], vector<16xf32>,
      %select_n3A_366 = arith.select %eq3A_341, %get3A_121, %gather3A_365 : vector<16xi1>, vector<16xf32>
      %mul3A_367 = arith.mulf %gather3A_353, %select_n3A_366 : vector<16xf32>
      %add3A_368 = arith.addf %add3A_318, %mul3A_367 : vector<16xf32>
      %add3A_369 = arith.addi %add3A_103, %min3A_338 : vector<16xi32>
      %gather3A_370 = tpu.vector_load_idx %arg14[%add3A_369] : memref<65024xf32, #tpu.memory_space<vmem>>[vector<16xi32>], vector<16xf32>,
      %select_n3A_371 = arith.select %eq3A_341, %get3A_127, %gather3A_370 : vector<16xi1>, vector<16xf32>
      %mul3A_372 = arith.mulf %gather3A_353, %select_n3A_371 : vector<16xf32>
      %add3A_373 = arith.addf %add3A_323, %mul3A_372 : vector<16xf32>
      %broadcast_in_dim3A_374 = arith.constant 5 : i32
      %broadcast_in_dim3A_375 = vector.broadcast %broadcast_in_dim3A_374 : i32 to vector<16xi32>
      %lt3A_376 = arith.constant 0 : i32
      %lt3A_377 = vector.broadcast %lt3A_376 : i32 to vector<16xi32>
      %lt3A_378 = arith.cmpi slt, %broadcast_in_dim3A_375, %lt3A_377 : vector<16xi32>
      %add3A_379 = arith.constant 16 : i32
      %add3A_380 = vector.broadcast %add3A_379 : i32 to vector<16xi32>
      %add3A_381 = arith.addi %broadcast_in_dim3A_375, %add3A_380 : vector<16xi32>
      %select_n3A_382 = arith.select %lt3A_378, %add3A_381, %broadcast_in_dim3A_375 : vector<16xi1>, vector<16xi32>
      %broadcast_in_dim3A_383 = vector.shape_cast %select_n3A_382 : vector<16xi32> to vector<16x1xi32>
      %gather3A_384 = vector.shape_cast %broadcast_in_dim3A_383 : vector<16x1xi32> to vector<16xi32>
      %gather3A_385 = tpu.dynamic_gather %get3A_11[%gather3A_384] in [0] : vector<16xi32>, vector<16xi32> -> vector<16xi32>
      %min3A_386 = arith.constant 126 : i32
      %min3A_387 = vector.broadcast %min3A_386 : i32 to vector<16xi32>
      %min3A_388 = arith.minsi %gather3A_385, %min3A_387 : vector<16xi32>
      %eq3A_389 = arith.constant 127 : i32
      %eq3A_390 = vector.broadcast %eq3A_389 : i32 to vector<16xi32>
      %eq3A_391 = arith.cmpi eq, %gather3A_385, %eq3A_390 : vector<16xi32>
      %broadcast_in_dim3A_392 = arith.constant 5 : i32
      %broadcast_in_dim3A_393 = vector.broadcast %broadcast_in_dim3A_392 : i32 to vector<16xi32>
      %lt3A_394 = arith.constant 0 : i32
      %lt3A_395 = vector.broadcast %lt3A_394 : i32 to vector<16xi32>
      %lt3A_396 = arith.cmpi slt, %broadcast_in_dim3A_393, %lt3A_395 : vector<16xi32>
      %add3A_397 = arith.constant 16 : i32
      %add3A_398 = vector.broadcast %add3A_397 : i32 to vector<16xi32>
      %add3A_399 = arith.addi %broadcast_in_dim3A_393, %add3A_398 : vector<16xi32>
      %select_n3A_400 = arith.select %lt3A_396, %add3A_399, %broadcast_in_dim3A_393 : vector<16xi1>, vector<16xi32>
      %broadcast_in_dim3A_401 = vector.shape_cast %select_n3A_400 : vector<16xi32> to vector<16x1xi32>
      %gather3A_402 = vector.shape_cast %broadcast_in_dim3A_401 : vector<16x1xi32> to vector<16xi32>
      %gather3A_403 = tpu.dynamic_gather %sub3A[%gather3A_402] in [0] : vector<16xf32>, vector<16xi32> -> vector<16xf32>
      %add3A_404 = arith.addi %add3A_76, %min3A_388 : vector<16xi32>
      %gather3A_405 = tpu.vector_load_idx %arg14[%add3A_404] : memref<65024xf32, #tpu.memory_space<vmem>>[vector<16xi32>], vector<16xf32>,
      %select_n3A_406 = arith.select %eq3A_391, %get3A_109, %gather3A_405 : vector<16xi1>, vector<16xf32>
      %mul3A_407 = arith.mulf %gather3A_403, %select_n3A_406 : vector<16xf32>
      %add3A_408 = arith.addf %add3A_358, %mul3A_407 : vector<16xf32>
      %add3A_409 = arith.addi %add3A_85, %min3A_388 : vector<16xi32>
      %gather3A_410 = tpu.vector_load_idx %arg14[%add3A_409] : memref<65024xf32, #tpu.memory_space<vmem>>[vector<16xi32>], vector<16xf32>,
      %select_n3A_411 = arith.select %eq3A_391, %get3A_115, %gather3A_410 : vector<16xi1>, vector<16xf32>
      %mul3A_412 = arith.mulf %gather3A_403, %select_n3A_411 : vector<16xf32>
      %add3A_413 = arith.addf %add3A_363, %mul3A_412 : vector<16xf32>
      %add3A_414 = arith.addi %add3A_94, %min3A_388 : vector<16xi32>
      %gather3A_415 = tpu.vector_load_idx %arg14[%add3A_414] : memref<65024xf32, #tpu.memory_space<vmem>>[vector<16xi32>], vector<16xf32>,
      %select_n3A_416 = arith.select %eq3A_391, %get3A_121, %gather3A_415 : vector<16xi1>, vector<16xf32>
      %mul3A_417 = arith.mulf %gather3A_403, %select_n3A_416 : vector<16xf32>
      %add3A_418 = arith.addf %add3A_368, %mul3A_417 : vector<16xf32>
      %add3A_419 = arith.addi %add3A_103, %min3A_388 : vector<16xi32>
      %gather3A_420 = tpu.vector_load_idx %arg14[%add3A_419] : memref<65024xf32, #tpu.memory_space<vmem>>[vector<16xi32>], vector<16xf32>,
      %select_n3A_421 = arith.select %eq3A_391, %get3A_127, %gather3A_420 : vector<16xi1>, vector<16xf32>
      %mul3A_422 = arith.mulf %gather3A_403, %select_n3A_421 : vector<16xf32>
      %add3A_423 = arith.addf %add3A_373, %mul3A_422 : vector<16xf32>
      %broadcast_in_dim3A_424 = arith.constant 6 : i32
      %broadcast_in_dim3A_425 = vector.broadcast %broadcast_in_dim3A_424 : i32 to vector<16xi32>
      %lt3A_426 = arith.constant 0 : i32
      %lt3A_427 = vector.broadcast %lt3A_426 : i32 to vector<16xi32>
      %lt3A_428 = arith.cmpi slt, %broadcast_in_dim3A_425, %lt3A_427 : vector<16xi32>
      %add3A_429 = arith.constant 16 : i32
      %add3A_430 = vector.broadcast %add3A_429 : i32 to vector<16xi32>
      %add3A_431 = arith.addi %broadcast_in_dim3A_425, %add3A_430 : vector<16xi32>
      %select_n3A_432 = arith.select %lt3A_428, %add3A_431, %broadcast_in_dim3A_425 : vector<16xi1>, vector<16xi32>
      %broadcast_in_dim3A_433 = vector.shape_cast %select_n3A_432 : vector<16xi32> to vector<16x1xi32>
      %gather3A_434 = vector.shape_cast %broadcast_in_dim3A_433 : vector<16x1xi32> to vector<16xi32>
      %gather3A_435 = tpu.dynamic_gather %get3A_11[%gather3A_434] in [0] : vector<16xi32>, vector<16xi32> -> vector<16xi32>
      %min3A_436 = arith.constant 126 : i32
      %min3A_437 = vector.broadcast %min3A_436 : i32 to vector<16xi32>
      %min3A_438 = arith.minsi %gather3A_435, %min3A_437 : vector<16xi32>
      %eq3A_439 = arith.constant 127 : i32
      %eq3A_440 = vector.broadcast %eq3A_439 : i32 to vector<16xi32>
      %eq3A_441 = arith.cmpi eq, %gather3A_435, %eq3A_440 : vector<16xi32>
      %broadcast_in_dim3A_442 = arith.constant 6 : i32
      %broadcast_in_dim3A_443 = vector.broadcast %broadcast_in_dim3A_442 : i32 to vector<16xi32>
      %lt3A_444 = arith.constant 0 : i32
      %lt3A_445 = vector.broadcast %lt3A_444 : i32 to vector<16xi32>
      %lt3A_446 = arith.cmpi slt, %broadcast_in_dim3A_443, %lt3A_445 : vector<16xi32>
      %add3A_447 = arith.constant 16 : i32
      %add3A_448 = vector.broadcast %add3A_447 : i32 to vector<16xi32>
      %add3A_449 = arith.addi %broadcast_in_dim3A_443, %add3A_448 : vector<16xi32>
      %select_n3A_450 = arith.select %lt3A_446, %add3A_449, %broadcast_in_dim3A_443 : vector<16xi1>, vector<16xi32>
      %broadcast_in_dim3A_451 = vector.shape_cast %select_n3A_450 : vector<16xi32> to vector<16x1xi32>
      %gather3A_452 = vector.shape_cast %broadcast_in_dim3A_451 : vector<16x1xi32> to vector<16xi32>
      %gather3A_453 = tpu.dynamic_gather %sub3A[%gather3A_452] in [0] : vector<16xf32>, vector<16xi32> -> vector<16xf32>
      %add3A_454 = arith.addi %add3A_76, %min3A_438 : vector<16xi32>
      %gather3A_455 = tpu.vector_load_idx %arg14[%add3A_454] : memref<65024xf32, #tpu.memory_space<vmem>>[vector<16xi32>], vector<16xf32>,
      %select_n3A_456 = arith.select %eq3A_441, %get3A_109, %gather3A_455 : vector<16xi1>, vector<16xf32>
      %mul3A_457 = arith.mulf %gather3A_453, %select_n3A_456 : vector<16xf32>
      %add3A_458 = arith.addf %add3A_408, %mul3A_457 : vector<16xf32>
      %add3A_459 = arith.addi %add3A_85, %min3A_438 : vector<16xi32>
      %gather3A_460 = tpu.vector_load_idx %arg14[%add3A_459] : memref<65024xf32, #tpu.memory_space<vmem>>[vector<16xi32>], vector<16xf32>,
      %select_n3A_461 = arith.select %eq3A_441, %get3A_115, %gather3A_460 : vector<16xi1>, vector<16xf32>
      %mul3A_462 = arith.mulf %gather3A_453, %select_n3A_461 : vector<16xf32>
      %add3A_463 = arith.addf %add3A_413, %mul3A_462 : vector<16xf32>
      %add3A_464 = arith.addi %add3A_94, %min3A_438 : vector<16xi32>
      %gather3A_465 = tpu.vector_load_idx %arg14[%add3A_464] : memref<65024xf32, #tpu.memory_space<vmem>>[vector<16xi32>], vector<16xf32>,
      %select_n3A_466 = arith.select %eq3A_441, %get3A_121, %gather3A_465 : vector<16xi1>, vector<16xf32>
      %mul3A_467 = arith.mulf %gather3A_453, %select_n3A_466 : vector<16xf32>
      %add3A_468 = arith.addf %add3A_418, %mul3A_467 : vector<16xf32>
      %add3A_469 = arith.addi %add3A_103, %min3A_438 : vector<16xi32>
      %gather3A_470 = tpu.vector_load_idx %arg14[%add3A_469] : memref<65024xf32, #tpu.memory_space<vmem>>[vector<16xi32>], vector<16xf32>,
      %select_n3A_471 = arith.select %eq3A_441, %get3A_127, %gather3A_470 : vector<16xi1>, vector<16xf32>
      %mul3A_472 = arith.mulf %gather3A_453, %select_n3A_471 : vector<16xf32>
      %add3A_473 = arith.addf %add3A_423, %mul3A_472 : vector<16xf32>
      %broadcast_in_dim3A_474 = arith.constant 7 : i32
      %broadcast_in_dim3A_475 = vector.broadcast %broadcast_in_dim3A_474 : i32 to vector<16xi32>
      %lt3A_476 = arith.constant 0 : i32
      %lt3A_477 = vector.broadcast %lt3A_476 : i32 to vector<16xi32>
      %lt3A_478 = arith.cmpi slt, %broadcast_in_dim3A_475, %lt3A_477 : vector<16xi32>
      %add3A_479 = arith.constant 16 : i32
      %add3A_480 = vector.broadcast %add3A_479 : i32 to vector<16xi32>
      %add3A_481 = arith.addi %broadcast_in_dim3A_475, %add3A_480 : vector<16xi32>
      %select_n3A_482 = arith.select %lt3A_478, %add3A_481, %broadcast_in_dim3A_475 : vector<16xi1>, vector<16xi32>
      %broadcast_in_dim3A_483 = vector.shape_cast %select_n3A_482 : vector<16xi32> to vector<16x1xi32>
      %gather3A_484 = vector.shape_cast %broadcast_in_dim3A_483 : vector<16x1xi32> to vector<16xi32>
      %gather3A_485 = tpu.dynamic_gather %get3A_11[%gather3A_484] in [0] : vector<16xi32>, vector<16xi32> -> vector<16xi32>
      %min3A_486 = arith.constant 126 : i32
      %min3A_487 = vector.broadcast %min3A_486 : i32 to vector<16xi32>
      %min3A_488 = arith.minsi %gather3A_485, %min3A_487 : vector<16xi32>
      %eq3A_489 = arith.constant 127 : i32
      %eq3A_490 = vector.broadcast %eq3A_489 : i32 to vector<16xi32>
      %eq3A_491 = arith.cmpi eq, %gather3A_485, %eq3A_490 : vector<16xi32>
      %broadcast_in_dim3A_492 = arith.constant 7 : i32
      %broadcast_in_dim3A_493 = vector.broadcast %broadcast_in_dim3A_492 : i32 to vector<16xi32>
      %lt3A_494 = arith.constant 0 : i32
      %lt3A_495 = vector.broadcast %lt3A_494 : i32 to vector<16xi32>
      %lt3A_496 = arith.cmpi slt, %broadcast_in_dim3A_493, %lt3A_495 : vector<16xi32>
      %add3A_497 = arith.constant 16 : i32
      %add3A_498 = vector.broadcast %add3A_497 : i32 to vector<16xi32>
      %add3A_499 = arith.addi %broadcast_in_dim3A_493, %add3A_498 : vector<16xi32>
      %select_n3A_500 = arith.select %lt3A_496, %add3A_499, %broadcast_in_dim3A_493 : vector<16xi1>, vector<16xi32>
      %broadcast_in_dim3A_501 = vector.shape_cast %select_n3A_500 : vector<16xi32> to vector<16x1xi32>
      %gather3A_502 = vector.shape_cast %broadcast_in_dim3A_501 : vector<16x1xi32> to vector<16xi32>
      %gather3A_503 = tpu.dynamic_gather %sub3A[%gather3A_502] in [0] : vector<16xf32>, vector<16xi32> -> vector<16xf32>
      %add3A_504 = arith.addi %add3A_76, %min3A_488 : vector<16xi32>
      %gather3A_505 = tpu.vector_load_idx %arg14[%add3A_504] : memref<65024xf32, #tpu.memory_space<vmem>>[vector<16xi32>], vector<16xf32>,
      %select_n3A_506 = arith.select %eq3A_491, %get3A_109, %gather3A_505 : vector<16xi1>, vector<16xf32>
      %mul3A_507 = arith.mulf %gather3A_503, %select_n3A_506 : vector<16xf32>
      %add3A_508 = arith.addf %add3A_458, %mul3A_507 : vector<16xf32>
      %add3A_509 = arith.addi %add3A_85, %min3A_488 : vector<16xi32>
      %gather3A_510 = tpu.vector_load_idx %arg14[%add3A_509] : memref<65024xf32, #tpu.memory_space<vmem>>[vector<16xi32>], vector<16xf32>,
      %select_n3A_511 = arith.select %eq3A_491, %get3A_115, %gather3A_510 : vector<16xi1>, vector<16xf32>
      %mul3A_512 = arith.mulf %gather3A_503, %select_n3A_511 : vector<16xf32>
      %add3A_513 = arith.addf %add3A_463, %mul3A_512 : vector<16xf32>
      %add3A_514 = arith.addi %add3A_94, %min3A_488 : vector<16xi32>
      %gather3A_515 = tpu.vector_load_idx %arg14[%add3A_514] : memref<65024xf32, #tpu.memory_space<vmem>>[vector<16xi32>], vector<16xf32>,
      %select_n3A_516 = arith.select %eq3A_491, %get3A_121, %gather3A_515 : vector<16xi1>, vector<16xf32>
      %mul3A_517 = arith.mulf %gather3A_503, %select_n3A_516 : vector<16xf32>
      %add3A_518 = arith.addf %add3A_468, %mul3A_517 : vector<16xf32>
      %add3A_519 = arith.addi %add3A_103, %min3A_488 : vector<16xi32>
      %gather3A_520 = tpu.vector_load_idx %arg14[%add3A_519] : memref<65024xf32, #tpu.memory_space<vmem>>[vector<16xi32>], vector<16xf32>,
      %select_n3A_521 = arith.select %eq3A_491, %get3A_127, %gather3A_520 : vector<16xi1>, vector<16xf32>
      %mul3A_522 = arith.mulf %gather3A_503, %select_n3A_521 : vector<16xf32>
      %add3A_523 = arith.addf %add3A_473, %mul3A_522 : vector<16xf32>
      %broadcast_in_dim3A_524 = arith.constant 8 : i32
      %broadcast_in_dim3A_525 = vector.broadcast %broadcast_in_dim3A_524 : i32 to vector<16xi32>
      %lt3A_526 = arith.constant 0 : i32
      %lt3A_527 = vector.broadcast %lt3A_526 : i32 to vector<16xi32>
      %lt3A_528 = arith.cmpi slt, %broadcast_in_dim3A_525, %lt3A_527 : vector<16xi32>
      %add3A_529 = arith.constant 16 : i32
      %add3A_530 = vector.broadcast %add3A_529 : i32 to vector<16xi32>
      %add3A_531 = arith.addi %broadcast_in_dim3A_525, %add3A_530 : vector<16xi32>
      %select_n3A_532 = arith.select %lt3A_528, %add3A_531, %broadcast_in_dim3A_525 : vector<16xi1>, vector<16xi32>
      %broadcast_in_dim3A_533 = vector.shape_cast %select_n3A_532 : vector<16xi32> to vector<16x1xi32>
      %gather3A_534 = vector.shape_cast %broadcast_in_dim3A_533 : vector<16x1xi32> to vector<16xi32>
      %gather3A_535 = tpu.dynamic_gather %get3A_11[%gather3A_534] in [0] : vector<16xi32>, vector<16xi32> -> vector<16xi32>
      %min3A_536 = arith.constant 126 : i32
      %min3A_537 = vector.broadcast %min3A_536 : i32 to vector<16xi32>
      %min3A_538 = arith.minsi %gather3A_535, %min3A_537 : vector<16xi32>
      %eq3A_539 = arith.constant 127 : i32
      %eq3A_540 = vector.broadcast %eq3A_539 : i32 to vector<16xi32>
      %eq3A_541 = arith.cmpi eq, %gather3A_535, %eq3A_540 : vector<16xi32>
      %broadcast_in_dim3A_542 = arith.constant 8 : i32
      %broadcast_in_dim3A_543 = vector.broadcast %broadcast_in_dim3A_542 : i32 to vector<16xi32>
      %lt3A_544 = arith.constant 0 : i32
      %lt3A_545 = vector.broadcast %lt3A_544 : i32 to vector<16xi32>
      %lt3A_546 = arith.cmpi slt, %broadcast_in_dim3A_543, %lt3A_545 : vector<16xi32>
      %add3A_547 = arith.constant 16 : i32
      %add3A_548 = vector.broadcast %add3A_547 : i32 to vector<16xi32>
      %add3A_549 = arith.addi %broadcast_in_dim3A_543, %add3A_548 : vector<16xi32>
      %select_n3A_550 = arith.select %lt3A_546, %add3A_549, %broadcast_in_dim3A_543 : vector<16xi1>, vector<16xi32>
      %broadcast_in_dim3A_551 = vector.shape_cast %select_n3A_550 : vector<16xi32> to vector<16x1xi32>
      %gather3A_552 = vector.shape_cast %broadcast_in_dim3A_551 : vector<16x1xi32> to vector<16xi32>
      %gather3A_553 = tpu.dynamic_gather %sub3A[%gather3A_552] in [0] : vector<16xf32>, vector<16xi32> -> vector<16xf32>
      %add3A_554 = arith.addi %add3A_76, %min3A_538 : vector<16xi32>
      %gather3A_555 = tpu.vector_load_idx %arg14[%add3A_554] : memref<65024xf32, #tpu.memory_space<vmem>>[vector<16xi32>], vector<16xf32>,
      %select_n3A_556 = arith.select %eq3A_541, %get3A_109, %gather3A_555 : vector<16xi1>, vector<16xf32>
      %mul3A_557 = arith.mulf %gather3A_553, %select_n3A_556 : vector<16xf32>
      %add3A_558 = arith.addf %add3A_508, %mul3A_557 : vector<16xf32>
      %add3A_559 = arith.addi %add3A_85, %min3A_538 : vector<16xi32>
      %gather3A_560 = tpu.vector_load_idx %arg14[%add3A_559] : memref<65024xf32, #tpu.memory_space<vmem>>[vector<16xi32>], vector<16xf32>,
      %select_n3A_561 = arith.select %eq3A_541, %get3A_115, %gather3A_560 : vector<16xi1>, vector<16xf32>
      %mul3A_562 = arith.mulf %gather3A_553, %select_n3A_561 : vector<16xf32>
      %add3A_563 = arith.addf %add3A_513, %mul3A_562 : vector<16xf32>
      %add3A_564 = arith.addi %add3A_94, %min3A_538 : vector<16xi32>
      %gather3A_565 = tpu.vector_load_idx %arg14[%add3A_564] : memref<65024xf32, #tpu.memory_space<vmem>>[vector<16xi32>], vector<16xf32>,
      %select_n3A_566 = arith.select %eq3A_541, %get3A_121, %gather3A_565 : vector<16xi1>, vector<16xf32>
      %mul3A_567 = arith.mulf %gather3A_553, %select_n3A_566 : vector<16xf32>
      %add3A_568 = arith.addf %add3A_518, %mul3A_567 : vector<16xf32>
      %add3A_569 = arith.addi %add3A_103, %min3A_538 : vector<16xi32>
      %gather3A_570 = tpu.vector_load_idx %arg14[%add3A_569] : memref<65024xf32, #tpu.memory_space<vmem>>[vector<16xi32>], vector<16xf32>,
      %select_n3A_571 = arith.select %eq3A_541, %get3A_127, %gather3A_570 : vector<16xi1>, vector<16xf32>
      %mul3A_572 = arith.mulf %gather3A_553, %select_n3A_571 : vector<16xf32>
      %add3A_573 = arith.addf %add3A_523, %mul3A_572 : vector<16xf32>
      %broadcast_in_dim3A_574 = arith.constant 9 : i32
      %broadcast_in_dim3A_575 = vector.broadcast %broadcast_in_dim3A_574 : i32 to vector<16xi32>
      %lt3A_576 = arith.constant 0 : i32
      %lt3A_577 = vector.broadcast %lt3A_576 : i32 to vector<16xi32>
      %lt3A_578 = arith.cmpi slt, %broadcast_in_dim3A_575, %lt3A_577 : vector<16xi32>
      %add3A_579 = arith.constant 16 : i32
      %add3A_580 = vector.broadcast %add3A_579 : i32 to vector<16xi32>
      %add3A_581 = arith.addi %broadcast_in_dim3A_575, %add3A_580 : vector<16xi32>
      %select_n3A_582 = arith.select %lt3A_578, %add3A_581, %broadcast_in_dim3A_575 : vector<16xi1>, vector<16xi32>
      %broadcast_in_dim3A_583 = vector.shape_cast %select_n3A_582 : vector<16xi32> to vector<16x1xi32>
      %gather3A_584 = vector.shape_cast %broadcast_in_dim3A_583 : vector<16x1xi32> to vector<16xi32>
      %gather3A_585 = tpu.dynamic_gather %get3A_11[%gather3A_584] in [0] : vector<16xi32>, vector<16xi32> -> vector<16xi32>
      %min3A_586 = arith.constant 126 : i32
      %min3A_587 = vector.broadcast %min3A_586 : i32 to vector<16xi32>
      %min3A_588 = arith.minsi %gather3A_585, %min3A_587 : vector<16xi32>
      %eq3A_589 = arith.constant 127 : i32
      %eq3A_590 = vector.broadcast %eq3A_589 : i32 to vector<16xi32>
      %eq3A_591 = arith.cmpi eq, %gather3A_585, %eq3A_590 : vector<16xi32>
      %broadcast_in_dim3A_592 = arith.constant 9 : i32
      %broadcast_in_dim3A_593 = vector.broadcast %broadcast_in_dim3A_592 : i32 to vector<16xi32>
      %lt3A_594 = arith.constant 0 : i32
      %lt3A_595 = vector.broadcast %lt3A_594 : i32 to vector<16xi32>
      %lt3A_596 = arith.cmpi slt, %broadcast_in_dim3A_593, %lt3A_595 : vector<16xi32>
      %add3A_597 = arith.constant 16 : i32
      %add3A_598 = vector.broadcast %add3A_597 : i32 to vector<16xi32>
      %add3A_599 = arith.addi %broadcast_in_dim3A_593, %add3A_598 : vector<16xi32>
      %select_n3A_600 = arith.select %lt3A_596, %add3A_599, %broadcast_in_dim3A_593 : vector<16xi1>, vector<16xi32>
      %broadcast_in_dim3A_601 = vector.shape_cast %select_n3A_600 : vector<16xi32> to vector<16x1xi32>
      %gather3A_602 = vector.shape_cast %broadcast_in_dim3A_601 : vector<16x1xi32> to vector<16xi32>
      %gather3A_603 = tpu.dynamic_gather %sub3A[%gather3A_602] in [0] : vector<16xf32>, vector<16xi32> -> vector<16xf32>
      %add3A_604 = arith.addi %add3A_76, %min3A_588 : vector<16xi32>
      %gather3A_605 = tpu.vector_load_idx %arg14[%add3A_604] : memref<65024xf32, #tpu.memory_space<vmem>>[vector<16xi32>], vector<16xf32>,
      %select_n3A_606 = arith.select %eq3A_591, %get3A_109, %gather3A_605 : vector<16xi1>, vector<16xf32>
      %mul3A_607 = arith.mulf %gather3A_603, %select_n3A_606 : vector<16xf32>
      %add3A_608 = arith.addf %add3A_558, %mul3A_607 : vector<16xf32>
      %add3A_609 = arith.addi %add3A_85, %min3A_588 : vector<16xi32>
      %gather3A_610 = tpu.vector_load_idx %arg14[%add3A_609] : memref<65024xf32, #tpu.memory_space<vmem>>[vector<16xi32>], vector<16xf32>,
      %select_n3A_611 = arith.select %eq3A_591, %get3A_115, %gather3A_610 : vector<16xi1>, vector<16xf32>
      %mul3A_612 = arith.mulf %gather3A_603, %select_n3A_611 : vector<16xf32>
      %add3A_613 = arith.addf %add3A_563, %mul3A_612 : vector<16xf32>
      %add3A_614 = arith.addi %add3A_94, %min3A_588 : vector<16xi32>
      %gather3A_615 = tpu.vector_load_idx %arg14[%add3A_614] : memref<65024xf32, #tpu.memory_space<vmem>>[vector<16xi32>], vector<16xf32>,
      %select_n3A_616 = arith.select %eq3A_591, %get3A_121, %gather3A_615 : vector<16xi1>, vector<16xf32>
      %mul3A_617 = arith.mulf %gather3A_603, %select_n3A_616 : vector<16xf32>
      %add3A_618 = arith.addf %add3A_568, %mul3A_617 : vector<16xf32>
      %add3A_619 = arith.addi %add3A_103, %min3A_588 : vector<16xi32>
      %gather3A_620 = tpu.vector_load_idx %arg14[%add3A_619] : memref<65024xf32, #tpu.memory_space<vmem>>[vector<16xi32>], vector<16xf32>,
      %select_n3A_621 = arith.select %eq3A_591, %get3A_127, %gather3A_620 : vector<16xi1>, vector<16xf32>
      %mul3A_622 = arith.mulf %gather3A_603, %select_n3A_621 : vector<16xf32>
      %add3A_623 = arith.addf %add3A_573, %mul3A_622 : vector<16xf32>
      %broadcast_in_dim3A_624 = arith.constant 10 : i32
      %broadcast_in_dim3A_625 = vector.broadcast %broadcast_in_dim3A_624 : i32 to vector<16xi32>
      %lt3A_626 = arith.constant 0 : i32
      %lt3A_627 = vector.broadcast %lt3A_626 : i32 to vector<16xi32>
      %lt3A_628 = arith.cmpi slt, %broadcast_in_dim3A_625, %lt3A_627 : vector<16xi32>
      %add3A_629 = arith.constant 16 : i32
      %add3A_630 = vector.broadcast %add3A_629 : i32 to vector<16xi32>
      %add3A_631 = arith.addi %broadcast_in_dim3A_625, %add3A_630 : vector<16xi32>
      %select_n3A_632 = arith.select %lt3A_628, %add3A_631, %broadcast_in_dim3A_625 : vector<16xi1>, vector<16xi32>
      %broadcast_in_dim3A_633 = vector.shape_cast %select_n3A_632 : vector<16xi32> to vector<16x1xi32>
      %gather3A_634 = vector.shape_cast %broadcast_in_dim3A_633 : vector<16x1xi32> to vector<16xi32>
      %gather3A_635 = tpu.dynamic_gather %get3A_11[%gather3A_634] in [0] : vector<16xi32>, vector<16xi32> -> vector<16xi32>
      %min3A_636 = arith.constant 126 : i32
      %min3A_637 = vector.broadcast %min3A_636 : i32 to vector<16xi32>
      %min3A_638 = arith.minsi %gather3A_635, %min3A_637 : vector<16xi32>
      %eq3A_639 = arith.constant 127 : i32
      %eq3A_640 = vector.broadcast %eq3A_639 : i32 to vector<16xi32>
      %eq3A_641 = arith.cmpi eq, %gather3A_635, %eq3A_640 : vector<16xi32>
      %broadcast_in_dim3A_642 = arith.constant 10 : i32
      %broadcast_in_dim3A_643 = vector.broadcast %broadcast_in_dim3A_642 : i32 to vector<16xi32>
      %lt3A_644 = arith.constant 0 : i32
      %lt3A_645 = vector.broadcast %lt3A_644 : i32 to vector<16xi32>
      %lt3A_646 = arith.cmpi slt, %broadcast_in_dim3A_643, %lt3A_645 : vector<16xi32>
      %add3A_647 = arith.constant 16 : i32
      %add3A_648 = vector.broadcast %add3A_647 : i32 to vector<16xi32>
      %add3A_649 = arith.addi %broadcast_in_dim3A_643, %add3A_648 : vector<16xi32>
      %select_n3A_650 = arith.select %lt3A_646, %add3A_649, %broadcast_in_dim3A_643 : vector<16xi1>, vector<16xi32>
      %broadcast_in_dim3A_651 = vector.shape_cast %select_n3A_650 : vector<16xi32> to vector<16x1xi32>
      %gather3A_652 = vector.shape_cast %broadcast_in_dim3A_651 : vector<16x1xi32> to vector<16xi32>
      %gather3A_653 = tpu.dynamic_gather %sub3A[%gather3A_652] in [0] : vector<16xf32>, vector<16xi32> -> vector<16xf32>
      %add3A_654 = arith.addi %add3A_76, %min3A_638 : vector<16xi32>
      %gather3A_655 = tpu.vector_load_idx %arg14[%add3A_654] : memref<65024xf32, #tpu.memory_space<vmem>>[vector<16xi32>], vector<16xf32>,
      %select_n3A_656 = arith.select %eq3A_641, %get3A_109, %gather3A_655 : vector<16xi1>, vector<16xf32>
      %mul3A_657 = arith.mulf %gather3A_653, %select_n3A_656 : vector<16xf32>
      %add3A_658 = arith.addf %add3A_608, %mul3A_657 : vector<16xf32>
      %add3A_659 = arith.addi %add3A_85, %min3A_638 : vector<16xi32>
      %gather3A_660 = tpu.vector_load_idx %arg14[%add3A_659] : memref<65024xf32, #tpu.memory_space<vmem>>[vector<16xi32>], vector<16xf32>,
      %select_n3A_661 = arith.select %eq3A_641, %get3A_115, %gather3A_660 : vector<16xi1>, vector<16xf32>
      %mul3A_662 = arith.mulf %gather3A_653, %select_n3A_661 : vector<16xf32>
      %add3A_663 = arith.addf %add3A_613, %mul3A_662 : vector<16xf32>
      %add3A_664 = arith.addi %add3A_94, %min3A_638 : vector<16xi32>
      %gather3A_665 = tpu.vector_load_idx %arg14[%add3A_664] : memref<65024xf32, #tpu.memory_space<vmem>>[vector<16xi32>], vector<16xf32>,
      %select_n3A_666 = arith.select %eq3A_641, %get3A_121, %gather3A_665 : vector<16xi1>, vector<16xf32>
      %mul3A_667 = arith.mulf %gather3A_653, %select_n3A_666 : vector<16xf32>
      %add3A_668 = arith.addf %add3A_618, %mul3A_667 : vector<16xf32>
      %add3A_669 = arith.addi %add3A_103, %min3A_638 : vector<16xi32>
      %gather3A_670 = tpu.vector_load_idx %arg14[%add3A_669] : memref<65024xf32, #tpu.memory_space<vmem>>[vector<16xi32>], vector<16xf32>,
      %select_n3A_671 = arith.select %eq3A_641, %get3A_127, %gather3A_670 : vector<16xi1>, vector<16xf32>
      %mul3A_672 = arith.mulf %gather3A_653, %select_n3A_671 : vector<16xf32>
      %add3A_673 = arith.addf %add3A_623, %mul3A_672 : vector<16xf32>
      %broadcast_in_dim3A_674 = arith.constant 11 : i32
      %broadcast_in_dim3A_675 = vector.broadcast %broadcast_in_dim3A_674 : i32 to vector<16xi32>
      %lt3A_676 = arith.constant 0 : i32
      %lt3A_677 = vector.broadcast %lt3A_676 : i32 to vector<16xi32>
      %lt3A_678 = arith.cmpi slt, %broadcast_in_dim3A_675, %lt3A_677 : vector<16xi32>
      %add3A_679 = arith.constant 16 : i32
      %add3A_680 = vector.broadcast %add3A_679 : i32 to vector<16xi32>
      %add3A_681 = arith.addi %broadcast_in_dim3A_675, %add3A_680 : vector<16xi32>
      %select_n3A_682 = arith.select %lt3A_678, %add3A_681, %broadcast_in_dim3A_675 : vector<16xi1>, vector<16xi32>
      %broadcast_in_dim3A_683 = vector.shape_cast %select_n3A_682 : vector<16xi32> to vector<16x1xi32>
      %gather3A_684 = vector.shape_cast %broadcast_in_dim3A_683 : vector<16x1xi32> to vector<16xi32>
      %gather3A_685 = tpu.dynamic_gather %get3A_11[%gather3A_684] in [0] : vector<16xi32>, vector<16xi32> -> vector<16xi32>
      %min3A_686 = arith.constant 126 : i32
      %min3A_687 = vector.broadcast %min3A_686 : i32 to vector<16xi32>
      %min3A_688 = arith.minsi %gather3A_685, %min3A_687 : vector<16xi32>
      %eq3A_689 = arith.constant 127 : i32
      %eq3A_690 = vector.broadcast %eq3A_689 : i32 to vector<16xi32>
      %eq3A_691 = arith.cmpi eq, %gather3A_685, %eq3A_690 : vector<16xi32>
      %broadcast_in_dim3A_692 = arith.constant 11 : i32
      %broadcast_in_dim3A_693 = vector.broadcast %broadcast_in_dim3A_692 : i32 to vector<16xi32>
      %lt3A_694 = arith.constant 0 : i32
      %lt3A_695 = vector.broadcast %lt3A_694 : i32 to vector<16xi32>
      %lt3A_696 = arith.cmpi slt, %broadcast_in_dim3A_693, %lt3A_695 : vector<16xi32>
      %add3A_697 = arith.constant 16 : i32
      %add3A_698 = vector.broadcast %add3A_697 : i32 to vector<16xi32>
      %add3A_699 = arith.addi %broadcast_in_dim3A_693, %add3A_698 : vector<16xi32>
      %select_n3A_700 = arith.select %lt3A_696, %add3A_699, %broadcast_in_dim3A_693 : vector<16xi1>, vector<16xi32>
      %broadcast_in_dim3A_701 = vector.shape_cast %select_n3A_700 : vector<16xi32> to vector<16x1xi32>
      %gather3A_702 = vector.shape_cast %broadcast_in_dim3A_701 : vector<16x1xi32> to vector<16xi32>
      %gather3A_703 = tpu.dynamic_gather %sub3A[%gather3A_702] in [0] : vector<16xf32>, vector<16xi32> -> vector<16xf32>
      %add3A_704 = arith.addi %add3A_76, %min3A_688 : vector<16xi32>
      %gather3A_705 = tpu.vector_load_idx %arg14[%add3A_704] : memref<65024xf32, #tpu.memory_space<vmem>>[vector<16xi32>], vector<16xf32>,
      %select_n3A_706 = arith.select %eq3A_691, %get3A_109, %gather3A_705 : vector<16xi1>, vector<16xf32>
      %mul3A_707 = arith.mulf %gather3A_703, %select_n3A_706 : vector<16xf32>
      %add3A_708 = arith.addf %add3A_658, %mul3A_707 : vector<16xf32>
      %add3A_709 = arith.addi %add3A_85, %min3A_688 : vector<16xi32>
      %gather3A_710 = tpu.vector_load_idx %arg14[%add3A_709] : memref<65024xf32, #tpu.memory_space<vmem>>[vector<16xi32>], vector<16xf32>,
      %select_n3A_711 = arith.select %eq3A_691, %get3A_115, %gather3A_710 : vector<16xi1>, vector<16xf32>
      %mul3A_712 = arith.mulf %gather3A_703, %select_n3A_711 : vector<16xf32>
      %add3A_713 = arith.addf %add3A_663, %mul3A_712 : vector<16xf32>
      %add3A_714 = arith.addi %add3A_94, %min3A_688 : vector<16xi32>
      %gather3A_715 = tpu.vector_load_idx %arg14[%add3A_714] : memref<65024xf32, #tpu.memory_space<vmem>>[vector<16xi32>], vector<16xf32>,
      %select_n3A_716 = arith.select %eq3A_691, %get3A_121, %gather3A_715 : vector<16xi1>, vector<16xf32>
      %mul3A_717 = arith.mulf %gather3A_703, %select_n3A_716 : vector<16xf32>
      %add3A_718 = arith.addf %add3A_668, %mul3A_717 : vector<16xf32>
      %add3A_719 = arith.addi %add3A_103, %min3A_688 : vector<16xi32>
      %gather3A_720 = tpu.vector_load_idx %arg14[%add3A_719] : memref<65024xf32, #tpu.memory_space<vmem>>[vector<16xi32>], vector<16xf32>,
      %select_n3A_721 = arith.select %eq3A_691, %get3A_127, %gather3A_720 : vector<16xi1>, vector<16xf32>
      %mul3A_722 = arith.mulf %gather3A_703, %select_n3A_721 : vector<16xf32>
      %add3A_723 = arith.addf %add3A_673, %mul3A_722 : vector<16xf32>
      %broadcast_in_dim3A_724 = arith.constant 12 : i32
      %broadcast_in_dim3A_725 = vector.broadcast %broadcast_in_dim3A_724 : i32 to vector<16xi32>
      %lt3A_726 = arith.constant 0 : i32
      %lt3A_727 = vector.broadcast %lt3A_726 : i32 to vector<16xi32>
      %lt3A_728 = arith.cmpi slt, %broadcast_in_dim3A_725, %lt3A_727 : vector<16xi32>
      %add3A_729 = arith.constant 16 : i32
      %add3A_730 = vector.broadcast %add3A_729 : i32 to vector<16xi32>
      %add3A_731 = arith.addi %broadcast_in_dim3A_725, %add3A_730 : vector<16xi32>
      %select_n3A_732 = arith.select %lt3A_728, %add3A_731, %broadcast_in_dim3A_725 : vector<16xi1>, vector<16xi32>
      %broadcast_in_dim3A_733 = vector.shape_cast %select_n3A_732 : vector<16xi32> to vector<16x1xi32>
      %gather3A_734 = vector.shape_cast %broadcast_in_dim3A_733 : vector<16x1xi32> to vector<16xi32>
      %gather3A_735 = tpu.dynamic_gather %get3A_11[%gather3A_734] in [0] : vector<16xi32>, vector<16xi32> -> vector<16xi32>
      %min3A_736 = arith.constant 126 : i32
      %min3A_737 = vector.broadcast %min3A_736 : i32 to vector<16xi32>
      %min3A_738 = arith.minsi %gather3A_735, %min3A_737 : vector<16xi32>
      %eq3A_739 = arith.constant 127 : i32
      %eq3A_740 = vector.broadcast %eq3A_739 : i32 to vector<16xi32>
      %eq3A_741 = arith.cmpi eq, %gather3A_735, %eq3A_740 : vector<16xi32>
      %broadcast_in_dim3A_742 = arith.constant 12 : i32
      %broadcast_in_dim3A_743 = vector.broadcast %broadcast_in_dim3A_742 : i32 to vector<16xi32>
      %lt3A_744 = arith.constant 0 : i32
      %lt3A_745 = vector.broadcast %lt3A_744 : i32 to vector<16xi32>
      %lt3A_746 = arith.cmpi slt, %broadcast_in_dim3A_743, %lt3A_745 : vector<16xi32>
      %add3A_747 = arith.constant 16 : i32
      %add3A_748 = vector.broadcast %add3A_747 : i32 to vector<16xi32>
      %add3A_749 = arith.addi %broadcast_in_dim3A_743, %add3A_748 : vector<16xi32>
      %select_n3A_750 = arith.select %lt3A_746, %add3A_749, %broadcast_in_dim3A_743 : vector<16xi1>, vector<16xi32>
      %broadcast_in_dim3A_751 = vector.shape_cast %select_n3A_750 : vector<16xi32> to vector<16x1xi32>
      %gather3A_752 = vector.shape_cast %broadcast_in_dim3A_751 : vector<16x1xi32> to vector<16xi32>
      %gather3A_753 = tpu.dynamic_gather %sub3A[%gather3A_752] in [0] : vector<16xf32>, vector<16xi32> -> vector<16xf32>
      %add3A_754 = arith.addi %add3A_76, %min3A_738 : vector<16xi32>
      %gather3A_755 = tpu.vector_load_idx %arg14[%add3A_754] : memref<65024xf32, #tpu.memory_space<vmem>>[vector<16xi32>], vector<16xf32>,
      %select_n3A_756 = arith.select %eq3A_741, %get3A_109, %gather3A_755 : vector<16xi1>, vector<16xf32>
      %mul3A_757 = arith.mulf %gather3A_753, %select_n3A_756 : vector<16xf32>
      %add3A_758 = arith.addf %add3A_708, %mul3A_757 : vector<16xf32>
      %add3A_759 = arith.addi %add3A_85, %min3A_738 : vector<16xi32>
      %gather3A_760 = tpu.vector_load_idx %arg14[%add3A_759] : memref<65024xf32, #tpu.memory_space<vmem>>[vector<16xi32>], vector<16xf32>,
      %select_n3A_761 = arith.select %eq3A_741, %get3A_115, %gather3A_760 : vector<16xi1>, vector<16xf32>
      %mul3A_762 = arith.mulf %gather3A_753, %select_n3A_761 : vector<16xf32>
      %add3A_763 = arith.addf %add3A_713, %mul3A_762 : vector<16xf32>
      %add3A_764 = arith.addi %add3A_94, %min3A_738 : vector<16xi32>
      %gather3A_765 = tpu.vector_load_idx %arg14[%add3A_764] : memref<65024xf32, #tpu.memory_space<vmem>>[vector<16xi32>], vector<16xf32>,
      %select_n3A_766 = arith.select %eq3A_741, %get3A_121, %gather3A_765 : vector<16xi1>, vector<16xf32>
      %mul3A_767 = arith.mulf %gather3A_753, %select_n3A_766 : vector<16xf32>
      %add3A_768 = arith.addf %add3A_718, %mul3A_767 : vector<16xf32>
      %add3A_769 = arith.addi %add3A_103, %min3A_738 : vector<16xi32>
      %gather3A_770 = tpu.vector_load_idx %arg14[%add3A_769] : memref<65024xf32, #tpu.memory_space<vmem>>[vector<16xi32>], vector<16xf32>,
      %select_n3A_771 = arith.select %eq3A_741, %get3A_127, %gather3A_770 : vector<16xi1>, vector<16xf32>
      %mul3A_772 = arith.mulf %gather3A_753, %select_n3A_771 : vector<16xf32>
      %add3A_773 = arith.addf %add3A_723, %mul3A_772 : vector<16xf32>
      %broadcast_in_dim3A_774 = arith.constant 13 : i32
      %broadcast_in_dim3A_775 = vector.broadcast %broadcast_in_dim3A_774 : i32 to vector<16xi32>
      %lt3A_776 = arith.constant 0 : i32
      %lt3A_777 = vector.broadcast %lt3A_776 : i32 to vector<16xi32>
      %lt3A_778 = arith.cmpi slt, %broadcast_in_dim3A_775, %lt3A_777 : vector<16xi32>
      %add3A_779 = arith.constant 16 : i32
      %add3A_780 = vector.broadcast %add3A_779 : i32 to vector<16xi32>
      %add3A_781 = arith.addi %broadcast_in_dim3A_775, %add3A_780 : vector<16xi32>
      %select_n3A_782 = arith.select %lt3A_778, %add3A_781, %broadcast_in_dim3A_775 : vector<16xi1>, vector<16xi32>
      %broadcast_in_dim3A_783 = vector.shape_cast %select_n3A_782 : vector<16xi32> to vector<16x1xi32>
      %gather3A_784 = vector.shape_cast %broadcast_in_dim3A_783 : vector<16x1xi32> to vector<16xi32>
      %gather3A_785 = tpu.dynamic_gather %get3A_11[%gather3A_784] in [0] : vector<16xi32>, vector<16xi32> -> vector<16xi32>
      %min3A_786 = arith.constant 126 : i32
      %min3A_787 = vector.broadcast %min3A_786 : i32 to vector<16xi32>
      %min3A_788 = arith.minsi %gather3A_785, %min3A_787 : vector<16xi32>
      %eq3A_789 = arith.constant 127 : i32
      %eq3A_790 = vector.broadcast %eq3A_789 : i32 to vector<16xi32>
      %eq3A_791 = arith.cmpi eq, %gather3A_785, %eq3A_790 : vector<16xi32>
      %broadcast_in_dim3A_792 = arith.constant 13 : i32
      %broadcast_in_dim3A_793 = vector.broadcast %broadcast_in_dim3A_792 : i32 to vector<16xi32>
      %lt3A_794 = arith.constant 0 : i32
      %lt3A_795 = vector.broadcast %lt3A_794 : i32 to vector<16xi32>
      %lt3A_796 = arith.cmpi slt, %broadcast_in_dim3A_793, %lt3A_795 : vector<16xi32>
      %add3A_797 = arith.constant 16 : i32
      %add3A_798 = vector.broadcast %add3A_797 : i32 to vector<16xi32>
      %add3A_799 = arith.addi %broadcast_in_dim3A_793, %add3A_798 : vector<16xi32>
      %select_n3A_800 = arith.select %lt3A_796, %add3A_799, %broadcast_in_dim3A_793 : vector<16xi1>, vector<16xi32>
      %broadcast_in_dim3A_801 = vector.shape_cast %select_n3A_800 : vector<16xi32> to vector<16x1xi32>
      %gather3A_802 = vector.shape_cast %broadcast_in_dim3A_801 : vector<16x1xi32> to vector<16xi32>
      %gather3A_803 = tpu.dynamic_gather %sub3A[%gather3A_802] in [0] : vector<16xf32>, vector<16xi32> -> vector<16xf32>
      %add3A_804 = arith.addi %add3A_76, %min3A_788 : vector<16xi32>
      %gather3A_805 = tpu.vector_load_idx %arg14[%add3A_804] : memref<65024xf32, #tpu.memory_space<vmem>>[vector<16xi32>], vector<16xf32>,
      %select_n3A_806 = arith.select %eq3A_791, %get3A_109, %gather3A_805 : vector<16xi1>, vector<16xf32>
      %mul3A_807 = arith.mulf %gather3A_803, %select_n3A_806 : vector<16xf32>
      %add3A_808 = arith.addf %add3A_758, %mul3A_807 : vector<16xf32>
      %add3A_809 = arith.addi %add3A_85, %min3A_788 : vector<16xi32>
      %gather3A_810 = tpu.vector_load_idx %arg14[%add3A_809] : memref<65024xf32, #tpu.memory_space<vmem>>[vector<16xi32>], vector<16xf32>,
      %select_n3A_811 = arith.select %eq3A_791, %get3A_115, %gather3A_810 : vector<16xi1>, vector<16xf32>
      %mul3A_812 = arith.mulf %gather3A_803, %select_n3A_811 : vector<16xf32>
      %add3A_813 = arith.addf %add3A_763, %mul3A_812 : vector<16xf32>
      %add3A_814 = arith.addi %add3A_94, %min3A_788 : vector<16xi32>
      %gather3A_815 = tpu.vector_load_idx %arg14[%add3A_814] : memref<65024xf32, #tpu.memory_space<vmem>>[vector<16xi32>], vector<16xf32>,
      %select_n3A_816 = arith.select %eq3A_791, %get3A_121, %gather3A_815 : vector<16xi1>, vector<16xf32>
      %mul3A_817 = arith.mulf %gather3A_803, %select_n3A_816 : vector<16xf32>
      %add3A_818 = arith.addf %add3A_768, %mul3A_817 : vector<16xf32>
      %add3A_819 = arith.addi %add3A_103, %min3A_788 : vector<16xi32>
      %gather3A_820 = tpu.vector_load_idx %arg14[%add3A_819] : memref<65024xf32, #tpu.memory_space<vmem>>[vector<16xi32>], vector<16xf32>,
      %select_n3A_821 = arith.select %eq3A_791, %get3A_127, %gather3A_820 : vector<16xi1>, vector<16xf32>
      %mul3A_822 = arith.mulf %gather3A_803, %select_n3A_821 : vector<16xf32>
      %add3A_823 = arith.addf %add3A_773, %mul3A_822 : vector<16xf32>
      %broadcast_in_dim3A_824 = arith.constant 14 : i32
      %broadcast_in_dim3A_825 = vector.broadcast %broadcast_in_dim3A_824 : i32 to vector<16xi32>
      %lt3A_826 = arith.constant 0 : i32
      %lt3A_827 = vector.broadcast %lt3A_826 : i32 to vector<16xi32>
      %lt3A_828 = arith.cmpi slt, %broadcast_in_dim3A_825, %lt3A_827 : vector<16xi32>
      %add3A_829 = arith.constant 16 : i32
      %add3A_830 = vector.broadcast %add3A_829 : i32 to vector<16xi32>
      %add3A_831 = arith.addi %broadcast_in_dim3A_825, %add3A_830 : vector<16xi32>
      %select_n3A_832 = arith.select %lt3A_828, %add3A_831, %broadcast_in_dim3A_825 : vector<16xi1>, vector<16xi32>
      %broadcast_in_dim3A_833 = vector.shape_cast %select_n3A_832 : vector<16xi32> to vector<16x1xi32>
      %gather3A_834 = vector.shape_cast %broadcast_in_dim3A_833 : vector<16x1xi32> to vector<16xi32>
      %gather3A_835 = tpu.dynamic_gather %get3A_11[%gather3A_834] in [0] : vector<16xi32>, vector<16xi32> -> vector<16xi32>
      %min3A_836 = arith.constant 126 : i32
      %min3A_837 = vector.broadcast %min3A_836 : i32 to vector<16xi32>
      %min3A_838 = arith.minsi %gather3A_835, %min3A_837 : vector<16xi32>
      %eq3A_839 = arith.constant 127 : i32
      %eq3A_840 = vector.broadcast %eq3A_839 : i32 to vector<16xi32>
      %eq3A_841 = arith.cmpi eq, %gather3A_835, %eq3A_840 : vector<16xi32>
      %broadcast_in_dim3A_842 = arith.constant 14 : i32
      %broadcast_in_dim3A_843 = vector.broadcast %broadcast_in_dim3A_842 : i32 to vector<16xi32>
      %lt3A_844 = arith.constant 0 : i32
      %lt3A_845 = vector.broadcast %lt3A_844 : i32 to vector<16xi32>
      %lt3A_846 = arith.cmpi slt, %broadcast_in_dim3A_843, %lt3A_845 : vector<16xi32>
      %add3A_847 = arith.constant 16 : i32
      %add3A_848 = vector.broadcast %add3A_847 : i32 to vector<16xi32>
      %add3A_849 = arith.addi %broadcast_in_dim3A_843, %add3A_848 : vector<16xi32>
      %select_n3A_850 = arith.select %lt3A_846, %add3A_849, %broadcast_in_dim3A_843 : vector<16xi1>, vector<16xi32>
      %broadcast_in_dim3A_851 = vector.shape_cast %select_n3A_850 : vector<16xi32> to vector<16x1xi32>
      %gather3A_852 = vector.shape_cast %broadcast_in_dim3A_851 : vector<16x1xi32> to vector<16xi32>
      %gather3A_853 = tpu.dynamic_gather %sub3A[%gather3A_852] in [0] : vector<16xf32>, vector<16xi32> -> vector<16xf32>
      %add3A_854 = arith.addi %add3A_76, %min3A_838 : vector<16xi32>
      %gather3A_855 = tpu.vector_load_idx %arg14[%add3A_854] : memref<65024xf32, #tpu.memory_space<vmem>>[vector<16xi32>], vector<16xf32>,
      %select_n3A_856 = arith.select %eq3A_841, %get3A_109, %gather3A_855 : vector<16xi1>, vector<16xf32>
      %mul3A_857 = arith.mulf %gather3A_853, %select_n3A_856 : vector<16xf32>
      %add3A_858 = arith.addf %add3A_808, %mul3A_857 : vector<16xf32>
      %add3A_859 = arith.addi %add3A_85, %min3A_838 : vector<16xi32>
      %gather3A_860 = tpu.vector_load_idx %arg14[%add3A_859] : memref<65024xf32, #tpu.memory_space<vmem>>[vector<16xi32>], vector<16xf32>,
      %select_n3A_861 = arith.select %eq3A_841, %get3A_115, %gather3A_860 : vector<16xi1>, vector<16xf32>
      %mul3A_862 = arith.mulf %gather3A_853, %select_n3A_861 : vector<16xf32>
      %add3A_863 = arith.addf %add3A_813, %mul3A_862 : vector<16xf32>
      %add3A_864 = arith.addi %add3A_94, %min3A_838 : vector<16xi32>
      %gather3A_865 = tpu.vector_load_idx %arg14[%add3A_864] : memref<65024xf32, #tpu.memory_space<vmem>>[vector<16xi32>], vector<16xf32>,
      %select_n3A_866 = arith.select %eq3A_841, %get3A_121, %gather3A_865 : vector<16xi1>, vector<16xf32>
      %mul3A_867 = arith.mulf %gather3A_853, %select_n3A_866 : vector<16xf32>
      %add3A_868 = arith.addf %add3A_818, %mul3A_867 : vector<16xf32>
      %add3A_869 = arith.addi %add3A_103, %min3A_838 : vector<16xi32>
      %gather3A_870 = tpu.vector_load_idx %arg14[%add3A_869] : memref<65024xf32, #tpu.memory_space<vmem>>[vector<16xi32>], vector<16xf32>,
      %select_n3A_871 = arith.select %eq3A_841, %get3A_127, %gather3A_870 : vector<16xi1>, vector<16xf32>
      %mul3A_872 = arith.mulf %gather3A_853, %select_n3A_871 : vector<16xf32>
      %add3A_873 = arith.addf %add3A_823, %mul3A_872 : vector<16xf32>
      %broadcast_in_dim3A_874 = arith.constant 15 : i32
      %broadcast_in_dim3A_875 = vector.broadcast %broadcast_in_dim3A_874 : i32 to vector<16xi32>
      %lt3A_876 = arith.constant 0 : i32
      %lt3A_877 = vector.broadcast %lt3A_876 : i32 to vector<16xi32>
      %lt3A_878 = arith.cmpi slt, %broadcast_in_dim3A_875, %lt3A_877 : vector<16xi32>
      %add3A_879 = arith.constant 16 : i32
      %add3A_880 = vector.broadcast %add3A_879 : i32 to vector<16xi32>
      %add3A_881 = arith.addi %broadcast_in_dim3A_875, %add3A_880 : vector<16xi32>
      %select_n3A_882 = arith.select %lt3A_878, %add3A_881, %broadcast_in_dim3A_875 : vector<16xi1>, vector<16xi32>
      %broadcast_in_dim3A_883 = vector.shape_cast %select_n3A_882 : vector<16xi32> to vector<16x1xi32>
      %gather3A_884 = vector.shape_cast %broadcast_in_dim3A_883 : vector<16x1xi32> to vector<16xi32>
      %gather3A_885 = tpu.dynamic_gather %get3A_11[%gather3A_884] in [0] : vector<16xi32>, vector<16xi32> -> vector<16xi32>
      %min3A_886 = arith.constant 126 : i32
      %min3A_887 = vector.broadcast %min3A_886 : i32 to vector<16xi32>
      %min3A_888 = arith.minsi %gather3A_885, %min3A_887 : vector<16xi32>
      %eq3A_889 = arith.constant 127 : i32
      %eq3A_890 = vector.broadcast %eq3A_889 : i32 to vector<16xi32>
      %eq3A_891 = arith.cmpi eq, %gather3A_885, %eq3A_890 : vector<16xi32>
      %broadcast_in_dim3A_892 = arith.constant 15 : i32
      %broadcast_in_dim3A_893 = vector.broadcast %broadcast_in_dim3A_892 : i32 to vector<16xi32>
      %lt3A_894 = arith.constant 0 : i32
      %lt3A_895 = vector.broadcast %lt3A_894 : i32 to vector<16xi32>
      %lt3A_896 = arith.cmpi slt, %broadcast_in_dim3A_893, %lt3A_895 : vector<16xi32>
      %add3A_897 = arith.constant 16 : i32
      %add3A_898 = vector.broadcast %add3A_897 : i32 to vector<16xi32>
      %add3A_899 = arith.addi %broadcast_in_dim3A_893, %add3A_898 : vector<16xi32>
      %select_n3A_900 = arith.select %lt3A_896, %add3A_899, %broadcast_in_dim3A_893 : vector<16xi1>, vector<16xi32>
      %broadcast_in_dim3A_901 = vector.shape_cast %select_n3A_900 : vector<16xi32> to vector<16x1xi32>
      %gather3A_902 = vector.shape_cast %broadcast_in_dim3A_901 : vector<16x1xi32> to vector<16xi32>
      %gather3A_903 = tpu.dynamic_gather %sub3A[%gather3A_902] in [0] : vector<16xf32>, vector<16xi32> -> vector<16xf32>
      %add3A_904 = arith.addi %add3A_76, %min3A_888 : vector<16xi32>
      %gather3A_905 = tpu.vector_load_idx %arg14[%add3A_904] : memref<65024xf32, #tpu.memory_space<vmem>>[vector<16xi32>], vector<16xf32>,
      %select_n3A_906 = arith.select %eq3A_891, %get3A_109, %gather3A_905 : vector<16xi1>, vector<16xf32>
      %mul3A_907 = arith.mulf %gather3A_903, %select_n3A_906 : vector<16xf32>
      %add3A_908 = arith.addf %add3A_858, %mul3A_907 : vector<16xf32>
      %add3A_909 = arith.addi %add3A_85, %min3A_888 : vector<16xi32>
      %gather3A_910 = tpu.vector_load_idx %arg14[%add3A_909] : memref<65024xf32, #tpu.memory_space<vmem>>[vector<16xi32>], vector<16xf32>,
      %select_n3A_911 = arith.select %eq3A_891, %get3A_115, %gather3A_910 : vector<16xi1>, vector<16xf32>
      %mul3A_912 = arith.mulf %gather3A_903, %select_n3A_911 : vector<16xf32>
      %add3A_913 = arith.addf %add3A_863, %mul3A_912 : vector<16xf32>
      %add3A_914 = arith.addi %add3A_94, %min3A_888 : vector<16xi32>
      %gather3A_915 = tpu.vector_load_idx %arg14[%add3A_914] : memref<65024xf32, #tpu.memory_space<vmem>>[vector<16xi32>], vector<16xf32>,
      %select_n3A_916 = arith.select %eq3A_891, %get3A_121, %gather3A_915 : vector<16xi1>, vector<16xf32>
      %mul3A_917 = arith.mulf %gather3A_903, %select_n3A_916 : vector<16xf32>
      %add3A_918 = arith.addf %add3A_868, %mul3A_917 : vector<16xf32>
      %add3A_919 = arith.addi %add3A_103, %min3A_888 : vector<16xi32>
      %gather3A_920 = tpu.vector_load_idx %arg14[%add3A_919] : memref<65024xf32, #tpu.memory_space<vmem>>[vector<16xi32>], vector<16xf32>,
      %select_n3A_921 = arith.select %eq3A_891, %get3A_127, %gather3A_920 : vector<16xi1>, vector<16xf32>
      %mul3A_922 = arith.mulf %gather3A_903, %select_n3A_921 : vector<16xf32>
      %add3A_923 = arith.addf %add3A_873, %mul3A_922 : vector<16xf32>
      %broadcast_in_dim3A_924 = arith.constant 0 : i32
      %broadcast_in_dim3A_925 = vector.broadcast %broadcast_in_dim3A_924 : i32 to vector<16xi32>
      %lt3A_926 = arith.constant 0 : i32
      %lt3A_927 = vector.broadcast %lt3A_926 : i32 to vector<16xi32>
      %lt3A_928 = arith.cmpi slt, %broadcast_in_dim3A_925, %lt3A_927 : vector<16xi32>
      %add3A_929 = arith.constant 16 : i32
      %add3A_930 = vector.broadcast %add3A_929 : i32 to vector<16xi32>
      %add3A_931 = arith.addi %broadcast_in_dim3A_925, %add3A_930 : vector<16xi32>
      %select_n3A_932 = arith.select %lt3A_928, %add3A_931, %broadcast_in_dim3A_925 : vector<16xi1>, vector<16xi32>
      %broadcast_in_dim3A_933 = vector.shape_cast %select_n3A_932 : vector<16xi32> to vector<16x1xi32>
      %gather3A_934 = vector.shape_cast %broadcast_in_dim3A_933 : vector<16x1xi32> to vector<16xi32>
      %gather3A_935 = tpu.dynamic_gather %get3A_17[%gather3A_934] in [0] : vector<16xi32>, vector<16xi32> -> vector<16xi32>
      %broadcast_in_dim3A_936 = arith.constant 0 : i32
      %broadcast_in_dim3A_937 = vector.broadcast %broadcast_in_dim3A_936 : i32 to vector<16xi32>
      %lt3A_938 = arith.constant 0 : i32
      %lt3A_939 = vector.broadcast %lt3A_938 : i32 to vector<16xi32>
      %lt3A_940 = arith.cmpi slt, %broadcast_in_dim3A_937, %lt3A_939 : vector<16xi32>
      %add3A_941 = arith.constant 16 : i32
      %add3A_942 = vector.broadcast %add3A_941 : i32 to vector<16xi32>
      %add3A_943 = arith.addi %broadcast_in_dim3A_937, %add3A_942 : vector<16xi32>
      %select_n3A_944 = arith.select %lt3A_940, %add3A_943, %broadcast_in_dim3A_937 : vector<16xi1>, vector<16xi32>
      %broadcast_in_dim3A_945 = vector.shape_cast %select_n3A_944 : vector<16xi32> to vector<16x1xi32>
      %gather3A_946 = vector.shape_cast %broadcast_in_dim3A_945 : vector<16x1xi32> to vector<16xi32>
      %gather3A_947 = tpu.dynamic_gather %get3A_21[%gather3A_946] in [0] : vector<16xi32>, vector<16xi32> -> vector<16xi32>
      %min3A_948 = arith.constant 126 : i32
      %min3A_949 = vector.broadcast %min3A_948 : i32 to vector<16xi32>
      %min3A_950 = arith.minsi %gather3A_935, %min3A_949 : vector<16xi32>
      %min3A_951 = arith.constant 126 : i32
      %min3A_952 = vector.broadcast %min3A_951 : i32 to vector<16xi32>
      %min3A_953 = arith.minsi %gather3A_947, %min3A_952 : vector<16xi32>
      %eq3A_954 = arith.constant 127 : i32
      %eq3A_955 = vector.broadcast %eq3A_954 : i32 to vector<16xi32>
      %eq3A_956 = arith.cmpi eq, %gather3A_935, %eq3A_955 : vector<16xi32>
      %eq3A_957 = arith.constant 127 : i32
      %eq3A_958 = vector.broadcast %eq3A_957 : i32 to vector<16xi32>
      %eq3A_959 = arith.cmpi eq, %gather3A_947, %eq3A_958 : vector<16xi32>
      %broadcast_in_dim3A_960 = arith.constant 0 : i32
      %broadcast_in_dim3A_961 = vector.broadcast %broadcast_in_dim3A_960 : i32 to vector<16xi32>
      %lt3A_962 = arith.constant 0 : i32
      %lt3A_963 = vector.broadcast %lt3A_962 : i32 to vector<16xi32>
      %lt3A_964 = arith.cmpi slt, %broadcast_in_dim3A_961, %lt3A_963 : vector<16xi32>
      %add3A_965 = arith.constant 16 : i32
      %add3A_966 = vector.broadcast %add3A_965 : i32 to vector<16xi32>
      %add3A_967 = arith.addi %broadcast_in_dim3A_961, %add3A_966 : vector<16xi32>
      %select_n3A_968 = arith.select %lt3A_964, %add3A_967, %broadcast_in_dim3A_961 : vector<16xi1>, vector<16xi32>
      %broadcast_in_dim3A_969 = vector.shape_cast %select_n3A_968 : vector<16xi32> to vector<16x1xi32>
      %gather3A_970 = vector.shape_cast %broadcast_in_dim3A_969 : vector<16x1xi32> to vector<16xi32>
      %gather3A_971 = tpu.dynamic_gather %sub3A_40[%gather3A_970] in [0] : vector<16xf32>, vector<16xi32> -> vector<16xf32>
      %broadcast_in_dim3A_972 = arith.constant 0 : i32
      %broadcast_in_dim3A_973 = vector.broadcast %broadcast_in_dim3A_972 : i32 to vector<16xi32>
      %lt3A_974 = arith.constant 0 : i32
      %lt3A_975 = vector.broadcast %lt3A_974 : i32 to vector<16xi32>
      %lt3A_976 = arith.cmpi slt, %broadcast_in_dim3A_973, %lt3A_975 : vector<16xi32>
      %add3A_977 = arith.constant 16 : i32
      %add3A_978 = vector.broadcast %add3A_977 : i32 to vector<16xi32>
      %add3A_979 = arith.addi %broadcast_in_dim3A_973, %add3A_978 : vector<16xi32>
      %select_n3A_980 = arith.select %lt3A_976, %add3A_979, %broadcast_in_dim3A_973 : vector<16xi1>, vector<16xi32>
      %broadcast_in_dim3A_981 = vector.shape_cast %select_n3A_980 : vector<16xi32> to vector<16x1xi32>
      %gather3A_982 = vector.shape_cast %broadcast_in_dim3A_981 : vector<16x1xi32> to vector<16xi32>
      %gather3A_983 = tpu.dynamic_gather %sub3A_42[%gather3A_982] in [0] : vector<16xf32>, vector<16xi32> -> vector<16xf32>
      %broadcast_in_dim3A_984 = arith.constant 0 : i32
      %broadcast_in_dim3A_985 = vector.broadcast %broadcast_in_dim3A_984 : i32 to vector<16xi32>
      %lt3A_986 = arith.constant 0 : i32
      %lt3A_987 = vector.broadcast %lt3A_986 : i32 to vector<16xi32>
      %lt3A_988 = arith.cmpi slt, %broadcast_in_dim3A_985, %lt3A_987 : vector<16xi32>
      %add3A_989 = arith.constant 16 : i32
      %add3A_990 = vector.broadcast %add3A_989 : i32 to vector<16xi32>
      %add3A_991 = arith.addi %broadcast_in_dim3A_985, %add3A_990 : vector<16xi32>
      %select_n3A_992 = arith.select %lt3A_988, %add3A_991, %broadcast_in_dim3A_985 : vector<16xi1>, vector<16xi32>
      %broadcast_in_dim3A_993 = vector.shape_cast %select_n3A_992 : vector<16xi32> to vector<16x1xi32>
      %gather3A_994 = vector.shape_cast %broadcast_in_dim3A_993 : vector<16x1xi32> to vector<16xi32>
      %gather3A_995 = tpu.dynamic_gather %add3A_46[%gather3A_994] in [0] : vector<16xf32>, vector<16xi32> -> vector<16xf32>
      %add3A_996 = arith.addi %add3A_76, %min3A_950 : vector<16xi32>
      %gather3A_997 = tpu.vector_load_idx %arg14[%add3A_996] : memref<65024xf32, #tpu.memory_space<vmem>>[vector<16xi32>], vector<16xf32>,
      %select_n3A_998 = arith.select %eq3A_956, %get3A_109, %gather3A_997 : vector<16xi1>, vector<16xf32>
      %add3A_999 = arith.addi %add3A_76, %min3A_953 : vector<16xi32>
      %gather3A_1000 = tpu.vector_load_idx %arg14[%add3A_999] : memref<65024xf32, #tpu.memory_space<vmem>>[vector<16xi32>], vector<16xf32>,
      %select_n3A_1001 = arith.select %eq3A_959, %get3A_109, %gather3A_1000 : vector<16xi1>, vector<16xf32>
      %mul3A_1002 = arith.mulf %gather3A_995, %select_n3A_1001 : vector<16xf32>
      %add3A_1003 = arith.addf %gather3A_971, %mul3A_1002 : vector<16xf32>
      %mul3A_1004 = arith.mulf %select_n3A_998, %add3A_1003 : vector<16xf32>
      %add3A_1005 = arith.addf %add3A_908, %mul3A_1004 : vector<16xf32>
      %mul3A_1006 = arith.mulf %gather3A_983, %select_n3A_1001 : vector<16xf32>
      %add3A_1007 = arith.addf %add3A_1005, %mul3A_1006 : vector<16xf32>
      %add3A_1008 = arith.addi %add3A_85, %min3A_950 : vector<16xi32>
      %gather3A_1009 = tpu.vector_load_idx %arg14[%add3A_1008] : memref<65024xf32, #tpu.memory_space<vmem>>[vector<16xi32>], vector<16xf32>,
      %select_n3A_1010 = arith.select %eq3A_956, %get3A_115, %gather3A_1009 : vector<16xi1>, vector<16xf32>
      %add3A_1011 = arith.addi %add3A_85, %min3A_953 : vector<16xi32>
      %gather3A_1012 = tpu.vector_load_idx %arg14[%add3A_1011] : memref<65024xf32, #tpu.memory_space<vmem>>[vector<16xi32>], vector<16xf32>,
      %select_n3A_1013 = arith.select %eq3A_959, %get3A_115, %gather3A_1012 : vector<16xi1>, vector<16xf32>
      %mul3A_1014 = arith.mulf %gather3A_995, %select_n3A_1013 : vector<16xf32>
      %add3A_1015 = arith.addf %gather3A_971, %mul3A_1014 : vector<16xf32>
      %mul3A_1016 = arith.mulf %select_n3A_1010, %add3A_1015 : vector<16xf32>
      %add3A_1017 = arith.addf %add3A_913, %mul3A_1016 : vector<16xf32>
      %mul3A_1018 = arith.mulf %gather3A_983, %select_n3A_1013 : vector<16xf32>
      %add3A_1019 = arith.addf %add3A_1017, %mul3A_1018 : vector<16xf32>
      %add3A_1020 = arith.addi %add3A_94, %min3A_950 : vector<16xi32>
      %gather3A_1021 = tpu.vector_load_idx %arg14[%add3A_1020] : memref<65024xf32, #tpu.memory_space<vmem>>[vector<16xi32>], vector<16xf32>,
      %select_n3A_1022 = arith.select %eq3A_956, %get3A_121, %gather3A_1021 : vector<16xi1>, vector<16xf32>
      %add3A_1023 = arith.addi %add3A_94, %min3A_953 : vector<16xi32>
      %gather3A_1024 = tpu.vector_load_idx %arg14[%add3A_1023] : memref<65024xf32, #tpu.memory_space<vmem>>[vector<16xi32>], vector<16xf32>,
      %select_n3A_1025 = arith.select %eq3A_959, %get3A_121, %gather3A_1024 : vector<16xi1>, vector<16xf32>
      %mul3A_1026 = arith.mulf %gather3A_995, %select_n3A_1025 : vector<16xf32>
      %add3A_1027 = arith.addf %gather3A_971, %mul3A_1026 : vector<16xf32>
      %mul3A_1028 = arith.mulf %select_n3A_1022, %add3A_1027 : vector<16xf32>
      %add3A_1029 = arith.addf %add3A_918, %mul3A_1028 : vector<16xf32>
      %mul3A_1030 = arith.mulf %gather3A_983, %select_n3A_1025 : vector<16xf32>
      %add3A_1031 = arith.addf %add3A_1029, %mul3A_1030 : vector<16xf32>
      %add3A_1032 = arith.addi %add3A_103, %min3A_950 : vector<16xi32>
      %gather3A_1033 = tpu.vector_load_idx %arg14[%add3A_1032] : memref<65024xf32, #tpu.memory_space<vmem>>[vector<16xi32>], vector<16xf32>,
      %select_n3A_1034 = arith.select %eq3A_956, %get3A_127, %gather3A_1033 : vector<16xi1>, vector<16xf32>
      %add3A_1035 = arith.addi %add3A_103, %min3A_953 : vector<16xi32>
      %gather3A_1036 = tpu.vector_load_idx %arg14[%add3A_1035] : memref<65024xf32, #tpu.memory_space<vmem>>[vector<16xi32>], vector<16xf32>,
      %select_n3A_1037 = arith.select %eq3A_959, %get3A_127, %gather3A_1036 : vector<16xi1>, vector<16xf32>
      %mul3A_1038 = arith.mulf %gather3A_995, %select_n3A_1037 : vector<16xf32>
      %add3A_1039 = arith.addf %gather3A_971, %mul3A_1038 : vector<16xf32>
      %mul3A_1040 = arith.mulf %select_n3A_1034, %add3A_1039 : vector<16xf32>
      %add3A_1041 = arith.addf %add3A_923, %mul3A_1040 : vector<16xf32>
      %mul3A_1042 = arith.mulf %gather3A_983, %select_n3A_1037 : vector<16xf32>
      %add3A_1043 = arith.addf %add3A_1041, %mul3A_1042 : vector<16xf32>
      %broadcast_in_dim3A_1044 = arith.constant 1 : i32
      %broadcast_in_dim3A_1045 = vector.broadcast %broadcast_in_dim3A_1044 : i32 to vector<16xi32>
      %lt3A_1046 = arith.constant 0 : i32
      %lt3A_1047 = vector.broadcast %lt3A_1046 : i32 to vector<16xi32>
      %lt3A_1048 = arith.cmpi slt, %broadcast_in_dim3A_1045, %lt3A_1047 : vector<16xi32>
      %add3A_1049 = arith.constant 16 : i32
      %add3A_1050 = vector.broadcast %add3A_1049 : i32 to vector<16xi32>
      %add3A_1051 = arith.addi %broadcast_in_dim3A_1045, %add3A_1050 : vector<16xi32>
      %select_n3A_1052 = arith.select %lt3A_1048, %add3A_1051, %broadcast_in_dim3A_1045 : vector<16xi1>, vector<16xi32>
      %broadcast_in_dim3A_1053 = vector.shape_cast %select_n3A_1052 : vector<16xi32> to vector<16x1xi32>
      %gather3A_1054 = vector.shape_cast %broadcast_in_dim3A_1053 : vector<16x1xi32> to vector<16xi32>
      %gather3A_1055 = tpu.dynamic_gather %get3A_17[%gather3A_1054] in [0] : vector<16xi32>, vector<16xi32> -> vector<16xi32>
      %broadcast_in_dim3A_1056 = arith.constant 1 : i32
      %broadcast_in_dim3A_1057 = vector.broadcast %broadcast_in_dim3A_1056 : i32 to vector<16xi32>
      %lt3A_1058 = arith.constant 0 : i32
      %lt3A_1059 = vector.broadcast %lt3A_1058 : i32 to vector<16xi32>
      %lt3A_1060 = arith.cmpi slt, %broadcast_in_dim3A_1057, %lt3A_1059 : vector<16xi32>
      %add3A_1061 = arith.constant 16 : i32
      %add3A_1062 = vector.broadcast %add3A_1061 : i32 to vector<16xi32>
      %add3A_1063 = arith.addi %broadcast_in_dim3A_1057, %add3A_1062 : vector<16xi32>
      %select_n3A_1064 = arith.select %lt3A_1060, %add3A_1063, %broadcast_in_dim3A_1057 : vector<16xi1>, vector<16xi32>
      %broadcast_in_dim3A_1065 = vector.shape_cast %select_n3A_1064 : vector<16xi32> to vector<16x1xi32>
      %gather3A_1066 = vector.shape_cast %broadcast_in_dim3A_1065 : vector<16x1xi32> to vector<16xi32>
      %gather3A_1067 = tpu.dynamic_gather %get3A_21[%gather3A_1066] in [0] : vector<16xi32>, vector<16xi32> -> vector<16xi32>
      %min3A_1068 = arith.constant 126 : i32
      %min3A_1069 = vector.broadcast %min3A_1068 : i32 to vector<16xi32>
      %min3A_1070 = arith.minsi %gather3A_1055, %min3A_1069 : vector<16xi32>
      %min3A_1071 = arith.constant 126 : i32
      %min3A_1072 = vector.broadcast %min3A_1071 : i32 to vector<16xi32>
      %min3A_1073 = arith.minsi %gather3A_1067, %min3A_1072 : vector<16xi32>
      %eq3A_1074 = arith.constant 127 : i32
      %eq3A_1075 = vector.broadcast %eq3A_1074 : i32 to vector<16xi32>
      %eq3A_1076 = arith.cmpi eq, %gather3A_1055, %eq3A_1075 : vector<16xi32>
      %eq3A_1077 = arith.constant 127 : i32
      %eq3A_1078 = vector.broadcast %eq3A_1077 : i32 to vector<16xi32>
      %eq3A_1079 = arith.cmpi eq, %gather3A_1067, %eq3A_1078 : vector<16xi32>
      %broadcast_in_dim3A_1080 = arith.constant 1 : i32
      %broadcast_in_dim3A_1081 = vector.broadcast %broadcast_in_dim3A_1080 : i32 to vector<16xi32>
      %lt3A_1082 = arith.constant 0 : i32
      %lt3A_1083 = vector.broadcast %lt3A_1082 : i32 to vector<16xi32>
      %lt3A_1084 = arith.cmpi slt, %broadcast_in_dim3A_1081, %lt3A_1083 : vector<16xi32>
      %add3A_1085 = arith.constant 16 : i32
      %add3A_1086 = vector.broadcast %add3A_1085 : i32 to vector<16xi32>
      %add3A_1087 = arith.addi %broadcast_in_dim3A_1081, %add3A_1086 : vector<16xi32>
      %select_n3A_1088 = arith.select %lt3A_1084, %add3A_1087, %broadcast_in_dim3A_1081 : vector<16xi1>, vector<16xi32>
      %broadcast_in_dim3A_1089 = vector.shape_cast %select_n3A_1088 : vector<16xi32> to vector<16x1xi32>
      %gather3A_1090 = vector.shape_cast %broadcast_in_dim3A_1089 : vector<16x1xi32> to vector<16xi32>
      %gather3A_1091 = tpu.dynamic_gather %sub3A_40[%gather3A_1090] in [0] : vector<16xf32>, vector<16xi32> -> vector<16xf32>
      %broadcast_in_dim3A_1092 = arith.constant 1 : i32
      %broadcast_in_dim3A_1093 = vector.broadcast %broadcast_in_dim3A_1092 : i32 to vector<16xi32>
      %lt3A_1094 = arith.constant 0 : i32
      %lt3A_1095 = vector.broadcast %lt3A_1094 : i32 to vector<16xi32>
      %lt3A_1096 = arith.cmpi slt, %broadcast_in_dim3A_1093, %lt3A_1095 : vector<16xi32>
      %add3A_1097 = arith.constant 16 : i32
      %add3A_1098 = vector.broadcast %add3A_1097 : i32 to vector<16xi32>
      %add3A_1099 = arith.addi %broadcast_in_dim3A_1093, %add3A_1098 : vector<16xi32>
      %select_n3A_1100 = arith.select %lt3A_1096, %add3A_1099, %broadcast_in_dim3A_1093 : vector<16xi1>, vector<16xi32>
      %broadcast_in_dim3A_1101 = vector.shape_cast %select_n3A_1100 : vector<16xi32> to vector<16x1xi32>
      %gather3A_1102 = vector.shape_cast %broadcast_in_dim3A_1101 : vector<16x1xi32> to vector<16xi32>
      %gather3A_1103 = tpu.dynamic_gather %sub3A_42[%gather3A_1102] in [0] : vector<16xf32>, vector<16xi32> -> vector<16xf32>
      %broadcast_in_dim3A_1104 = arith.constant 1 : i32
      %broadcast_in_dim3A_1105 = vector.broadcast %broadcast_in_dim3A_1104 : i32 to vector<16xi32>
      %lt3A_1106 = arith.constant 0 : i32
      %lt3A_1107 = vector.broadcast %lt3A_1106 : i32 to vector<16xi32>
      %lt3A_1108 = arith.cmpi slt, %broadcast_in_dim3A_1105, %lt3A_1107 : vector<16xi32>
      %add3A_1109 = arith.constant 16 : i32
      %add3A_1110 = vector.broadcast %add3A_1109 : i32 to vector<16xi32>
      %add3A_1111 = arith.addi %broadcast_in_dim3A_1105, %add3A_1110 : vector<16xi32>
      %select_n3A_1112 = arith.select %lt3A_1108, %add3A_1111, %broadcast_in_dim3A_1105 : vector<16xi1>, vector<16xi32>
      %broadcast_in_dim3A_1113 = vector.shape_cast %select_n3A_1112 : vector<16xi32> to vector<16x1xi32>
      %gather3A_1114 = vector.shape_cast %broadcast_in_dim3A_1113 : vector<16x1xi32> to vector<16xi32>
      %gather3A_1115 = tpu.dynamic_gather %add3A_46[%gather3A_1114] in [0] : vector<16xf32>, vector<16xi32> -> vector<16xf32>
      %add3A_1116 = arith.addi %add3A_76, %min3A_1070 : vector<16xi32>
      %gather3A_1117 = tpu.vector_load_idx %arg14[%add3A_1116] : memref<65024xf32, #tpu.memory_space<vmem>>[vector<16xi32>], vector<16xf32>,
      %select_n3A_1118 = arith.select %eq3A_1076, %get3A_109, %gather3A_1117 : vector<16xi1>, vector<16xf32>
      %add3A_1119 = arith.addi %add3A_76, %min3A_1073 : vector<16xi32>
      %gather3A_1120 = tpu.vector_load_idx %arg14[%add3A_1119] : memref<65024xf32, #tpu.memory_space<vmem>>[vector<16xi32>], vector<16xf32>,
      %select_n3A_1121 = arith.select %eq3A_1079, %get3A_109, %gather3A_1120 : vector<16xi1>, vector<16xf32>
      %mul3A_1122 = arith.mulf %gather3A_1115, %select_n3A_1121 : vector<16xf32>
      %add3A_1123 = arith.addf %gather3A_1091, %mul3A_1122 : vector<16xf32>
      %mul3A_1124 = arith.mulf %select_n3A_1118, %add3A_1123 : vector<16xf32>
      %add3A_1125 = arith.addf %add3A_1007, %mul3A_1124 : vector<16xf32>
      %mul3A_1126 = arith.mulf %gather3A_1103, %select_n3A_1121 : vector<16xf32>
      %add3A_1127 = arith.addf %add3A_1125, %mul3A_1126 : vector<16xf32>
      %add3A_1128 = arith.addi %add3A_85, %min3A_1070 : vector<16xi32>
      %gather3A_1129 = tpu.vector_load_idx %arg14[%add3A_1128] : memref<65024xf32, #tpu.memory_space<vmem>>[vector<16xi32>], vector<16xf32>,
      %select_n3A_1130 = arith.select %eq3A_1076, %get3A_115, %gather3A_1129 : vector<16xi1>, vector<16xf32>
      %add3A_1131 = arith.addi %add3A_85, %min3A_1073 : vector<16xi32>
      %gather3A_1132 = tpu.vector_load_idx %arg14[%add3A_1131] : memref<65024xf32, #tpu.memory_space<vmem>>[vector<16xi32>], vector<16xf32>,
      %select_n3A_1133 = arith.select %eq3A_1079, %get3A_115, %gather3A_1132 : vector<16xi1>, vector<16xf32>
      %mul3A_1134 = arith.mulf %gather3A_1115, %select_n3A_1133 : vector<16xf32>
      %add3A_1135 = arith.addf %gather3A_1091, %mul3A_1134 : vector<16xf32>
      %mul3A_1136 = arith.mulf %select_n3A_1130, %add3A_1135 : vector<16xf32>
      %add3A_1137 = arith.addf %add3A_1019, %mul3A_1136 : vector<16xf32>
      %mul3A_1138 = arith.mulf %gather3A_1103, %select_n3A_1133 : vector<16xf32>
      %add3A_1139 = arith.addf %add3A_1137, %mul3A_1138 : vector<16xf32>
      %add3A_1140 = arith.addi %add3A_94, %min3A_1070 : vector<16xi32>
      %gather3A_1141 = tpu.vector_load_idx %arg14[%add3A_1140] : memref<65024xf32, #tpu.memory_space<vmem>>[vector<16xi32>], vector<16xf32>,
      %select_n3A_1142 = arith.select %eq3A_1076, %get3A_121, %gather3A_1141 : vector<16xi1>, vector<16xf32>
      %add3A_1143 = arith.addi %add3A_94, %min3A_1073 : vector<16xi32>
      %gather3A_1144 = tpu.vector_load_idx %arg14[%add3A_1143] : memref<65024xf32, #tpu.memory_space<vmem>>[vector<16xi32>], vector<16xf32>,
      %select_n3A_1145 = arith.select %eq3A_1079, %get3A_121, %gather3A_1144 : vector<16xi1>, vector<16xf32>
      %mul3A_1146 = arith.mulf %gather3A_1115, %select_n3A_1145 : vector<16xf32>
      %add3A_1147 = arith.addf %gather3A_1091, %mul3A_1146 : vector<16xf32>
      %mul3A_1148 = arith.mulf %select_n3A_1142, %add3A_1147 : vector<16xf32>
      %add3A_1149 = arith.addf %add3A_1031, %mul3A_1148 : vector<16xf32>
      %mul3A_1150 = arith.mulf %gather3A_1103, %select_n3A_1145 : vector<16xf32>
      %add3A_1151 = arith.addf %add3A_1149, %mul3A_1150 : vector<16xf32>
      %add3A_1152 = arith.addi %add3A_103, %min3A_1070 : vector<16xi32>
      %gather3A_1153 = tpu.vector_load_idx %arg14[%add3A_1152] : memref<65024xf32, #tpu.memory_space<vmem>>[vector<16xi32>], vector<16xf32>,
      %select_n3A_1154 = arith.select %eq3A_1076, %get3A_127, %gather3A_1153 : vector<16xi1>, vector<16xf32>
      %add3A_1155 = arith.addi %add3A_103, %min3A_1073 : vector<16xi32>
      %gather3A_1156 = tpu.vector_load_idx %arg14[%add3A_1155] : memref<65024xf32, #tpu.memory_space<vmem>>[vector<16xi32>], vector<16xf32>,
      %select_n3A_1157 = arith.select %eq3A_1079, %get3A_127, %gather3A_1156 : vector<16xi1>, vector<16xf32>
      %mul3A_1158 = arith.mulf %gather3A_1115, %select_n3A_1157 : vector<16xf32>
      %add3A_1159 = arith.addf %gather3A_1091, %mul3A_1158 : vector<16xf32>
      %mul3A_1160 = arith.mulf %select_n3A_1154, %add3A_1159 : vector<16xf32>
      %add3A_1161 = arith.addf %add3A_1043, %mul3A_1160 : vector<16xf32>
      %mul3A_1162 = arith.mulf %gather3A_1103, %select_n3A_1157 : vector<16xf32>
      %add3A_1163 = arith.addf %add3A_1161, %mul3A_1162 : vector<16xf32>
      %broadcast_in_dim3A_1164 = arith.constant 2 : i32
      %broadcast_in_dim3A_1165 = vector.broadcast %broadcast_in_dim3A_1164 : i32 to vector<16xi32>
      %lt3A_1166 = arith.constant 0 : i32
      %lt3A_1167 = vector.broadcast %lt3A_1166 : i32 to vector<16xi32>
      %lt3A_1168 = arith.cmpi slt, %broadcast_in_dim3A_1165, %lt3A_1167 : vector<16xi32>
      %add3A_1169 = arith.constant 16 : i32
      %add3A_1170 = vector.broadcast %add3A_1169 : i32 to vector<16xi32>
      %add3A_1171 = arith.addi %broadcast_in_dim3A_1165, %add3A_1170 : vector<16xi32>
      %select_n3A_1172 = arith.select %lt3A_1168, %add3A_1171, %broadcast_in_dim3A_1165 : vector<16xi1>, vector<16xi32>
      %broadcast_in_dim3A_1173 = vector.shape_cast %select_n3A_1172 : vector<16xi32> to vector<16x1xi32>
      %gather3A_1174 = vector.shape_cast %broadcast_in_dim3A_1173 : vector<16x1xi32> to vector<16xi32>
      %gather3A_1175 = tpu.dynamic_gather %get3A_17[%gather3A_1174] in [0] : vector<16xi32>, vector<16xi32> -> vector<16xi32>
      %broadcast_in_dim3A_1176 = arith.constant 2 : i32
      %broadcast_in_dim3A_1177 = vector.broadcast %broadcast_in_dim3A_1176 : i32 to vector<16xi32>
      %lt3A_1178 = arith.constant 0 : i32
      %lt3A_1179 = vector.broadcast %lt3A_1178 : i32 to vector<16xi32>
      %lt3A_1180 = arith.cmpi slt, %broadcast_in_dim3A_1177, %lt3A_1179 : vector<16xi32>
      %add3A_1181 = arith.constant 16 : i32
      %add3A_1182 = vector.broadcast %add3A_1181 : i32 to vector<16xi32>
      %add3A_1183 = arith.addi %broadcast_in_dim3A_1177, %add3A_1182 : vector<16xi32>
      %select_n3A_1184 = arith.select %lt3A_1180, %add3A_1183, %broadcast_in_dim3A_1177 : vector<16xi1>, vector<16xi32>
      %broadcast_in_dim3A_1185 = vector.shape_cast %select_n3A_1184 : vector<16xi32> to vector<16x1xi32>
      %gather3A_1186 = vector.shape_cast %broadcast_in_dim3A_1185 : vector<16x1xi32> to vector<16xi32>
      %gather3A_1187 = tpu.dynamic_gather %get3A_21[%gather3A_1186] in [0] : vector<16xi32>, vector<16xi32> -> vector<16xi32>
      %min3A_1188 = arith.constant 126 : i32
      %min3A_1189 = vector.broadcast %min3A_1188 : i32 to vector<16xi32>
      %min3A_1190 = arith.minsi %gather3A_1175, %min3A_1189 : vector<16xi32>
      %min3A_1191 = arith.constant 126 : i32
      %min3A_1192 = vector.broadcast %min3A_1191 : i32 to vector<16xi32>
      %min3A_1193 = arith.minsi %gather3A_1187, %min3A_1192 : vector<16xi32>
      %eq3A_1194 = arith.constant 127 : i32
      %eq3A_1195 = vector.broadcast %eq3A_1194 : i32 to vector<16xi32>
      %eq3A_1196 = arith.cmpi eq, %gather3A_1175, %eq3A_1195 : vector<16xi32>
      %eq3A_1197 = arith.constant 127 : i32
      %eq3A_1198 = vector.broadcast %eq3A_1197 : i32 to vector<16xi32>
      %eq3A_1199 = arith.cmpi eq, %gather3A_1187, %eq3A_1198 : vector<16xi32>
      %broadcast_in_dim3A_1200 = arith.constant 2 : i32
      %broadcast_in_dim3A_1201 = vector.broadcast %broadcast_in_dim3A_1200 : i32 to vector<16xi32>
      %lt3A_1202 = arith.constant 0 : i32
      %lt3A_1203 = vector.broadcast %lt3A_1202 : i32 to vector<16xi32>
      %lt3A_1204 = arith.cmpi slt, %broadcast_in_dim3A_1201, %lt3A_1203 : vector<16xi32>
      %add3A_1205 = arith.constant 16 : i32
      %add3A_1206 = vector.broadcast %add3A_1205 : i32 to vector<16xi32>
      %add3A_1207 = arith.addi %broadcast_in_dim3A_1201, %add3A_1206 : vector<16xi32>
      %select_n3A_1208 = arith.select %lt3A_1204, %add3A_1207, %broadcast_in_dim3A_1201 : vector<16xi1>, vector<16xi32>
      %broadcast_in_dim3A_1209 = vector.shape_cast %select_n3A_1208 : vector<16xi32> to vector<16x1xi32>
      %gather3A_1210 = vector.shape_cast %broadcast_in_dim3A_1209 : vector<16x1xi32> to vector<16xi32>
      %gather3A_1211 = tpu.dynamic_gather %sub3A_40[%gather3A_1210] in [0] : vector<16xf32>, vector<16xi32> -> vector<16xf32>
      %broadcast_in_dim3A_1212 = arith.constant 2 : i32
      %broadcast_in_dim3A_1213 = vector.broadcast %broadcast_in_dim3A_1212 : i32 to vector<16xi32>
      %lt3A_1214 = arith.constant 0 : i32
      %lt3A_1215 = vector.broadcast %lt3A_1214 : i32 to vector<16xi32>
      %lt3A_1216 = arith.cmpi slt, %broadcast_in_dim3A_1213, %lt3A_1215 : vector<16xi32>
      %add3A_1217 = arith.constant 16 : i32
      %add3A_1218 = vector.broadcast %add3A_1217 : i32 to vector<16xi32>
      %add3A_1219 = arith.addi %broadcast_in_dim3A_1213, %add3A_1218 : vector<16xi32>
      %select_n3A_1220 = arith.select %lt3A_1216, %add3A_1219, %broadcast_in_dim3A_1213 : vector<16xi1>, vector<16xi32>
      %broadcast_in_dim3A_1221 = vector.shape_cast %select_n3A_1220 : vector<16xi32> to vector<16x1xi32>
      %gather3A_1222 = vector.shape_cast %broadcast_in_dim3A_1221 : vector<16x1xi32> to vector<16xi32>
      %gather3A_1223 = tpu.dynamic_gather %sub3A_42[%gather3A_1222] in [0] : vector<16xf32>, vector<16xi32> -> vector<16xf32>
      %broadcast_in_dim3A_1224 = arith.constant 2 : i32
      %broadcast_in_dim3A_1225 = vector.broadcast %broadcast_in_dim3A_1224 : i32 to vector<16xi32>
      %lt3A_1226 = arith.constant 0 : i32
      %lt3A_1227 = vector.broadcast %lt3A_1226 : i32 to vector<16xi32>
      %lt3A_1228 = arith.cmpi slt, %broadcast_in_dim3A_1225, %lt3A_1227 : vector<16xi32>
      %add3A_1229 = arith.constant 16 : i32
      %add3A_1230 = vector.broadcast %add3A_1229 : i32 to vector<16xi32>
      %add3A_1231 = arith.addi %broadcast_in_dim3A_1225, %add3A_1230 : vector<16xi32>
      %select_n3A_1232 = arith.select %lt3A_1228, %add3A_1231, %broadcast_in_dim3A_1225 : vector<16xi1>, vector<16xi32>
      %broadcast_in_dim3A_1233 = vector.shape_cast %select_n3A_1232 : vector<16xi32> to vector<16x1xi32>
      %gather3A_1234 = vector.shape_cast %broadcast_in_dim3A_1233 : vector<16x1xi32> to vector<16xi32>
      %gather3A_1235 = tpu.dynamic_gather %add3A_46[%gather3A_1234] in [0] : vector<16xf32>, vector<16xi32> -> vector<16xf32>
      %add3A_1236 = arith.addi %add3A_76, %min3A_1190 : vector<16xi32>
      %gather3A_1237 = tpu.vector_load_idx %arg14[%add3A_1236] : memref<65024xf32, #tpu.memory_space<vmem>>[vector<16xi32>], vector<16xf32>,
      %select_n3A_1238 = arith.select %eq3A_1196, %get3A_109, %gather3A_1237 : vector<16xi1>, vector<16xf32>
      %add3A_1239 = arith.addi %add3A_76, %min3A_1193 : vector<16xi32>
      %gather3A_1240 = tpu.vector_load_idx %arg14[%add3A_1239] : memref<65024xf32, #tpu.memory_space<vmem>>[vector<16xi32>], vector<16xf32>,
      %select_n3A_1241 = arith.select %eq3A_1199, %get3A_109, %gather3A_1240 : vector<16xi1>, vector<16xf32>
      %mul3A_1242 = arith.mulf %gather3A_1235, %select_n3A_1241 : vector<16xf32>
      %add3A_1243 = arith.addf %gather3A_1211, %mul3A_1242 : vector<16xf32>
      %mul3A_1244 = arith.mulf %select_n3A_1238, %add3A_1243 : vector<16xf32>
      %add3A_1245 = arith.addf %add3A_1127, %mul3A_1244 : vector<16xf32>
      %mul3A_1246 = arith.mulf %gather3A_1223, %select_n3A_1241 : vector<16xf32>
      %add3A_1247 = arith.addf %add3A_1245, %mul3A_1246 : vector<16xf32>
      %add3A_1248 = arith.addi %add3A_85, %min3A_1190 : vector<16xi32>
      %gather3A_1249 = tpu.vector_load_idx %arg14[%add3A_1248] : memref<65024xf32, #tpu.memory_space<vmem>>[vector<16xi32>], vector<16xf32>,
      %select_n3A_1250 = arith.select %eq3A_1196, %get3A_115, %gather3A_1249 : vector<16xi1>, vector<16xf32>
      %add3A_1251 = arith.addi %add3A_85, %min3A_1193 : vector<16xi32>
      %gather3A_1252 = tpu.vector_load_idx %arg14[%add3A_1251] : memref<65024xf32, #tpu.memory_space<vmem>>[vector<16xi32>], vector<16xf32>,
      %select_n3A_1253 = arith.select %eq3A_1199, %get3A_115, %gather3A_1252 : vector<16xi1>, vector<16xf32>
      %mul3A_1254 = arith.mulf %gather3A_1235, %select_n3A_1253 : vector<16xf32>
      %add3A_1255 = arith.addf %gather3A_1211, %mul3A_1254 : vector<16xf32>
      %mul3A_1256 = arith.mulf %select_n3A_1250, %add3A_1255 : vector<16xf32>
      %add3A_1257 = arith.addf %add3A_1139, %mul3A_1256 : vector<16xf32>
      %mul3A_1258 = arith.mulf %gather3A_1223, %select_n3A_1253 : vector<16xf32>
      %add3A_1259 = arith.addf %add3A_1257, %mul3A_1258 : vector<16xf32>
      %add3A_1260 = arith.addi %add3A_94, %min3A_1190 : vector<16xi32>
      %gather3A_1261 = tpu.vector_load_idx %arg14[%add3A_1260] : memref<65024xf32, #tpu.memory_space<vmem>>[vector<16xi32>], vector<16xf32>,
      %select_n3A_1262 = arith.select %eq3A_1196, %get3A_121, %gather3A_1261 : vector<16xi1>, vector<16xf32>
      %add3A_1263 = arith.addi %add3A_94, %min3A_1193 : vector<16xi32>
      %gather3A_1264 = tpu.vector_load_idx %arg14[%add3A_1263] : memref<65024xf32, #tpu.memory_space<vmem>>[vector<16xi32>], vector<16xf32>,
      %select_n3A_1265 = arith.select %eq3A_1199, %get3A_121, %gather3A_1264 : vector<16xi1>, vector<16xf32>
      %mul3A_1266 = arith.mulf %gather3A_1235, %select_n3A_1265 : vector<16xf32>
      %add3A_1267 = arith.addf %gather3A_1211, %mul3A_1266 : vector<16xf32>
      %mul3A_1268 = arith.mulf %select_n3A_1262, %add3A_1267 : vector<16xf32>
      %add3A_1269 = arith.addf %add3A_1151, %mul3A_1268 : vector<16xf32>
      %mul3A_1270 = arith.mulf %gather3A_1223, %select_n3A_1265 : vector<16xf32>
      %add3A_1271 = arith.addf %add3A_1269, %mul3A_1270 : vector<16xf32>
      %add3A_1272 = arith.addi %add3A_103, %min3A_1190 : vector<16xi32>
      %gather3A_1273 = tpu.vector_load_idx %arg14[%add3A_1272] : memref<65024xf32, #tpu.memory_space<vmem>>[vector<16xi32>], vector<16xf32>,
      %select_n3A_1274 = arith.select %eq3A_1196, %get3A_127, %gather3A_1273 : vector<16xi1>, vector<16xf32>
      %add3A_1275 = arith.addi %add3A_103, %min3A_1193 : vector<16xi32>
      %gather3A_1276 = tpu.vector_load_idx %arg14[%add3A_1275] : memref<65024xf32, #tpu.memory_space<vmem>>[vector<16xi32>], vector<16xf32>,
      %select_n3A_1277 = arith.select %eq3A_1199, %get3A_127, %gather3A_1276 : vector<16xi1>, vector<16xf32>
      %mul3A_1278 = arith.mulf %gather3A_1235, %select_n3A_1277 : vector<16xf32>
      %add3A_1279 = arith.addf %gather3A_1211, %mul3A_1278 : vector<16xf32>
      %mul3A_1280 = arith.mulf %select_n3A_1274, %add3A_1279 : vector<16xf32>
      %add3A_1281 = arith.addf %add3A_1163, %mul3A_1280 : vector<16xf32>
      %mul3A_1282 = arith.mulf %gather3A_1223, %select_n3A_1277 : vector<16xf32>
      %add3A_1283 = arith.addf %add3A_1281, %mul3A_1282 : vector<16xf32>
      %broadcast_in_dim3A_1284 = arith.constant 3 : i32
      %broadcast_in_dim3A_1285 = vector.broadcast %broadcast_in_dim3A_1284 : i32 to vector<16xi32>
      %lt3A_1286 = arith.constant 0 : i32
      %lt3A_1287 = vector.broadcast %lt3A_1286 : i32 to vector<16xi32>
      %lt3A_1288 = arith.cmpi slt, %broadcast_in_dim3A_1285, %lt3A_1287 : vector<16xi32>
      %add3A_1289 = arith.constant 16 : i32
      %add3A_1290 = vector.broadcast %add3A_1289 : i32 to vector<16xi32>
      %add3A_1291 = arith.addi %broadcast_in_dim3A_1285, %add3A_1290 : vector<16xi32>
      %select_n3A_1292 = arith.select %lt3A_1288, %add3A_1291, %broadcast_in_dim3A_1285 : vector<16xi1>, vector<16xi32>
      %broadcast_in_dim3A_1293 = vector.shape_cast %select_n3A_1292 : vector<16xi32> to vector<16x1xi32>
      %gather3A_1294 = vector.shape_cast %broadcast_in_dim3A_1293 : vector<16x1xi32> to vector<16xi32>
      %gather3A_1295 = tpu.dynamic_gather %get3A_17[%gather3A_1294] in [0] : vector<16xi32>, vector<16xi32> -> vector<16xi32>
      %broadcast_in_dim3A_1296 = arith.constant 3 : i32
      %broadcast_in_dim3A_1297 = vector.broadcast %broadcast_in_dim3A_1296 : i32 to vector<16xi32>
      %lt3A_1298 = arith.constant 0 : i32
      %lt3A_1299 = vector.broadcast %lt3A_1298 : i32 to vector<16xi32>
      %lt3A_1300 = arith.cmpi slt, %broadcast_in_dim3A_1297, %lt3A_1299 : vector<16xi32>
      %add3A_1301 = arith.constant 16 : i32
      %add3A_1302 = vector.broadcast %add3A_1301 : i32 to vector<16xi32>
      %add3A_1303 = arith.addi %broadcast_in_dim3A_1297, %add3A_1302 : vector<16xi32>
      %select_n3A_1304 = arith.select %lt3A_1300, %add3A_1303, %broadcast_in_dim3A_1297 : vector<16xi1>, vector<16xi32>
      %broadcast_in_dim3A_1305 = vector.shape_cast %select_n3A_1304 : vector<16xi32> to vector<16x1xi32>
      %gather3A_1306 = vector.shape_cast %broadcast_in_dim3A_1305 : vector<16x1xi32> to vector<16xi32>
      %gather3A_1307 = tpu.dynamic_gather %get3A_21[%gather3A_1306] in [0] : vector<16xi32>, vector<16xi32> -> vector<16xi32>
      %min3A_1308 = arith.constant 126 : i32
      %min3A_1309 = vector.broadcast %min3A_1308 : i32 to vector<16xi32>
      %min3A_1310 = arith.minsi %gather3A_1295, %min3A_1309 : vector<16xi32>
      %min3A_1311 = arith.constant 126 : i32
      %min3A_1312 = vector.broadcast %min3A_1311 : i32 to vector<16xi32>
      %min3A_1313 = arith.minsi %gather3A_1307, %min3A_1312 : vector<16xi32>
      %eq3A_1314 = arith.constant 127 : i32
      %eq3A_1315 = vector.broadcast %eq3A_1314 : i32 to vector<16xi32>
      %eq3A_1316 = arith.cmpi eq, %gather3A_1295, %eq3A_1315 : vector<16xi32>
      %eq3A_1317 = arith.constant 127 : i32
      %eq3A_1318 = vector.broadcast %eq3A_1317 : i32 to vector<16xi32>
      %eq3A_1319 = arith.cmpi eq, %gather3A_1307, %eq3A_1318 : vector<16xi32>
      %broadcast_in_dim3A_1320 = arith.constant 3 : i32
      %broadcast_in_dim3A_1321 = vector.broadcast %broadcast_in_dim3A_1320 : i32 to vector<16xi32>
      %lt3A_1322 = arith.constant 0 : i32
      %lt3A_1323 = vector.broadcast %lt3A_1322 : i32 to vector<16xi32>
      %lt3A_1324 = arith.cmpi slt, %broadcast_in_dim3A_1321, %lt3A_1323 : vector<16xi32>
      %add3A_1325 = arith.constant 16 : i32
      %add3A_1326 = vector.broadcast %add3A_1325 : i32 to vector<16xi32>
      %add3A_1327 = arith.addi %broadcast_in_dim3A_1321, %add3A_1326 : vector<16xi32>
      %select_n3A_1328 = arith.select %lt3A_1324, %add3A_1327, %broadcast_in_dim3A_1321 : vector<16xi1>, vector<16xi32>
      %broadcast_in_dim3A_1329 = vector.shape_cast %select_n3A_1328 : vector<16xi32> to vector<16x1xi32>
      %gather3A_1330 = vector.shape_cast %broadcast_in_dim3A_1329 : vector<16x1xi32> to vector<16xi32>
      %gather3A_1331 = tpu.dynamic_gather %sub3A_40[%gather3A_1330] in [0] : vector<16xf32>, vector<16xi32> -> vector<16xf32>
      %broadcast_in_dim3A_1332 = arith.constant 3 : i32
      %broadcast_in_dim3A_1333 = vector.broadcast %broadcast_in_dim3A_1332 : i32 to vector<16xi32>
      %lt3A_1334 = arith.constant 0 : i32
      %lt3A_1335 = vector.broadcast %lt3A_1334 : i32 to vector<16xi32>
      %lt3A_1336 = arith.cmpi slt, %broadcast_in_dim3A_1333, %lt3A_1335 : vector<16xi32>
      %add3A_1337 = arith.constant 16 : i32
      %add3A_1338 = vector.broadcast %add3A_1337 : i32 to vector<16xi32>
      %add3A_1339 = arith.addi %broadcast_in_dim3A_1333, %add3A_1338 : vector<16xi32>
      %select_n3A_1340 = arith.select %lt3A_1336, %add3A_1339, %broadcast_in_dim3A_1333 : vector<16xi1>, vector<16xi32>
      %broadcast_in_dim3A_1341 = vector.shape_cast %select_n3A_1340 : vector<16xi32> to vector<16x1xi32>
      %gather3A_1342 = vector.shape_cast %broadcast_in_dim3A_1341 : vector<16x1xi32> to vector<16xi32>
      %gather3A_1343 = tpu.dynamic_gather %sub3A_42[%gather3A_1342] in [0] : vector<16xf32>, vector<16xi32> -> vector<16xf32>
      %broadcast_in_dim3A_1344 = arith.constant 3 : i32
      %broadcast_in_dim3A_1345 = vector.broadcast %broadcast_in_dim3A_1344 : i32 to vector<16xi32>
      %lt3A_1346 = arith.constant 0 : i32
      %lt3A_1347 = vector.broadcast %lt3A_1346 : i32 to vector<16xi32>
      %lt3A_1348 = arith.cmpi slt, %broadcast_in_dim3A_1345, %lt3A_1347 : vector<16xi32>
      %add3A_1349 = arith.constant 16 : i32
      %add3A_1350 = vector.broadcast %add3A_1349 : i32 to vector<16xi32>
      %add3A_1351 = arith.addi %broadcast_in_dim3A_1345, %add3A_1350 : vector<16xi32>
      %select_n3A_1352 = arith.select %lt3A_1348, %add3A_1351, %broadcast_in_dim3A_1345 : vector<16xi1>, vector<16xi32>
      %broadcast_in_dim3A_1353 = vector.shape_cast %select_n3A_1352 : vector<16xi32> to vector<16x1xi32>
      %gather3A_1354 = vector.shape_cast %broadcast_in_dim3A_1353 : vector<16x1xi32> to vector<16xi32>
      %gather3A_1355 = tpu.dynamic_gather %add3A_46[%gather3A_1354] in [0] : vector<16xf32>, vector<16xi32> -> vector<16xf32>
      %add3A_1356 = arith.addi %add3A_76, %min3A_1310 : vector<16xi32>
      %gather3A_1357 = tpu.vector_load_idx %arg14[%add3A_1356] : memref<65024xf32, #tpu.memory_space<vmem>>[vector<16xi32>], vector<16xf32>,
      %select_n3A_1358 = arith.select %eq3A_1316, %get3A_109, %gather3A_1357 : vector<16xi1>, vector<16xf32>
      %add3A_1359 = arith.addi %add3A_76, %min3A_1313 : vector<16xi32>
      %gather3A_1360 = tpu.vector_load_idx %arg14[%add3A_1359] : memref<65024xf32, #tpu.memory_space<vmem>>[vector<16xi32>], vector<16xf32>,
      %select_n3A_1361 = arith.select %eq3A_1319, %get3A_109, %gather3A_1360 : vector<16xi1>, vector<16xf32>
      %mul3A_1362 = arith.mulf %gather3A_1355, %select_n3A_1361 : vector<16xf32>
      %add3A_1363 = arith.addf %gather3A_1331, %mul3A_1362 : vector<16xf32>
      %mul3A_1364 = arith.mulf %select_n3A_1358, %add3A_1363 : vector<16xf32>
      %add3A_1365 = arith.addf %add3A_1247, %mul3A_1364 : vector<16xf32>
      %mul3A_1366 = arith.mulf %gather3A_1343, %select_n3A_1361 : vector<16xf32>
      %add3A_1367 = arith.addf %add3A_1365, %mul3A_1366 : vector<16xf32>
      %add3A_1368 = arith.addi %add3A_85, %min3A_1310 : vector<16xi32>
      %gather3A_1369 = tpu.vector_load_idx %arg14[%add3A_1368] : memref<65024xf32, #tpu.memory_space<vmem>>[vector<16xi32>], vector<16xf32>,
      %select_n3A_1370 = arith.select %eq3A_1316, %get3A_115, %gather3A_1369 : vector<16xi1>, vector<16xf32>
      %add3A_1371 = arith.addi %add3A_85, %min3A_1313 : vector<16xi32>
      %gather3A_1372 = tpu.vector_load_idx %arg14[%add3A_1371] : memref<65024xf32, #tpu.memory_space<vmem>>[vector<16xi32>], vector<16xf32>,
      %select_n3A_1373 = arith.select %eq3A_1319, %get3A_115, %gather3A_1372 : vector<16xi1>, vector<16xf32>
      %mul3A_1374 = arith.mulf %gather3A_1355, %select_n3A_1373 : vector<16xf32>
      %add3A_1375 = arith.addf %gather3A_1331, %mul3A_1374 : vector<16xf32>
      %mul3A_1376 = arith.mulf %select_n3A_1370, %add3A_1375 : vector<16xf32>
      %add3A_1377 = arith.addf %add3A_1259, %mul3A_1376 : vector<16xf32>
      %mul3A_1378 = arith.mulf %gather3A_1343, %select_n3A_1373 : vector<16xf32>
      %add3A_1379 = arith.addf %add3A_1377, %mul3A_1378 : vector<16xf32>
      %add3A_1380 = arith.addi %add3A_94, %min3A_1310 : vector<16xi32>
      %gather3A_1381 = tpu.vector_load_idx %arg14[%add3A_1380] : memref<65024xf32, #tpu.memory_space<vmem>>[vector<16xi32>], vector<16xf32>,
      %select_n3A_1382 = arith.select %eq3A_1316, %get3A_121, %gather3A_1381 : vector<16xi1>, vector<16xf32>
      %add3A_1383 = arith.addi %add3A_94, %min3A_1313 : vector<16xi32>
      %gather3A_1384 = tpu.vector_load_idx %arg14[%add3A_1383] : memref<65024xf32, #tpu.memory_space<vmem>>[vector<16xi32>], vector<16xf32>,
      %select_n3A_1385 = arith.select %eq3A_1319, %get3A_121, %gather3A_1384 : vector<16xi1>, vector<16xf32>
      %mul3A_1386 = arith.mulf %gather3A_1355, %select_n3A_1385 : vector<16xf32>
      %add3A_1387 = arith.addf %gather3A_1331, %mul3A_1386 : vector<16xf32>
      %mul3A_1388 = arith.mulf %select_n3A_1382, %add3A_1387 : vector<16xf32>
      %add3A_1389 = arith.addf %add3A_1271, %mul3A_1388 : vector<16xf32>
      %mul3A_1390 = arith.mulf %gather3A_1343, %select_n3A_1385 : vector<16xf32>
      %add3A_1391 = arith.addf %add3A_1389, %mul3A_1390 : vector<16xf32>
      %add3A_1392 = arith.addi %add3A_103, %min3A_1310 : vector<16xi32>
      %gather3A_1393 = tpu.vector_load_idx %arg14[%add3A_1392] : memref<65024xf32, #tpu.memory_space<vmem>>[vector<16xi32>], vector<16xf32>,
      %select_n3A_1394 = arith.select %eq3A_1316, %get3A_127, %gather3A_1393 : vector<16xi1>, vector<16xf32>
      %add3A_1395 = arith.addi %add3A_103, %min3A_1313 : vector<16xi32>
      %gather3A_1396 = tpu.vector_load_idx %arg14[%add3A_1395] : memref<65024xf32, #tpu.memory_space<vmem>>[vector<16xi32>], vector<16xf32>,
      %select_n3A_1397 = arith.select %eq3A_1319, %get3A_127, %gather3A_1396 : vector<16xi1>, vector<16xf32>
      %mul3A_1398 = arith.mulf %gather3A_1355, %select_n3A_1397 : vector<16xf32>
      %add3A_1399 = arith.addf %gather3A_1331, %mul3A_1398 : vector<16xf32>
      %mul3A_1400 = arith.mulf %select_n3A_1394, %add3A_1399 : vector<16xf32>
      %add3A_1401 = arith.addf %add3A_1283, %mul3A_1400 : vector<16xf32>
      %mul3A_1402 = arith.mulf %gather3A_1343, %select_n3A_1397 : vector<16xf32>
      %add3A_1403 = arith.addf %add3A_1401, %mul3A_1402 : vector<16xf32>
      %broadcast_in_dim3A_1404 = arith.constant 4 : i32
      %broadcast_in_dim3A_1405 = vector.broadcast %broadcast_in_dim3A_1404 : i32 to vector<16xi32>
      %lt3A_1406 = arith.constant 0 : i32
      %lt3A_1407 = vector.broadcast %lt3A_1406 : i32 to vector<16xi32>
      %lt3A_1408 = arith.cmpi slt, %broadcast_in_dim3A_1405, %lt3A_1407 : vector<16xi32>
      %add3A_1409 = arith.constant 16 : i32
      %add3A_1410 = vector.broadcast %add3A_1409 : i32 to vector<16xi32>
      %add3A_1411 = arith.addi %broadcast_in_dim3A_1405, %add3A_1410 : vector<16xi32>
      %select_n3A_1412 = arith.select %lt3A_1408, %add3A_1411, %broadcast_in_dim3A_1405 : vector<16xi1>, vector<16xi32>
      %broadcast_in_dim3A_1413 = vector.shape_cast %select_n3A_1412 : vector<16xi32> to vector<16x1xi32>
      %gather3A_1414 = vector.shape_cast %broadcast_in_dim3A_1413 : vector<16x1xi32> to vector<16xi32>
      %gather3A_1415 = tpu.dynamic_gather %get3A_17[%gather3A_1414] in [0] : vector<16xi32>, vector<16xi32> -> vector<16xi32>
      %broadcast_in_dim3A_1416 = arith.constant 4 : i32
      %broadcast_in_dim3A_1417 = vector.broadcast %broadcast_in_dim3A_1416 : i32 to vector<16xi32>
      %lt3A_1418 = arith.constant 0 : i32
      %lt3A_1419 = vector.broadcast %lt3A_1418 : i32 to vector<16xi32>
      %lt3A_1420 = arith.cmpi slt, %broadcast_in_dim3A_1417, %lt3A_1419 : vector<16xi32>
      %add3A_1421 = arith.constant 16 : i32
      %add3A_1422 = vector.broadcast %add3A_1421 : i32 to vector<16xi32>
      %add3A_1423 = arith.addi %broadcast_in_dim3A_1417, %add3A_1422 : vector<16xi32>
      %select_n3A_1424 = arith.select %lt3A_1420, %add3A_1423, %broadcast_in_dim3A_1417 : vector<16xi1>, vector<16xi32>
      %broadcast_in_dim3A_1425 = vector.shape_cast %select_n3A_1424 : vector<16xi32> to vector<16x1xi32>
      %gather3A_1426 = vector.shape_cast %broadcast_in_dim3A_1425 : vector<16x1xi32> to vector<16xi32>
      %gather3A_1427 = tpu.dynamic_gather %get3A_21[%gather3A_1426] in [0] : vector<16xi32>, vector<16xi32> -> vector<16xi32>
      %min3A_1428 = arith.constant 126 : i32
      %min3A_1429 = vector.broadcast %min3A_1428 : i32 to vector<16xi32>
      %min3A_1430 = arith.minsi %gather3A_1415, %min3A_1429 : vector<16xi32>
      %min3A_1431 = arith.constant 126 : i32
      %min3A_1432 = vector.broadcast %min3A_1431 : i32 to vector<16xi32>
      %min3A_1433 = arith.minsi %gather3A_1427, %min3A_1432 : vector<16xi32>
      %eq3A_1434 = arith.constant 127 : i32
      %eq3A_1435 = vector.broadcast %eq3A_1434 : i32 to vector<16xi32>
      %eq3A_1436 = arith.cmpi eq, %gather3A_1415, %eq3A_1435 : vector<16xi32>
      %eq3A_1437 = arith.constant 127 : i32
      %eq3A_1438 = vector.broadcast %eq3A_1437 : i32 to vector<16xi32>
      %eq3A_1439 = arith.cmpi eq, %gather3A_1427, %eq3A_1438 : vector<16xi32>
      %broadcast_in_dim3A_1440 = arith.constant 4 : i32
      %broadcast_in_dim3A_1441 = vector.broadcast %broadcast_in_dim3A_1440 : i32 to vector<16xi32>
      %lt3A_1442 = arith.constant 0 : i32
      %lt3A_1443 = vector.broadcast %lt3A_1442 : i32 to vector<16xi32>
      %lt3A_1444 = arith.cmpi slt, %broadcast_in_dim3A_1441, %lt3A_1443 : vector<16xi32>
      %add3A_1445 = arith.constant 16 : i32
      %add3A_1446 = vector.broadcast %add3A_1445 : i32 to vector<16xi32>
      %add3A_1447 = arith.addi %broadcast_in_dim3A_1441, %add3A_1446 : vector<16xi32>
      %select_n3A_1448 = arith.select %lt3A_1444, %add3A_1447, %broadcast_in_dim3A_1441 : vector<16xi1>, vector<16xi32>
      %broadcast_in_dim3A_1449 = vector.shape_cast %select_n3A_1448 : vector<16xi32> to vector<16x1xi32>
      %gather3A_1450 = vector.shape_cast %broadcast_in_dim3A_1449 : vector<16x1xi32> to vector<16xi32>
      %gather3A_1451 = tpu.dynamic_gather %sub3A_40[%gather3A_1450] in [0] : vector<16xf32>, vector<16xi32> -> vector<16xf32>
      %broadcast_in_dim3A_1452 = arith.constant 4 : i32
      %broadcast_in_dim3A_1453 = vector.broadcast %broadcast_in_dim3A_1452 : i32 to vector<16xi32>
      %lt3A_1454 = arith.constant 0 : i32
      %lt3A_1455 = vector.broadcast %lt3A_1454 : i32 to vector<16xi32>
      %lt3A_1456 = arith.cmpi slt, %broadcast_in_dim3A_1453, %lt3A_1455 : vector<16xi32>
      %add3A_1457 = arith.constant 16 : i32
      %add3A_1458 = vector.broadcast %add3A_1457 : i32 to vector<16xi32>
      %add3A_1459 = arith.addi %broadcast_in_dim3A_1453, %add3A_1458 : vector<16xi32>
      %select_n3A_1460 = arith.select %lt3A_1456, %add3A_1459, %broadcast_in_dim3A_1453 : vector<16xi1>, vector<16xi32>
      %broadcast_in_dim3A_1461 = vector.shape_cast %select_n3A_1460 : vector<16xi32> to vector<16x1xi32>
      %gather3A_1462 = vector.shape_cast %broadcast_in_dim3A_1461 : vector<16x1xi32> to vector<16xi32>
      %gather3A_1463 = tpu.dynamic_gather %sub3A_42[%gather3A_1462] in [0] : vector<16xf32>, vector<16xi32> -> vector<16xf32>
      %broadcast_in_dim3A_1464 = arith.constant 4 : i32
      %broadcast_in_dim3A_1465 = vector.broadcast %broadcast_in_dim3A_1464 : i32 to vector<16xi32>
      %lt3A_1466 = arith.constant 0 : i32
      %lt3A_1467 = vector.broadcast %lt3A_1466 : i32 to vector<16xi32>
      %lt3A_1468 = arith.cmpi slt, %broadcast_in_dim3A_1465, %lt3A_1467 : vector<16xi32>
      %add3A_1469 = arith.constant 16 : i32
      %add3A_1470 = vector.broadcast %add3A_1469 : i32 to vector<16xi32>
      %add3A_1471 = arith.addi %broadcast_in_dim3A_1465, %add3A_1470 : vector<16xi32>
      %select_n3A_1472 = arith.select %lt3A_1468, %add3A_1471, %broadcast_in_dim3A_1465 : vector<16xi1>, vector<16xi32>
      %broadcast_in_dim3A_1473 = vector.shape_cast %select_n3A_1472 : vector<16xi32> to vector<16x1xi32>
      %gather3A_1474 = vector.shape_cast %broadcast_in_dim3A_1473 : vector<16x1xi32> to vector<16xi32>
      %gather3A_1475 = tpu.dynamic_gather %add3A_46[%gather3A_1474] in [0] : vector<16xf32>, vector<16xi32> -> vector<16xf32>
      %add3A_1476 = arith.addi %add3A_76, %min3A_1430 : vector<16xi32>
      %gather3A_1477 = tpu.vector_load_idx %arg14[%add3A_1476] : memref<65024xf32, #tpu.memory_space<vmem>>[vector<16xi32>], vector<16xf32>,
      %select_n3A_1478 = arith.select %eq3A_1436, %get3A_109, %gather3A_1477 : vector<16xi1>, vector<16xf32>
      %add3A_1479 = arith.addi %add3A_76, %min3A_1433 : vector<16xi32>
      %gather3A_1480 = tpu.vector_load_idx %arg14[%add3A_1479] : memref<65024xf32, #tpu.memory_space<vmem>>[vector<16xi32>], vector<16xf32>,
      %select_n3A_1481 = arith.select %eq3A_1439, %get3A_109, %gather3A_1480 : vector<16xi1>, vector<16xf32>
      %mul3A_1482 = arith.mulf %gather3A_1475, %select_n3A_1481 : vector<16xf32>
      %add3A_1483 = arith.addf %gather3A_1451, %mul3A_1482 : vector<16xf32>
      %mul3A_1484 = arith.mulf %select_n3A_1478, %add3A_1483 : vector<16xf32>
      %add3A_1485 = arith.addf %add3A_1367, %mul3A_1484 : vector<16xf32>
      %mul3A_1486 = arith.mulf %gather3A_1463, %select_n3A_1481 : vector<16xf32>
      %add3A_1487 = arith.addf %add3A_1485, %mul3A_1486 : vector<16xf32>
      %add3A_1488 = arith.addi %add3A_85, %min3A_1430 : vector<16xi32>
      %gather3A_1489 = tpu.vector_load_idx %arg14[%add3A_1488] : memref<65024xf32, #tpu.memory_space<vmem>>[vector<16xi32>], vector<16xf32>,
      %select_n3A_1490 = arith.select %eq3A_1436, %get3A_115, %gather3A_1489 : vector<16xi1>, vector<16xf32>
      %add3A_1491 = arith.addi %add3A_85, %min3A_1433 : vector<16xi32>
      %gather3A_1492 = tpu.vector_load_idx %arg14[%add3A_1491] : memref<65024xf32, #tpu.memory_space<vmem>>[vector<16xi32>], vector<16xf32>,
      %select_n3A_1493 = arith.select %eq3A_1439, %get3A_115, %gather3A_1492 : vector<16xi1>, vector<16xf32>
      %mul3A_1494 = arith.mulf %gather3A_1475, %select_n3A_1493 : vector<16xf32>
      %add3A_1495 = arith.addf %gather3A_1451, %mul3A_1494 : vector<16xf32>
      %mul3A_1496 = arith.mulf %select_n3A_1490, %add3A_1495 : vector<16xf32>
      %add3A_1497 = arith.addf %add3A_1379, %mul3A_1496 : vector<16xf32>
      %mul3A_1498 = arith.mulf %gather3A_1463, %select_n3A_1493 : vector<16xf32>
      %add3A_1499 = arith.addf %add3A_1497, %mul3A_1498 : vector<16xf32>
      %add3A_1500 = arith.addi %add3A_94, %min3A_1430 : vector<16xi32>
      %gather3A_1501 = tpu.vector_load_idx %arg14[%add3A_1500] : memref<65024xf32, #tpu.memory_space<vmem>>[vector<16xi32>], vector<16xf32>,
      %select_n3A_1502 = arith.select %eq3A_1436, %get3A_121, %gather3A_1501 : vector<16xi1>, vector<16xf32>
      %add3A_1503 = arith.addi %add3A_94, %min3A_1433 : vector<16xi32>
      %gather3A_1504 = tpu.vector_load_idx %arg14[%add3A_1503] : memref<65024xf32, #tpu.memory_space<vmem>>[vector<16xi32>], vector<16xf32>,
      %select_n3A_1505 = arith.select %eq3A_1439, %get3A_121, %gather3A_1504 : vector<16xi1>, vector<16xf32>
      %mul3A_1506 = arith.mulf %gather3A_1475, %select_n3A_1505 : vector<16xf32>
      %add3A_1507 = arith.addf %gather3A_1451, %mul3A_1506 : vector<16xf32>
      %mul3A_1508 = arith.mulf %select_n3A_1502, %add3A_1507 : vector<16xf32>
      %add3A_1509 = arith.addf %add3A_1391, %mul3A_1508 : vector<16xf32>
      %mul3A_1510 = arith.mulf %gather3A_1463, %select_n3A_1505 : vector<16xf32>
      %add3A_1511 = arith.addf %add3A_1509, %mul3A_1510 : vector<16xf32>
      %add3A_1512 = arith.addi %add3A_103, %min3A_1430 : vector<16xi32>
      %gather3A_1513 = tpu.vector_load_idx %arg14[%add3A_1512] : memref<65024xf32, #tpu.memory_space<vmem>>[vector<16xi32>], vector<16xf32>,
      %select_n3A_1514 = arith.select %eq3A_1436, %get3A_127, %gather3A_1513 : vector<16xi1>, vector<16xf32>
      %add3A_1515 = arith.addi %add3A_103, %min3A_1433 : vector<16xi32>
      %gather3A_1516 = tpu.vector_load_idx %arg14[%add3A_1515] : memref<65024xf32, #tpu.memory_space<vmem>>[vector<16xi32>], vector<16xf32>,
      %select_n3A_1517 = arith.select %eq3A_1439, %get3A_127, %gather3A_1516 : vector<16xi1>, vector<16xf32>
      %mul3A_1518 = arith.mulf %gather3A_1475, %select_n3A_1517 : vector<16xf32>
      %add3A_1519 = arith.addf %gather3A_1451, %mul3A_1518 : vector<16xf32>
      %mul3A_1520 = arith.mulf %select_n3A_1514, %add3A_1519 : vector<16xf32>
      %add3A_1521 = arith.addf %add3A_1403, %mul3A_1520 : vector<16xf32>
      %mul3A_1522 = arith.mulf %gather3A_1463, %select_n3A_1517 : vector<16xf32>
      %add3A_1523 = arith.addf %add3A_1521, %mul3A_1522 : vector<16xf32>
      %broadcast_in_dim3A_1524 = arith.constant 5 : i32
      %broadcast_in_dim3A_1525 = vector.broadcast %broadcast_in_dim3A_1524 : i32 to vector<16xi32>
      %lt3A_1526 = arith.constant 0 : i32
      %lt3A_1527 = vector.broadcast %lt3A_1526 : i32 to vector<16xi32>
      %lt3A_1528 = arith.cmpi slt, %broadcast_in_dim3A_1525, %lt3A_1527 : vector<16xi32>
      %add3A_1529 = arith.constant 16 : i32
      %add3A_1530 = vector.broadcast %add3A_1529 : i32 to vector<16xi32>
      %add3A_1531 = arith.addi %broadcast_in_dim3A_1525, %add3A_1530 : vector<16xi32>
      %select_n3A_1532 = arith.select %lt3A_1528, %add3A_1531, %broadcast_in_dim3A_1525 : vector<16xi1>, vector<16xi32>
      %broadcast_in_dim3A_1533 = vector.shape_cast %select_n3A_1532 : vector<16xi32> to vector<16x1xi32>
      %gather3A_1534 = vector.shape_cast %broadcast_in_dim3A_1533 : vector<16x1xi32> to vector<16xi32>
      %gather3A_1535 = tpu.dynamic_gather %get3A_17[%gather3A_1534] in [0] : vector<16xi32>, vector<16xi32> -> vector<16xi32>
      %broadcast_in_dim3A_1536 = arith.constant 5 : i32
      %broadcast_in_dim3A_1537 = vector.broadcast %broadcast_in_dim3A_1536 : i32 to vector<16xi32>
      %lt3A_1538 = arith.constant 0 : i32
      %lt3A_1539 = vector.broadcast %lt3A_1538 : i32 to vector<16xi32>
      %lt3A_1540 = arith.cmpi slt, %broadcast_in_dim3A_1537, %lt3A_1539 : vector<16xi32>
      %add3A_1541 = arith.constant 16 : i32
      %add3A_1542 = vector.broadcast %add3A_1541 : i32 to vector<16xi32>
      %add3A_1543 = arith.addi %broadcast_in_dim3A_1537, %add3A_1542 : vector<16xi32>
      %select_n3A_1544 = arith.select %lt3A_1540, %add3A_1543, %broadcast_in_dim3A_1537 : vector<16xi1>, vector<16xi32>
      %broadcast_in_dim3A_1545 = vector.shape_cast %select_n3A_1544 : vector<16xi32> to vector<16x1xi32>
      %gather3A_1546 = vector.shape_cast %broadcast_in_dim3A_1545 : vector<16x1xi32> to vector<16xi32>
      %gather3A_1547 = tpu.dynamic_gather %get3A_21[%gather3A_1546] in [0] : vector<16xi32>, vector<16xi32> -> vector<16xi32>
      %min3A_1548 = arith.constant 126 : i32
      %min3A_1549 = vector.broadcast %min3A_1548 : i32 to vector<16xi32>
      %min3A_1550 = arith.minsi %gather3A_1535, %min3A_1549 : vector<16xi32>
      %min3A_1551 = arith.constant 126 : i32
      %min3A_1552 = vector.broadcast %min3A_1551 : i32 to vector<16xi32>
      %min3A_1553 = arith.minsi %gather3A_1547, %min3A_1552 : vector<16xi32>
      %eq3A_1554 = arith.constant 127 : i32
      %eq3A_1555 = vector.broadcast %eq3A_1554 : i32 to vector<16xi32>
      %eq3A_1556 = arith.cmpi eq, %gather3A_1535, %eq3A_1555 : vector<16xi32>
      %eq3A_1557 = arith.constant 127 : i32
      %eq3A_1558 = vector.broadcast %eq3A_1557 : i32 to vector<16xi32>
      %eq3A_1559 = arith.cmpi eq, %gather3A_1547, %eq3A_1558 : vector<16xi32>
      %broadcast_in_dim3A_1560 = arith.constant 5 : i32
      %broadcast_in_dim3A_1561 = vector.broadcast %broadcast_in_dim3A_1560 : i32 to vector<16xi32>
      %lt3A_1562 = arith.constant 0 : i32
      %lt3A_1563 = vector.broadcast %lt3A_1562 : i32 to vector<16xi32>
      %lt3A_1564 = arith.cmpi slt, %broadcast_in_dim3A_1561, %lt3A_1563 : vector<16xi32>
      %add3A_1565 = arith.constant 16 : i32
      %add3A_1566 = vector.broadcast %add3A_1565 : i32 to vector<16xi32>
      %add3A_1567 = arith.addi %broadcast_in_dim3A_1561, %add3A_1566 : vector<16xi32>
      %select_n3A_1568 = arith.select %lt3A_1564, %add3A_1567, %broadcast_in_dim3A_1561 : vector<16xi1>, vector<16xi32>
      %broadcast_in_dim3A_1569 = vector.shape_cast %select_n3A_1568 : vector<16xi32> to vector<16x1xi32>
      %gather3A_1570 = vector.shape_cast %broadcast_in_dim3A_1569 : vector<16x1xi32> to vector<16xi32>
      %gather3A_1571 = tpu.dynamic_gather %sub3A_40[%gather3A_1570] in [0] : vector<16xf32>, vector<16xi32> -> vector<16xf32>
      %broadcast_in_dim3A_1572 = arith.constant 5 : i32
      %broadcast_in_dim3A_1573 = vector.broadcast %broadcast_in_dim3A_1572 : i32 to vector<16xi32>
      %lt3A_1574 = arith.constant 0 : i32
      %lt3A_1575 = vector.broadcast %lt3A_1574 : i32 to vector<16xi32>
      %lt3A_1576 = arith.cmpi slt, %broadcast_in_dim3A_1573, %lt3A_1575 : vector<16xi32>
      %add3A_1577 = arith.constant 16 : i32
      %add3A_1578 = vector.broadcast %add3A_1577 : i32 to vector<16xi32>
      %add3A_1579 = arith.addi %broadcast_in_dim3A_1573, %add3A_1578 : vector<16xi32>
      %select_n3A_1580 = arith.select %lt3A_1576, %add3A_1579, %broadcast_in_dim3A_1573 : vector<16xi1>, vector<16xi32>
      %broadcast_in_dim3A_1581 = vector.shape_cast %select_n3A_1580 : vector<16xi32> to vector<16x1xi32>
      %gather3A_1582 = vector.shape_cast %broadcast_in_dim3A_1581 : vector<16x1xi32> to vector<16xi32>
      %gather3A_1583 = tpu.dynamic_gather %sub3A_42[%gather3A_1582] in [0] : vector<16xf32>, vector<16xi32> -> vector<16xf32>
      %broadcast_in_dim3A_1584 = arith.constant 5 : i32
      %broadcast_in_dim3A_1585 = vector.broadcast %broadcast_in_dim3A_1584 : i32 to vector<16xi32>
      %lt3A_1586 = arith.constant 0 : i32
      %lt3A_1587 = vector.broadcast %lt3A_1586 : i32 to vector<16xi32>
      %lt3A_1588 = arith.cmpi slt, %broadcast_in_dim3A_1585, %lt3A_1587 : vector<16xi32>
      %add3A_1589 = arith.constant 16 : i32
      %add3A_1590 = vector.broadcast %add3A_1589 : i32 to vector<16xi32>
      %add3A_1591 = arith.addi %broadcast_in_dim3A_1585, %add3A_1590 : vector<16xi32>
      %select_n3A_1592 = arith.select %lt3A_1588, %add3A_1591, %broadcast_in_dim3A_1585 : vector<16xi1>, vector<16xi32>
      %broadcast_in_dim3A_1593 = vector.shape_cast %select_n3A_1592 : vector<16xi32> to vector<16x1xi32>
      %gather3A_1594 = vector.shape_cast %broadcast_in_dim3A_1593 : vector<16x1xi32> to vector<16xi32>
      %gather3A_1595 = tpu.dynamic_gather %add3A_46[%gather3A_1594] in [0] : vector<16xf32>, vector<16xi32> -> vector<16xf32>
      %add3A_1596 = arith.addi %add3A_76, %min3A_1550 : vector<16xi32>
      %gather3A_1597 = tpu.vector_load_idx %arg14[%add3A_1596] : memref<65024xf32, #tpu.memory_space<vmem>>[vector<16xi32>], vector<16xf32>,
      %select_n3A_1598 = arith.select %eq3A_1556, %get3A_109, %gather3A_1597 : vector<16xi1>, vector<16xf32>
      %add3A_1599 = arith.addi %add3A_76, %min3A_1553 : vector<16xi32>
      %gather3A_1600 = tpu.vector_load_idx %arg14[%add3A_1599] : memref<65024xf32, #tpu.memory_space<vmem>>[vector<16xi32>], vector<16xf32>,
      %select_n3A_1601 = arith.select %eq3A_1559, %get3A_109, %gather3A_1600 : vector<16xi1>, vector<16xf32>
      %mul3A_1602 = arith.mulf %gather3A_1595, %select_n3A_1601 : vector<16xf32>
      %add3A_1603 = arith.addf %gather3A_1571, %mul3A_1602 : vector<16xf32>
      %mul3A_1604 = arith.mulf %select_n3A_1598, %add3A_1603 : vector<16xf32>
      %add3A_1605 = arith.addf %add3A_1487, %mul3A_1604 : vector<16xf32>
      %mul3A_1606 = arith.mulf %gather3A_1583, %select_n3A_1601 : vector<16xf32>
      %add3A_1607 = arith.addf %add3A_1605, %mul3A_1606 : vector<16xf32>
      %add3A_1608 = arith.addi %add3A_85, %min3A_1550 : vector<16xi32>
      %gather3A_1609 = tpu.vector_load_idx %arg14[%add3A_1608] : memref<65024xf32, #tpu.memory_space<vmem>>[vector<16xi32>], vector<16xf32>,
      %select_n3A_1610 = arith.select %eq3A_1556, %get3A_115, %gather3A_1609 : vector<16xi1>, vector<16xf32>
      %add3A_1611 = arith.addi %add3A_85, %min3A_1553 : vector<16xi32>
      %gather3A_1612 = tpu.vector_load_idx %arg14[%add3A_1611] : memref<65024xf32, #tpu.memory_space<vmem>>[vector<16xi32>], vector<16xf32>,
      %select_n3A_1613 = arith.select %eq3A_1559, %get3A_115, %gather3A_1612 : vector<16xi1>, vector<16xf32>
      %mul3A_1614 = arith.mulf %gather3A_1595, %select_n3A_1613 : vector<16xf32>
      %add3A_1615 = arith.addf %gather3A_1571, %mul3A_1614 : vector<16xf32>
      %mul3A_1616 = arith.mulf %select_n3A_1610, %add3A_1615 : vector<16xf32>
      %add3A_1617 = arith.addf %add3A_1499, %mul3A_1616 : vector<16xf32>
      %mul3A_1618 = arith.mulf %gather3A_1583, %select_n3A_1613 : vector<16xf32>
      %add3A_1619 = arith.addf %add3A_1617, %mul3A_1618 : vector<16xf32>
      %add3A_1620 = arith.addi %add3A_94, %min3A_1550 : vector<16xi32>
      %gather3A_1621 = tpu.vector_load_idx %arg14[%add3A_1620] : memref<65024xf32, #tpu.memory_space<vmem>>[vector<16xi32>], vector<16xf32>,
      %select_n3A_1622 = arith.select %eq3A_1556, %get3A_121, %gather3A_1621 : vector<16xi1>, vector<16xf32>
      %add3A_1623 = arith.addi %add3A_94, %min3A_1553 : vector<16xi32>
      %gather3A_1624 = tpu.vector_load_idx %arg14[%add3A_1623] : memref<65024xf32, #tpu.memory_space<vmem>>[vector<16xi32>], vector<16xf32>,
      %select_n3A_1625 = arith.select %eq3A_1559, %get3A_121, %gather3A_1624 : vector<16xi1>, vector<16xf32>
      %mul3A_1626 = arith.mulf %gather3A_1595, %select_n3A_1625 : vector<16xf32>
      %add3A_1627 = arith.addf %gather3A_1571, %mul3A_1626 : vector<16xf32>
      %mul3A_1628 = arith.mulf %select_n3A_1622, %add3A_1627 : vector<16xf32>
      %add3A_1629 = arith.addf %add3A_1511, %mul3A_1628 : vector<16xf32>
      %mul3A_1630 = arith.mulf %gather3A_1583, %select_n3A_1625 : vector<16xf32>
      %add3A_1631 = arith.addf %add3A_1629, %mul3A_1630 : vector<16xf32>
      %add3A_1632 = arith.addi %add3A_103, %min3A_1550 : vector<16xi32>
      %gather3A_1633 = tpu.vector_load_idx %arg14[%add3A_1632] : memref<65024xf32, #tpu.memory_space<vmem>>[vector<16xi32>], vector<16xf32>,
      %select_n3A_1634 = arith.select %eq3A_1556, %get3A_127, %gather3A_1633 : vector<16xi1>, vector<16xf32>
      %add3A_1635 = arith.addi %add3A_103, %min3A_1553 : vector<16xi32>
      %gather3A_1636 = tpu.vector_load_idx %arg14[%add3A_1635] : memref<65024xf32, #tpu.memory_space<vmem>>[vector<16xi32>], vector<16xf32>,
      %select_n3A_1637 = arith.select %eq3A_1559, %get3A_127, %gather3A_1636 : vector<16xi1>, vector<16xf32>
      %mul3A_1638 = arith.mulf %gather3A_1595, %select_n3A_1637 : vector<16xf32>
      %add3A_1639 = arith.addf %gather3A_1571, %mul3A_1638 : vector<16xf32>
      %mul3A_1640 = arith.mulf %select_n3A_1634, %add3A_1639 : vector<16xf32>
      %add3A_1641 = arith.addf %add3A_1523, %mul3A_1640 : vector<16xf32>
      %mul3A_1642 = arith.mulf %gather3A_1583, %select_n3A_1637 : vector<16xf32>
      %add3A_1643 = arith.addf %add3A_1641, %mul3A_1642 : vector<16xf32>
      %broadcast_in_dim3A_1644 = arith.constant 6 : i32
      %broadcast_in_dim3A_1645 = vector.broadcast %broadcast_in_dim3A_1644 : i32 to vector<16xi32>
      %lt3A_1646 = arith.constant 0 : i32
      %lt3A_1647 = vector.broadcast %lt3A_1646 : i32 to vector<16xi32>
      %lt3A_1648 = arith.cmpi slt, %broadcast_in_dim3A_1645, %lt3A_1647 : vector<16xi32>
      %add3A_1649 = arith.constant 16 : i32
      %add3A_1650 = vector.broadcast %add3A_1649 : i32 to vector<16xi32>
      %add3A_1651 = arith.addi %broadcast_in_dim3A_1645, %add3A_1650 : vector<16xi32>
      %select_n3A_1652 = arith.select %lt3A_1648, %add3A_1651, %broadcast_in_dim3A_1645 : vector<16xi1>, vector<16xi32>
      %broadcast_in_dim3A_1653 = vector.shape_cast %select_n3A_1652 : vector<16xi32> to vector<16x1xi32>
      %gather3A_1654 = vector.shape_cast %broadcast_in_dim3A_1653 : vector<16x1xi32> to vector<16xi32>
      %gather3A_1655 = tpu.dynamic_gather %get3A_17[%gather3A_1654] in [0] : vector<16xi32>, vector<16xi32> -> vector<16xi32>
      %broadcast_in_dim3A_1656 = arith.constant 6 : i32
      %broadcast_in_dim3A_1657 = vector.broadcast %broadcast_in_dim3A_1656 : i32 to vector<16xi32>
      %lt3A_1658 = arith.constant 0 : i32
      %lt3A_1659 = vector.broadcast %lt3A_1658 : i32 to vector<16xi32>
      %lt3A_1660 = arith.cmpi slt, %broadcast_in_dim3A_1657, %lt3A_1659 : vector<16xi32>
      %add3A_1661 = arith.constant 16 : i32
      %add3A_1662 = vector.broadcast %add3A_1661 : i32 to vector<16xi32>
      %add3A_1663 = arith.addi %broadcast_in_dim3A_1657, %add3A_1662 : vector<16xi32>
      %select_n3A_1664 = arith.select %lt3A_1660, %add3A_1663, %broadcast_in_dim3A_1657 : vector<16xi1>, vector<16xi32>
      %broadcast_in_dim3A_1665 = vector.shape_cast %select_n3A_1664 : vector<16xi32> to vector<16x1xi32>
      %gather3A_1666 = vector.shape_cast %broadcast_in_dim3A_1665 : vector<16x1xi32> to vector<16xi32>
      %gather3A_1667 = tpu.dynamic_gather %get3A_21[%gather3A_1666] in [0] : vector<16xi32>, vector<16xi32> -> vector<16xi32>
      %min3A_1668 = arith.constant 126 : i32
      %min3A_1669 = vector.broadcast %min3A_1668 : i32 to vector<16xi32>
      %min3A_1670 = arith.minsi %gather3A_1655, %min3A_1669 : vector<16xi32>
      %min3A_1671 = arith.constant 126 : i32
      %min3A_1672 = vector.broadcast %min3A_1671 : i32 to vector<16xi32>
      %min3A_1673 = arith.minsi %gather3A_1667, %min3A_1672 : vector<16xi32>
      %eq3A_1674 = arith.constant 127 : i32
      %eq3A_1675 = vector.broadcast %eq3A_1674 : i32 to vector<16xi32>
      %eq3A_1676 = arith.cmpi eq, %gather3A_1655, %eq3A_1675 : vector<16xi32>
      %eq3A_1677 = arith.constant 127 : i32
      %eq3A_1678 = vector.broadcast %eq3A_1677 : i32 to vector<16xi32>
      %eq3A_1679 = arith.cmpi eq, %gather3A_1667, %eq3A_1678 : vector<16xi32>
      %broadcast_in_dim3A_1680 = arith.constant 6 : i32
      %broadcast_in_dim3A_1681 = vector.broadcast %broadcast_in_dim3A_1680 : i32 to vector<16xi32>
      %lt3A_1682 = arith.constant 0 : i32
      %lt3A_1683 = vector.broadcast %lt3A_1682 : i32 to vector<16xi32>
      %lt3A_1684 = arith.cmpi slt, %broadcast_in_dim3A_1681, %lt3A_1683 : vector<16xi32>
      %add3A_1685 = arith.constant 16 : i32
      %add3A_1686 = vector.broadcast %add3A_1685 : i32 to vector<16xi32>
      %add3A_1687 = arith.addi %broadcast_in_dim3A_1681, %add3A_1686 : vector<16xi32>
      %select_n3A_1688 = arith.select %lt3A_1684, %add3A_1687, %broadcast_in_dim3A_1681 : vector<16xi1>, vector<16xi32>
      %broadcast_in_dim3A_1689 = vector.shape_cast %select_n3A_1688 : vector<16xi32> to vector<16x1xi32>
      %gather3A_1690 = vector.shape_cast %broadcast_in_dim3A_1689 : vector<16x1xi32> to vector<16xi32>
      %gather3A_1691 = tpu.dynamic_gather %sub3A_40[%gather3A_1690] in [0] : vector<16xf32>, vector<16xi32> -> vector<16xf32>
      %broadcast_in_dim3A_1692 = arith.constant 6 : i32
      %broadcast_in_dim3A_1693 = vector.broadcast %broadcast_in_dim3A_1692 : i32 to vector<16xi32>
      %lt3A_1694 = arith.constant 0 : i32
      %lt3A_1695 = vector.broadcast %lt3A_1694 : i32 to vector<16xi32>
      %lt3A_1696 = arith.cmpi slt, %broadcast_in_dim3A_1693, %lt3A_1695 : vector<16xi32>
      %add3A_1697 = arith.constant 16 : i32
      %add3A_1698 = vector.broadcast %add3A_1697 : i32 to vector<16xi32>
      %add3A_1699 = arith.addi %broadcast_in_dim3A_1693, %add3A_1698 : vector<16xi32>
      %select_n3A_1700 = arith.select %lt3A_1696, %add3A_1699, %broadcast_in_dim3A_1693 : vector<16xi1>, vector<16xi32>
      %broadcast_in_dim3A_1701 = vector.shape_cast %select_n3A_1700 : vector<16xi32> to vector<16x1xi32>
      %gather3A_1702 = vector.shape_cast %broadcast_in_dim3A_1701 : vector<16x1xi32> to vector<16xi32>
      %gather3A_1703 = tpu.dynamic_gather %sub3A_42[%gather3A_1702] in [0] : vector<16xf32>, vector<16xi32> -> vector<16xf32>
      %broadcast_in_dim3A_1704 = arith.constant 6 : i32
      %broadcast_in_dim3A_1705 = vector.broadcast %broadcast_in_dim3A_1704 : i32 to vector<16xi32>
      %lt3A_1706 = arith.constant 0 : i32
      %lt3A_1707 = vector.broadcast %lt3A_1706 : i32 to vector<16xi32>
      %lt3A_1708 = arith.cmpi slt, %broadcast_in_dim3A_1705, %lt3A_1707 : vector<16xi32>
      %add3A_1709 = arith.constant 16 : i32
      %add3A_1710 = vector.broadcast %add3A_1709 : i32 to vector<16xi32>
      %add3A_1711 = arith.addi %broadcast_in_dim3A_1705, %add3A_1710 : vector<16xi32>
      %select_n3A_1712 = arith.select %lt3A_1708, %add3A_1711, %broadcast_in_dim3A_1705 : vector<16xi1>, vector<16xi32>
      %broadcast_in_dim3A_1713 = vector.shape_cast %select_n3A_1712 : vector<16xi32> to vector<16x1xi32>
      %gather3A_1714 = vector.shape_cast %broadcast_in_dim3A_1713 : vector<16x1xi32> to vector<16xi32>
      %gather3A_1715 = tpu.dynamic_gather %add3A_46[%gather3A_1714] in [0] : vector<16xf32>, vector<16xi32> -> vector<16xf32>
      %add3A_1716 = arith.addi %add3A_76, %min3A_1670 : vector<16xi32>
      %gather3A_1717 = tpu.vector_load_idx %arg14[%add3A_1716] : memref<65024xf32, #tpu.memory_space<vmem>>[vector<16xi32>], vector<16xf32>,
      %select_n3A_1718 = arith.select %eq3A_1676, %get3A_109, %gather3A_1717 : vector<16xi1>, vector<16xf32>
      %add3A_1719 = arith.addi %add3A_76, %min3A_1673 : vector<16xi32>
      %gather3A_1720 = tpu.vector_load_idx %arg14[%add3A_1719] : memref<65024xf32, #tpu.memory_space<vmem>>[vector<16xi32>], vector<16xf32>,
      %select_n3A_1721 = arith.select %eq3A_1679, %get3A_109, %gather3A_1720 : vector<16xi1>, vector<16xf32>
      %mul3A_1722 = arith.mulf %gather3A_1715, %select_n3A_1721 : vector<16xf32>
      %add3A_1723 = arith.addf %gather3A_1691, %mul3A_1722 : vector<16xf32>
      %mul3A_1724 = arith.mulf %select_n3A_1718, %add3A_1723 : vector<16xf32>
      %add3A_1725 = arith.addf %add3A_1607, %mul3A_1724 : vector<16xf32>
      %mul3A_1726 = arith.mulf %gather3A_1703, %select_n3A_1721 : vector<16xf32>
      %add3A_1727 = arith.addf %add3A_1725, %mul3A_1726 : vector<16xf32>
      %add3A_1728 = arith.addi %add3A_85, %min3A_1670 : vector<16xi32>
      %gather3A_1729 = tpu.vector_load_idx %arg14[%add3A_1728] : memref<65024xf32, #tpu.memory_space<vmem>>[vector<16xi32>], vector<16xf32>,
      %select_n3A_1730 = arith.select %eq3A_1676, %get3A_115, %gather3A_1729 : vector<16xi1>, vector<16xf32>
      %add3A_1731 = arith.addi %add3A_85, %min3A_1673 : vector<16xi32>
      %gather3A_1732 = tpu.vector_load_idx %arg14[%add3A_1731] : memref<65024xf32, #tpu.memory_space<vmem>>[vector<16xi32>], vector<16xf32>,
      %select_n3A_1733 = arith.select %eq3A_1679, %get3A_115, %gather3A_1732 : vector<16xi1>, vector<16xf32>
      %mul3A_1734 = arith.mulf %gather3A_1715, %select_n3A_1733 : vector<16xf32>
      %add3A_1735 = arith.addf %gather3A_1691, %mul3A_1734 : vector<16xf32>
      %mul3A_1736 = arith.mulf %select_n3A_1730, %add3A_1735 : vector<16xf32>
      %add3A_1737 = arith.addf %add3A_1619, %mul3A_1736 : vector<16xf32>
      %mul3A_1738 = arith.mulf %gather3A_1703, %select_n3A_1733 : vector<16xf32>
      %add3A_1739 = arith.addf %add3A_1737, %mul3A_1738 : vector<16xf32>
      %add3A_1740 = arith.addi %add3A_94, %min3A_1670 : vector<16xi32>
      %gather3A_1741 = tpu.vector_load_idx %arg14[%add3A_1740] : memref<65024xf32, #tpu.memory_space<vmem>>[vector<16xi32>], vector<16xf32>,
      %select_n3A_1742 = arith.select %eq3A_1676, %get3A_121, %gather3A_1741 : vector<16xi1>, vector<16xf32>
      %add3A_1743 = arith.addi %add3A_94, %min3A_1673 : vector<16xi32>
      %gather3A_1744 = tpu.vector_load_idx %arg14[%add3A_1743] : memref<65024xf32, #tpu.memory_space<vmem>>[vector<16xi32>], vector<16xf32>,
      %select_n3A_1745 = arith.select %eq3A_1679, %get3A_121, %gather3A_1744 : vector<16xi1>, vector<16xf32>
      %mul3A_1746 = arith.mulf %gather3A_1715, %select_n3A_1745 : vector<16xf32>
      %add3A_1747 = arith.addf %gather3A_1691, %mul3A_1746 : vector<16xf32>
      %mul3A_1748 = arith.mulf %select_n3A_1742, %add3A_1747 : vector<16xf32>
      %add3A_1749 = arith.addf %add3A_1631, %mul3A_1748 : vector<16xf32>
      %mul3A_1750 = arith.mulf %gather3A_1703, %select_n3A_1745 : vector<16xf32>
      %add3A_1751 = arith.addf %add3A_1749, %mul3A_1750 : vector<16xf32>
      %add3A_1752 = arith.addi %add3A_103, %min3A_1670 : vector<16xi32>
      %gather3A_1753 = tpu.vector_load_idx %arg14[%add3A_1752] : memref<65024xf32, #tpu.memory_space<vmem>>[vector<16xi32>], vector<16xf32>,
      %select_n3A_1754 = arith.select %eq3A_1676, %get3A_127, %gather3A_1753 : vector<16xi1>, vector<16xf32>
      %add3A_1755 = arith.addi %add3A_103, %min3A_1673 : vector<16xi32>
      %gather3A_1756 = tpu.vector_load_idx %arg14[%add3A_1755] : memref<65024xf32, #tpu.memory_space<vmem>>[vector<16xi32>], vector<16xf32>,
      %select_n3A_1757 = arith.select %eq3A_1679, %get3A_127, %gather3A_1756 : vector<16xi1>, vector<16xf32>
      %mul3A_1758 = arith.mulf %gather3A_1715, %select_n3A_1757 : vector<16xf32>
      %add3A_1759 = arith.addf %gather3A_1691, %mul3A_1758 : vector<16xf32>
      %mul3A_1760 = arith.mulf %select_n3A_1754, %add3A_1759 : vector<16xf32>
      %add3A_1761 = arith.addf %add3A_1643, %mul3A_1760 : vector<16xf32>
      %mul3A_1762 = arith.mulf %gather3A_1703, %select_n3A_1757 : vector<16xf32>
      %add3A_1763 = arith.addf %add3A_1761, %mul3A_1762 : vector<16xf32>
      %broadcast_in_dim3A_1764 = arith.constant 7 : i32
      %broadcast_in_dim3A_1765 = vector.broadcast %broadcast_in_dim3A_1764 : i32 to vector<16xi32>
      %lt3A_1766 = arith.constant 0 : i32
      %lt3A_1767 = vector.broadcast %lt3A_1766 : i32 to vector<16xi32>
      %lt3A_1768 = arith.cmpi slt, %broadcast_in_dim3A_1765, %lt3A_1767 : vector<16xi32>
      %add3A_1769 = arith.constant 16 : i32
      %add3A_1770 = vector.broadcast %add3A_1769 : i32 to vector<16xi32>
      %add3A_1771 = arith.addi %broadcast_in_dim3A_1765, %add3A_1770 : vector<16xi32>
      %select_n3A_1772 = arith.select %lt3A_1768, %add3A_1771, %broadcast_in_dim3A_1765 : vector<16xi1>, vector<16xi32>
      %broadcast_in_dim3A_1773 = vector.shape_cast %select_n3A_1772 : vector<16xi32> to vector<16x1xi32>
      %gather3A_1774 = vector.shape_cast %broadcast_in_dim3A_1773 : vector<16x1xi32> to vector<16xi32>
      %gather3A_1775 = tpu.dynamic_gather %get3A_17[%gather3A_1774] in [0] : vector<16xi32>, vector<16xi32> -> vector<16xi32>
      %broadcast_in_dim3A_1776 = arith.constant 7 : i32
      %broadcast_in_dim3A_1777 = vector.broadcast %broadcast_in_dim3A_1776 : i32 to vector<16xi32>
      %lt3A_1778 = arith.constant 0 : i32
      %lt3A_1779 = vector.broadcast %lt3A_1778 : i32 to vector<16xi32>
      %lt3A_1780 = arith.cmpi slt, %broadcast_in_dim3A_1777, %lt3A_1779 : vector<16xi32>
      %add3A_1781 = arith.constant 16 : i32
      %add3A_1782 = vector.broadcast %add3A_1781 : i32 to vector<16xi32>
      %add3A_1783 = arith.addi %broadcast_in_dim3A_1777, %add3A_1782 : vector<16xi32>
      %select_n3A_1784 = arith.select %lt3A_1780, %add3A_1783, %broadcast_in_dim3A_1777 : vector<16xi1>, vector<16xi32>
      %broadcast_in_dim3A_1785 = vector.shape_cast %select_n3A_1784 : vector<16xi32> to vector<16x1xi32>
      %gather3A_1786 = vector.shape_cast %broadcast_in_dim3A_1785 : vector<16x1xi32> to vector<16xi32>
      %gather3A_1787 = tpu.dynamic_gather %get3A_21[%gather3A_1786] in [0] : vector<16xi32>, vector<16xi32> -> vector<16xi32>
      %min3A_1788 = arith.constant 126 : i32
      %min3A_1789 = vector.broadcast %min3A_1788 : i32 to vector<16xi32>
      %min3A_1790 = arith.minsi %gather3A_1775, %min3A_1789 : vector<16xi32>
      %min3A_1791 = arith.constant 126 : i32
      %min3A_1792 = vector.broadcast %min3A_1791 : i32 to vector<16xi32>
      %min3A_1793 = arith.minsi %gather3A_1787, %min3A_1792 : vector<16xi32>
      %eq3A_1794 = arith.constant 127 : i32
      %eq3A_1795 = vector.broadcast %eq3A_1794 : i32 to vector<16xi32>
      %eq3A_1796 = arith.cmpi eq, %gather3A_1775, %eq3A_1795 : vector<16xi32>
      %eq3A_1797 = arith.constant 127 : i32
      %eq3A_1798 = vector.broadcast %eq3A_1797 : i32 to vector<16xi32>
      %eq3A_1799 = arith.cmpi eq, %gather3A_1787, %eq3A_1798 : vector<16xi32>
      %broadcast_in_dim3A_1800 = arith.constant 7 : i32
      %broadcast_in_dim3A_1801 = vector.broadcast %broadcast_in_dim3A_1800 : i32 to vector<16xi32>
      %lt3A_1802 = arith.constant 0 : i32
      %lt3A_1803 = vector.broadcast %lt3A_1802 : i32 to vector<16xi32>
      %lt3A_1804 = arith.cmpi slt, %broadcast_in_dim3A_1801, %lt3A_1803 : vector<16xi32>
      %add3A_1805 = arith.constant 16 : i32
      %add3A_1806 = vector.broadcast %add3A_1805 : i32 to vector<16xi32>
      %add3A_1807 = arith.addi %broadcast_in_dim3A_1801, %add3A_1806 : vector<16xi32>
      %select_n3A_1808 = arith.select %lt3A_1804, %add3A_1807, %broadcast_in_dim3A_1801 : vector<16xi1>, vector<16xi32>
      %broadcast_in_dim3A_1809 = vector.shape_cast %select_n3A_1808 : vector<16xi32> to vector<16x1xi32>
      %gather3A_1810 = vector.shape_cast %broadcast_in_dim3A_1809 : vector<16x1xi32> to vector<16xi32>
      %gather3A_1811 = tpu.dynamic_gather %sub3A_40[%gather3A_1810] in [0] : vector<16xf32>, vector<16xi32> -> vector<16xf32>
      %broadcast_in_dim3A_1812 = arith.constant 7 : i32
      %broadcast_in_dim3A_1813 = vector.broadcast %broadcast_in_dim3A_1812 : i32 to vector<16xi32>
      %lt3A_1814 = arith.constant 0 : i32
      %lt3A_1815 = vector.broadcast %lt3A_1814 : i32 to vector<16xi32>
      %lt3A_1816 = arith.cmpi slt, %broadcast_in_dim3A_1813, %lt3A_1815 : vector<16xi32>
      %add3A_1817 = arith.constant 16 : i32
      %add3A_1818 = vector.broadcast %add3A_1817 : i32 to vector<16xi32>
      %add3A_1819 = arith.addi %broadcast_in_dim3A_1813, %add3A_1818 : vector<16xi32>
      %select_n3A_1820 = arith.select %lt3A_1816, %add3A_1819, %broadcast_in_dim3A_1813 : vector<16xi1>, vector<16xi32>
      %broadcast_in_dim3A_1821 = vector.shape_cast %select_n3A_1820 : vector<16xi32> to vector<16x1xi32>
      %gather3A_1822 = vector.shape_cast %broadcast_in_dim3A_1821 : vector<16x1xi32> to vector<16xi32>
      %gather3A_1823 = tpu.dynamic_gather %sub3A_42[%gather3A_1822] in [0] : vector<16xf32>, vector<16xi32> -> vector<16xf32>
      %broadcast_in_dim3A_1824 = arith.constant 7 : i32
      %broadcast_in_dim3A_1825 = vector.broadcast %broadcast_in_dim3A_1824 : i32 to vector<16xi32>
      %lt3A_1826 = arith.constant 0 : i32
      %lt3A_1827 = vector.broadcast %lt3A_1826 : i32 to vector<16xi32>
      %lt3A_1828 = arith.cmpi slt, %broadcast_in_dim3A_1825, %lt3A_1827 : vector<16xi32>
      %add3A_1829 = arith.constant 16 : i32
      %add3A_1830 = vector.broadcast %add3A_1829 : i32 to vector<16xi32>
      %add3A_1831 = arith.addi %broadcast_in_dim3A_1825, %add3A_1830 : vector<16xi32>
      %select_n3A_1832 = arith.select %lt3A_1828, %add3A_1831, %broadcast_in_dim3A_1825 : vector<16xi1>, vector<16xi32>
      %broadcast_in_dim3A_1833 = vector.shape_cast %select_n3A_1832 : vector<16xi32> to vector<16x1xi32>
      %gather3A_1834 = vector.shape_cast %broadcast_in_dim3A_1833 : vector<16x1xi32> to vector<16xi32>
      %gather3A_1835 = tpu.dynamic_gather %add3A_46[%gather3A_1834] in [0] : vector<16xf32>, vector<16xi32> -> vector<16xf32>
      %add3A_1836 = arith.addi %add3A_76, %min3A_1790 : vector<16xi32>
      %gather3A_1837 = tpu.vector_load_idx %arg14[%add3A_1836] : memref<65024xf32, #tpu.memory_space<vmem>>[vector<16xi32>], vector<16xf32>,
      %select_n3A_1838 = arith.select %eq3A_1796, %get3A_109, %gather3A_1837 : vector<16xi1>, vector<16xf32>
      %add3A_1839 = arith.addi %add3A_76, %min3A_1793 : vector<16xi32>
      %gather3A_1840 = tpu.vector_load_idx %arg14[%add3A_1839] : memref<65024xf32, #tpu.memory_space<vmem>>[vector<16xi32>], vector<16xf32>,
      %select_n3A_1841 = arith.select %eq3A_1799, %get3A_109, %gather3A_1840 : vector<16xi1>, vector<16xf32>
      %mul3A_1842 = arith.mulf %gather3A_1835, %select_n3A_1841 : vector<16xf32>
      %add3A_1843 = arith.addf %gather3A_1811, %mul3A_1842 : vector<16xf32>
      %mul3A_1844 = arith.mulf %select_n3A_1838, %add3A_1843 : vector<16xf32>
      %add3A_1845 = arith.addf %add3A_1727, %mul3A_1844 : vector<16xf32>
      %mul3A_1846 = arith.mulf %gather3A_1823, %select_n3A_1841 : vector<16xf32>
      %add3A_1847 = arith.addf %add3A_1845, %mul3A_1846 : vector<16xf32>
      %add3A_1848 = arith.addi %add3A_85, %min3A_1790 : vector<16xi32>
      %gather3A_1849 = tpu.vector_load_idx %arg14[%add3A_1848] : memref<65024xf32, #tpu.memory_space<vmem>>[vector<16xi32>], vector<16xf32>,
      %select_n3A_1850 = arith.select %eq3A_1796, %get3A_115, %gather3A_1849 : vector<16xi1>, vector<16xf32>
      %add3A_1851 = arith.addi %add3A_85, %min3A_1793 : vector<16xi32>
      %gather3A_1852 = tpu.vector_load_idx %arg14[%add3A_1851] : memref<65024xf32, #tpu.memory_space<vmem>>[vector<16xi32>], vector<16xf32>,
      %select_n3A_1853 = arith.select %eq3A_1799, %get3A_115, %gather3A_1852 : vector<16xi1>, vector<16xf32>
      %mul3A_1854 = arith.mulf %gather3A_1835, %select_n3A_1853 : vector<16xf32>
      %add3A_1855 = arith.addf %gather3A_1811, %mul3A_1854 : vector<16xf32>
      %mul3A_1856 = arith.mulf %select_n3A_1850, %add3A_1855 : vector<16xf32>
      %add3A_1857 = arith.addf %add3A_1739, %mul3A_1856 : vector<16xf32>
      %mul3A_1858 = arith.mulf %gather3A_1823, %select_n3A_1853 : vector<16xf32>
      %add3A_1859 = arith.addf %add3A_1857, %mul3A_1858 : vector<16xf32>
      %add3A_1860 = arith.addi %add3A_94, %min3A_1790 : vector<16xi32>
      %gather3A_1861 = tpu.vector_load_idx %arg14[%add3A_1860] : memref<65024xf32, #tpu.memory_space<vmem>>[vector<16xi32>], vector<16xf32>,
      %select_n3A_1862 = arith.select %eq3A_1796, %get3A_121, %gather3A_1861 : vector<16xi1>, vector<16xf32>
      %add3A_1863 = arith.addi %add3A_94, %min3A_1793 : vector<16xi32>
      %gather3A_1864 = tpu.vector_load_idx %arg14[%add3A_1863] : memref<65024xf32, #tpu.memory_space<vmem>>[vector<16xi32>], vector<16xf32>,
      %select_n3A_1865 = arith.select %eq3A_1799, %get3A_121, %gather3A_1864 : vector<16xi1>, vector<16xf32>
      %mul3A_1866 = arith.mulf %gather3A_1835, %select_n3A_1865 : vector<16xf32>
      %add3A_1867 = arith.addf %gather3A_1811, %mul3A_1866 : vector<16xf32>
      %mul3A_1868 = arith.mulf %select_n3A_1862, %add3A_1867 : vector<16xf32>
      %add3A_1869 = arith.addf %add3A_1751, %mul3A_1868 : vector<16xf32>
      %mul3A_1870 = arith.mulf %gather3A_1823, %select_n3A_1865 : vector<16xf32>
      %add3A_1871 = arith.addf %add3A_1869, %mul3A_1870 : vector<16xf32>
      %add3A_1872 = arith.addi %add3A_103, %min3A_1790 : vector<16xi32>
      %gather3A_1873 = tpu.vector_load_idx %arg14[%add3A_1872] : memref<65024xf32, #tpu.memory_space<vmem>>[vector<16xi32>], vector<16xf32>,
      %select_n3A_1874 = arith.select %eq3A_1796, %get3A_127, %gather3A_1873 : vector<16xi1>, vector<16xf32>
      %add3A_1875 = arith.addi %add3A_103, %min3A_1793 : vector<16xi32>
      %gather3A_1876 = tpu.vector_load_idx %arg14[%add3A_1875] : memref<65024xf32, #tpu.memory_space<vmem>>[vector<16xi32>], vector<16xf32>,
      %select_n3A_1877 = arith.select %eq3A_1799, %get3A_127, %gather3A_1876 : vector<16xi1>, vector<16xf32>
      %mul3A_1878 = arith.mulf %gather3A_1835, %select_n3A_1877 : vector<16xf32>
      %add3A_1879 = arith.addf %gather3A_1811, %mul3A_1878 : vector<16xf32>
      %mul3A_1880 = arith.mulf %select_n3A_1874, %add3A_1879 : vector<16xf32>
      %add3A_1881 = arith.addf %add3A_1763, %mul3A_1880 : vector<16xf32>
      %mul3A_1882 = arith.mulf %gather3A_1823, %select_n3A_1877 : vector<16xf32>
      %add3A_1883 = arith.addf %add3A_1881, %mul3A_1882 : vector<16xf32>
      %broadcast_in_dim3A_1884 = arith.constant 0 : i32
      %broadcast_in_dim3A_1885 = vector.broadcast %broadcast_in_dim3A_1884 : i32 to vector<16xi32>
      %lt3A_1886 = arith.constant 0 : i32
      %lt3A_1887 = vector.broadcast %lt3A_1886 : i32 to vector<16xi32>
      %lt3A_1888 = arith.cmpi slt, %broadcast_in_dim3A_1885, %lt3A_1887 : vector<16xi32>
      %add3A_1889 = arith.constant 16 : i32
      %add3A_1890 = vector.broadcast %add3A_1889 : i32 to vector<16xi32>
      %add3A_1891 = arith.addi %broadcast_in_dim3A_1885, %add3A_1890 : vector<16xi32>
      %select_n3A_1892 = arith.select %lt3A_1888, %add3A_1891, %broadcast_in_dim3A_1885 : vector<16xi1>, vector<16xi32>
      %broadcast_in_dim3A_1893 = vector.shape_cast %select_n3A_1892 : vector<16xi32> to vector<16x1xi32>
      %gather3A_1894 = vector.shape_cast %broadcast_in_dim3A_1893 : vector<16x1xi32> to vector<16xi32>
      %gather3A_1895 = tpu.dynamic_gather %get3A_19[%gather3A_1894] in [0] : vector<16xi32>, vector<16xi32> -> vector<16xi32>
      %broadcast_in_dim3A_1896 = arith.constant 0 : i32
      %broadcast_in_dim3A_1897 = vector.broadcast %broadcast_in_dim3A_1896 : i32 to vector<16xi32>
      %lt3A_1898 = arith.constant 0 : i32
      %lt3A_1899 = vector.broadcast %lt3A_1898 : i32 to vector<16xi32>
      %lt3A_1900 = arith.cmpi slt, %broadcast_in_dim3A_1897, %lt3A_1899 : vector<16xi32>
      %add3A_1901 = arith.constant 16 : i32
      %add3A_1902 = vector.broadcast %add3A_1901 : i32 to vector<16xi32>
      %add3A_1903 = arith.addi %broadcast_in_dim3A_1897, %add3A_1902 : vector<16xi32>
      %select_n3A_1904 = arith.select %lt3A_1900, %add3A_1903, %broadcast_in_dim3A_1897 : vector<16xi1>, vector<16xi32>
      %broadcast_in_dim3A_1905 = vector.shape_cast %select_n3A_1904 : vector<16xi32> to vector<16x1xi32>
      %gather3A_1906 = vector.shape_cast %broadcast_in_dim3A_1905 : vector<16x1xi32> to vector<16xi32>
      %gather3A_1907 = tpu.dynamic_gather %get3A_23[%gather3A_1906] in [0] : vector<16xi32>, vector<16xi32> -> vector<16xi32>
      %min3A_1908 = arith.constant 126 : i32
      %min3A_1909 = vector.broadcast %min3A_1908 : i32 to vector<16xi32>
      %min3A_1910 = arith.minsi %gather3A_1895, %min3A_1909 : vector<16xi32>
      %min3A_1911 = arith.constant 126 : i32
      %min3A_1912 = vector.broadcast %min3A_1911 : i32 to vector<16xi32>
      %min3A_1913 = arith.minsi %gather3A_1907, %min3A_1912 : vector<16xi32>
      %eq3A_1914 = arith.constant 127 : i32
      %eq3A_1915 = vector.broadcast %eq3A_1914 : i32 to vector<16xi32>
      %eq3A_1916 = arith.cmpi eq, %gather3A_1895, %eq3A_1915 : vector<16xi32>
      %eq3A_1917 = arith.constant 127 : i32
      %eq3A_1918 = vector.broadcast %eq3A_1917 : i32 to vector<16xi32>
      %eq3A_1919 = arith.cmpi eq, %gather3A_1907, %eq3A_1918 : vector<16xi32>
      %broadcast_in_dim3A_1920 = arith.constant 0 : i32
      %broadcast_in_dim3A_1921 = vector.broadcast %broadcast_in_dim3A_1920 : i32 to vector<16xi32>
      %lt3A_1922 = arith.constant 0 : i32
      %lt3A_1923 = vector.broadcast %lt3A_1922 : i32 to vector<16xi32>
      %lt3A_1924 = arith.cmpi slt, %broadcast_in_dim3A_1921, %lt3A_1923 : vector<16xi32>
      %add3A_1925 = arith.constant 16 : i32
      %add3A_1926 = vector.broadcast %add3A_1925 : i32 to vector<16xi32>
      %add3A_1927 = arith.addi %broadcast_in_dim3A_1921, %add3A_1926 : vector<16xi32>
      %select_n3A_1928 = arith.select %lt3A_1924, %add3A_1927, %broadcast_in_dim3A_1921 : vector<16xi1>, vector<16xi32>
      %broadcast_in_dim3A_1929 = vector.shape_cast %select_n3A_1928 : vector<16xi32> to vector<16x1xi32>
      %gather3A_1930 = vector.shape_cast %broadcast_in_dim3A_1929 : vector<16x1xi32> to vector<16xi32>
      %gather3A_1931 = tpu.dynamic_gather %sub3A_41[%gather3A_1930] in [0] : vector<16xf32>, vector<16xi32> -> vector<16xf32>
      %broadcast_in_dim3A_1932 = arith.constant 0 : i32
      %broadcast_in_dim3A_1933 = vector.broadcast %broadcast_in_dim3A_1932 : i32 to vector<16xi32>
      %lt3A_1934 = arith.constant 0 : i32
      %lt3A_1935 = vector.broadcast %lt3A_1934 : i32 to vector<16xi32>
      %lt3A_1936 = arith.cmpi slt, %broadcast_in_dim3A_1933, %lt3A_1935 : vector<16xi32>
      %add3A_1937 = arith.constant 16 : i32
      %add3A_1938 = vector.broadcast %add3A_1937 : i32 to vector<16xi32>
      %add3A_1939 = arith.addi %broadcast_in_dim3A_1933, %add3A_1938 : vector<16xi32>
      %select_n3A_1940 = arith.select %lt3A_1936, %add3A_1939, %broadcast_in_dim3A_1933 : vector<16xi1>, vector<16xi32>
      %broadcast_in_dim3A_1941 = vector.shape_cast %select_n3A_1940 : vector<16xi32> to vector<16x1xi32>
      %gather3A_1942 = vector.shape_cast %broadcast_in_dim3A_1941 : vector<16x1xi32> to vector<16xi32>
      %gather3A_1943 = tpu.dynamic_gather %sub3A_43[%gather3A_1942] in [0] : vector<16xf32>, vector<16xi32> -> vector<16xf32>
      %broadcast_in_dim3A_1944 = arith.constant 0 : i32
      %broadcast_in_dim3A_1945 = vector.broadcast %broadcast_in_dim3A_1944 : i32 to vector<16xi32>
      %lt3A_1946 = arith.constant 0 : i32
      %lt3A_1947 = vector.broadcast %lt3A_1946 : i32 to vector<16xi32>
      %lt3A_1948 = arith.cmpi slt, %broadcast_in_dim3A_1945, %lt3A_1947 : vector<16xi32>
      %add3A_1949 = arith.constant 16 : i32
      %add3A_1950 = vector.broadcast %add3A_1949 : i32 to vector<16xi32>
      %add3A_1951 = arith.addi %broadcast_in_dim3A_1945, %add3A_1950 : vector<16xi32>
      %select_n3A_1952 = arith.select %lt3A_1948, %add3A_1951, %broadcast_in_dim3A_1945 : vector<16xi1>, vector<16xi32>
      %broadcast_in_dim3A_1953 = vector.shape_cast %select_n3A_1952 : vector<16xi32> to vector<16x1xi32>
      %gather3A_1954 = vector.shape_cast %broadcast_in_dim3A_1953 : vector<16x1xi32> to vector<16xi32>
      %gather3A_1955 = tpu.dynamic_gather %add3A_49[%gather3A_1954] in [0] : vector<16xf32>, vector<16xi32> -> vector<16xf32>
      %add3A_1956 = arith.addi %add3A_76, %min3A_1910 : vector<16xi32>
      %gather3A_1957 = tpu.vector_load_idx %arg14[%add3A_1956] : memref<65024xf32, #tpu.memory_space<vmem>>[vector<16xi32>], vector<16xf32>,
      %select_n3A_1958 = arith.select %eq3A_1916, %get3A_109, %gather3A_1957 : vector<16xi1>, vector<16xf32>
      %add3A_1959 = arith.addi %add3A_76, %min3A_1913 : vector<16xi32>
      %gather3A_1960 = tpu.vector_load_idx %arg14[%add3A_1959] : memref<65024xf32, #tpu.memory_space<vmem>>[vector<16xi32>], vector<16xf32>,
      %select_n3A_1961 = arith.select %eq3A_1919, %get3A_109, %gather3A_1960 : vector<16xi1>, vector<16xf32>
      %mul3A_1962 = arith.mulf %gather3A_1955, %select_n3A_1961 : vector<16xf32>
      %add3A_1963 = arith.addf %gather3A_1931, %mul3A_1962 : vector<16xf32>
      %mul3A_1964 = arith.mulf %select_n3A_1958, %add3A_1963 : vector<16xf32>
      %add3A_1965 = arith.addf %add3A_1847, %mul3A_1964 : vector<16xf32>
      %mul3A_1966 = arith.mulf %gather3A_1943, %select_n3A_1961 : vector<16xf32>
      %add3A_1967 = arith.addf %add3A_1965, %mul3A_1966 : vector<16xf32>
      %add3A_1968 = arith.addi %add3A_85, %min3A_1910 : vector<16xi32>
      %gather3A_1969 = tpu.vector_load_idx %arg14[%add3A_1968] : memref<65024xf32, #tpu.memory_space<vmem>>[vector<16xi32>], vector<16xf32>,
      %select_n3A_1970 = arith.select %eq3A_1916, %get3A_115, %gather3A_1969 : vector<16xi1>, vector<16xf32>
      %add3A_1971 = arith.addi %add3A_85, %min3A_1913 : vector<16xi32>
      %gather3A_1972 = tpu.vector_load_idx %arg14[%add3A_1971] : memref<65024xf32, #tpu.memory_space<vmem>>[vector<16xi32>], vector<16xf32>,
      %select_n3A_1973 = arith.select %eq3A_1919, %get3A_115, %gather3A_1972 : vector<16xi1>, vector<16xf32>
      %mul3A_1974 = arith.mulf %gather3A_1955, %select_n3A_1973 : vector<16xf32>
      %add3A_1975 = arith.addf %gather3A_1931, %mul3A_1974 : vector<16xf32>
      %mul3A_1976 = arith.mulf %select_n3A_1970, %add3A_1975 : vector<16xf32>
      %add3A_1977 = arith.addf %add3A_1859, %mul3A_1976 : vector<16xf32>
      %mul3A_1978 = arith.mulf %gather3A_1943, %select_n3A_1973 : vector<16xf32>
      %add3A_1979 = arith.addf %add3A_1977, %mul3A_1978 : vector<16xf32>
      %add3A_1980 = arith.addi %add3A_94, %min3A_1910 : vector<16xi32>
      %gather3A_1981 = tpu.vector_load_idx %arg14[%add3A_1980] : memref<65024xf32, #tpu.memory_space<vmem>>[vector<16xi32>], vector<16xf32>,
      %select_n3A_1982 = arith.select %eq3A_1916, %get3A_121, %gather3A_1981 : vector<16xi1>, vector<16xf32>
      %add3A_1983 = arith.addi %add3A_94, %min3A_1913 : vector<16xi32>
      %gather3A_1984 = tpu.vector_load_idx %arg14[%add3A_1983] : memref<65024xf32, #tpu.memory_space<vmem>>[vector<16xi32>], vector<16xf32>,
      %select_n3A_1985 = arith.select %eq3A_1919, %get3A_121, %gather3A_1984 : vector<16xi1>, vector<16xf32>
      %mul3A_1986 = arith.mulf %gather3A_1955, %select_n3A_1985 : vector<16xf32>
      %add3A_1987 = arith.addf %gather3A_1931, %mul3A_1986 : vector<16xf32>
      %mul3A_1988 = arith.mulf %select_n3A_1982, %add3A_1987 : vector<16xf32>
      %add3A_1989 = arith.addf %add3A_1871, %mul3A_1988 : vector<16xf32>
      %mul3A_1990 = arith.mulf %gather3A_1943, %select_n3A_1985 : vector<16xf32>
      %add3A_1991 = arith.addf %add3A_1989, %mul3A_1990 : vector<16xf32>
      %add3A_1992 = arith.addi %add3A_103, %min3A_1910 : vector<16xi32>
      %gather3A_1993 = tpu.vector_load_idx %arg14[%add3A_1992] : memref<65024xf32, #tpu.memory_space<vmem>>[vector<16xi32>], vector<16xf32>,
      %select_n3A_1994 = arith.select %eq3A_1916, %get3A_127, %gather3A_1993 : vector<16xi1>, vector<16xf32>
      %add3A_1995 = arith.addi %add3A_103, %min3A_1913 : vector<16xi32>
      %gather3A_1996 = tpu.vector_load_idx %arg14[%add3A_1995] : memref<65024xf32, #tpu.memory_space<vmem>>[vector<16xi32>], vector<16xf32>,
      %select_n3A_1997 = arith.select %eq3A_1919, %get3A_127, %gather3A_1996 : vector<16xi1>, vector<16xf32>
      %mul3A_1998 = arith.mulf %gather3A_1955, %select_n3A_1997 : vector<16xf32>
      %add3A_1999 = arith.addf %gather3A_1931, %mul3A_1998 : vector<16xf32>
      %mul3A_2000 = arith.mulf %select_n3A_1994, %add3A_1999 : vector<16xf32>
      %add3A_2001 = arith.addf %add3A_1883, %mul3A_2000 : vector<16xf32>
      %mul3A_2002 = arith.mulf %gather3A_1943, %select_n3A_1997 : vector<16xf32>
      %add3A_2003 = arith.addf %add3A_2001, %mul3A_2002 : vector<16xf32>
      %broadcast_in_dim3A_2004 = arith.constant 1 : i32
      %broadcast_in_dim3A_2005 = vector.broadcast %broadcast_in_dim3A_2004 : i32 to vector<16xi32>
      %lt3A_2006 = arith.constant 0 : i32
      %lt3A_2007 = vector.broadcast %lt3A_2006 : i32 to vector<16xi32>
      %lt3A_2008 = arith.cmpi slt, %broadcast_in_dim3A_2005, %lt3A_2007 : vector<16xi32>
      %add3A_2009 = arith.constant 16 : i32
      %add3A_2010 = vector.broadcast %add3A_2009 : i32 to vector<16xi32>
      %add3A_2011 = arith.addi %broadcast_in_dim3A_2005, %add3A_2010 : vector<16xi32>
      %select_n3A_2012 = arith.select %lt3A_2008, %add3A_2011, %broadcast_in_dim3A_2005 : vector<16xi1>, vector<16xi32>
      %broadcast_in_dim3A_2013 = vector.shape_cast %select_n3A_2012 : vector<16xi32> to vector<16x1xi32>
      %gather3A_2014 = vector.shape_cast %broadcast_in_dim3A_2013 : vector<16x1xi32> to vector<16xi32>
      %gather3A_2015 = tpu.dynamic_gather %get3A_19[%gather3A_2014] in [0] : vector<16xi32>, vector<16xi32> -> vector<16xi32>
      %broadcast_in_dim3A_2016 = arith.constant 1 : i32
      %broadcast_in_dim3A_2017 = vector.broadcast %broadcast_in_dim3A_2016 : i32 to vector<16xi32>
      %lt3A_2018 = arith.constant 0 : i32
      %lt3A_2019 = vector.broadcast %lt3A_2018 : i32 to vector<16xi32>
      %lt3A_2020 = arith.cmpi slt, %broadcast_in_dim3A_2017, %lt3A_2019 : vector<16xi32>
      %add3A_2021 = arith.constant 16 : i32
      %add3A_2022 = vector.broadcast %add3A_2021 : i32 to vector<16xi32>
      %add3A_2023 = arith.addi %broadcast_in_dim3A_2017, %add3A_2022 : vector<16xi32>
      %select_n3A_2024 = arith.select %lt3A_2020, %add3A_2023, %broadcast_in_dim3A_2017 : vector<16xi1>, vector<16xi32>
      %broadcast_in_dim3A_2025 = vector.shape_cast %select_n3A_2024 : vector<16xi32> to vector<16x1xi32>
      %gather3A_2026 = vector.shape_cast %broadcast_in_dim3A_2025 : vector<16x1xi32> to vector<16xi32>
      %gather3A_2027 = tpu.dynamic_gather %get3A_23[%gather3A_2026] in [0] : vector<16xi32>, vector<16xi32> -> vector<16xi32>
      %min3A_2028 = arith.constant 126 : i32
      %min3A_2029 = vector.broadcast %min3A_2028 : i32 to vector<16xi32>
      %min3A_2030 = arith.minsi %gather3A_2015, %min3A_2029 : vector<16xi32>
      %min3A_2031 = arith.constant 126 : i32
      %min3A_2032 = vector.broadcast %min3A_2031 : i32 to vector<16xi32>
      %min3A_2033 = arith.minsi %gather3A_2027, %min3A_2032 : vector<16xi32>
      %eq3A_2034 = arith.constant 127 : i32
      %eq3A_2035 = vector.broadcast %eq3A_2034 : i32 to vector<16xi32>
      %eq3A_2036 = arith.cmpi eq, %gather3A_2015, %eq3A_2035 : vector<16xi32>
      %eq3A_2037 = arith.constant 127 : i32
      %eq3A_2038 = vector.broadcast %eq3A_2037 : i32 to vector<16xi32>
      %eq3A_2039 = arith.cmpi eq, %gather3A_2027, %eq3A_2038 : vector<16xi32>
      %broadcast_in_dim3A_2040 = arith.constant 1 : i32
      %broadcast_in_dim3A_2041 = vector.broadcast %broadcast_in_dim3A_2040 : i32 to vector<16xi32>
      %lt3A_2042 = arith.constant 0 : i32
      %lt3A_2043 = vector.broadcast %lt3A_2042 : i32 to vector<16xi32>
      %lt3A_2044 = arith.cmpi slt, %broadcast_in_dim3A_2041, %lt3A_2043 : vector<16xi32>
      %add3A_2045 = arith.constant 16 : i32
      %add3A_2046 = vector.broadcast %add3A_2045 : i32 to vector<16xi32>
      %add3A_2047 = arith.addi %broadcast_in_dim3A_2041, %add3A_2046 : vector<16xi32>
      %select_n3A_2048 = arith.select %lt3A_2044, %add3A_2047, %broadcast_in_dim3A_2041 : vector<16xi1>, vector<16xi32>
      %broadcast_in_dim3A_2049 = vector.shape_cast %select_n3A_2048 : vector<16xi32> to vector<16x1xi32>
      %gather3A_2050 = vector.shape_cast %broadcast_in_dim3A_2049 : vector<16x1xi32> to vector<16xi32>
      %gather3A_2051 = tpu.dynamic_gather %sub3A_41[%gather3A_2050] in [0] : vector<16xf32>, vector<16xi32> -> vector<16xf32>
      %broadcast_in_dim3A_2052 = arith.constant 1 : i32
      %broadcast_in_dim3A_2053 = vector.broadcast %broadcast_in_dim3A_2052 : i32 to vector<16xi32>
      %lt3A_2054 = arith.constant 0 : i32
      %lt3A_2055 = vector.broadcast %lt3A_2054 : i32 to vector<16xi32>
      %lt3A_2056 = arith.cmpi slt, %broadcast_in_dim3A_2053, %lt3A_2055 : vector<16xi32>
      %add3A_2057 = arith.constant 16 : i32
      %add3A_2058 = vector.broadcast %add3A_2057 : i32 to vector<16xi32>
      %add3A_2059 = arith.addi %broadcast_in_dim3A_2053, %add3A_2058 : vector<16xi32>
      %select_n3A_2060 = arith.select %lt3A_2056, %add3A_2059, %broadcast_in_dim3A_2053 : vector<16xi1>, vector<16xi32>
      %broadcast_in_dim3A_2061 = vector.shape_cast %select_n3A_2060 : vector<16xi32> to vector<16x1xi32>
      %gather3A_2062 = vector.shape_cast %broadcast_in_dim3A_2061 : vector<16x1xi32> to vector<16xi32>
      %gather3A_2063 = tpu.dynamic_gather %sub3A_43[%gather3A_2062] in [0] : vector<16xf32>, vector<16xi32> -> vector<16xf32>
      %broadcast_in_dim3A_2064 = arith.constant 1 : i32
      %broadcast_in_dim3A_2065 = vector.broadcast %broadcast_in_dim3A_2064 : i32 to vector<16xi32>
      %lt3A_2066 = arith.constant 0 : i32
      %lt3A_2067 = vector.broadcast %lt3A_2066 : i32 to vector<16xi32>
      %lt3A_2068 = arith.cmpi slt, %broadcast_in_dim3A_2065, %lt3A_2067 : vector<16xi32>
      %add3A_2069 = arith.constant 16 : i32
      %add3A_2070 = vector.broadcast %add3A_2069 : i32 to vector<16xi32>
      %add3A_2071 = arith.addi %broadcast_in_dim3A_2065, %add3A_2070 : vector<16xi32>
      %select_n3A_2072 = arith.select %lt3A_2068, %add3A_2071, %broadcast_in_dim3A_2065 : vector<16xi1>, vector<16xi32>
      %broadcast_in_dim3A_2073 = vector.shape_cast %select_n3A_2072 : vector<16xi32> to vector<16x1xi32>
      %gather3A_2074 = vector.shape_cast %broadcast_in_dim3A_2073 : vector<16x1xi32> to vector<16xi32>
      %gather3A_2075 = tpu.dynamic_gather %add3A_49[%gather3A_2074] in [0] : vector<16xf32>, vector<16xi32> -> vector<16xf32>
      %add3A_2076 = arith.addi %add3A_76, %min3A_2030 : vector<16xi32>
      %gather3A_2077 = tpu.vector_load_idx %arg14[%add3A_2076] : memref<65024xf32, #tpu.memory_space<vmem>>[vector<16xi32>], vector<16xf32>,
      %select_n3A_2078 = arith.select %eq3A_2036, %get3A_109, %gather3A_2077 : vector<16xi1>, vector<16xf32>
      %add3A_2079 = arith.addi %add3A_76, %min3A_2033 : vector<16xi32>
      %gather3A_2080 = tpu.vector_load_idx %arg14[%add3A_2079] : memref<65024xf32, #tpu.memory_space<vmem>>[vector<16xi32>], vector<16xf32>,
      %select_n3A_2081 = arith.select %eq3A_2039, %get3A_109, %gather3A_2080 : vector<16xi1>, vector<16xf32>
      %mul3A_2082 = arith.mulf %gather3A_2075, %select_n3A_2081 : vector<16xf32>
      %add3A_2083 = arith.addf %gather3A_2051, %mul3A_2082 : vector<16xf32>
      %mul3A_2084 = arith.mulf %select_n3A_2078, %add3A_2083 : vector<16xf32>
      %add3A_2085 = arith.addf %add3A_1967, %mul3A_2084 : vector<16xf32>
      %mul3A_2086 = arith.mulf %gather3A_2063, %select_n3A_2081 : vector<16xf32>
      %add3A_2087 = arith.addf %add3A_2085, %mul3A_2086 : vector<16xf32>
      %add3A_2088 = arith.addi %add3A_85, %min3A_2030 : vector<16xi32>
      %gather3A_2089 = tpu.vector_load_idx %arg14[%add3A_2088] : memref<65024xf32, #tpu.memory_space<vmem>>[vector<16xi32>], vector<16xf32>,
      %select_n3A_2090 = arith.select %eq3A_2036, %get3A_115, %gather3A_2089 : vector<16xi1>, vector<16xf32>
      %add3A_2091 = arith.addi %add3A_85, %min3A_2033 : vector<16xi32>
      %gather3A_2092 = tpu.vector_load_idx %arg14[%add3A_2091] : memref<65024xf32, #tpu.memory_space<vmem>>[vector<16xi32>], vector<16xf32>,
      %select_n3A_2093 = arith.select %eq3A_2039, %get3A_115, %gather3A_2092 : vector<16xi1>, vector<16xf32>
      %mul3A_2094 = arith.mulf %gather3A_2075, %select_n3A_2093 : vector<16xf32>
      %add3A_2095 = arith.addf %gather3A_2051, %mul3A_2094 : vector<16xf32>
      %mul3A_2096 = arith.mulf %select_n3A_2090, %add3A_2095 : vector<16xf32>
      %add3A_2097 = arith.addf %add3A_1979, %mul3A_2096 : vector<16xf32>
      %mul3A_2098 = arith.mulf %gather3A_2063, %select_n3A_2093 : vector<16xf32>
      %add3A_2099 = arith.addf %add3A_2097, %mul3A_2098 : vector<16xf32>
      %add3A_2100 = arith.addi %add3A_94, %min3A_2030 : vector<16xi32>
      %gather3A_2101 = tpu.vector_load_idx %arg14[%add3A_2100] : memref<65024xf32, #tpu.memory_space<vmem>>[vector<16xi32>], vector<16xf32>,
      %select_n3A_2102 = arith.select %eq3A_2036, %get3A_121, %gather3A_2101 : vector<16xi1>, vector<16xf32>
      %add3A_2103 = arith.addi %add3A_94, %min3A_2033 : vector<16xi32>
      %gather3A_2104 = tpu.vector_load_idx %arg14[%add3A_2103] : memref<65024xf32, #tpu.memory_space<vmem>>[vector<16xi32>], vector<16xf32>,
      %select_n3A_2105 = arith.select %eq3A_2039, %get3A_121, %gather3A_2104 : vector<16xi1>, vector<16xf32>
      %mul3A_2106 = arith.mulf %gather3A_2075, %select_n3A_2105 : vector<16xf32>
      %add3A_2107 = arith.addf %gather3A_2051, %mul3A_2106 : vector<16xf32>
      %mul3A_2108 = arith.mulf %select_n3A_2102, %add3A_2107 : vector<16xf32>
      %add3A_2109 = arith.addf %add3A_1991, %mul3A_2108 : vector<16xf32>
      %mul3A_2110 = arith.mulf %gather3A_2063, %select_n3A_2105 : vector<16xf32>
      %add3A_2111 = arith.addf %add3A_2109, %mul3A_2110 : vector<16xf32>
      %add3A_2112 = arith.addi %add3A_103, %min3A_2030 : vector<16xi32>
      %gather3A_2113 = tpu.vector_load_idx %arg14[%add3A_2112] : memref<65024xf32, #tpu.memory_space<vmem>>[vector<16xi32>], vector<16xf32>,
      %select_n3A_2114 = arith.select %eq3A_2036, %get3A_127, %gather3A_2113 : vector<16xi1>, vector<16xf32>
      %add3A_2115 = arith.addi %add3A_103, %min3A_2033 : vector<16xi32>
      %gather3A_2116 = tpu.vector_load_idx %arg14[%add3A_2115] : memref<65024xf32, #tpu.memory_space<vmem>>[vector<16xi32>], vector<16xf32>,
      %select_n3A_2117 = arith.select %eq3A_2039, %get3A_127, %gather3A_2116 : vector<16xi1>, vector<16xf32>
      %mul3A_2118 = arith.mulf %gather3A_2075, %select_n3A_2117 : vector<16xf32>
      %add3A_2119 = arith.addf %gather3A_2051, %mul3A_2118 : vector<16xf32>
      %mul3A_2120 = arith.mulf %select_n3A_2114, %add3A_2119 : vector<16xf32>
      %add3A_2121 = arith.addf %add3A_2003, %mul3A_2120 : vector<16xf32>
      %mul3A_2122 = arith.mulf %gather3A_2063, %select_n3A_2117 : vector<16xf32>
      %add3A_2123 = arith.addf %add3A_2121, %mul3A_2122 : vector<16xf32>
      %broadcast_in_dim3A_2124 = arith.constant 2 : i32
      %broadcast_in_dim3A_2125 = vector.broadcast %broadcast_in_dim3A_2124 : i32 to vector<16xi32>
      %lt3A_2126 = arith.constant 0 : i32
      %lt3A_2127 = vector.broadcast %lt3A_2126 : i32 to vector<16xi32>
      %lt3A_2128 = arith.cmpi slt, %broadcast_in_dim3A_2125, %lt3A_2127 : vector<16xi32>
      %add3A_2129 = arith.constant 16 : i32
      %add3A_2130 = vector.broadcast %add3A_2129 : i32 to vector<16xi32>
      %add3A_2131 = arith.addi %broadcast_in_dim3A_2125, %add3A_2130 : vector<16xi32>
      %select_n3A_2132 = arith.select %lt3A_2128, %add3A_2131, %broadcast_in_dim3A_2125 : vector<16xi1>, vector<16xi32>
      %broadcast_in_dim3A_2133 = vector.shape_cast %select_n3A_2132 : vector<16xi32> to vector<16x1xi32>
      %gather3A_2134 = vector.shape_cast %broadcast_in_dim3A_2133 : vector<16x1xi32> to vector<16xi32>
      %gather3A_2135 = tpu.dynamic_gather %get3A_19[%gather3A_2134] in [0] : vector<16xi32>, vector<16xi32> -> vector<16xi32>
      %broadcast_in_dim3A_2136 = arith.constant 2 : i32
      %broadcast_in_dim3A_2137 = vector.broadcast %broadcast_in_dim3A_2136 : i32 to vector<16xi32>
      %lt3A_2138 = arith.constant 0 : i32
      %lt3A_2139 = vector.broadcast %lt3A_2138 : i32 to vector<16xi32>
      %lt3A_2140 = arith.cmpi slt, %broadcast_in_dim3A_2137, %lt3A_2139 : vector<16xi32>
      %add3A_2141 = arith.constant 16 : i32
      %add3A_2142 = vector.broadcast %add3A_2141 : i32 to vector<16xi32>
      %add3A_2143 = arith.addi %broadcast_in_dim3A_2137, %add3A_2142 : vector<16xi32>
      %select_n3A_2144 = arith.select %lt3A_2140, %add3A_2143, %broadcast_in_dim3A_2137 : vector<16xi1>, vector<16xi32>
      %broadcast_in_dim3A_2145 = vector.shape_cast %select_n3A_2144 : vector<16xi32> to vector<16x1xi32>
      %gather3A_2146 = vector.shape_cast %broadcast_in_dim3A_2145 : vector<16x1xi32> to vector<16xi32>
      %gather3A_2147 = tpu.dynamic_gather %get3A_23[%gather3A_2146] in [0] : vector<16xi32>, vector<16xi32> -> vector<16xi32>
      %min3A_2148 = arith.constant 126 : i32
      %min3A_2149 = vector.broadcast %min3A_2148 : i32 to vector<16xi32>
      %min3A_2150 = arith.minsi %gather3A_2135, %min3A_2149 : vector<16xi32>
      %min3A_2151 = arith.constant 126 : i32
      %min3A_2152 = vector.broadcast %min3A_2151 : i32 to vector<16xi32>
      %min3A_2153 = arith.minsi %gather3A_2147, %min3A_2152 : vector<16xi32>
      %eq3A_2154 = arith.constant 127 : i32
      %eq3A_2155 = vector.broadcast %eq3A_2154 : i32 to vector<16xi32>
      %eq3A_2156 = arith.cmpi eq, %gather3A_2135, %eq3A_2155 : vector<16xi32>
      %eq3A_2157 = arith.constant 127 : i32
      %eq3A_2158 = vector.broadcast %eq3A_2157 : i32 to vector<16xi32>
      %eq3A_2159 = arith.cmpi eq, %gather3A_2147, %eq3A_2158 : vector<16xi32>
      %broadcast_in_dim3A_2160 = arith.constant 2 : i32
      %broadcast_in_dim3A_2161 = vector.broadcast %broadcast_in_dim3A_2160 : i32 to vector<16xi32>
      %lt3A_2162 = arith.constant 0 : i32
      %lt3A_2163 = vector.broadcast %lt3A_2162 : i32 to vector<16xi32>
      %lt3A_2164 = arith.cmpi slt, %broadcast_in_dim3A_2161, %lt3A_2163 : vector<16xi32>
      %add3A_2165 = arith.constant 16 : i32
      %add3A_2166 = vector.broadcast %add3A_2165 : i32 to vector<16xi32>
      %add3A_2167 = arith.addi %broadcast_in_dim3A_2161, %add3A_2166 : vector<16xi32>
      %select_n3A_2168 = arith.select %lt3A_2164, %add3A_2167, %broadcast_in_dim3A_2161 : vector<16xi1>, vector<16xi32>
      %broadcast_in_dim3A_2169 = vector.shape_cast %select_n3A_2168 : vector<16xi32> to vector<16x1xi32>
      %gather3A_2170 = vector.shape_cast %broadcast_in_dim3A_2169 : vector<16x1xi32> to vector<16xi32>
      %gather3A_2171 = tpu.dynamic_gather %sub3A_41[%gather3A_2170] in [0] : vector<16xf32>, vector<16xi32> -> vector<16xf32>
      %broadcast_in_dim3A_2172 = arith.constant 2 : i32
      %broadcast_in_dim3A_2173 = vector.broadcast %broadcast_in_dim3A_2172 : i32 to vector<16xi32>
      %lt3A_2174 = arith.constant 0 : i32
      %lt3A_2175 = vector.broadcast %lt3A_2174 : i32 to vector<16xi32>
      %lt3A_2176 = arith.cmpi slt, %broadcast_in_dim3A_2173, %lt3A_2175 : vector<16xi32>
      %add3A_2177 = arith.constant 16 : i32
      %add3A_2178 = vector.broadcast %add3A_2177 : i32 to vector<16xi32>
      %add3A_2179 = arith.addi %broadcast_in_dim3A_2173, %add3A_2178 : vector<16xi32>
      %select_n3A_2180 = arith.select %lt3A_2176, %add3A_2179, %broadcast_in_dim3A_2173 : vector<16xi1>, vector<16xi32>
      %broadcast_in_dim3A_2181 = vector.shape_cast %select_n3A_2180 : vector<16xi32> to vector<16x1xi32>
      %gather3A_2182 = vector.shape_cast %broadcast_in_dim3A_2181 : vector<16x1xi32> to vector<16xi32>
      %gather3A_2183 = tpu.dynamic_gather %sub3A_43[%gather3A_2182] in [0] : vector<16xf32>, vector<16xi32> -> vector<16xf32>
      %broadcast_in_dim3A_2184 = arith.constant 2 : i32
      %broadcast_in_dim3A_2185 = vector.broadcast %broadcast_in_dim3A_2184 : i32 to vector<16xi32>
      %lt3A_2186 = arith.constant 0 : i32
      %lt3A_2187 = vector.broadcast %lt3A_2186 : i32 to vector<16xi32>
      %lt3A_2188 = arith.cmpi slt, %broadcast_in_dim3A_2185, %lt3A_2187 : vector<16xi32>
      %add3A_2189 = arith.constant 16 : i32
      %add3A_2190 = vector.broadcast %add3A_2189 : i32 to vector<16xi32>
      %add3A_2191 = arith.addi %broadcast_in_dim3A_2185, %add3A_2190 : vector<16xi32>
      %select_n3A_2192 = arith.select %lt3A_2188, %add3A_2191, %broadcast_in_dim3A_2185 : vector<16xi1>, vector<16xi32>
      %broadcast_in_dim3A_2193 = vector.shape_cast %select_n3A_2192 : vector<16xi32> to vector<16x1xi32>
      %gather3A_2194 = vector.shape_cast %broadcast_in_dim3A_2193 : vector<16x1xi32> to vector<16xi32>
      %gather3A_2195 = tpu.dynamic_gather %add3A_49[%gather3A_2194] in [0] : vector<16xf32>, vector<16xi32> -> vector<16xf32>
      %add3A_2196 = arith.addi %add3A_76, %min3A_2150 : vector<16xi32>
      %gather3A_2197 = tpu.vector_load_idx %arg14[%add3A_2196] : memref<65024xf32, #tpu.memory_space<vmem>>[vector<16xi32>], vector<16xf32>,
      %select_n3A_2198 = arith.select %eq3A_2156, %get3A_109, %gather3A_2197 : vector<16xi1>, vector<16xf32>
      %add3A_2199 = arith.addi %add3A_76, %min3A_2153 : vector<16xi32>
      %gather3A_2200 = tpu.vector_load_idx %arg14[%add3A_2199] : memref<65024xf32, #tpu.memory_space<vmem>>[vector<16xi32>], vector<16xf32>,
      %select_n3A_2201 = arith.select %eq3A_2159, %get3A_109, %gather3A_2200 : vector<16xi1>, vector<16xf32>
      %mul3A_2202 = arith.mulf %gather3A_2195, %select_n3A_2201 : vector<16xf32>
      %add3A_2203 = arith.addf %gather3A_2171, %mul3A_2202 : vector<16xf32>
      %mul3A_2204 = arith.mulf %select_n3A_2198, %add3A_2203 : vector<16xf32>
      %add3A_2205 = arith.addf %add3A_2087, %mul3A_2204 : vector<16xf32>
      %mul3A_2206 = arith.mulf %gather3A_2183, %select_n3A_2201 : vector<16xf32>
      %add3A_2207 = arith.addf %add3A_2205, %mul3A_2206 : vector<16xf32>
      %add3A_2208 = arith.addi %add3A_85, %min3A_2150 : vector<16xi32>
      %gather3A_2209 = tpu.vector_load_idx %arg14[%add3A_2208] : memref<65024xf32, #tpu.memory_space<vmem>>[vector<16xi32>], vector<16xf32>,
      %select_n3A_2210 = arith.select %eq3A_2156, %get3A_115, %gather3A_2209 : vector<16xi1>, vector<16xf32>
      %add3A_2211 = arith.addi %add3A_85, %min3A_2153 : vector<16xi32>
      %gather3A_2212 = tpu.vector_load_idx %arg14[%add3A_2211] : memref<65024xf32, #tpu.memory_space<vmem>>[vector<16xi32>], vector<16xf32>,
      %select_n3A_2213 = arith.select %eq3A_2159, %get3A_115, %gather3A_2212 : vector<16xi1>, vector<16xf32>
      %mul3A_2214 = arith.mulf %gather3A_2195, %select_n3A_2213 : vector<16xf32>
      %add3A_2215 = arith.addf %gather3A_2171, %mul3A_2214 : vector<16xf32>
      %mul3A_2216 = arith.mulf %select_n3A_2210, %add3A_2215 : vector<16xf32>
      %add3A_2217 = arith.addf %add3A_2099, %mul3A_2216 : vector<16xf32>
      %mul3A_2218 = arith.mulf %gather3A_2183, %select_n3A_2213 : vector<16xf32>
      %add3A_2219 = arith.addf %add3A_2217, %mul3A_2218 : vector<16xf32>
      %add3A_2220 = arith.addi %add3A_94, %min3A_2150 : vector<16xi32>
      %gather3A_2221 = tpu.vector_load_idx %arg14[%add3A_2220] : memref<65024xf32, #tpu.memory_space<vmem>>[vector<16xi32>], vector<16xf32>,
      %select_n3A_2222 = arith.select %eq3A_2156, %get3A_121, %gather3A_2221 : vector<16xi1>, vector<16xf32>
      %add3A_2223 = arith.addi %add3A_94, %min3A_2153 : vector<16xi32>
      %gather3A_2224 = tpu.vector_load_idx %arg14[%add3A_2223] : memref<65024xf32, #tpu.memory_space<vmem>>[vector<16xi32>], vector<16xf32>,
      %select_n3A_2225 = arith.select %eq3A_2159, %get3A_121, %gather3A_2224 : vector<16xi1>, vector<16xf32>
      %mul3A_2226 = arith.mulf %gather3A_2195, %select_n3A_2225 : vector<16xf32>
      %add3A_2227 = arith.addf %gather3A_2171, %mul3A_2226 : vector<16xf32>
      %mul3A_2228 = arith.mulf %select_n3A_2222, %add3A_2227 : vector<16xf32>
      %add3A_2229 = arith.addf %add3A_2111, %mul3A_2228 : vector<16xf32>
      %mul3A_2230 = arith.mulf %gather3A_2183, %select_n3A_2225 : vector<16xf32>
      %add3A_2231 = arith.addf %add3A_2229, %mul3A_2230 : vector<16xf32>
      %add3A_2232 = arith.addi %add3A_103, %min3A_2150 : vector<16xi32>
      %gather3A_2233 = tpu.vector_load_idx %arg14[%add3A_2232] : memref<65024xf32, #tpu.memory_space<vmem>>[vector<16xi32>], vector<16xf32>,
      %select_n3A_2234 = arith.select %eq3A_2156, %get3A_127, %gather3A_2233 : vector<16xi1>, vector<16xf32>
      %add3A_2235 = arith.addi %add3A_103, %min3A_2153 : vector<16xi32>
      %gather3A_2236 = tpu.vector_load_idx %arg14[%add3A_2235] : memref<65024xf32, #tpu.memory_space<vmem>>[vector<16xi32>], vector<16xf32>,
      %select_n3A_2237 = arith.select %eq3A_2159, %get3A_127, %gather3A_2236 : vector<16xi1>, vector<16xf32>
      %mul3A_2238 = arith.mulf %gather3A_2195, %select_n3A_2237 : vector<16xf32>
      %add3A_2239 = arith.addf %gather3A_2171, %mul3A_2238 : vector<16xf32>
      %mul3A_2240 = arith.mulf %select_n3A_2234, %add3A_2239 : vector<16xf32>
      %add3A_2241 = arith.addf %add3A_2123, %mul3A_2240 : vector<16xf32>
      %mul3A_2242 = arith.mulf %gather3A_2183, %select_n3A_2237 : vector<16xf32>
      %add3A_2243 = arith.addf %add3A_2241, %mul3A_2242 : vector<16xf32>
      %broadcast_in_dim3A_2244 = arith.constant 3 : i32
      %broadcast_in_dim3A_2245 = vector.broadcast %broadcast_in_dim3A_2244 : i32 to vector<16xi32>
      %lt3A_2246 = arith.constant 0 : i32
      %lt3A_2247 = vector.broadcast %lt3A_2246 : i32 to vector<16xi32>
      %lt3A_2248 = arith.cmpi slt, %broadcast_in_dim3A_2245, %lt3A_2247 : vector<16xi32>
      %add3A_2249 = arith.constant 16 : i32
      %add3A_2250 = vector.broadcast %add3A_2249 : i32 to vector<16xi32>
      %add3A_2251 = arith.addi %broadcast_in_dim3A_2245, %add3A_2250 : vector<16xi32>
      %select_n3A_2252 = arith.select %lt3A_2248, %add3A_2251, %broadcast_in_dim3A_2245 : vector<16xi1>, vector<16xi32>
      %broadcast_in_dim3A_2253 = vector.shape_cast %select_n3A_2252 : vector<16xi32> to vector<16x1xi32>
      %gather3A_2254 = vector.shape_cast %broadcast_in_dim3A_2253 : vector<16x1xi32> to vector<16xi32>
      %gather3A_2255 = tpu.dynamic_gather %get3A_19[%gather3A_2254] in [0] : vector<16xi32>, vector<16xi32> -> vector<16xi32>
      %broadcast_in_dim3A_2256 = arith.constant 3 : i32
      %broadcast_in_dim3A_2257 = vector.broadcast %broadcast_in_dim3A_2256 : i32 to vector<16xi32>
      %lt3A_2258 = arith.constant 0 : i32
      %lt3A_2259 = vector.broadcast %lt3A_2258 : i32 to vector<16xi32>
      %lt3A_2260 = arith.cmpi slt, %broadcast_in_dim3A_2257, %lt3A_2259 : vector<16xi32>
      %add3A_2261 = arith.constant 16 : i32
      %add3A_2262 = vector.broadcast %add3A_2261 : i32 to vector<16xi32>
      %add3A_2263 = arith.addi %broadcast_in_dim3A_2257, %add3A_2262 : vector<16xi32>
      %select_n3A_2264 = arith.select %lt3A_2260, %add3A_2263, %broadcast_in_dim3A_2257 : vector<16xi1>, vector<16xi32>
      %broadcast_in_dim3A_2265 = vector.shape_cast %select_n3A_2264 : vector<16xi32> to vector<16x1xi32>
      %gather3A_2266 = vector.shape_cast %broadcast_in_dim3A_2265 : vector<16x1xi32> to vector<16xi32>
      %gather3A_2267 = tpu.dynamic_gather %get3A_23[%gather3A_2266] in [0] : vector<16xi32>, vector<16xi32> -> vector<16xi32>
      %min3A_2268 = arith.constant 126 : i32
      %min3A_2269 = vector.broadcast %min3A_2268 : i32 to vector<16xi32>
      %min3A_2270 = arith.minsi %gather3A_2255, %min3A_2269 : vector<16xi32>
      %min3A_2271 = arith.constant 126 : i32
      %min3A_2272 = vector.broadcast %min3A_2271 : i32 to vector<16xi32>
      %min3A_2273 = arith.minsi %gather3A_2267, %min3A_2272 : vector<16xi32>
      %eq3A_2274 = arith.constant 127 : i32
      %eq3A_2275 = vector.broadcast %eq3A_2274 : i32 to vector<16xi32>
      %eq3A_2276 = arith.cmpi eq, %gather3A_2255, %eq3A_2275 : vector<16xi32>
      %eq3A_2277 = arith.constant 127 : i32
      %eq3A_2278 = vector.broadcast %eq3A_2277 : i32 to vector<16xi32>
      %eq3A_2279 = arith.cmpi eq, %gather3A_2267, %eq3A_2278 : vector<16xi32>
      %broadcast_in_dim3A_2280 = arith.constant 3 : i32
      %broadcast_in_dim3A_2281 = vector.broadcast %broadcast_in_dim3A_2280 : i32 to vector<16xi32>
      %lt3A_2282 = arith.constant 0 : i32
      %lt3A_2283 = vector.broadcast %lt3A_2282 : i32 to vector<16xi32>
      %lt3A_2284 = arith.cmpi slt, %broadcast_in_dim3A_2281, %lt3A_2283 : vector<16xi32>
      %add3A_2285 = arith.constant 16 : i32
      %add3A_2286 = vector.broadcast %add3A_2285 : i32 to vector<16xi32>
      %add3A_2287 = arith.addi %broadcast_in_dim3A_2281, %add3A_2286 : vector<16xi32>
      %select_n3A_2288 = arith.select %lt3A_2284, %add3A_2287, %broadcast_in_dim3A_2281 : vector<16xi1>, vector<16xi32>
      %broadcast_in_dim3A_2289 = vector.shape_cast %select_n3A_2288 : vector<16xi32> to vector<16x1xi32>
      %gather3A_2290 = vector.shape_cast %broadcast_in_dim3A_2289 : vector<16x1xi32> to vector<16xi32>
      %gather3A_2291 = tpu.dynamic_gather %sub3A_41[%gather3A_2290] in [0] : vector<16xf32>, vector<16xi32> -> vector<16xf32>
      %broadcast_in_dim3A_2292 = arith.constant 3 : i32
      %broadcast_in_dim3A_2293 = vector.broadcast %broadcast_in_dim3A_2292 : i32 to vector<16xi32>
      %lt3A_2294 = arith.constant 0 : i32
      %lt3A_2295 = vector.broadcast %lt3A_2294 : i32 to vector<16xi32>
      %lt3A_2296 = arith.cmpi slt, %broadcast_in_dim3A_2293, %lt3A_2295 : vector<16xi32>
      %add3A_2297 = arith.constant 16 : i32
      %add3A_2298 = vector.broadcast %add3A_2297 : i32 to vector<16xi32>
      %add3A_2299 = arith.addi %broadcast_in_dim3A_2293, %add3A_2298 : vector<16xi32>
      %select_n3A_2300 = arith.select %lt3A_2296, %add3A_2299, %broadcast_in_dim3A_2293 : vector<16xi1>, vector<16xi32>
      %broadcast_in_dim3A_2301 = vector.shape_cast %select_n3A_2300 : vector<16xi32> to vector<16x1xi32>
      %gather3A_2302 = vector.shape_cast %broadcast_in_dim3A_2301 : vector<16x1xi32> to vector<16xi32>
      %gather3A_2303 = tpu.dynamic_gather %sub3A_43[%gather3A_2302] in [0] : vector<16xf32>, vector<16xi32> -> vector<16xf32>
      %broadcast_in_dim3A_2304 = arith.constant 3 : i32
      %broadcast_in_dim3A_2305 = vector.broadcast %broadcast_in_dim3A_2304 : i32 to vector<16xi32>
      %lt3A_2306 = arith.constant 0 : i32
      %lt3A_2307 = vector.broadcast %lt3A_2306 : i32 to vector<16xi32>
      %lt3A_2308 = arith.cmpi slt, %broadcast_in_dim3A_2305, %lt3A_2307 : vector<16xi32>
      %add3A_2309 = arith.constant 16 : i32
      %add3A_2310 = vector.broadcast %add3A_2309 : i32 to vector<16xi32>
      %add3A_2311 = arith.addi %broadcast_in_dim3A_2305, %add3A_2310 : vector<16xi32>
      %select_n3A_2312 = arith.select %lt3A_2308, %add3A_2311, %broadcast_in_dim3A_2305 : vector<16xi1>, vector<16xi32>
      %broadcast_in_dim3A_2313 = vector.shape_cast %select_n3A_2312 : vector<16xi32> to vector<16x1xi32>
      %gather3A_2314 = vector.shape_cast %broadcast_in_dim3A_2313 : vector<16x1xi32> to vector<16xi32>
      %gather3A_2315 = tpu.dynamic_gather %add3A_49[%gather3A_2314] in [0] : vector<16xf32>, vector<16xi32> -> vector<16xf32>
      %add3A_2316 = arith.addi %add3A_76, %min3A_2270 : vector<16xi32>
      %gather3A_2317 = tpu.vector_load_idx %arg14[%add3A_2316] : memref<65024xf32, #tpu.memory_space<vmem>>[vector<16xi32>], vector<16xf32>,
      %select_n3A_2318 = arith.select %eq3A_2276, %get3A_109, %gather3A_2317 : vector<16xi1>, vector<16xf32>
      %add3A_2319 = arith.addi %add3A_76, %min3A_2273 : vector<16xi32>
      %gather3A_2320 = tpu.vector_load_idx %arg14[%add3A_2319] : memref<65024xf32, #tpu.memory_space<vmem>>[vector<16xi32>], vector<16xf32>,
      %select_n3A_2321 = arith.select %eq3A_2279, %get3A_109, %gather3A_2320 : vector<16xi1>, vector<16xf32>
      %mul3A_2322 = arith.mulf %gather3A_2315, %select_n3A_2321 : vector<16xf32>
      %add3A_2323 = arith.addf %gather3A_2291, %mul3A_2322 : vector<16xf32>
      %mul3A_2324 = arith.mulf %select_n3A_2318, %add3A_2323 : vector<16xf32>
      %add3A_2325 = arith.addf %add3A_2207, %mul3A_2324 : vector<16xf32>
      %mul3A_2326 = arith.mulf %gather3A_2303, %select_n3A_2321 : vector<16xf32>
      %add3A_2327 = arith.addf %add3A_2325, %mul3A_2326 : vector<16xf32>
      %add3A_2328 = arith.addi %add3A_85, %min3A_2270 : vector<16xi32>
      %gather3A_2329 = tpu.vector_load_idx %arg14[%add3A_2328] : memref<65024xf32, #tpu.memory_space<vmem>>[vector<16xi32>], vector<16xf32>,
      %select_n3A_2330 = arith.select %eq3A_2276, %get3A_115, %gather3A_2329 : vector<16xi1>, vector<16xf32>
      %add3A_2331 = arith.addi %add3A_85, %min3A_2273 : vector<16xi32>
      %gather3A_2332 = tpu.vector_load_idx %arg14[%add3A_2331] : memref<65024xf32, #tpu.memory_space<vmem>>[vector<16xi32>], vector<16xf32>,
      %select_n3A_2333 = arith.select %eq3A_2279, %get3A_115, %gather3A_2332 : vector<16xi1>, vector<16xf32>
      %mul3A_2334 = arith.mulf %gather3A_2315, %select_n3A_2333 : vector<16xf32>
      %add3A_2335 = arith.addf %gather3A_2291, %mul3A_2334 : vector<16xf32>
      %mul3A_2336 = arith.mulf %select_n3A_2330, %add3A_2335 : vector<16xf32>
      %add3A_2337 = arith.addf %add3A_2219, %mul3A_2336 : vector<16xf32>
      %mul3A_2338 = arith.mulf %gather3A_2303, %select_n3A_2333 : vector<16xf32>
      %add3A_2339 = arith.addf %add3A_2337, %mul3A_2338 : vector<16xf32>
      %add3A_2340 = arith.addi %add3A_94, %min3A_2270 : vector<16xi32>
      %gather3A_2341 = tpu.vector_load_idx %arg14[%add3A_2340] : memref<65024xf32, #tpu.memory_space<vmem>>[vector<16xi32>], vector<16xf32>,
      %select_n3A_2342 = arith.select %eq3A_2276, %get3A_121, %gather3A_2341 : vector<16xi1>, vector<16xf32>
      %add3A_2343 = arith.addi %add3A_94, %min3A_2273 : vector<16xi32>
      %gather3A_2344 = tpu.vector_load_idx %arg14[%add3A_2343] : memref<65024xf32, #tpu.memory_space<vmem>>[vector<16xi32>], vector<16xf32>,
      %select_n3A_2345 = arith.select %eq3A_2279, %get3A_121, %gather3A_2344 : vector<16xi1>, vector<16xf32>
      %mul3A_2346 = arith.mulf %gather3A_2315, %select_n3A_2345 : vector<16xf32>
      %add3A_2347 = arith.addf %gather3A_2291, %mul3A_2346 : vector<16xf32>
      %mul3A_2348 = arith.mulf %select_n3A_2342, %add3A_2347 : vector<16xf32>
      %add3A_2349 = arith.addf %add3A_2231, %mul3A_2348 : vector<16xf32>
      %mul3A_2350 = arith.mulf %gather3A_2303, %select_n3A_2345 : vector<16xf32>
      %add3A_2351 = arith.addf %add3A_2349, %mul3A_2350 : vector<16xf32>
      %add3A_2352 = arith.addi %add3A_103, %min3A_2270 : vector<16xi32>
      %gather3A_2353 = tpu.vector_load_idx %arg14[%add3A_2352] : memref<65024xf32, #tpu.memory_space<vmem>>[vector<16xi32>], vector<16xf32>,
      %select_n3A_2354 = arith.select %eq3A_2276, %get3A_127, %gather3A_2353 : vector<16xi1>, vector<16xf32>
      %add3A_2355 = arith.addi %add3A_103, %min3A_2273 : vector<16xi32>
      %gather3A_2356 = tpu.vector_load_idx %arg14[%add3A_2355] : memref<65024xf32, #tpu.memory_space<vmem>>[vector<16xi32>], vector<16xf32>,
      %select_n3A_2357 = arith.select %eq3A_2279, %get3A_127, %gather3A_2356 : vector<16xi1>, vector<16xf32>
      %mul3A_2358 = arith.mulf %gather3A_2315, %select_n3A_2357 : vector<16xf32>
      %add3A_2359 = arith.addf %gather3A_2291, %mul3A_2358 : vector<16xf32>
      %mul3A_2360 = arith.mulf %select_n3A_2354, %add3A_2359 : vector<16xf32>
      %add3A_2361 = arith.addf %add3A_2243, %mul3A_2360 : vector<16xf32>
      %mul3A_2362 = arith.mulf %gather3A_2303, %select_n3A_2357 : vector<16xf32>
      %add3A_2363 = arith.addf %add3A_2361, %mul3A_2362 : vector<16xf32>
      %broadcast_in_dim3A_2364 = arith.constant 4 : i32
      %broadcast_in_dim3A_2365 = vector.broadcast %broadcast_in_dim3A_2364 : i32 to vector<16xi32>
      %lt3A_2366 = arith.constant 0 : i32
      %lt3A_2367 = vector.broadcast %lt3A_2366 : i32 to vector<16xi32>
      %lt3A_2368 = arith.cmpi slt, %broadcast_in_dim3A_2365, %lt3A_2367 : vector<16xi32>
      %add3A_2369 = arith.constant 16 : i32
      %add3A_2370 = vector.broadcast %add3A_2369 : i32 to vector<16xi32>
      %add3A_2371 = arith.addi %broadcast_in_dim3A_2365, %add3A_2370 : vector<16xi32>
      %select_n3A_2372 = arith.select %lt3A_2368, %add3A_2371, %broadcast_in_dim3A_2365 : vector<16xi1>, vector<16xi32>
      %broadcast_in_dim3A_2373 = vector.shape_cast %select_n3A_2372 : vector<16xi32> to vector<16x1xi32>
      %gather3A_2374 = vector.shape_cast %broadcast_in_dim3A_2373 : vector<16x1xi32> to vector<16xi32>
      %gather3A_2375 = tpu.dynamic_gather %get3A_19[%gather3A_2374] in [0] : vector<16xi32>, vector<16xi32> -> vector<16xi32>
      %broadcast_in_dim3A_2376 = arith.constant 4 : i32
      %broadcast_in_dim3A_2377 = vector.broadcast %broadcast_in_dim3A_2376 : i32 to vector<16xi32>
      %lt3A_2378 = arith.constant 0 : i32
      %lt3A_2379 = vector.broadcast %lt3A_2378 : i32 to vector<16xi32>
      %lt3A_2380 = arith.cmpi slt, %broadcast_in_dim3A_2377, %lt3A_2379 : vector<16xi32>
      %add3A_2381 = arith.constant 16 : i32
      %add3A_2382 = vector.broadcast %add3A_2381 : i32 to vector<16xi32>
      %add3A_2383 = arith.addi %broadcast_in_dim3A_2377, %add3A_2382 : vector<16xi32>
      %select_n3A_2384 = arith.select %lt3A_2380, %add3A_2383, %broadcast_in_dim3A_2377 : vector<16xi1>, vector<16xi32>
      %broadcast_in_dim3A_2385 = vector.shape_cast %select_n3A_2384 : vector<16xi32> to vector<16x1xi32>
      %gather3A_2386 = vector.shape_cast %broadcast_in_dim3A_2385 : vector<16x1xi32> to vector<16xi32>
      %gather3A_2387 = tpu.dynamic_gather %get3A_23[%gather3A_2386] in [0] : vector<16xi32>, vector<16xi32> -> vector<16xi32>
      %min3A_2388 = arith.constant 126 : i32
      %min3A_2389 = vector.broadcast %min3A_2388 : i32 to vector<16xi32>
      %min3A_2390 = arith.minsi %gather3A_2375, %min3A_2389 : vector<16xi32>
      %min3A_2391 = arith.constant 126 : i32
      %min3A_2392 = vector.broadcast %min3A_2391 : i32 to vector<16xi32>
      %min3A_2393 = arith.minsi %gather3A_2387, %min3A_2392 : vector<16xi32>
      %eq3A_2394 = arith.constant 127 : i32
      %eq3A_2395 = vector.broadcast %eq3A_2394 : i32 to vector<16xi32>
      %eq3A_2396 = arith.cmpi eq, %gather3A_2375, %eq3A_2395 : vector<16xi32>
      %eq3A_2397 = arith.constant 127 : i32
      %eq3A_2398 = vector.broadcast %eq3A_2397 : i32 to vector<16xi32>
      %eq3A_2399 = arith.cmpi eq, %gather3A_2387, %eq3A_2398 : vector<16xi32>
      %broadcast_in_dim3A_2400 = arith.constant 4 : i32
      %broadcast_in_dim3A_2401 = vector.broadcast %broadcast_in_dim3A_2400 : i32 to vector<16xi32>
      %lt3A_2402 = arith.constant 0 : i32
      %lt3A_2403 = vector.broadcast %lt3A_2402 : i32 to vector<16xi32>
      %lt3A_2404 = arith.cmpi slt, %broadcast_in_dim3A_2401, %lt3A_2403 : vector<16xi32>
      %add3A_2405 = arith.constant 16 : i32
      %add3A_2406 = vector.broadcast %add3A_2405 : i32 to vector<16xi32>
      %add3A_2407 = arith.addi %broadcast_in_dim3A_2401, %add3A_2406 : vector<16xi32>
      %select_n3A_2408 = arith.select %lt3A_2404, %add3A_2407, %broadcast_in_dim3A_2401 : vector<16xi1>, vector<16xi32>
      %broadcast_in_dim3A_2409 = vector.shape_cast %select_n3A_2408 : vector<16xi32> to vector<16x1xi32>
      %gather3A_2410 = vector.shape_cast %broadcast_in_dim3A_2409 : vector<16x1xi32> to vector<16xi32>
      %gather3A_2411 = tpu.dynamic_gather %sub3A_41[%gather3A_2410] in [0] : vector<16xf32>, vector<16xi32> -> vector<16xf32>
      %broadcast_in_dim3A_2412 = arith.constant 4 : i32
      %broadcast_in_dim3A_2413 = vector.broadcast %broadcast_in_dim3A_2412 : i32 to vector<16xi32>
      %lt3A_2414 = arith.constant 0 : i32
      %lt3A_2415 = vector.broadcast %lt3A_2414 : i32 to vector<16xi32>
      %lt3A_2416 = arith.cmpi slt, %broadcast_in_dim3A_2413, %lt3A_2415 : vector<16xi32>
      %add3A_2417 = arith.constant 16 : i32
      %add3A_2418 = vector.broadcast %add3A_2417 : i32 to vector<16xi32>
      %add3A_2419 = arith.addi %broadcast_in_dim3A_2413, %add3A_2418 : vector<16xi32>
      %select_n3A_2420 = arith.select %lt3A_2416, %add3A_2419, %broadcast_in_dim3A_2413 : vector<16xi1>, vector<16xi32>
      %broadcast_in_dim3A_2421 = vector.shape_cast %select_n3A_2420 : vector<16xi32> to vector<16x1xi32>
      %gather3A_2422 = vector.shape_cast %broadcast_in_dim3A_2421 : vector<16x1xi32> to vector<16xi32>
      %gather3A_2423 = tpu.dynamic_gather %sub3A_43[%gather3A_2422] in [0] : vector<16xf32>, vector<16xi32> -> vector<16xf32>
      %broadcast_in_dim3A_2424 = arith.constant 4 : i32
      %broadcast_in_dim3A_2425 = vector.broadcast %broadcast_in_dim3A_2424 : i32 to vector<16xi32>
      %lt3A_2426 = arith.constant 0 : i32
      %lt3A_2427 = vector.broadcast %lt3A_2426 : i32 to vector<16xi32>
      %lt3A_2428 = arith.cmpi slt, %broadcast_in_dim3A_2425, %lt3A_2427 : vector<16xi32>
      %add3A_2429 = arith.constant 16 : i32
      %add3A_2430 = vector.broadcast %add3A_2429 : i32 to vector<16xi32>
      %add3A_2431 = arith.addi %broadcast_in_dim3A_2425, %add3A_2430 : vector<16xi32>
      %select_n3A_2432 = arith.select %lt3A_2428, %add3A_2431, %broadcast_in_dim3A_2425 : vector<16xi1>, vector<16xi32>
      %broadcast_in_dim3A_2433 = vector.shape_cast %select_n3A_2432 : vector<16xi32> to vector<16x1xi32>
      %gather3A_2434 = vector.shape_cast %broadcast_in_dim3A_2433 : vector<16x1xi32> to vector<16xi32>
      %gather3A_2435 = tpu.dynamic_gather %add3A_49[%gather3A_2434] in [0] : vector<16xf32>, vector<16xi32> -> vector<16xf32>
      %add3A_2436 = arith.addi %add3A_76, %min3A_2390 : vector<16xi32>
      %gather3A_2437 = tpu.vector_load_idx %arg14[%add3A_2436] : memref<65024xf32, #tpu.memory_space<vmem>>[vector<16xi32>], vector<16xf32>,
      %select_n3A_2438 = arith.select %eq3A_2396, %get3A_109, %gather3A_2437 : vector<16xi1>, vector<16xf32>
      %add3A_2439 = arith.addi %add3A_76, %min3A_2393 : vector<16xi32>
      %gather3A_2440 = tpu.vector_load_idx %arg14[%add3A_2439] : memref<65024xf32, #tpu.memory_space<vmem>>[vector<16xi32>], vector<16xf32>,
      %select_n3A_2441 = arith.select %eq3A_2399, %get3A_109, %gather3A_2440 : vector<16xi1>, vector<16xf32>
      %mul3A_2442 = arith.mulf %gather3A_2435, %select_n3A_2441 : vector<16xf32>
      %add3A_2443 = arith.addf %gather3A_2411, %mul3A_2442 : vector<16xf32>
      %mul3A_2444 = arith.mulf %select_n3A_2438, %add3A_2443 : vector<16xf32>
      %add3A_2445 = arith.addf %add3A_2327, %mul3A_2444 : vector<16xf32>
      %mul3A_2446 = arith.mulf %gather3A_2423, %select_n3A_2441 : vector<16xf32>
      %add3A_2447 = arith.addf %add3A_2445, %mul3A_2446 : vector<16xf32>
      %add3A_2448 = arith.addi %add3A_85, %min3A_2390 : vector<16xi32>
      %gather3A_2449 = tpu.vector_load_idx %arg14[%add3A_2448] : memref<65024xf32, #tpu.memory_space<vmem>>[vector<16xi32>], vector<16xf32>,
      %select_n3A_2450 = arith.select %eq3A_2396, %get3A_115, %gather3A_2449 : vector<16xi1>, vector<16xf32>
      %add3A_2451 = arith.addi %add3A_85, %min3A_2393 : vector<16xi32>
      %gather3A_2452 = tpu.vector_load_idx %arg14[%add3A_2451] : memref<65024xf32, #tpu.memory_space<vmem>>[vector<16xi32>], vector<16xf32>,
      %select_n3A_2453 = arith.select %eq3A_2399, %get3A_115, %gather3A_2452 : vector<16xi1>, vector<16xf32>
      %mul3A_2454 = arith.mulf %gather3A_2435, %select_n3A_2453 : vector<16xf32>
      %add3A_2455 = arith.addf %gather3A_2411, %mul3A_2454 : vector<16xf32>
      %mul3A_2456 = arith.mulf %select_n3A_2450, %add3A_2455 : vector<16xf32>
      %add3A_2457 = arith.addf %add3A_2339, %mul3A_2456 : vector<16xf32>
      %mul3A_2458 = arith.mulf %gather3A_2423, %select_n3A_2453 : vector<16xf32>
      %add3A_2459 = arith.addf %add3A_2457, %mul3A_2458 : vector<16xf32>
      %add3A_2460 = arith.addi %add3A_94, %min3A_2390 : vector<16xi32>
      %gather3A_2461 = tpu.vector_load_idx %arg14[%add3A_2460] : memref<65024xf32, #tpu.memory_space<vmem>>[vector<16xi32>], vector<16xf32>,
      %select_n3A_2462 = arith.select %eq3A_2396, %get3A_121, %gather3A_2461 : vector<16xi1>, vector<16xf32>
      %add3A_2463 = arith.addi %add3A_94, %min3A_2393 : vector<16xi32>
      %gather3A_2464 = tpu.vector_load_idx %arg14[%add3A_2463] : memref<65024xf32, #tpu.memory_space<vmem>>[vector<16xi32>], vector<16xf32>,
      %select_n3A_2465 = arith.select %eq3A_2399, %get3A_121, %gather3A_2464 : vector<16xi1>, vector<16xf32>
      %mul3A_2466 = arith.mulf %gather3A_2435, %select_n3A_2465 : vector<16xf32>
      %add3A_2467 = arith.addf %gather3A_2411, %mul3A_2466 : vector<16xf32>
      %mul3A_2468 = arith.mulf %select_n3A_2462, %add3A_2467 : vector<16xf32>
      %add3A_2469 = arith.addf %add3A_2351, %mul3A_2468 : vector<16xf32>
      %mul3A_2470 = arith.mulf %gather3A_2423, %select_n3A_2465 : vector<16xf32>
      %add3A_2471 = arith.addf %add3A_2469, %mul3A_2470 : vector<16xf32>
      %add3A_2472 = arith.addi %add3A_103, %min3A_2390 : vector<16xi32>
      %gather3A_2473 = tpu.vector_load_idx %arg14[%add3A_2472] : memref<65024xf32, #tpu.memory_space<vmem>>[vector<16xi32>], vector<16xf32>,
      %select_n3A_2474 = arith.select %eq3A_2396, %get3A_127, %gather3A_2473 : vector<16xi1>, vector<16xf32>
      %add3A_2475 = arith.addi %add3A_103, %min3A_2393 : vector<16xi32>
      %gather3A_2476 = tpu.vector_load_idx %arg14[%add3A_2475] : memref<65024xf32, #tpu.memory_space<vmem>>[vector<16xi32>], vector<16xf32>,
      %select_n3A_2477 = arith.select %eq3A_2399, %get3A_127, %gather3A_2476 : vector<16xi1>, vector<16xf32>
      %mul3A_2478 = arith.mulf %gather3A_2435, %select_n3A_2477 : vector<16xf32>
      %add3A_2479 = arith.addf %gather3A_2411, %mul3A_2478 : vector<16xf32>
      %mul3A_2480 = arith.mulf %select_n3A_2474, %add3A_2479 : vector<16xf32>
      %add3A_2481 = arith.addf %add3A_2363, %mul3A_2480 : vector<16xf32>
      %mul3A_2482 = arith.mulf %gather3A_2423, %select_n3A_2477 : vector<16xf32>
      %add3A_2483 = arith.addf %add3A_2481, %mul3A_2482 : vector<16xf32>
      %broadcast_in_dim3A_2484 = arith.constant 5 : i32
      %broadcast_in_dim3A_2485 = vector.broadcast %broadcast_in_dim3A_2484 : i32 to vector<16xi32>
      %lt3A_2486 = arith.constant 0 : i32
      %lt3A_2487 = vector.broadcast %lt3A_2486 : i32 to vector<16xi32>
      %lt3A_2488 = arith.cmpi slt, %broadcast_in_dim3A_2485, %lt3A_2487 : vector<16xi32>
      %add3A_2489 = arith.constant 16 : i32
      %add3A_2490 = vector.broadcast %add3A_2489 : i32 to vector<16xi32>
      %add3A_2491 = arith.addi %broadcast_in_dim3A_2485, %add3A_2490 : vector<16xi32>
      %select_n3A_2492 = arith.select %lt3A_2488, %add3A_2491, %broadcast_in_dim3A_2485 : vector<16xi1>, vector<16xi32>
      %broadcast_in_dim3A_2493 = vector.shape_cast %select_n3A_2492 : vector<16xi32> to vector<16x1xi32>
      %gather3A_2494 = vector.shape_cast %broadcast_in_dim3A_2493 : vector<16x1xi32> to vector<16xi32>
      %gather3A_2495 = tpu.dynamic_gather %get3A_19[%gather3A_2494] in [0] : vector<16xi32>, vector<16xi32> -> vector<16xi32>
      %broadcast_in_dim3A_2496 = arith.constant 5 : i32
      %broadcast_in_dim3A_2497 = vector.broadcast %broadcast_in_dim3A_2496 : i32 to vector<16xi32>
      %lt3A_2498 = arith.constant 0 : i32
      %lt3A_2499 = vector.broadcast %lt3A_2498 : i32 to vector<16xi32>
      %lt3A_2500 = arith.cmpi slt, %broadcast_in_dim3A_2497, %lt3A_2499 : vector<16xi32>
      %add3A_2501 = arith.constant 16 : i32
      %add3A_2502 = vector.broadcast %add3A_2501 : i32 to vector<16xi32>
      %add3A_2503 = arith.addi %broadcast_in_dim3A_2497, %add3A_2502 : vector<16xi32>
      %select_n3A_2504 = arith.select %lt3A_2500, %add3A_2503, %broadcast_in_dim3A_2497 : vector<16xi1>, vector<16xi32>
      %broadcast_in_dim3A_2505 = vector.shape_cast %select_n3A_2504 : vector<16xi32> to vector<16x1xi32>
      %gather3A_2506 = vector.shape_cast %broadcast_in_dim3A_2505 : vector<16x1xi32> to vector<16xi32>
      %gather3A_2507 = tpu.dynamic_gather %get3A_23[%gather3A_2506] in [0] : vector<16xi32>, vector<16xi32> -> vector<16xi32>
      %min3A_2508 = arith.constant 126 : i32
      %min3A_2509 = vector.broadcast %min3A_2508 : i32 to vector<16xi32>
      %min3A_2510 = arith.minsi %gather3A_2495, %min3A_2509 : vector<16xi32>
      %min3A_2511 = arith.constant 126 : i32
      %min3A_2512 = vector.broadcast %min3A_2511 : i32 to vector<16xi32>
      %min3A_2513 = arith.minsi %gather3A_2507, %min3A_2512 : vector<16xi32>
      %eq3A_2514 = arith.constant 127 : i32
      %eq3A_2515 = vector.broadcast %eq3A_2514 : i32 to vector<16xi32>
      %eq3A_2516 = arith.cmpi eq, %gather3A_2495, %eq3A_2515 : vector<16xi32>
      %eq3A_2517 = arith.constant 127 : i32
      %eq3A_2518 = vector.broadcast %eq3A_2517 : i32 to vector<16xi32>
      %eq3A_2519 = arith.cmpi eq, %gather3A_2507, %eq3A_2518 : vector<16xi32>
      %broadcast_in_dim3A_2520 = arith.constant 5 : i32
      %broadcast_in_dim3A_2521 = vector.broadcast %broadcast_in_dim3A_2520 : i32 to vector<16xi32>
      %lt3A_2522 = arith.constant 0 : i32
      %lt3A_2523 = vector.broadcast %lt3A_2522 : i32 to vector<16xi32>
      %lt3A_2524 = arith.cmpi slt, %broadcast_in_dim3A_2521, %lt3A_2523 : vector<16xi32>
      %add3A_2525 = arith.constant 16 : i32
      %add3A_2526 = vector.broadcast %add3A_2525 : i32 to vector<16xi32>
      %add3A_2527 = arith.addi %broadcast_in_dim3A_2521, %add3A_2526 : vector<16xi32>
      %select_n3A_2528 = arith.select %lt3A_2524, %add3A_2527, %broadcast_in_dim3A_2521 : vector<16xi1>, vector<16xi32>
      %broadcast_in_dim3A_2529 = vector.shape_cast %select_n3A_2528 : vector<16xi32> to vector<16x1xi32>
      %gather3A_2530 = vector.shape_cast %broadcast_in_dim3A_2529 : vector<16x1xi32> to vector<16xi32>
      %gather3A_2531 = tpu.dynamic_gather %sub3A_41[%gather3A_2530] in [0] : vector<16xf32>, vector<16xi32> -> vector<16xf32>
      %broadcast_in_dim3A_2532 = arith.constant 5 : i32
      %broadcast_in_dim3A_2533 = vector.broadcast %broadcast_in_dim3A_2532 : i32 to vector<16xi32>
      %lt3A_2534 = arith.constant 0 : i32
      %lt3A_2535 = vector.broadcast %lt3A_2534 : i32 to vector<16xi32>
      %lt3A_2536 = arith.cmpi slt, %broadcast_in_dim3A_2533, %lt3A_2535 : vector<16xi32>
      %add3A_2537 = arith.constant 16 : i32
      %add3A_2538 = vector.broadcast %add3A_2537 : i32 to vector<16xi32>
      %add3A_2539 = arith.addi %broadcast_in_dim3A_2533, %add3A_2538 : vector<16xi32>
      %select_n3A_2540 = arith.select %lt3A_2536, %add3A_2539, %broadcast_in_dim3A_2533 : vector<16xi1>, vector<16xi32>
      %broadcast_in_dim3A_2541 = vector.shape_cast %select_n3A_2540 : vector<16xi32> to vector<16x1xi32>
      %gather3A_2542 = vector.shape_cast %broadcast_in_dim3A_2541 : vector<16x1xi32> to vector<16xi32>
      %gather3A_2543 = tpu.dynamic_gather %sub3A_43[%gather3A_2542] in [0] : vector<16xf32>, vector<16xi32> -> vector<16xf32>
      %broadcast_in_dim3A_2544 = arith.constant 5 : i32
      %broadcast_in_dim3A_2545 = vector.broadcast %broadcast_in_dim3A_2544 : i32 to vector<16xi32>
      %lt3A_2546 = arith.constant 0 : i32
      %lt3A_2547 = vector.broadcast %lt3A_2546 : i32 to vector<16xi32>
      %lt3A_2548 = arith.cmpi slt, %broadcast_in_dim3A_2545, %lt3A_2547 : vector<16xi32>
      %add3A_2549 = arith.constant 16 : i32
      %add3A_2550 = vector.broadcast %add3A_2549 : i32 to vector<16xi32>
      %add3A_2551 = arith.addi %broadcast_in_dim3A_2545, %add3A_2550 : vector<16xi32>
      %select_n3A_2552 = arith.select %lt3A_2548, %add3A_2551, %broadcast_in_dim3A_2545 : vector<16xi1>, vector<16xi32>
      %broadcast_in_dim3A_2553 = vector.shape_cast %select_n3A_2552 : vector<16xi32> to vector<16x1xi32>
      %gather3A_2554 = vector.shape_cast %broadcast_in_dim3A_2553 : vector<16x1xi32> to vector<16xi32>
      %gather3A_2555 = tpu.dynamic_gather %add3A_49[%gather3A_2554] in [0] : vector<16xf32>, vector<16xi32> -> vector<16xf32>
      %add3A_2556 = arith.addi %add3A_76, %min3A_2510 : vector<16xi32>
      %gather3A_2557 = tpu.vector_load_idx %arg14[%add3A_2556] : memref<65024xf32, #tpu.memory_space<vmem>>[vector<16xi32>], vector<16xf32>,
      %select_n3A_2558 = arith.select %eq3A_2516, %get3A_109, %gather3A_2557 : vector<16xi1>, vector<16xf32>
      %add3A_2559 = arith.addi %add3A_76, %min3A_2513 : vector<16xi32>
      %gather3A_2560 = tpu.vector_load_idx %arg14[%add3A_2559] : memref<65024xf32, #tpu.memory_space<vmem>>[vector<16xi32>], vector<16xf32>,
      %select_n3A_2561 = arith.select %eq3A_2519, %get3A_109, %gather3A_2560 : vector<16xi1>, vector<16xf32>
      %mul3A_2562 = arith.mulf %gather3A_2555, %select_n3A_2561 : vector<16xf32>
      %add3A_2563 = arith.addf %gather3A_2531, %mul3A_2562 : vector<16xf32>
      %mul3A_2564 = arith.mulf %select_n3A_2558, %add3A_2563 : vector<16xf32>
      %add3A_2565 = arith.addf %add3A_2447, %mul3A_2564 : vector<16xf32>
      %mul3A_2566 = arith.mulf %gather3A_2543, %select_n3A_2561 : vector<16xf32>
      %add3A_2567 = arith.addf %add3A_2565, %mul3A_2566 : vector<16xf32>
      %add3A_2568 = arith.addi %add3A_85, %min3A_2510 : vector<16xi32>
      %gather3A_2569 = tpu.vector_load_idx %arg14[%add3A_2568] : memref<65024xf32, #tpu.memory_space<vmem>>[vector<16xi32>], vector<16xf32>,
      %select_n3A_2570 = arith.select %eq3A_2516, %get3A_115, %gather3A_2569 : vector<16xi1>, vector<16xf32>
      %add3A_2571 = arith.addi %add3A_85, %min3A_2513 : vector<16xi32>
      %gather3A_2572 = tpu.vector_load_idx %arg14[%add3A_2571] : memref<65024xf32, #tpu.memory_space<vmem>>[vector<16xi32>], vector<16xf32>,
      %select_n3A_2573 = arith.select %eq3A_2519, %get3A_115, %gather3A_2572 : vector<16xi1>, vector<16xf32>
      %mul3A_2574 = arith.mulf %gather3A_2555, %select_n3A_2573 : vector<16xf32>
      %add3A_2575 = arith.addf %gather3A_2531, %mul3A_2574 : vector<16xf32>
      %mul3A_2576 = arith.mulf %select_n3A_2570, %add3A_2575 : vector<16xf32>
      %add3A_2577 = arith.addf %add3A_2459, %mul3A_2576 : vector<16xf32>
      %mul3A_2578 = arith.mulf %gather3A_2543, %select_n3A_2573 : vector<16xf32>
      %add3A_2579 = arith.addf %add3A_2577, %mul3A_2578 : vector<16xf32>
      %add3A_2580 = arith.addi %add3A_94, %min3A_2510 : vector<16xi32>
      %gather3A_2581 = tpu.vector_load_idx %arg14[%add3A_2580] : memref<65024xf32, #tpu.memory_space<vmem>>[vector<16xi32>], vector<16xf32>,
      %select_n3A_2582 = arith.select %eq3A_2516, %get3A_121, %gather3A_2581 : vector<16xi1>, vector<16xf32>
      %add3A_2583 = arith.addi %add3A_94, %min3A_2513 : vector<16xi32>
      %gather3A_2584 = tpu.vector_load_idx %arg14[%add3A_2583] : memref<65024xf32, #tpu.memory_space<vmem>>[vector<16xi32>], vector<16xf32>,
      %select_n3A_2585 = arith.select %eq3A_2519, %get3A_121, %gather3A_2584 : vector<16xi1>, vector<16xf32>
      %mul3A_2586 = arith.mulf %gather3A_2555, %select_n3A_2585 : vector<16xf32>
      %add3A_2587 = arith.addf %gather3A_2531, %mul3A_2586 : vector<16xf32>
      %mul3A_2588 = arith.mulf %select_n3A_2582, %add3A_2587 : vector<16xf32>
      %add3A_2589 = arith.addf %add3A_2471, %mul3A_2588 : vector<16xf32>
      %mul3A_2590 = arith.mulf %gather3A_2543, %select_n3A_2585 : vector<16xf32>
      %add3A_2591 = arith.addf %add3A_2589, %mul3A_2590 : vector<16xf32>
      %add3A_2592 = arith.addi %add3A_103, %min3A_2510 : vector<16xi32>
      %gather3A_2593 = tpu.vector_load_idx %arg14[%add3A_2592] : memref<65024xf32, #tpu.memory_space<vmem>>[vector<16xi32>], vector<16xf32>,
      %select_n3A_2594 = arith.select %eq3A_2516, %get3A_127, %gather3A_2593 : vector<16xi1>, vector<16xf32>
      %add3A_2595 = arith.addi %add3A_103, %min3A_2513 : vector<16xi32>
      %gather3A_2596 = tpu.vector_load_idx %arg14[%add3A_2595] : memref<65024xf32, #tpu.memory_space<vmem>>[vector<16xi32>], vector<16xf32>,
      %select_n3A_2597 = arith.select %eq3A_2519, %get3A_127, %gather3A_2596 : vector<16xi1>, vector<16xf32>
      %mul3A_2598 = arith.mulf %gather3A_2555, %select_n3A_2597 : vector<16xf32>
      %add3A_2599 = arith.addf %gather3A_2531, %mul3A_2598 : vector<16xf32>
      %mul3A_2600 = arith.mulf %select_n3A_2594, %add3A_2599 : vector<16xf32>
      %add3A_2601 = arith.addf %add3A_2483, %mul3A_2600 : vector<16xf32>
      %mul3A_2602 = arith.mulf %gather3A_2543, %select_n3A_2597 : vector<16xf32>
      %add3A_2603 = arith.addf %add3A_2601, %mul3A_2602 : vector<16xf32>
      %broadcast_in_dim3A_2604 = arith.constant 6 : i32
      %broadcast_in_dim3A_2605 = vector.broadcast %broadcast_in_dim3A_2604 : i32 to vector<16xi32>
      %lt3A_2606 = arith.constant 0 : i32
      %lt3A_2607 = vector.broadcast %lt3A_2606 : i32 to vector<16xi32>
      %lt3A_2608 = arith.cmpi slt, %broadcast_in_dim3A_2605, %lt3A_2607 : vector<16xi32>
      %add3A_2609 = arith.constant 16 : i32
      %add3A_2610 = vector.broadcast %add3A_2609 : i32 to vector<16xi32>
      %add3A_2611 = arith.addi %broadcast_in_dim3A_2605, %add3A_2610 : vector<16xi32>
      %select_n3A_2612 = arith.select %lt3A_2608, %add3A_2611, %broadcast_in_dim3A_2605 : vector<16xi1>, vector<16xi32>
      %broadcast_in_dim3A_2613 = vector.shape_cast %select_n3A_2612 : vector<16xi32> to vector<16x1xi32>
      %gather3A_2614 = vector.shape_cast %broadcast_in_dim3A_2613 : vector<16x1xi32> to vector<16xi32>
      %gather3A_2615 = tpu.dynamic_gather %get3A_19[%gather3A_2614] in [0] : vector<16xi32>, vector<16xi32> -> vector<16xi32>
      %broadcast_in_dim3A_2616 = arith.constant 6 : i32
      %broadcast_in_dim3A_2617 = vector.broadcast %broadcast_in_dim3A_2616 : i32 to vector<16xi32>
      %lt3A_2618 = arith.constant 0 : i32
      %lt3A_2619 = vector.broadcast %lt3A_2618 : i32 to vector<16xi32>
      %lt3A_2620 = arith.cmpi slt, %broadcast_in_dim3A_2617, %lt3A_2619 : vector<16xi32>
      %add3A_2621 = arith.constant 16 : i32
      %add3A_2622 = vector.broadcast %add3A_2621 : i32 to vector<16xi32>
      %add3A_2623 = arith.addi %broadcast_in_dim3A_2617, %add3A_2622 : vector<16xi32>
      %select_n3A_2624 = arith.select %lt3A_2620, %add3A_2623, %broadcast_in_dim3A_2617 : vector<16xi1>, vector<16xi32>
      %broadcast_in_dim3A_2625 = vector.shape_cast %select_n3A_2624 : vector<16xi32> to vector<16x1xi32>
      %gather3A_2626 = vector.shape_cast %broadcast_in_dim3A_2625 : vector<16x1xi32> to vector<16xi32>
      %gather3A_2627 = tpu.dynamic_gather %get3A_23[%gather3A_2626] in [0] : vector<16xi32>, vector<16xi32> -> vector<16xi32>
      %min3A_2628 = arith.constant 126 : i32
      %min3A_2629 = vector.broadcast %min3A_2628 : i32 to vector<16xi32>
      %min3A_2630 = arith.minsi %gather3A_2615, %min3A_2629 : vector<16xi32>
      %min3A_2631 = arith.constant 126 : i32
      %min3A_2632 = vector.broadcast %min3A_2631 : i32 to vector<16xi32>
      %min3A_2633 = arith.minsi %gather3A_2627, %min3A_2632 : vector<16xi32>
      %eq3A_2634 = arith.constant 127 : i32
      %eq3A_2635 = vector.broadcast %eq3A_2634 : i32 to vector<16xi32>
      %eq3A_2636 = arith.cmpi eq, %gather3A_2615, %eq3A_2635 : vector<16xi32>
      %eq3A_2637 = arith.constant 127 : i32
      %eq3A_2638 = vector.broadcast %eq3A_2637 : i32 to vector<16xi32>
      %eq3A_2639 = arith.cmpi eq, %gather3A_2627, %eq3A_2638 : vector<16xi32>
      %broadcast_in_dim3A_2640 = arith.constant 6 : i32
      %broadcast_in_dim3A_2641 = vector.broadcast %broadcast_in_dim3A_2640 : i32 to vector<16xi32>
      %lt3A_2642 = arith.constant 0 : i32
      %lt3A_2643 = vector.broadcast %lt3A_2642 : i32 to vector<16xi32>
      %lt3A_2644 = arith.cmpi slt, %broadcast_in_dim3A_2641, %lt3A_2643 : vector<16xi32>
      %add3A_2645 = arith.constant 16 : i32
      %add3A_2646 = vector.broadcast %add3A_2645 : i32 to vector<16xi32>
      %add3A_2647 = arith.addi %broadcast_in_dim3A_2641, %add3A_2646 : vector<16xi32>
      %select_n3A_2648 = arith.select %lt3A_2644, %add3A_2647, %broadcast_in_dim3A_2641 : vector<16xi1>, vector<16xi32>
      %broadcast_in_dim3A_2649 = vector.shape_cast %select_n3A_2648 : vector<16xi32> to vector<16x1xi32>
      %gather3A_2650 = vector.shape_cast %broadcast_in_dim3A_2649 : vector<16x1xi32> to vector<16xi32>
      %gather3A_2651 = tpu.dynamic_gather %sub3A_41[%gather3A_2650] in [0] : vector<16xf32>, vector<16xi32> -> vector<16xf32>
      %broadcast_in_dim3A_2652 = arith.constant 6 : i32
      %broadcast_in_dim3A_2653 = vector.broadcast %broadcast_in_dim3A_2652 : i32 to vector<16xi32>
      %lt3A_2654 = arith.constant 0 : i32
      %lt3A_2655 = vector.broadcast %lt3A_2654 : i32 to vector<16xi32>
      %lt3A_2656 = arith.cmpi slt, %broadcast_in_dim3A_2653, %lt3A_2655 : vector<16xi32>
      %add3A_2657 = arith.constant 16 : i32
      %add3A_2658 = vector.broadcast %add3A_2657 : i32 to vector<16xi32>
      %add3A_2659 = arith.addi %broadcast_in_dim3A_2653, %add3A_2658 : vector<16xi32>
      %select_n3A_2660 = arith.select %lt3A_2656, %add3A_2659, %broadcast_in_dim3A_2653 : vector<16xi1>, vector<16xi32>
      %broadcast_in_dim3A_2661 = vector.shape_cast %select_n3A_2660 : vector<16xi32> to vector<16x1xi32>
      %gather3A_2662 = vector.shape_cast %broadcast_in_dim3A_2661 : vector<16x1xi32> to vector<16xi32>
      %gather3A_2663 = tpu.dynamic_gather %sub3A_43[%gather3A_2662] in [0] : vector<16xf32>, vector<16xi32> -> vector<16xf32>
      %broadcast_in_dim3A_2664 = arith.constant 6 : i32
      %broadcast_in_dim3A_2665 = vector.broadcast %broadcast_in_dim3A_2664 : i32 to vector<16xi32>
      %lt3A_2666 = arith.constant 0 : i32
      %lt3A_2667 = vector.broadcast %lt3A_2666 : i32 to vector<16xi32>
      %lt3A_2668 = arith.cmpi slt, %broadcast_in_dim3A_2665, %lt3A_2667 : vector<16xi32>
      %add3A_2669 = arith.constant 16 : i32
      %add3A_2670 = vector.broadcast %add3A_2669 : i32 to vector<16xi32>
      %add3A_2671 = arith.addi %broadcast_in_dim3A_2665, %add3A_2670 : vector<16xi32>
      %select_n3A_2672 = arith.select %lt3A_2668, %add3A_2671, %broadcast_in_dim3A_2665 : vector<16xi1>, vector<16xi32>
      %broadcast_in_dim3A_2673 = vector.shape_cast %select_n3A_2672 : vector<16xi32> to vector<16x1xi32>
      %gather3A_2674 = vector.shape_cast %broadcast_in_dim3A_2673 : vector<16x1xi32> to vector<16xi32>
      %gather3A_2675 = tpu.dynamic_gather %add3A_49[%gather3A_2674] in [0] : vector<16xf32>, vector<16xi32> -> vector<16xf32>
      %add3A_2676 = arith.addi %add3A_76, %min3A_2630 : vector<16xi32>
      %gather3A_2677 = tpu.vector_load_idx %arg14[%add3A_2676] : memref<65024xf32, #tpu.memory_space<vmem>>[vector<16xi32>], vector<16xf32>,
      %select_n3A_2678 = arith.select %eq3A_2636, %get3A_109, %gather3A_2677 : vector<16xi1>, vector<16xf32>
      %add3A_2679 = arith.addi %add3A_76, %min3A_2633 : vector<16xi32>
      %gather3A_2680 = tpu.vector_load_idx %arg14[%add3A_2679] : memref<65024xf32, #tpu.memory_space<vmem>>[vector<16xi32>], vector<16xf32>,
      %select_n3A_2681 = arith.select %eq3A_2639, %get3A_109, %gather3A_2680 : vector<16xi1>, vector<16xf32>
      %mul3A_2682 = arith.mulf %gather3A_2675, %select_n3A_2681 : vector<16xf32>
      %add3A_2683 = arith.addf %gather3A_2651, %mul3A_2682 : vector<16xf32>
      %mul3A_2684 = arith.mulf %select_n3A_2678, %add3A_2683 : vector<16xf32>
      %add3A_2685 = arith.addf %add3A_2567, %mul3A_2684 : vector<16xf32>
      %mul3A_2686 = arith.mulf %gather3A_2663, %select_n3A_2681 : vector<16xf32>
      %add3A_2687 = arith.addf %add3A_2685, %mul3A_2686 : vector<16xf32>
      %add3A_2688 = arith.addi %add3A_85, %min3A_2630 : vector<16xi32>
      %gather3A_2689 = tpu.vector_load_idx %arg14[%add3A_2688] : memref<65024xf32, #tpu.memory_space<vmem>>[vector<16xi32>], vector<16xf32>,
      %select_n3A_2690 = arith.select %eq3A_2636, %get3A_115, %gather3A_2689 : vector<16xi1>, vector<16xf32>
      %add3A_2691 = arith.addi %add3A_85, %min3A_2633 : vector<16xi32>
      %gather3A_2692 = tpu.vector_load_idx %arg14[%add3A_2691] : memref<65024xf32, #tpu.memory_space<vmem>>[vector<16xi32>], vector<16xf32>,
      %select_n3A_2693 = arith.select %eq3A_2639, %get3A_115, %gather3A_2692 : vector<16xi1>, vector<16xf32>
      %mul3A_2694 = arith.mulf %gather3A_2675, %select_n3A_2693 : vector<16xf32>
      %add3A_2695 = arith.addf %gather3A_2651, %mul3A_2694 : vector<16xf32>
      %mul3A_2696 = arith.mulf %select_n3A_2690, %add3A_2695 : vector<16xf32>
      %add3A_2697 = arith.addf %add3A_2579, %mul3A_2696 : vector<16xf32>
      %mul3A_2698 = arith.mulf %gather3A_2663, %select_n3A_2693 : vector<16xf32>
      %add3A_2699 = arith.addf %add3A_2697, %mul3A_2698 : vector<16xf32>
      %add3A_2700 = arith.addi %add3A_94, %min3A_2630 : vector<16xi32>
      %gather3A_2701 = tpu.vector_load_idx %arg14[%add3A_2700] : memref<65024xf32, #tpu.memory_space<vmem>>[vector<16xi32>], vector<16xf32>,
      %select_n3A_2702 = arith.select %eq3A_2636, %get3A_121, %gather3A_2701 : vector<16xi1>, vector<16xf32>
      %add3A_2703 = arith.addi %add3A_94, %min3A_2633 : vector<16xi32>
      %gather3A_2704 = tpu.vector_load_idx %arg14[%add3A_2703] : memref<65024xf32, #tpu.memory_space<vmem>>[vector<16xi32>], vector<16xf32>,
      %select_n3A_2705 = arith.select %eq3A_2639, %get3A_121, %gather3A_2704 : vector<16xi1>, vector<16xf32>
      %mul3A_2706 = arith.mulf %gather3A_2675, %select_n3A_2705 : vector<16xf32>
      %add3A_2707 = arith.addf %gather3A_2651, %mul3A_2706 : vector<16xf32>
      %mul3A_2708 = arith.mulf %select_n3A_2702, %add3A_2707 : vector<16xf32>
      %add3A_2709 = arith.addf %add3A_2591, %mul3A_2708 : vector<16xf32>
      %mul3A_2710 = arith.mulf %gather3A_2663, %select_n3A_2705 : vector<16xf32>
      %add3A_2711 = arith.addf %add3A_2709, %mul3A_2710 : vector<16xf32>
      %add3A_2712 = arith.addi %add3A_103, %min3A_2630 : vector<16xi32>
      %gather3A_2713 = tpu.vector_load_idx %arg14[%add3A_2712] : memref<65024xf32, #tpu.memory_space<vmem>>[vector<16xi32>], vector<16xf32>,
      %select_n3A_2714 = arith.select %eq3A_2636, %get3A_127, %gather3A_2713 : vector<16xi1>, vector<16xf32>
      %add3A_2715 = arith.addi %add3A_103, %min3A_2633 : vector<16xi32>
      %gather3A_2716 = tpu.vector_load_idx %arg14[%add3A_2715] : memref<65024xf32, #tpu.memory_space<vmem>>[vector<16xi32>], vector<16xf32>,
      %select_n3A_2717 = arith.select %eq3A_2639, %get3A_127, %gather3A_2716 : vector<16xi1>, vector<16xf32>
      %mul3A_2718 = arith.mulf %gather3A_2675, %select_n3A_2717 : vector<16xf32>
      %add3A_2719 = arith.addf %gather3A_2651, %mul3A_2718 : vector<16xf32>
      %mul3A_2720 = arith.mulf %select_n3A_2714, %add3A_2719 : vector<16xf32>
      %add3A_2721 = arith.addf %add3A_2603, %mul3A_2720 : vector<16xf32>
      %mul3A_2722 = arith.mulf %gather3A_2663, %select_n3A_2717 : vector<16xf32>
      %add3A_2723 = arith.addf %add3A_2721, %mul3A_2722 : vector<16xf32>
      %broadcast_in_dim3A_2724 = arith.constant 7 : i32
      %broadcast_in_dim3A_2725 = vector.broadcast %broadcast_in_dim3A_2724 : i32 to vector<16xi32>
      %lt3A_2726 = arith.constant 0 : i32
      %lt3A_2727 = vector.broadcast %lt3A_2726 : i32 to vector<16xi32>
      %lt3A_2728 = arith.cmpi slt, %broadcast_in_dim3A_2725, %lt3A_2727 : vector<16xi32>
      %add3A_2729 = arith.constant 16 : i32
      %add3A_2730 = vector.broadcast %add3A_2729 : i32 to vector<16xi32>
      %add3A_2731 = arith.addi %broadcast_in_dim3A_2725, %add3A_2730 : vector<16xi32>
      %select_n3A_2732 = arith.select %lt3A_2728, %add3A_2731, %broadcast_in_dim3A_2725 : vector<16xi1>, vector<16xi32>
      %broadcast_in_dim3A_2733 = vector.shape_cast %select_n3A_2732 : vector<16xi32> to vector<16x1xi32>
      %gather3A_2734 = vector.shape_cast %broadcast_in_dim3A_2733 : vector<16x1xi32> to vector<16xi32>
      %gather3A_2735 = tpu.dynamic_gather %get3A_19[%gather3A_2734] in [0] : vector<16xi32>, vector<16xi32> -> vector<16xi32>
      %broadcast_in_dim3A_2736 = arith.constant 7 : i32
      %broadcast_in_dim3A_2737 = vector.broadcast %broadcast_in_dim3A_2736 : i32 to vector<16xi32>
      %lt3A_2738 = arith.constant 0 : i32
      %lt3A_2739 = vector.broadcast %lt3A_2738 : i32 to vector<16xi32>
      %lt3A_2740 = arith.cmpi slt, %broadcast_in_dim3A_2737, %lt3A_2739 : vector<16xi32>
      %add3A_2741 = arith.constant 16 : i32
      %add3A_2742 = vector.broadcast %add3A_2741 : i32 to vector<16xi32>
      %add3A_2743 = arith.addi %broadcast_in_dim3A_2737, %add3A_2742 : vector<16xi32>
      %select_n3A_2744 = arith.select %lt3A_2740, %add3A_2743, %broadcast_in_dim3A_2737 : vector<16xi1>, vector<16xi32>
      %broadcast_in_dim3A_2745 = vector.shape_cast %select_n3A_2744 : vector<16xi32> to vector<16x1xi32>
      %gather3A_2746 = vector.shape_cast %broadcast_in_dim3A_2745 : vector<16x1xi32> to vector<16xi32>
      %gather3A_2747 = tpu.dynamic_gather %get3A_23[%gather3A_2746] in [0] : vector<16xi32>, vector<16xi32> -> vector<16xi32>
      %min3A_2748 = arith.constant 126 : i32
      %min3A_2749 = vector.broadcast %min3A_2748 : i32 to vector<16xi32>
      %min3A_2750 = arith.minsi %gather3A_2735, %min3A_2749 : vector<16xi32>
      %min3A_2751 = arith.constant 126 : i32
      %min3A_2752 = vector.broadcast %min3A_2751 : i32 to vector<16xi32>
      %min3A_2753 = arith.minsi %gather3A_2747, %min3A_2752 : vector<16xi32>
      %eq3A_2754 = arith.constant 127 : i32
      %eq3A_2755 = vector.broadcast %eq3A_2754 : i32 to vector<16xi32>
      %eq3A_2756 = arith.cmpi eq, %gather3A_2735, %eq3A_2755 : vector<16xi32>
      %eq3A_2757 = arith.constant 127 : i32
      %eq3A_2758 = vector.broadcast %eq3A_2757 : i32 to vector<16xi32>
      %eq3A_2759 = arith.cmpi eq, %gather3A_2747, %eq3A_2758 : vector<16xi32>
      %broadcast_in_dim3A_2760 = arith.constant 7 : i32
      %broadcast_in_dim3A_2761 = vector.broadcast %broadcast_in_dim3A_2760 : i32 to vector<16xi32>
      %lt3A_2762 = arith.constant 0 : i32
      %lt3A_2763 = vector.broadcast %lt3A_2762 : i32 to vector<16xi32>
      %lt3A_2764 = arith.cmpi slt, %broadcast_in_dim3A_2761, %lt3A_2763 : vector<16xi32>
      %add3A_2765 = arith.constant 16 : i32
      %add3A_2766 = vector.broadcast %add3A_2765 : i32 to vector<16xi32>
      %add3A_2767 = arith.addi %broadcast_in_dim3A_2761, %add3A_2766 : vector<16xi32>
      %select_n3A_2768 = arith.select %lt3A_2764, %add3A_2767, %broadcast_in_dim3A_2761 : vector<16xi1>, vector<16xi32>
      %broadcast_in_dim3A_2769 = vector.shape_cast %select_n3A_2768 : vector<16xi32> to vector<16x1xi32>
      %gather3A_2770 = vector.shape_cast %broadcast_in_dim3A_2769 : vector<16x1xi32> to vector<16xi32>
      %gather3A_2771 = tpu.dynamic_gather %sub3A_41[%gather3A_2770] in [0] : vector<16xf32>, vector<16xi32> -> vector<16xf32>
      %broadcast_in_dim3A_2772 = arith.constant 7 : i32
      %broadcast_in_dim3A_2773 = vector.broadcast %broadcast_in_dim3A_2772 : i32 to vector<16xi32>
      %lt3A_2774 = arith.constant 0 : i32
      %lt3A_2775 = vector.broadcast %lt3A_2774 : i32 to vector<16xi32>
      %lt3A_2776 = arith.cmpi slt, %broadcast_in_dim3A_2773, %lt3A_2775 : vector<16xi32>
      %add3A_2777 = arith.constant 16 : i32
      %add3A_2778 = vector.broadcast %add3A_2777 : i32 to vector<16xi32>
      %add3A_2779 = arith.addi %broadcast_in_dim3A_2773, %add3A_2778 : vector<16xi32>
      %select_n3A_2780 = arith.select %lt3A_2776, %add3A_2779, %broadcast_in_dim3A_2773 : vector<16xi1>, vector<16xi32>
      %broadcast_in_dim3A_2781 = vector.shape_cast %select_n3A_2780 : vector<16xi32> to vector<16x1xi32>
      %gather3A_2782 = vector.shape_cast %broadcast_in_dim3A_2781 : vector<16x1xi32> to vector<16xi32>
      %gather3A_2783 = tpu.dynamic_gather %sub3A_43[%gather3A_2782] in [0] : vector<16xf32>, vector<16xi32> -> vector<16xf32>
      %broadcast_in_dim3A_2784 = arith.constant 7 : i32
      %broadcast_in_dim3A_2785 = vector.broadcast %broadcast_in_dim3A_2784 : i32 to vector<16xi32>
      %lt3A_2786 = arith.constant 0 : i32
      %lt3A_2787 = vector.broadcast %lt3A_2786 : i32 to vector<16xi32>
      %lt3A_2788 = arith.cmpi slt, %broadcast_in_dim3A_2785, %lt3A_2787 : vector<16xi32>
      %add3A_2789 = arith.constant 16 : i32
      %add3A_2790 = vector.broadcast %add3A_2789 : i32 to vector<16xi32>
      %add3A_2791 = arith.addi %broadcast_in_dim3A_2785, %add3A_2790 : vector<16xi32>
      %select_n3A_2792 = arith.select %lt3A_2788, %add3A_2791, %broadcast_in_dim3A_2785 : vector<16xi1>, vector<16xi32>
      %broadcast_in_dim3A_2793 = vector.shape_cast %select_n3A_2792 : vector<16xi32> to vector<16x1xi32>
      %gather3A_2794 = vector.shape_cast %broadcast_in_dim3A_2793 : vector<16x1xi32> to vector<16xi32>
      %gather3A_2795 = tpu.dynamic_gather %add3A_49[%gather3A_2794] in [0] : vector<16xf32>, vector<16xi32> -> vector<16xf32>
      %add3A_2796 = arith.addi %add3A_76, %min3A_2750 : vector<16xi32>
      %gather3A_2797 = tpu.vector_load_idx %arg14[%add3A_2796] : memref<65024xf32, #tpu.memory_space<vmem>>[vector<16xi32>], vector<16xf32>,
      %select_n3A_2798 = arith.select %eq3A_2756, %get3A_109, %gather3A_2797 : vector<16xi1>, vector<16xf32>
      %add3A_2799 = arith.addi %add3A_76, %min3A_2753 : vector<16xi32>
      %gather3A_2800 = tpu.vector_load_idx %arg14[%add3A_2799] : memref<65024xf32, #tpu.memory_space<vmem>>[vector<16xi32>], vector<16xf32>,
      %select_n3A_2801 = arith.select %eq3A_2759, %get3A_109, %gather3A_2800 : vector<16xi1>, vector<16xf32>
      %mul3A_2802 = arith.mulf %gather3A_2795, %select_n3A_2801 : vector<16xf32>
      %add3A_2803 = arith.addf %gather3A_2771, %mul3A_2802 : vector<16xf32>
      %mul3A_2804 = arith.mulf %select_n3A_2798, %add3A_2803 : vector<16xf32>
      %add3A_2805 = arith.addf %add3A_2687, %mul3A_2804 : vector<16xf32>
      %mul3A_2806 = arith.mulf %gather3A_2783, %select_n3A_2801 : vector<16xf32>
      %add3A_2807 = arith.addf %add3A_2805, %mul3A_2806 : vector<16xf32>
      %add3A_2808 = arith.addi %add3A_85, %min3A_2750 : vector<16xi32>
      %gather3A_2809 = tpu.vector_load_idx %arg14[%add3A_2808] : memref<65024xf32, #tpu.memory_space<vmem>>[vector<16xi32>], vector<16xf32>,
      %select_n3A_2810 = arith.select %eq3A_2756, %get3A_115, %gather3A_2809 : vector<16xi1>, vector<16xf32>
      %add3A_2811 = arith.addi %add3A_85, %min3A_2753 : vector<16xi32>
      %gather3A_2812 = tpu.vector_load_idx %arg14[%add3A_2811] : memref<65024xf32, #tpu.memory_space<vmem>>[vector<16xi32>], vector<16xf32>,
      %select_n3A_2813 = arith.select %eq3A_2759, %get3A_115, %gather3A_2812 : vector<16xi1>, vector<16xf32>
      %mul3A_2814 = arith.mulf %gather3A_2795, %select_n3A_2813 : vector<16xf32>
      %add3A_2815 = arith.addf %gather3A_2771, %mul3A_2814 : vector<16xf32>
      %mul3A_2816 = arith.mulf %select_n3A_2810, %add3A_2815 : vector<16xf32>
      %add3A_2817 = arith.addf %add3A_2699, %mul3A_2816 : vector<16xf32>
      %mul3A_2818 = arith.mulf %gather3A_2783, %select_n3A_2813 : vector<16xf32>
      %add3A_2819 = arith.addf %add3A_2817, %mul3A_2818 : vector<16xf32>
      %add3A_2820 = arith.addi %add3A_94, %min3A_2750 : vector<16xi32>
      %gather3A_2821 = tpu.vector_load_idx %arg14[%add3A_2820] : memref<65024xf32, #tpu.memory_space<vmem>>[vector<16xi32>], vector<16xf32>,
      %select_n3A_2822 = arith.select %eq3A_2756, %get3A_121, %gather3A_2821 : vector<16xi1>, vector<16xf32>
      %add3A_2823 = arith.addi %add3A_94, %min3A_2753 : vector<16xi32>
      %gather3A_2824 = tpu.vector_load_idx %arg14[%add3A_2823] : memref<65024xf32, #tpu.memory_space<vmem>>[vector<16xi32>], vector<16xf32>,
      %select_n3A_2825 = arith.select %eq3A_2759, %get3A_121, %gather3A_2824 : vector<16xi1>, vector<16xf32>
      %mul3A_2826 = arith.mulf %gather3A_2795, %select_n3A_2825 : vector<16xf32>
      %add3A_2827 = arith.addf %gather3A_2771, %mul3A_2826 : vector<16xf32>
      %mul3A_2828 = arith.mulf %select_n3A_2822, %add3A_2827 : vector<16xf32>
      %add3A_2829 = arith.addf %add3A_2711, %mul3A_2828 : vector<16xf32>
      %mul3A_2830 = arith.mulf %gather3A_2783, %select_n3A_2825 : vector<16xf32>
      %add3A_2831 = arith.addf %add3A_2829, %mul3A_2830 : vector<16xf32>
      %add3A_2832 = arith.addi %add3A_103, %min3A_2750 : vector<16xi32>
      %gather3A_2833 = tpu.vector_load_idx %arg14[%add3A_2832] : memref<65024xf32, #tpu.memory_space<vmem>>[vector<16xi32>], vector<16xf32>,
      %select_n3A_2834 = arith.select %eq3A_2756, %get3A_127, %gather3A_2833 : vector<16xi1>, vector<16xf32>
      %add3A_2835 = arith.addi %add3A_103, %min3A_2753 : vector<16xi32>
      %gather3A_2836 = tpu.vector_load_idx %arg14[%add3A_2835] : memref<65024xf32, #tpu.memory_space<vmem>>[vector<16xi32>], vector<16xf32>,
      %select_n3A_2837 = arith.select %eq3A_2759, %get3A_127, %gather3A_2836 : vector<16xi1>, vector<16xf32>
      %mul3A_2838 = arith.mulf %gather3A_2795, %select_n3A_2837 : vector<16xf32>
      %add3A_2839 = arith.addf %gather3A_2771, %mul3A_2838 : vector<16xf32>
      %mul3A_2840 = arith.mulf %select_n3A_2834, %add3A_2839 : vector<16xf32>
      %add3A_2841 = arith.addf %add3A_2723, %mul3A_2840 : vector<16xf32>
      %mul3A_2842 = arith.mulf %gather3A_2783, %select_n3A_2837 : vector<16xf32>
      %add3A_2843 = arith.addf %add3A_2841, %mul3A_2842 : vector<16xf32>
      %broadcast_in_dim3A_2844 = arith.constant 8 : i32
      %broadcast_in_dim3A_2845 = vector.broadcast %broadcast_in_dim3A_2844 : i32 to vector<16xi32>
      %lt3A_2846 = arith.constant 0 : i32
      %lt3A_2847 = vector.broadcast %lt3A_2846 : i32 to vector<16xi32>
      %lt3A_2848 = arith.cmpi slt, %broadcast_in_dim3A_2845, %lt3A_2847 : vector<16xi32>
      %add3A_2849 = arith.constant 16 : i32
      %add3A_2850 = vector.broadcast %add3A_2849 : i32 to vector<16xi32>
      %add3A_2851 = arith.addi %broadcast_in_dim3A_2845, %add3A_2850 : vector<16xi32>
      %select_n3A_2852 = arith.select %lt3A_2848, %add3A_2851, %broadcast_in_dim3A_2845 : vector<16xi1>, vector<16xi32>
      %broadcast_in_dim3A_2853 = vector.shape_cast %select_n3A_2852 : vector<16xi32> to vector<16x1xi32>
      %gather3A_2854 = vector.shape_cast %broadcast_in_dim3A_2853 : vector<16x1xi32> to vector<16xi32>
      %gather3A_2855 = tpu.dynamic_gather %get3A_19[%gather3A_2854] in [0] : vector<16xi32>, vector<16xi32> -> vector<16xi32>
      %broadcast_in_dim3A_2856 = arith.constant 8 : i32
      %broadcast_in_dim3A_2857 = vector.broadcast %broadcast_in_dim3A_2856 : i32 to vector<16xi32>
      %lt3A_2858 = arith.constant 0 : i32
      %lt3A_2859 = vector.broadcast %lt3A_2858 : i32 to vector<16xi32>
      %lt3A_2860 = arith.cmpi slt, %broadcast_in_dim3A_2857, %lt3A_2859 : vector<16xi32>
      %add3A_2861 = arith.constant 16 : i32
      %add3A_2862 = vector.broadcast %add3A_2861 : i32 to vector<16xi32>
      %add3A_2863 = arith.addi %broadcast_in_dim3A_2857, %add3A_2862 : vector<16xi32>
      %select_n3A_2864 = arith.select %lt3A_2860, %add3A_2863, %broadcast_in_dim3A_2857 : vector<16xi1>, vector<16xi32>
      %broadcast_in_dim3A_2865 = vector.shape_cast %select_n3A_2864 : vector<16xi32> to vector<16x1xi32>
      %gather3A_2866 = vector.shape_cast %broadcast_in_dim3A_2865 : vector<16x1xi32> to vector<16xi32>
      %gather3A_2867 = tpu.dynamic_gather %get3A_23[%gather3A_2866] in [0] : vector<16xi32>, vector<16xi32> -> vector<16xi32>
      %min3A_2868 = arith.constant 126 : i32
      %min3A_2869 = vector.broadcast %min3A_2868 : i32 to vector<16xi32>
      %min3A_2870 = arith.minsi %gather3A_2855, %min3A_2869 : vector<16xi32>
      %min3A_2871 = arith.constant 126 : i32
      %min3A_2872 = vector.broadcast %min3A_2871 : i32 to vector<16xi32>
      %min3A_2873 = arith.minsi %gather3A_2867, %min3A_2872 : vector<16xi32>
      %eq3A_2874 = arith.constant 127 : i32
      %eq3A_2875 = vector.broadcast %eq3A_2874 : i32 to vector<16xi32>
      %eq3A_2876 = arith.cmpi eq, %gather3A_2855, %eq3A_2875 : vector<16xi32>
      %eq3A_2877 = arith.constant 127 : i32
      %eq3A_2878 = vector.broadcast %eq3A_2877 : i32 to vector<16xi32>
      %eq3A_2879 = arith.cmpi eq, %gather3A_2867, %eq3A_2878 : vector<16xi32>
      %broadcast_in_dim3A_2880 = arith.constant 8 : i32
      %broadcast_in_dim3A_2881 = vector.broadcast %broadcast_in_dim3A_2880 : i32 to vector<16xi32>
      %lt3A_2882 = arith.constant 0 : i32
      %lt3A_2883 = vector.broadcast %lt3A_2882 : i32 to vector<16xi32>
      %lt3A_2884 = arith.cmpi slt, %broadcast_in_dim3A_2881, %lt3A_2883 : vector<16xi32>
      %add3A_2885 = arith.constant 16 : i32
      %add3A_2886 = vector.broadcast %add3A_2885 : i32 to vector<16xi32>
      %add3A_2887 = arith.addi %broadcast_in_dim3A_2881, %add3A_2886 : vector<16xi32>
      %select_n3A_2888 = arith.select %lt3A_2884, %add3A_2887, %broadcast_in_dim3A_2881 : vector<16xi1>, vector<16xi32>
      %broadcast_in_dim3A_2889 = vector.shape_cast %select_n3A_2888 : vector<16xi32> to vector<16x1xi32>
      %gather3A_2890 = vector.shape_cast %broadcast_in_dim3A_2889 : vector<16x1xi32> to vector<16xi32>
      %gather3A_2891 = tpu.dynamic_gather %sub3A_41[%gather3A_2890] in [0] : vector<16xf32>, vector<16xi32> -> vector<16xf32>
      %broadcast_in_dim3A_2892 = arith.constant 8 : i32
      %broadcast_in_dim3A_2893 = vector.broadcast %broadcast_in_dim3A_2892 : i32 to vector<16xi32>
      %lt3A_2894 = arith.constant 0 : i32
      %lt3A_2895 = vector.broadcast %lt3A_2894 : i32 to vector<16xi32>
      %lt3A_2896 = arith.cmpi slt, %broadcast_in_dim3A_2893, %lt3A_2895 : vector<16xi32>
      %add3A_2897 = arith.constant 16 : i32
      %add3A_2898 = vector.broadcast %add3A_2897 : i32 to vector<16xi32>
      %add3A_2899 = arith.addi %broadcast_in_dim3A_2893, %add3A_2898 : vector<16xi32>
      %select_n3A_2900 = arith.select %lt3A_2896, %add3A_2899, %broadcast_in_dim3A_2893 : vector<16xi1>, vector<16xi32>
      %broadcast_in_dim3A_2901 = vector.shape_cast %select_n3A_2900 : vector<16xi32> to vector<16x1xi32>
      %gather3A_2902 = vector.shape_cast %broadcast_in_dim3A_2901 : vector<16x1xi32> to vector<16xi32>
      %gather3A_2903 = tpu.dynamic_gather %sub3A_43[%gather3A_2902] in [0] : vector<16xf32>, vector<16xi32> -> vector<16xf32>
      %broadcast_in_dim3A_2904 = arith.constant 8 : i32
      %broadcast_in_dim3A_2905 = vector.broadcast %broadcast_in_dim3A_2904 : i32 to vector<16xi32>
      %lt3A_2906 = arith.constant 0 : i32
      %lt3A_2907 = vector.broadcast %lt3A_2906 : i32 to vector<16xi32>
      %lt3A_2908 = arith.cmpi slt, %broadcast_in_dim3A_2905, %lt3A_2907 : vector<16xi32>
      %add3A_2909 = arith.constant 16 : i32
      %add3A_2910 = vector.broadcast %add3A_2909 : i32 to vector<16xi32>
      %add3A_2911 = arith.addi %broadcast_in_dim3A_2905, %add3A_2910 : vector<16xi32>
      %select_n3A_2912 = arith.select %lt3A_2908, %add3A_2911, %broadcast_in_dim3A_2905 : vector<16xi1>, vector<16xi32>
      %broadcast_in_dim3A_2913 = vector.shape_cast %select_n3A_2912 : vector<16xi32> to vector<16x1xi32>
      %gather3A_2914 = vector.shape_cast %broadcast_in_dim3A_2913 : vector<16x1xi32> to vector<16xi32>
      %gather3A_2915 = tpu.dynamic_gather %add3A_49[%gather3A_2914] in [0] : vector<16xf32>, vector<16xi32> -> vector<16xf32>
      %add3A_2916 = arith.addi %add3A_76, %min3A_2870 : vector<16xi32>
      %gather3A_2917 = tpu.vector_load_idx %arg14[%add3A_2916] : memref<65024xf32, #tpu.memory_space<vmem>>[vector<16xi32>], vector<16xf32>,
      %select_n3A_2918 = arith.select %eq3A_2876, %get3A_109, %gather3A_2917 : vector<16xi1>, vector<16xf32>
      %add3A_2919 = arith.addi %add3A_76, %min3A_2873 : vector<16xi32>
      %gather3A_2920 = tpu.vector_load_idx %arg14[%add3A_2919] : memref<65024xf32, #tpu.memory_space<vmem>>[vector<16xi32>], vector<16xf32>,
      %select_n3A_2921 = arith.select %eq3A_2879, %get3A_109, %gather3A_2920 : vector<16xi1>, vector<16xf32>
      %mul3A_2922 = arith.mulf %gather3A_2915, %select_n3A_2921 : vector<16xf32>
      %add3A_2923 = arith.addf %gather3A_2891, %mul3A_2922 : vector<16xf32>
      %mul3A_2924 = arith.mulf %select_n3A_2918, %add3A_2923 : vector<16xf32>
      %add3A_2925 = arith.addf %add3A_2807, %mul3A_2924 : vector<16xf32>
      %mul3A_2926 = arith.mulf %gather3A_2903, %select_n3A_2921 : vector<16xf32>
      %add3A_2927 = arith.addf %add3A_2925, %mul3A_2926 : vector<16xf32>
      %add3A_2928 = arith.addi %add3A_85, %min3A_2870 : vector<16xi32>
      %gather3A_2929 = tpu.vector_load_idx %arg14[%add3A_2928] : memref<65024xf32, #tpu.memory_space<vmem>>[vector<16xi32>], vector<16xf32>,
      %select_n3A_2930 = arith.select %eq3A_2876, %get3A_115, %gather3A_2929 : vector<16xi1>, vector<16xf32>
      %add3A_2931 = arith.addi %add3A_85, %min3A_2873 : vector<16xi32>
      %gather3A_2932 = tpu.vector_load_idx %arg14[%add3A_2931] : memref<65024xf32, #tpu.memory_space<vmem>>[vector<16xi32>], vector<16xf32>,
      %select_n3A_2933 = arith.select %eq3A_2879, %get3A_115, %gather3A_2932 : vector<16xi1>, vector<16xf32>
      %mul3A_2934 = arith.mulf %gather3A_2915, %select_n3A_2933 : vector<16xf32>
      %add3A_2935 = arith.addf %gather3A_2891, %mul3A_2934 : vector<16xf32>
      %mul3A_2936 = arith.mulf %select_n3A_2930, %add3A_2935 : vector<16xf32>
      %add3A_2937 = arith.addf %add3A_2819, %mul3A_2936 : vector<16xf32>
      %mul3A_2938 = arith.mulf %gather3A_2903, %select_n3A_2933 : vector<16xf32>
      %add3A_2939 = arith.addf %add3A_2937, %mul3A_2938 : vector<16xf32>
      %add3A_2940 = arith.addi %add3A_94, %min3A_2870 : vector<16xi32>
      %gather3A_2941 = tpu.vector_load_idx %arg14[%add3A_2940] : memref<65024xf32, #tpu.memory_space<vmem>>[vector<16xi32>], vector<16xf32>,
      %select_n3A_2942 = arith.select %eq3A_2876, %get3A_121, %gather3A_2941 : vector<16xi1>, vector<16xf32>
      %add3A_2943 = arith.addi %add3A_94, %min3A_2873 : vector<16xi32>
      %gather3A_2944 = tpu.vector_load_idx %arg14[%add3A_2943] : memref<65024xf32, #tpu.memory_space<vmem>>[vector<16xi32>], vector<16xf32>,
      %select_n3A_2945 = arith.select %eq3A_2879, %get3A_121, %gather3A_2944 : vector<16xi1>, vector<16xf32>
      %mul3A_2946 = arith.mulf %gather3A_2915, %select_n3A_2945 : vector<16xf32>
      %add3A_2947 = arith.addf %gather3A_2891, %mul3A_2946 : vector<16xf32>
      %mul3A_2948 = arith.mulf %select_n3A_2942, %add3A_2947 : vector<16xf32>
      %add3A_2949 = arith.addf %add3A_2831, %mul3A_2948 : vector<16xf32>
      %mul3A_2950 = arith.mulf %gather3A_2903, %select_n3A_2945 : vector<16xf32>
      %add3A_2951 = arith.addf %add3A_2949, %mul3A_2950 : vector<16xf32>
      %add3A_2952 = arith.addi %add3A_103, %min3A_2870 : vector<16xi32>
      %gather3A_2953 = tpu.vector_load_idx %arg14[%add3A_2952] : memref<65024xf32, #tpu.memory_space<vmem>>[vector<16xi32>], vector<16xf32>,
      %select_n3A_2954 = arith.select %eq3A_2876, %get3A_127, %gather3A_2953 : vector<16xi1>, vector<16xf32>
      %add3A_2955 = arith.addi %add3A_103, %min3A_2873 : vector<16xi32>
      %gather3A_2956 = tpu.vector_load_idx %arg14[%add3A_2955] : memref<65024xf32, #tpu.memory_space<vmem>>[vector<16xi32>], vector<16xf32>,
      %select_n3A_2957 = arith.select %eq3A_2879, %get3A_127, %gather3A_2956 : vector<16xi1>, vector<16xf32>
      %mul3A_2958 = arith.mulf %gather3A_2915, %select_n3A_2957 : vector<16xf32>
      %add3A_2959 = arith.addf %gather3A_2891, %mul3A_2958 : vector<16xf32>
      %mul3A_2960 = arith.mulf %select_n3A_2954, %add3A_2959 : vector<16xf32>
      %add3A_2961 = arith.addf %add3A_2843, %mul3A_2960 : vector<16xf32>
      %mul3A_2962 = arith.mulf %gather3A_2903, %select_n3A_2957 : vector<16xf32>
      %add3A_2963 = arith.addf %add3A_2961, %mul3A_2962 : vector<16xf32>
      %broadcast_in_dim3A_2964 = arith.constant 9 : i32
      %broadcast_in_dim3A_2965 = vector.broadcast %broadcast_in_dim3A_2964 : i32 to vector<16xi32>
      %lt3A_2966 = arith.constant 0 : i32
      %lt3A_2967 = vector.broadcast %lt3A_2966 : i32 to vector<16xi32>
      %lt3A_2968 = arith.cmpi slt, %broadcast_in_dim3A_2965, %lt3A_2967 : vector<16xi32>
      %add3A_2969 = arith.constant 16 : i32
      %add3A_2970 = vector.broadcast %add3A_2969 : i32 to vector<16xi32>
      %add3A_2971 = arith.addi %broadcast_in_dim3A_2965, %add3A_2970 : vector<16xi32>
      %select_n3A_2972 = arith.select %lt3A_2968, %add3A_2971, %broadcast_in_dim3A_2965 : vector<16xi1>, vector<16xi32>
      %broadcast_in_dim3A_2973 = vector.shape_cast %select_n3A_2972 : vector<16xi32> to vector<16x1xi32>
      %gather3A_2974 = vector.shape_cast %broadcast_in_dim3A_2973 : vector<16x1xi32> to vector<16xi32>
      %gather3A_2975 = tpu.dynamic_gather %get3A_19[%gather3A_2974] in [0] : vector<16xi32>, vector<16xi32> -> vector<16xi32>
      %broadcast_in_dim3A_2976 = arith.constant 9 : i32
      %broadcast_in_dim3A_2977 = vector.broadcast %broadcast_in_dim3A_2976 : i32 to vector<16xi32>
      %lt3A_2978 = arith.constant 0 : i32
      %lt3A_2979 = vector.broadcast %lt3A_2978 : i32 to vector<16xi32>
      %lt3A_2980 = arith.cmpi slt, %broadcast_in_dim3A_2977, %lt3A_2979 : vector<16xi32>
      %add3A_2981 = arith.constant 16 : i32
      %add3A_2982 = vector.broadcast %add3A_2981 : i32 to vector<16xi32>
      %add3A_2983 = arith.addi %broadcast_in_dim3A_2977, %add3A_2982 : vector<16xi32>
      %select_n3A_2984 = arith.select %lt3A_2980, %add3A_2983, %broadcast_in_dim3A_2977 : vector<16xi1>, vector<16xi32>
      %broadcast_in_dim3A_2985 = vector.shape_cast %select_n3A_2984 : vector<16xi32> to vector<16x1xi32>
      %gather3A_2986 = vector.shape_cast %broadcast_in_dim3A_2985 : vector<16x1xi32> to vector<16xi32>
      %gather3A_2987 = tpu.dynamic_gather %get3A_23[%gather3A_2986] in [0] : vector<16xi32>, vector<16xi32> -> vector<16xi32>
      %min3A_2988 = arith.constant 126 : i32
      %min3A_2989 = vector.broadcast %min3A_2988 : i32 to vector<16xi32>
      %min3A_2990 = arith.minsi %gather3A_2975, %min3A_2989 : vector<16xi32>
      %min3A_2991 = arith.constant 126 : i32
      %min3A_2992 = vector.broadcast %min3A_2991 : i32 to vector<16xi32>
      %min3A_2993 = arith.minsi %gather3A_2987, %min3A_2992 : vector<16xi32>
      %eq3A_2994 = arith.constant 127 : i32
      %eq3A_2995 = vector.broadcast %eq3A_2994 : i32 to vector<16xi32>
      %eq3A_2996 = arith.cmpi eq, %gather3A_2975, %eq3A_2995 : vector<16xi32>
      %eq3A_2997 = arith.constant 127 : i32
      %eq3A_2998 = vector.broadcast %eq3A_2997 : i32 to vector<16xi32>
      %eq3A_2999 = arith.cmpi eq, %gather3A_2987, %eq3A_2998 : vector<16xi32>
      %broadcast_in_dim3A_3000 = arith.constant 9 : i32
      %broadcast_in_dim3A_3001 = vector.broadcast %broadcast_in_dim3A_3000 : i32 to vector<16xi32>
      %lt3A_3002 = arith.constant 0 : i32
      %lt3A_3003 = vector.broadcast %lt3A_3002 : i32 to vector<16xi32>
      %lt3A_3004 = arith.cmpi slt, %broadcast_in_dim3A_3001, %lt3A_3003 : vector<16xi32>
      %add3A_3005 = arith.constant 16 : i32
      %add3A_3006 = vector.broadcast %add3A_3005 : i32 to vector<16xi32>
      %add3A_3007 = arith.addi %broadcast_in_dim3A_3001, %add3A_3006 : vector<16xi32>
      %select_n3A_3008 = arith.select %lt3A_3004, %add3A_3007, %broadcast_in_dim3A_3001 : vector<16xi1>, vector<16xi32>
      %broadcast_in_dim3A_3009 = vector.shape_cast %select_n3A_3008 : vector<16xi32> to vector<16x1xi32>
      %gather3A_3010 = vector.shape_cast %broadcast_in_dim3A_3009 : vector<16x1xi32> to vector<16xi32>
      %gather3A_3011 = tpu.dynamic_gather %sub3A_41[%gather3A_3010] in [0] : vector<16xf32>, vector<16xi32> -> vector<16xf32>
      %broadcast_in_dim3A_3012 = arith.constant 9 : i32
      %broadcast_in_dim3A_3013 = vector.broadcast %broadcast_in_dim3A_3012 : i32 to vector<16xi32>
      %lt3A_3014 = arith.constant 0 : i32
      %lt3A_3015 = vector.broadcast %lt3A_3014 : i32 to vector<16xi32>
      %lt3A_3016 = arith.cmpi slt, %broadcast_in_dim3A_3013, %lt3A_3015 : vector<16xi32>
      %add3A_3017 = arith.constant 16 : i32
      %add3A_3018 = vector.broadcast %add3A_3017 : i32 to vector<16xi32>
      %add3A_3019 = arith.addi %broadcast_in_dim3A_3013, %add3A_3018 : vector<16xi32>
      %select_n3A_3020 = arith.select %lt3A_3016, %add3A_3019, %broadcast_in_dim3A_3013 : vector<16xi1>, vector<16xi32>
      %broadcast_in_dim3A_3021 = vector.shape_cast %select_n3A_3020 : vector<16xi32> to vector<16x1xi32>
      %gather3A_3022 = vector.shape_cast %broadcast_in_dim3A_3021 : vector<16x1xi32> to vector<16xi32>
      %gather3A_3023 = tpu.dynamic_gather %sub3A_43[%gather3A_3022] in [0] : vector<16xf32>, vector<16xi32> -> vector<16xf32>
      %broadcast_in_dim3A_3024 = arith.constant 9 : i32
      %broadcast_in_dim3A_3025 = vector.broadcast %broadcast_in_dim3A_3024 : i32 to vector<16xi32>
      %lt3A_3026 = arith.constant 0 : i32
      %lt3A_3027 = vector.broadcast %lt3A_3026 : i32 to vector<16xi32>
      %lt3A_3028 = arith.cmpi slt, %broadcast_in_dim3A_3025, %lt3A_3027 : vector<16xi32>
      %add3A_3029 = arith.constant 16 : i32
      %add3A_3030 = vector.broadcast %add3A_3029 : i32 to vector<16xi32>
      %add3A_3031 = arith.addi %broadcast_in_dim3A_3025, %add3A_3030 : vector<16xi32>
      %select_n3A_3032 = arith.select %lt3A_3028, %add3A_3031, %broadcast_in_dim3A_3025 : vector<16xi1>, vector<16xi32>
      %broadcast_in_dim3A_3033 = vector.shape_cast %select_n3A_3032 : vector<16xi32> to vector<16x1xi32>
      %gather3A_3034 = vector.shape_cast %broadcast_in_dim3A_3033 : vector<16x1xi32> to vector<16xi32>
      %gather3A_3035 = tpu.dynamic_gather %add3A_49[%gather3A_3034] in [0] : vector<16xf32>, vector<16xi32> -> vector<16xf32>
      %add3A_3036 = arith.addi %add3A_76, %min3A_2990 : vector<16xi32>
      %gather3A_3037 = tpu.vector_load_idx %arg14[%add3A_3036] : memref<65024xf32, #tpu.memory_space<vmem>>[vector<16xi32>], vector<16xf32>,
      %select_n3A_3038 = arith.select %eq3A_2996, %get3A_109, %gather3A_3037 : vector<16xi1>, vector<16xf32>
      %add3A_3039 = arith.addi %add3A_76, %min3A_2993 : vector<16xi32>
      %gather3A_3040 = tpu.vector_load_idx %arg14[%add3A_3039] : memref<65024xf32, #tpu.memory_space<vmem>>[vector<16xi32>], vector<16xf32>,
      %select_n3A_3041 = arith.select %eq3A_2999, %get3A_109, %gather3A_3040 : vector<16xi1>, vector<16xf32>
      %mul3A_3042 = arith.mulf %gather3A_3035, %select_n3A_3041 : vector<16xf32>
      %add3A_3043 = arith.addf %gather3A_3011, %mul3A_3042 : vector<16xf32>
      %mul3A_3044 = arith.mulf %select_n3A_3038, %add3A_3043 : vector<16xf32>
      %add3A_3045 = arith.addf %add3A_2927, %mul3A_3044 : vector<16xf32>
      %mul3A_3046 = arith.mulf %gather3A_3023, %select_n3A_3041 : vector<16xf32>
      %add3A_3047 = arith.addf %add3A_3045, %mul3A_3046 : vector<16xf32>
      %add3A_3048 = arith.addi %add3A_85, %min3A_2990 : vector<16xi32>
      %gather3A_3049 = tpu.vector_load_idx %arg14[%add3A_3048] : memref<65024xf32, #tpu.memory_space<vmem>>[vector<16xi32>], vector<16xf32>,
      %select_n3A_3050 = arith.select %eq3A_2996, %get3A_115, %gather3A_3049 : vector<16xi1>, vector<16xf32>
      %add3A_3051 = arith.addi %add3A_85, %min3A_2993 : vector<16xi32>
      %gather3A_3052 = tpu.vector_load_idx %arg14[%add3A_3051] : memref<65024xf32, #tpu.memory_space<vmem>>[vector<16xi32>], vector<16xf32>,
      %select_n3A_3053 = arith.select %eq3A_2999, %get3A_115, %gather3A_3052 : vector<16xi1>, vector<16xf32>
      %mul3A_3054 = arith.mulf %gather3A_3035, %select_n3A_3053 : vector<16xf32>
      %add3A_3055 = arith.addf %gather3A_3011, %mul3A_3054 : vector<16xf32>
      %mul3A_3056 = arith.mulf %select_n3A_3050, %add3A_3055 : vector<16xf32>
      %add3A_3057 = arith.addf %add3A_2939, %mul3A_3056 : vector<16xf32>
      %mul3A_3058 = arith.mulf %gather3A_3023, %select_n3A_3053 : vector<16xf32>
      %add3A_3059 = arith.addf %add3A_3057, %mul3A_3058 : vector<16xf32>
      %add3A_3060 = arith.addi %add3A_94, %min3A_2990 : vector<16xi32>
      %gather3A_3061 = tpu.vector_load_idx %arg14[%add3A_3060] : memref<65024xf32, #tpu.memory_space<vmem>>[vector<16xi32>], vector<16xf32>,
      %select_n3A_3062 = arith.select %eq3A_2996, %get3A_121, %gather3A_3061 : vector<16xi1>, vector<16xf32>
      %add3A_3063 = arith.addi %add3A_94, %min3A_2993 : vector<16xi32>
      %gather3A_3064 = tpu.vector_load_idx %arg14[%add3A_3063] : memref<65024xf32, #tpu.memory_space<vmem>>[vector<16xi32>], vector<16xf32>,
      %select_n3A_3065 = arith.select %eq3A_2999, %get3A_121, %gather3A_3064 : vector<16xi1>, vector<16xf32>
      %mul3A_3066 = arith.mulf %gather3A_3035, %select_n3A_3065 : vector<16xf32>
      %add3A_3067 = arith.addf %gather3A_3011, %mul3A_3066 : vector<16xf32>
      %mul3A_3068 = arith.mulf %select_n3A_3062, %add3A_3067 : vector<16xf32>
      %add3A_3069 = arith.addf %add3A_2951, %mul3A_3068 : vector<16xf32>
      %mul3A_3070 = arith.mulf %gather3A_3023, %select_n3A_3065 : vector<16xf32>
      %add3A_3071 = arith.addf %add3A_3069, %mul3A_3070 : vector<16xf32>
      %add3A_3072 = arith.addi %add3A_103, %min3A_2990 : vector<16xi32>
      %gather3A_3073 = tpu.vector_load_idx %arg14[%add3A_3072] : memref<65024xf32, #tpu.memory_space<vmem>>[vector<16xi32>], vector<16xf32>,
      %select_n3A_3074 = arith.select %eq3A_2996, %get3A_127, %gather3A_3073 : vector<16xi1>, vector<16xf32>
      %add3A_3075 = arith.addi %add3A_103, %min3A_2993 : vector<16xi32>
      %gather3A_3076 = tpu.vector_load_idx %arg14[%add3A_3075] : memref<65024xf32, #tpu.memory_space<vmem>>[vector<16xi32>], vector<16xf32>,
      %select_n3A_3077 = arith.select %eq3A_2999, %get3A_127, %gather3A_3076 : vector<16xi1>, vector<16xf32>
      %mul3A_3078 = arith.mulf %gather3A_3035, %select_n3A_3077 : vector<16xf32>
      %add3A_3079 = arith.addf %gather3A_3011, %mul3A_3078 : vector<16xf32>
      %mul3A_3080 = arith.mulf %select_n3A_3074, %add3A_3079 : vector<16xf32>
      %add3A_3081 = arith.addf %add3A_2963, %mul3A_3080 : vector<16xf32>
      %mul3A_3082 = arith.mulf %gather3A_3023, %select_n3A_3077 : vector<16xf32>
      %add3A_3083 = arith.addf %add3A_3081, %mul3A_3082 : vector<16xf32>
      %broadcast_in_dim3A_3084 = arith.constant 10 : i32
      %broadcast_in_dim3A_3085 = vector.broadcast %broadcast_in_dim3A_3084 : i32 to vector<16xi32>
      %lt3A_3086 = arith.constant 0 : i32
      %lt3A_3087 = vector.broadcast %lt3A_3086 : i32 to vector<16xi32>
      %lt3A_3088 = arith.cmpi slt, %broadcast_in_dim3A_3085, %lt3A_3087 : vector<16xi32>
      %add3A_3089 = arith.constant 16 : i32
      %add3A_3090 = vector.broadcast %add3A_3089 : i32 to vector<16xi32>
      %add3A_3091 = arith.addi %broadcast_in_dim3A_3085, %add3A_3090 : vector<16xi32>
      %select_n3A_3092 = arith.select %lt3A_3088, %add3A_3091, %broadcast_in_dim3A_3085 : vector<16xi1>, vector<16xi32>
      %broadcast_in_dim3A_3093 = vector.shape_cast %select_n3A_3092 : vector<16xi32> to vector<16x1xi32>
      %gather3A_3094 = vector.shape_cast %broadcast_in_dim3A_3093 : vector<16x1xi32> to vector<16xi32>
      %gather3A_3095 = tpu.dynamic_gather %get3A_19[%gather3A_3094] in [0] : vector<16xi32>, vector<16xi32> -> vector<16xi32>
      %broadcast_in_dim3A_3096 = arith.constant 10 : i32
      %broadcast_in_dim3A_3097 = vector.broadcast %broadcast_in_dim3A_3096 : i32 to vector<16xi32>
      %lt3A_3098 = arith.constant 0 : i32
      %lt3A_3099 = vector.broadcast %lt3A_3098 : i32 to vector<16xi32>
      %lt3A_3100 = arith.cmpi slt, %broadcast_in_dim3A_3097, %lt3A_3099 : vector<16xi32>
      %add3A_3101 = arith.constant 16 : i32
      %add3A_3102 = vector.broadcast %add3A_3101 : i32 to vector<16xi32>
      %add3A_3103 = arith.addi %broadcast_in_dim3A_3097, %add3A_3102 : vector<16xi32>
      %select_n3A_3104 = arith.select %lt3A_3100, %add3A_3103, %broadcast_in_dim3A_3097 : vector<16xi1>, vector<16xi32>
      %broadcast_in_dim3A_3105 = vector.shape_cast %select_n3A_3104 : vector<16xi32> to vector<16x1xi32>
      %gather3A_3106 = vector.shape_cast %broadcast_in_dim3A_3105 : vector<16x1xi32> to vector<16xi32>
      %gather3A_3107 = tpu.dynamic_gather %get3A_23[%gather3A_3106] in [0] : vector<16xi32>, vector<16xi32> -> vector<16xi32>
      %min3A_3108 = arith.constant 126 : i32
      %min3A_3109 = vector.broadcast %min3A_3108 : i32 to vector<16xi32>
      %min3A_3110 = arith.minsi %gather3A_3095, %min3A_3109 : vector<16xi32>
      %min3A_3111 = arith.constant 126 : i32
      %min3A_3112 = vector.broadcast %min3A_3111 : i32 to vector<16xi32>
      %min3A_3113 = arith.minsi %gather3A_3107, %min3A_3112 : vector<16xi32>
      %eq3A_3114 = arith.constant 127 : i32
      %eq3A_3115 = vector.broadcast %eq3A_3114 : i32 to vector<16xi32>
      %eq3A_3116 = arith.cmpi eq, %gather3A_3095, %eq3A_3115 : vector<16xi32>
      %eq3A_3117 = arith.constant 127 : i32
      %eq3A_3118 = vector.broadcast %eq3A_3117 : i32 to vector<16xi32>
      %eq3A_3119 = arith.cmpi eq, %gather3A_3107, %eq3A_3118 : vector<16xi32>
      %broadcast_in_dim3A_3120 = arith.constant 10 : i32
      %broadcast_in_dim3A_3121 = vector.broadcast %broadcast_in_dim3A_3120 : i32 to vector<16xi32>
      %lt3A_3122 = arith.constant 0 : i32
      %lt3A_3123 = vector.broadcast %lt3A_3122 : i32 to vector<16xi32>
      %lt3A_3124 = arith.cmpi slt, %broadcast_in_dim3A_3121, %lt3A_3123 : vector<16xi32>
      %add3A_3125 = arith.constant 16 : i32
      %add3A_3126 = vector.broadcast %add3A_3125 : i32 to vector<16xi32>
      %add3A_3127 = arith.addi %broadcast_in_dim3A_3121, %add3A_3126 : vector<16xi32>
      %select_n3A_3128 = arith.select %lt3A_3124, %add3A_3127, %broadcast_in_dim3A_3121 : vector<16xi1>, vector<16xi32>
      %broadcast_in_dim3A_3129 = vector.shape_cast %select_n3A_3128 : vector<16xi32> to vector<16x1xi32>
      %gather3A_3130 = vector.shape_cast %broadcast_in_dim3A_3129 : vector<16x1xi32> to vector<16xi32>
      %gather3A_3131 = tpu.dynamic_gather %sub3A_41[%gather3A_3130] in [0] : vector<16xf32>, vector<16xi32> -> vector<16xf32>
      %broadcast_in_dim3A_3132 = arith.constant 10 : i32
      %broadcast_in_dim3A_3133 = vector.broadcast %broadcast_in_dim3A_3132 : i32 to vector<16xi32>
      %lt3A_3134 = arith.constant 0 : i32
      %lt3A_3135 = vector.broadcast %lt3A_3134 : i32 to vector<16xi32>
      %lt3A_3136 = arith.cmpi slt, %broadcast_in_dim3A_3133, %lt3A_3135 : vector<16xi32>
      %add3A_3137 = arith.constant 16 : i32
      %add3A_3138 = vector.broadcast %add3A_3137 : i32 to vector<16xi32>
      %add3A_3139 = arith.addi %broadcast_in_dim3A_3133, %add3A_3138 : vector<16xi32>
      %select_n3A_3140 = arith.select %lt3A_3136, %add3A_3139, %broadcast_in_dim3A_3133 : vector<16xi1>, vector<16xi32>
      %broadcast_in_dim3A_3141 = vector.shape_cast %select_n3A_3140 : vector<16xi32> to vector<16x1xi32>
      %gather3A_3142 = vector.shape_cast %broadcast_in_dim3A_3141 : vector<16x1xi32> to vector<16xi32>
      %gather3A_3143 = tpu.dynamic_gather %sub3A_43[%gather3A_3142] in [0] : vector<16xf32>, vector<16xi32> -> vector<16xf32>
      %broadcast_in_dim3A_3144 = arith.constant 10 : i32
      %broadcast_in_dim3A_3145 = vector.broadcast %broadcast_in_dim3A_3144 : i32 to vector<16xi32>
      %lt3A_3146 = arith.constant 0 : i32
      %lt3A_3147 = vector.broadcast %lt3A_3146 : i32 to vector<16xi32>
      %lt3A_3148 = arith.cmpi slt, %broadcast_in_dim3A_3145, %lt3A_3147 : vector<16xi32>
      %add3A_3149 = arith.constant 16 : i32
      %add3A_3150 = vector.broadcast %add3A_3149 : i32 to vector<16xi32>
      %add3A_3151 = arith.addi %broadcast_in_dim3A_3145, %add3A_3150 : vector<16xi32>
      %select_n3A_3152 = arith.select %lt3A_3148, %add3A_3151, %broadcast_in_dim3A_3145 : vector<16xi1>, vector<16xi32>
      %broadcast_in_dim3A_3153 = vector.shape_cast %select_n3A_3152 : vector<16xi32> to vector<16x1xi32>
      %gather3A_3154 = vector.shape_cast %broadcast_in_dim3A_3153 : vector<16x1xi32> to vector<16xi32>
      %gather3A_3155 = tpu.dynamic_gather %add3A_49[%gather3A_3154] in [0] : vector<16xf32>, vector<16xi32> -> vector<16xf32>
      %add3A_3156 = arith.addi %add3A_76, %min3A_3110 : vector<16xi32>
      %gather3A_3157 = tpu.vector_load_idx %arg14[%add3A_3156] : memref<65024xf32, #tpu.memory_space<vmem>>[vector<16xi32>], vector<16xf32>,
      %select_n3A_3158 = arith.select %eq3A_3116, %get3A_109, %gather3A_3157 : vector<16xi1>, vector<16xf32>
      %add3A_3159 = arith.addi %add3A_76, %min3A_3113 : vector<16xi32>
      %gather3A_3160 = tpu.vector_load_idx %arg14[%add3A_3159] : memref<65024xf32, #tpu.memory_space<vmem>>[vector<16xi32>], vector<16xf32>,
      %select_n3A_3161 = arith.select %eq3A_3119, %get3A_109, %gather3A_3160 : vector<16xi1>, vector<16xf32>
      %mul3A_3162 = arith.mulf %gather3A_3155, %select_n3A_3161 : vector<16xf32>
      %add3A_3163 = arith.addf %gather3A_3131, %mul3A_3162 : vector<16xf32>
      %mul3A_3164 = arith.mulf %select_n3A_3158, %add3A_3163 : vector<16xf32>
      %add3A_3165 = arith.addf %add3A_3047, %mul3A_3164 : vector<16xf32>
      %mul3A_3166 = arith.mulf %gather3A_3143, %select_n3A_3161 : vector<16xf32>
      %add3A_3167 = arith.addf %add3A_3165, %mul3A_3166 : vector<16xf32>
      %add3A_3168 = arith.addi %add3A_85, %min3A_3110 : vector<16xi32>
      %gather3A_3169 = tpu.vector_load_idx %arg14[%add3A_3168] : memref<65024xf32, #tpu.memory_space<vmem>>[vector<16xi32>], vector<16xf32>,
      %select_n3A_3170 = arith.select %eq3A_3116, %get3A_115, %gather3A_3169 : vector<16xi1>, vector<16xf32>
      %add3A_3171 = arith.addi %add3A_85, %min3A_3113 : vector<16xi32>
      %gather3A_3172 = tpu.vector_load_idx %arg14[%add3A_3171] : memref<65024xf32, #tpu.memory_space<vmem>>[vector<16xi32>], vector<16xf32>,
      %select_n3A_3173 = arith.select %eq3A_3119, %get3A_115, %gather3A_3172 : vector<16xi1>, vector<16xf32>
      %mul3A_3174 = arith.mulf %gather3A_3155, %select_n3A_3173 : vector<16xf32>
      %add3A_3175 = arith.addf %gather3A_3131, %mul3A_3174 : vector<16xf32>
      %mul3A_3176 = arith.mulf %select_n3A_3170, %add3A_3175 : vector<16xf32>
      %add3A_3177 = arith.addf %add3A_3059, %mul3A_3176 : vector<16xf32>
      %mul3A_3178 = arith.mulf %gather3A_3143, %select_n3A_3173 : vector<16xf32>
      %add3A_3179 = arith.addf %add3A_3177, %mul3A_3178 : vector<16xf32>
      %add3A_3180 = arith.addi %add3A_94, %min3A_3110 : vector<16xi32>
      %gather3A_3181 = tpu.vector_load_idx %arg14[%add3A_3180] : memref<65024xf32, #tpu.memory_space<vmem>>[vector<16xi32>], vector<16xf32>,
      %select_n3A_3182 = arith.select %eq3A_3116, %get3A_121, %gather3A_3181 : vector<16xi1>, vector<16xf32>
      %add3A_3183 = arith.addi %add3A_94, %min3A_3113 : vector<16xi32>
      %gather3A_3184 = tpu.vector_load_idx %arg14[%add3A_3183] : memref<65024xf32, #tpu.memory_space<vmem>>[vector<16xi32>], vector<16xf32>,
      %select_n3A_3185 = arith.select %eq3A_3119, %get3A_121, %gather3A_3184 : vector<16xi1>, vector<16xf32>
      %mul3A_3186 = arith.mulf %gather3A_3155, %select_n3A_3185 : vector<16xf32>
      %add3A_3187 = arith.addf %gather3A_3131, %mul3A_3186 : vector<16xf32>
      %mul3A_3188 = arith.mulf %select_n3A_3182, %add3A_3187 : vector<16xf32>
      %add3A_3189 = arith.addf %add3A_3071, %mul3A_3188 : vector<16xf32>
      %mul3A_3190 = arith.mulf %gather3A_3143, %select_n3A_3185 : vector<16xf32>
      %add3A_3191 = arith.addf %add3A_3189, %mul3A_3190 : vector<16xf32>
      %add3A_3192 = arith.addi %add3A_103, %min3A_3110 : vector<16xi32>
      %gather3A_3193 = tpu.vector_load_idx %arg14[%add3A_3192] : memref<65024xf32, #tpu.memory_space<vmem>>[vector<16xi32>], vector<16xf32>,
      %select_n3A_3194 = arith.select %eq3A_3116, %get3A_127, %gather3A_3193 : vector<16xi1>, vector<16xf32>
      %add3A_3195 = arith.addi %add3A_103, %min3A_3113 : vector<16xi32>
      %gather3A_3196 = tpu.vector_load_idx %arg14[%add3A_3195] : memref<65024xf32, #tpu.memory_space<vmem>>[vector<16xi32>], vector<16xf32>,
      %select_n3A_3197 = arith.select %eq3A_3119, %get3A_127, %gather3A_3196 : vector<16xi1>, vector<16xf32>
      %mul3A_3198 = arith.mulf %gather3A_3155, %select_n3A_3197 : vector<16xf32>
      %add3A_3199 = arith.addf %gather3A_3131, %mul3A_3198 : vector<16xf32>
      %mul3A_3200 = arith.mulf %select_n3A_3194, %add3A_3199 : vector<16xf32>
      %add3A_3201 = arith.addf %add3A_3083, %mul3A_3200 : vector<16xf32>
      %mul3A_3202 = arith.mulf %gather3A_3143, %select_n3A_3197 : vector<16xf32>
      %add3A_3203 = arith.addf %add3A_3201, %mul3A_3202 : vector<16xf32>
      %broadcast_in_dim3A_3204 = arith.constant 11 : i32
      %broadcast_in_dim3A_3205 = vector.broadcast %broadcast_in_dim3A_3204 : i32 to vector<16xi32>
      %lt3A_3206 = arith.constant 0 : i32
      %lt3A_3207 = vector.broadcast %lt3A_3206 : i32 to vector<16xi32>
      %lt3A_3208 = arith.cmpi slt, %broadcast_in_dim3A_3205, %lt3A_3207 : vector<16xi32>
      %add3A_3209 = arith.constant 16 : i32
      %add3A_3210 = vector.broadcast %add3A_3209 : i32 to vector<16xi32>
      %add3A_3211 = arith.addi %broadcast_in_dim3A_3205, %add3A_3210 : vector<16xi32>
      %select_n3A_3212 = arith.select %lt3A_3208, %add3A_3211, %broadcast_in_dim3A_3205 : vector<16xi1>, vector<16xi32>
      %broadcast_in_dim3A_3213 = vector.shape_cast %select_n3A_3212 : vector<16xi32> to vector<16x1xi32>
      %gather3A_3214 = vector.shape_cast %broadcast_in_dim3A_3213 : vector<16x1xi32> to vector<16xi32>
      %gather3A_3215 = tpu.dynamic_gather %get3A_19[%gather3A_3214] in [0] : vector<16xi32>, vector<16xi32> -> vector<16xi32>
      %broadcast_in_dim3A_3216 = arith.constant 11 : i32
      %broadcast_in_dim3A_3217 = vector.broadcast %broadcast_in_dim3A_3216 : i32 to vector<16xi32>
      %lt3A_3218 = arith.constant 0 : i32
      %lt3A_3219 = vector.broadcast %lt3A_3218 : i32 to vector<16xi32>
      %lt3A_3220 = arith.cmpi slt, %broadcast_in_dim3A_3217, %lt3A_3219 : vector<16xi32>
      %add3A_3221 = arith.constant 16 : i32
      %add3A_3222 = vector.broadcast %add3A_3221 : i32 to vector<16xi32>
      %add3A_3223 = arith.addi %broadcast_in_dim3A_3217, %add3A_3222 : vector<16xi32>
      %select_n3A_3224 = arith.select %lt3A_3220, %add3A_3223, %broadcast_in_dim3A_3217 : vector<16xi1>, vector<16xi32>
      %broadcast_in_dim3A_3225 = vector.shape_cast %select_n3A_3224 : vector<16xi32> to vector<16x1xi32>
      %gather3A_3226 = vector.shape_cast %broadcast_in_dim3A_3225 : vector<16x1xi32> to vector<16xi32>
      %gather3A_3227 = tpu.dynamic_gather %get3A_23[%gather3A_3226] in [0] : vector<16xi32>, vector<16xi32> -> vector<16xi32>
      %min3A_3228 = arith.constant 126 : i32
      %min3A_3229 = vector.broadcast %min3A_3228 : i32 to vector<16xi32>
      %min3A_3230 = arith.minsi %gather3A_3215, %min3A_3229 : vector<16xi32>
      %min3A_3231 = arith.constant 126 : i32
      %min3A_3232 = vector.broadcast %min3A_3231 : i32 to vector<16xi32>
      %min3A_3233 = arith.minsi %gather3A_3227, %min3A_3232 : vector<16xi32>
      %eq3A_3234 = arith.constant 127 : i32
      %eq3A_3235 = vector.broadcast %eq3A_3234 : i32 to vector<16xi32>
      %eq3A_3236 = arith.cmpi eq, %gather3A_3215, %eq3A_3235 : vector<16xi32>
      %eq3A_3237 = arith.constant 127 : i32
      %eq3A_3238 = vector.broadcast %eq3A_3237 : i32 to vector<16xi32>
      %eq3A_3239 = arith.cmpi eq, %gather3A_3227, %eq3A_3238 : vector<16xi32>
      %broadcast_in_dim3A_3240 = arith.constant 11 : i32
      %broadcast_in_dim3A_3241 = vector.broadcast %broadcast_in_dim3A_3240 : i32 to vector<16xi32>
      %lt3A_3242 = arith.constant 0 : i32
      %lt3A_3243 = vector.broadcast %lt3A_3242 : i32 to vector<16xi32>
      %lt3A_3244 = arith.cmpi slt, %broadcast_in_dim3A_3241, %lt3A_3243 : vector<16xi32>
      %add3A_3245 = arith.constant 16 : i32
      %add3A_3246 = vector.broadcast %add3A_3245 : i32 to vector<16xi32>
      %add3A_3247 = arith.addi %broadcast_in_dim3A_3241, %add3A_3246 : vector<16xi32>
      %select_n3A_3248 = arith.select %lt3A_3244, %add3A_3247, %broadcast_in_dim3A_3241 : vector<16xi1>, vector<16xi32>
      %broadcast_in_dim3A_3249 = vector.shape_cast %select_n3A_3248 : vector<16xi32> to vector<16x1xi32>
      %gather3A_3250 = vector.shape_cast %broadcast_in_dim3A_3249 : vector<16x1xi32> to vector<16xi32>
      %gather3A_3251 = tpu.dynamic_gather %sub3A_41[%gather3A_3250] in [0] : vector<16xf32>, vector<16xi32> -> vector<16xf32>
      %broadcast_in_dim3A_3252 = arith.constant 11 : i32
      %broadcast_in_dim3A_3253 = vector.broadcast %broadcast_in_dim3A_3252 : i32 to vector<16xi32>
      %lt3A_3254 = arith.constant 0 : i32
      %lt3A_3255 = vector.broadcast %lt3A_3254 : i32 to vector<16xi32>
      %lt3A_3256 = arith.cmpi slt, %broadcast_in_dim3A_3253, %lt3A_3255 : vector<16xi32>
      %add3A_3257 = arith.constant 16 : i32
      %add3A_3258 = vector.broadcast %add3A_3257 : i32 to vector<16xi32>
      %add3A_3259 = arith.addi %broadcast_in_dim3A_3253, %add3A_3258 : vector<16xi32>
      %select_n3A_3260 = arith.select %lt3A_3256, %add3A_3259, %broadcast_in_dim3A_3253 : vector<16xi1>, vector<16xi32>
      %broadcast_in_dim3A_3261 = vector.shape_cast %select_n3A_3260 : vector<16xi32> to vector<16x1xi32>
      %gather3A_3262 = vector.shape_cast %broadcast_in_dim3A_3261 : vector<16x1xi32> to vector<16xi32>
      %gather3A_3263 = tpu.dynamic_gather %sub3A_43[%gather3A_3262] in [0] : vector<16xf32>, vector<16xi32> -> vector<16xf32>
      %broadcast_in_dim3A_3264 = arith.constant 11 : i32
      %broadcast_in_dim3A_3265 = vector.broadcast %broadcast_in_dim3A_3264 : i32 to vector<16xi32>
      %lt3A_3266 = arith.constant 0 : i32
      %lt3A_3267 = vector.broadcast %lt3A_3266 : i32 to vector<16xi32>
      %lt3A_3268 = arith.cmpi slt, %broadcast_in_dim3A_3265, %lt3A_3267 : vector<16xi32>
      %add3A_3269 = arith.constant 16 : i32
      %add3A_3270 = vector.broadcast %add3A_3269 : i32 to vector<16xi32>
      %add3A_3271 = arith.addi %broadcast_in_dim3A_3265, %add3A_3270 : vector<16xi32>
      %select_n3A_3272 = arith.select %lt3A_3268, %add3A_3271, %broadcast_in_dim3A_3265 : vector<16xi1>, vector<16xi32>
      %broadcast_in_dim3A_3273 = vector.shape_cast %select_n3A_3272 : vector<16xi32> to vector<16x1xi32>
      %gather3A_3274 = vector.shape_cast %broadcast_in_dim3A_3273 : vector<16x1xi32> to vector<16xi32>
      %gather3A_3275 = tpu.dynamic_gather %add3A_49[%gather3A_3274] in [0] : vector<16xf32>, vector<16xi32> -> vector<16xf32>
      %add3A_3276 = arith.addi %add3A_76, %min3A_3230 : vector<16xi32>
      %gather3A_3277 = tpu.vector_load_idx %arg14[%add3A_3276] : memref<65024xf32, #tpu.memory_space<vmem>>[vector<16xi32>], vector<16xf32>,
      %select_n3A_3278 = arith.select %eq3A_3236, %get3A_109, %gather3A_3277 : vector<16xi1>, vector<16xf32>
      %add3A_3279 = arith.addi %add3A_76, %min3A_3233 : vector<16xi32>
      %gather3A_3280 = tpu.vector_load_idx %arg14[%add3A_3279] : memref<65024xf32, #tpu.memory_space<vmem>>[vector<16xi32>], vector<16xf32>,
      %select_n3A_3281 = arith.select %eq3A_3239, %get3A_109, %gather3A_3280 : vector<16xi1>, vector<16xf32>
      %mul3A_3282 = arith.mulf %gather3A_3275, %select_n3A_3281 : vector<16xf32>
      %add3A_3283 = arith.addf %gather3A_3251, %mul3A_3282 : vector<16xf32>
      %mul3A_3284 = arith.mulf %select_n3A_3278, %add3A_3283 : vector<16xf32>
      %add3A_3285 = arith.addf %add3A_3167, %mul3A_3284 : vector<16xf32>
      %mul3A_3286 = arith.mulf %gather3A_3263, %select_n3A_3281 : vector<16xf32>
      %add3A_3287 = arith.addf %add3A_3285, %mul3A_3286 : vector<16xf32>
      %add3A_3288 = arith.addi %add3A_85, %min3A_3230 : vector<16xi32>
      %gather3A_3289 = tpu.vector_load_idx %arg14[%add3A_3288] : memref<65024xf32, #tpu.memory_space<vmem>>[vector<16xi32>], vector<16xf32>,
      %select_n3A_3290 = arith.select %eq3A_3236, %get3A_115, %gather3A_3289 : vector<16xi1>, vector<16xf32>
      %add3A_3291 = arith.addi %add3A_85, %min3A_3233 : vector<16xi32>
      %gather3A_3292 = tpu.vector_load_idx %arg14[%add3A_3291] : memref<65024xf32, #tpu.memory_space<vmem>>[vector<16xi32>], vector<16xf32>,
      %select_n3A_3293 = arith.select %eq3A_3239, %get3A_115, %gather3A_3292 : vector<16xi1>, vector<16xf32>
      %mul3A_3294 = arith.mulf %gather3A_3275, %select_n3A_3293 : vector<16xf32>
      %add3A_3295 = arith.addf %gather3A_3251, %mul3A_3294 : vector<16xf32>
      %mul3A_3296 = arith.mulf %select_n3A_3290, %add3A_3295 : vector<16xf32>
      %add3A_3297 = arith.addf %add3A_3179, %mul3A_3296 : vector<16xf32>
      %mul3A_3298 = arith.mulf %gather3A_3263, %select_n3A_3293 : vector<16xf32>
      %add3A_3299 = arith.addf %add3A_3297, %mul3A_3298 : vector<16xf32>
      %add3A_3300 = arith.addi %add3A_94, %min3A_3230 : vector<16xi32>
      %gather3A_3301 = tpu.vector_load_idx %arg14[%add3A_3300] : memref<65024xf32, #tpu.memory_space<vmem>>[vector<16xi32>], vector<16xf32>,
      %select_n3A_3302 = arith.select %eq3A_3236, %get3A_121, %gather3A_3301 : vector<16xi1>, vector<16xf32>
      %add3A_3303 = arith.addi %add3A_94, %min3A_3233 : vector<16xi32>
      %gather3A_3304 = tpu.vector_load_idx %arg14[%add3A_3303] : memref<65024xf32, #tpu.memory_space<vmem>>[vector<16xi32>], vector<16xf32>,
      %select_n3A_3305 = arith.select %eq3A_3239, %get3A_121, %gather3A_3304 : vector<16xi1>, vector<16xf32>
      %mul3A_3306 = arith.mulf %gather3A_3275, %select_n3A_3305 : vector<16xf32>
      %add3A_3307 = arith.addf %gather3A_3251, %mul3A_3306 : vector<16xf32>
      %mul3A_3308 = arith.mulf %select_n3A_3302, %add3A_3307 : vector<16xf32>
      %add3A_3309 = arith.addf %add3A_3191, %mul3A_3308 : vector<16xf32>
      %mul3A_3310 = arith.mulf %gather3A_3263, %select_n3A_3305 : vector<16xf32>
      %add3A_3311 = arith.addf %add3A_3309, %mul3A_3310 : vector<16xf32>
      %add3A_3312 = arith.addi %add3A_103, %min3A_3230 : vector<16xi32>
      %gather3A_3313 = tpu.vector_load_idx %arg14[%add3A_3312] : memref<65024xf32, #tpu.memory_space<vmem>>[vector<16xi32>], vector<16xf32>,
      %select_n3A_3314 = arith.select %eq3A_3236, %get3A_127, %gather3A_3313 : vector<16xi1>, vector<16xf32>
      %add3A_3315 = arith.addi %add3A_103, %min3A_3233 : vector<16xi32>
      %gather3A_3316 = tpu.vector_load_idx %arg14[%add3A_3315] : memref<65024xf32, #tpu.memory_space<vmem>>[vector<16xi32>], vector<16xf32>,
      %select_n3A_3317 = arith.select %eq3A_3239, %get3A_127, %gather3A_3316 : vector<16xi1>, vector<16xf32>
      %mul3A_3318 = arith.mulf %gather3A_3275, %select_n3A_3317 : vector<16xf32>
      %add3A_3319 = arith.addf %gather3A_3251, %mul3A_3318 : vector<16xf32>
      %mul3A_3320 = arith.mulf %select_n3A_3314, %add3A_3319 : vector<16xf32>
      %add3A_3321 = arith.addf %add3A_3203, %mul3A_3320 : vector<16xf32>
      %mul3A_3322 = arith.mulf %gather3A_3263, %select_n3A_3317 : vector<16xf32>
      %add3A_3323 = arith.addf %add3A_3321, %mul3A_3322 : vector<16xf32>
      %broadcast_in_dim3A_3324 = arith.constant 12 : i32
      %broadcast_in_dim3A_3325 = vector.broadcast %broadcast_in_dim3A_3324 : i32 to vector<16xi32>
      %lt3A_3326 = arith.constant 0 : i32
      %lt3A_3327 = vector.broadcast %lt3A_3326 : i32 to vector<16xi32>
      %lt3A_3328 = arith.cmpi slt, %broadcast_in_dim3A_3325, %lt3A_3327 : vector<16xi32>
      %add3A_3329 = arith.constant 16 : i32
      %add3A_3330 = vector.broadcast %add3A_3329 : i32 to vector<16xi32>
      %add3A_3331 = arith.addi %broadcast_in_dim3A_3325, %add3A_3330 : vector<16xi32>
      %select_n3A_3332 = arith.select %lt3A_3328, %add3A_3331, %broadcast_in_dim3A_3325 : vector<16xi1>, vector<16xi32>
      %broadcast_in_dim3A_3333 = vector.shape_cast %select_n3A_3332 : vector<16xi32> to vector<16x1xi32>
      %gather3A_3334 = vector.shape_cast %broadcast_in_dim3A_3333 : vector<16x1xi32> to vector<16xi32>
      %gather3A_3335 = tpu.dynamic_gather %get3A_19[%gather3A_3334] in [0] : vector<16xi32>, vector<16xi32> -> vector<16xi32>
      %broadcast_in_dim3A_3336 = arith.constant 12 : i32
      %broadcast_in_dim3A_3337 = vector.broadcast %broadcast_in_dim3A_3336 : i32 to vector<16xi32>
      %lt3A_3338 = arith.constant 0 : i32
      %lt3A_3339 = vector.broadcast %lt3A_3338 : i32 to vector<16xi32>
      %lt3A_3340 = arith.cmpi slt, %broadcast_in_dim3A_3337, %lt3A_3339 : vector<16xi32>
      %add3A_3341 = arith.constant 16 : i32
      %add3A_3342 = vector.broadcast %add3A_3341 : i32 to vector<16xi32>
      %add3A_3343 = arith.addi %broadcast_in_dim3A_3337, %add3A_3342 : vector<16xi32>
      %select_n3A_3344 = arith.select %lt3A_3340, %add3A_3343, %broadcast_in_dim3A_3337 : vector<16xi1>, vector<16xi32>
      %broadcast_in_dim3A_3345 = vector.shape_cast %select_n3A_3344 : vector<16xi32> to vector<16x1xi32>
      %gather3A_3346 = vector.shape_cast %broadcast_in_dim3A_3345 : vector<16x1xi32> to vector<16xi32>
      %gather3A_3347 = tpu.dynamic_gather %get3A_23[%gather3A_3346] in [0] : vector<16xi32>, vector<16xi32> -> vector<16xi32>
      %min3A_3348 = arith.constant 126 : i32
      %min3A_3349 = vector.broadcast %min3A_3348 : i32 to vector<16xi32>
      %min3A_3350 = arith.minsi %gather3A_3335, %min3A_3349 : vector<16xi32>
      %min3A_3351 = arith.constant 126 : i32
      %min3A_3352 = vector.broadcast %min3A_3351 : i32 to vector<16xi32>
      %min3A_3353 = arith.minsi %gather3A_3347, %min3A_3352 : vector<16xi32>
      %eq3A_3354 = arith.constant 127 : i32
      %eq3A_3355 = vector.broadcast %eq3A_3354 : i32 to vector<16xi32>
      %eq3A_3356 = arith.cmpi eq, %gather3A_3335, %eq3A_3355 : vector<16xi32>
      %eq3A_3357 = arith.constant 127 : i32
      %eq3A_3358 = vector.broadcast %eq3A_3357 : i32 to vector<16xi32>
      %eq3A_3359 = arith.cmpi eq, %gather3A_3347, %eq3A_3358 : vector<16xi32>
      %broadcast_in_dim3A_3360 = arith.constant 12 : i32
      %broadcast_in_dim3A_3361 = vector.broadcast %broadcast_in_dim3A_3360 : i32 to vector<16xi32>
      %lt3A_3362 = arith.constant 0 : i32
      %lt3A_3363 = vector.broadcast %lt3A_3362 : i32 to vector<16xi32>
      %lt3A_3364 = arith.cmpi slt, %broadcast_in_dim3A_3361, %lt3A_3363 : vector<16xi32>
      %add3A_3365 = arith.constant 16 : i32
      %add3A_3366 = vector.broadcast %add3A_3365 : i32 to vector<16xi32>
      %add3A_3367 = arith.addi %broadcast_in_dim3A_3361, %add3A_3366 : vector<16xi32>
      %select_n3A_3368 = arith.select %lt3A_3364, %add3A_3367, %broadcast_in_dim3A_3361 : vector<16xi1>, vector<16xi32>
      %broadcast_in_dim3A_3369 = vector.shape_cast %select_n3A_3368 : vector<16xi32> to vector<16x1xi32>
      %gather3A_3370 = vector.shape_cast %broadcast_in_dim3A_3369 : vector<16x1xi32> to vector<16xi32>
      %gather3A_3371 = tpu.dynamic_gather %sub3A_41[%gather3A_3370] in [0] : vector<16xf32>, vector<16xi32> -> vector<16xf32>
      %broadcast_in_dim3A_3372 = arith.constant 12 : i32
      %broadcast_in_dim3A_3373 = vector.broadcast %broadcast_in_dim3A_3372 : i32 to vector<16xi32>
      %lt3A_3374 = arith.constant 0 : i32
      %lt3A_3375 = vector.broadcast %lt3A_3374 : i32 to vector<16xi32>
      %lt3A_3376 = arith.cmpi slt, %broadcast_in_dim3A_3373, %lt3A_3375 : vector<16xi32>
      %add3A_3377 = arith.constant 16 : i32
      %add3A_3378 = vector.broadcast %add3A_3377 : i32 to vector<16xi32>
      %add3A_3379 = arith.addi %broadcast_in_dim3A_3373, %add3A_3378 : vector<16xi32>
      %select_n3A_3380 = arith.select %lt3A_3376, %add3A_3379, %broadcast_in_dim3A_3373 : vector<16xi1>, vector<16xi32>
      %broadcast_in_dim3A_3381 = vector.shape_cast %select_n3A_3380 : vector<16xi32> to vector<16x1xi32>
      %gather3A_3382 = vector.shape_cast %broadcast_in_dim3A_3381 : vector<16x1xi32> to vector<16xi32>
      %gather3A_3383 = tpu.dynamic_gather %sub3A_43[%gather3A_3382] in [0] : vector<16xf32>, vector<16xi32> -> vector<16xf32>
      %broadcast_in_dim3A_3384 = arith.constant 12 : i32
      %broadcast_in_dim3A_3385 = vector.broadcast %broadcast_in_dim3A_3384 : i32 to vector<16xi32>
      %lt3A_3386 = arith.constant 0 : i32
      %lt3A_3387 = vector.broadcast %lt3A_3386 : i32 to vector<16xi32>
      %lt3A_3388 = arith.cmpi slt, %broadcast_in_dim3A_3385, %lt3A_3387 : vector<16xi32>
      %add3A_3389 = arith.constant 16 : i32
      %add3A_3390 = vector.broadcast %add3A_3389 : i32 to vector<16xi32>
      %add3A_3391 = arith.addi %broadcast_in_dim3A_3385, %add3A_3390 : vector<16xi32>
      %select_n3A_3392 = arith.select %lt3A_3388, %add3A_3391, %broadcast_in_dim3A_3385 : vector<16xi1>, vector<16xi32>
      %broadcast_in_dim3A_3393 = vector.shape_cast %select_n3A_3392 : vector<16xi32> to vector<16x1xi32>
      %gather3A_3394 = vector.shape_cast %broadcast_in_dim3A_3393 : vector<16x1xi32> to vector<16xi32>
      %gather3A_3395 = tpu.dynamic_gather %add3A_49[%gather3A_3394] in [0] : vector<16xf32>, vector<16xi32> -> vector<16xf32>
      %add3A_3396 = arith.addi %add3A_76, %min3A_3350 : vector<16xi32>
      %gather3A_3397 = tpu.vector_load_idx %arg14[%add3A_3396] : memref<65024xf32, #tpu.memory_space<vmem>>[vector<16xi32>], vector<16xf32>,
      %select_n3A_3398 = arith.select %eq3A_3356, %get3A_109, %gather3A_3397 : vector<16xi1>, vector<16xf32>
      %add3A_3399 = arith.addi %add3A_76, %min3A_3353 : vector<16xi32>
      %gather3A_3400 = tpu.vector_load_idx %arg14[%add3A_3399] : memref<65024xf32, #tpu.memory_space<vmem>>[vector<16xi32>], vector<16xf32>,
      %select_n3A_3401 = arith.select %eq3A_3359, %get3A_109, %gather3A_3400 : vector<16xi1>, vector<16xf32>
      %mul3A_3402 = arith.mulf %gather3A_3395, %select_n3A_3401 : vector<16xf32>
      %add3A_3403 = arith.addf %gather3A_3371, %mul3A_3402 : vector<16xf32>
      %mul3A_3404 = arith.mulf %select_n3A_3398, %add3A_3403 : vector<16xf32>
      %add3A_3405 = arith.addf %add3A_3287, %mul3A_3404 : vector<16xf32>
      %mul3A_3406 = arith.mulf %gather3A_3383, %select_n3A_3401 : vector<16xf32>
      %add3A_3407 = arith.addf %add3A_3405, %mul3A_3406 : vector<16xf32>
      %add3A_3408 = arith.addi %add3A_85, %min3A_3350 : vector<16xi32>
      %gather3A_3409 = tpu.vector_load_idx %arg14[%add3A_3408] : memref<65024xf32, #tpu.memory_space<vmem>>[vector<16xi32>], vector<16xf32>,
      %select_n3A_3410 = arith.select %eq3A_3356, %get3A_115, %gather3A_3409 : vector<16xi1>, vector<16xf32>
      %add3A_3411 = arith.addi %add3A_85, %min3A_3353 : vector<16xi32>
      %gather3A_3412 = tpu.vector_load_idx %arg14[%add3A_3411] : memref<65024xf32, #tpu.memory_space<vmem>>[vector<16xi32>], vector<16xf32>,
      %select_n3A_3413 = arith.select %eq3A_3359, %get3A_115, %gather3A_3412 : vector<16xi1>, vector<16xf32>
      %mul3A_3414 = arith.mulf %gather3A_3395, %select_n3A_3413 : vector<16xf32>
      %add3A_3415 = arith.addf %gather3A_3371, %mul3A_3414 : vector<16xf32>
      %mul3A_3416 = arith.mulf %select_n3A_3410, %add3A_3415 : vector<16xf32>
      %add3A_3417 = arith.addf %add3A_3299, %mul3A_3416 : vector<16xf32>
      %mul3A_3418 = arith.mulf %gather3A_3383, %select_n3A_3413 : vector<16xf32>
      %add3A_3419 = arith.addf %add3A_3417, %mul3A_3418 : vector<16xf32>
      %add3A_3420 = arith.addi %add3A_94, %min3A_3350 : vector<16xi32>
      %gather3A_3421 = tpu.vector_load_idx %arg14[%add3A_3420] : memref<65024xf32, #tpu.memory_space<vmem>>[vector<16xi32>], vector<16xf32>,
      %select_n3A_3422 = arith.select %eq3A_3356, %get3A_121, %gather3A_3421 : vector<16xi1>, vector<16xf32>
      %add3A_3423 = arith.addi %add3A_94, %min3A_3353 : vector<16xi32>
      %gather3A_3424 = tpu.vector_load_idx %arg14[%add3A_3423] : memref<65024xf32, #tpu.memory_space<vmem>>[vector<16xi32>], vector<16xf32>,
      %select_n3A_3425 = arith.select %eq3A_3359, %get3A_121, %gather3A_3424 : vector<16xi1>, vector<16xf32>
      %mul3A_3426 = arith.mulf %gather3A_3395, %select_n3A_3425 : vector<16xf32>
      %add3A_3427 = arith.addf %gather3A_3371, %mul3A_3426 : vector<16xf32>
      %mul3A_3428 = arith.mulf %select_n3A_3422, %add3A_3427 : vector<16xf32>
      %add3A_3429 = arith.addf %add3A_3311, %mul3A_3428 : vector<16xf32>
      %mul3A_3430 = arith.mulf %gather3A_3383, %select_n3A_3425 : vector<16xf32>
      %add3A_3431 = arith.addf %add3A_3429, %mul3A_3430 : vector<16xf32>
      %add3A_3432 = arith.addi %add3A_103, %min3A_3350 : vector<16xi32>
      %gather3A_3433 = tpu.vector_load_idx %arg14[%add3A_3432] : memref<65024xf32, #tpu.memory_space<vmem>>[vector<16xi32>], vector<16xf32>,
      %select_n3A_3434 = arith.select %eq3A_3356, %get3A_127, %gather3A_3433 : vector<16xi1>, vector<16xf32>
      %add3A_3435 = arith.addi %add3A_103, %min3A_3353 : vector<16xi32>
      %gather3A_3436 = tpu.vector_load_idx %arg14[%add3A_3435] : memref<65024xf32, #tpu.memory_space<vmem>>[vector<16xi32>], vector<16xf32>,
      %select_n3A_3437 = arith.select %eq3A_3359, %get3A_127, %gather3A_3436 : vector<16xi1>, vector<16xf32>
      %mul3A_3438 = arith.mulf %gather3A_3395, %select_n3A_3437 : vector<16xf32>
      %add3A_3439 = arith.addf %gather3A_3371, %mul3A_3438 : vector<16xf32>
      %mul3A_3440 = arith.mulf %select_n3A_3434, %add3A_3439 : vector<16xf32>
      %add3A_3441 = arith.addf %add3A_3323, %mul3A_3440 : vector<16xf32>
      %mul3A_3442 = arith.mulf %gather3A_3383, %select_n3A_3437 : vector<16xf32>
      %add3A_3443 = arith.addf %add3A_3441, %mul3A_3442 : vector<16xf32>
      %broadcast_in_dim3A_3444 = arith.constant 13 : i32
      %broadcast_in_dim3A_3445 = vector.broadcast %broadcast_in_dim3A_3444 : i32 to vector<16xi32>
      %lt3A_3446 = arith.constant 0 : i32
      %lt3A_3447 = vector.broadcast %lt3A_3446 : i32 to vector<16xi32>
      %lt3A_3448 = arith.cmpi slt, %broadcast_in_dim3A_3445, %lt3A_3447 : vector<16xi32>
      %add3A_3449 = arith.constant 16 : i32
      %add3A_3450 = vector.broadcast %add3A_3449 : i32 to vector<16xi32>
      %add3A_3451 = arith.addi %broadcast_in_dim3A_3445, %add3A_3450 : vector<16xi32>
      %select_n3A_3452 = arith.select %lt3A_3448, %add3A_3451, %broadcast_in_dim3A_3445 : vector<16xi1>, vector<16xi32>
      %broadcast_in_dim3A_3453 = vector.shape_cast %select_n3A_3452 : vector<16xi32> to vector<16x1xi32>
      %gather3A_3454 = vector.shape_cast %broadcast_in_dim3A_3453 : vector<16x1xi32> to vector<16xi32>
      %gather3A_3455 = tpu.dynamic_gather %get3A_19[%gather3A_3454] in [0] : vector<16xi32>, vector<16xi32> -> vector<16xi32>
      %broadcast_in_dim3A_3456 = arith.constant 13 : i32
      %broadcast_in_dim3A_3457 = vector.broadcast %broadcast_in_dim3A_3456 : i32 to vector<16xi32>
      %lt3A_3458 = arith.constant 0 : i32
      %lt3A_3459 = vector.broadcast %lt3A_3458 : i32 to vector<16xi32>
      %lt3A_3460 = arith.cmpi slt, %broadcast_in_dim3A_3457, %lt3A_3459 : vector<16xi32>
      %add3A_3461 = arith.constant 16 : i32
      %add3A_3462 = vector.broadcast %add3A_3461 : i32 to vector<16xi32>
      %add3A_3463 = arith.addi %broadcast_in_dim3A_3457, %add3A_3462 : vector<16xi32>
      %select_n3A_3464 = arith.select %lt3A_3460, %add3A_3463, %broadcast_in_dim3A_3457 : vector<16xi1>, vector<16xi32>
      %broadcast_in_dim3A_3465 = vector.shape_cast %select_n3A_3464 : vector<16xi32> to vector<16x1xi32>
      %gather3A_3466 = vector.shape_cast %broadcast_in_dim3A_3465 : vector<16x1xi32> to vector<16xi32>
      %gather3A_3467 = tpu.dynamic_gather %get3A_23[%gather3A_3466] in [0] : vector<16xi32>, vector<16xi32> -> vector<16xi32>
      %min3A_3468 = arith.constant 126 : i32
      %min3A_3469 = vector.broadcast %min3A_3468 : i32 to vector<16xi32>
      %min3A_3470 = arith.minsi %gather3A_3455, %min3A_3469 : vector<16xi32>
      %min3A_3471 = arith.constant 126 : i32
      %min3A_3472 = vector.broadcast %min3A_3471 : i32 to vector<16xi32>
      %min3A_3473 = arith.minsi %gather3A_3467, %min3A_3472 : vector<16xi32>
      %eq3A_3474 = arith.constant 127 : i32
      %eq3A_3475 = vector.broadcast %eq3A_3474 : i32 to vector<16xi32>
      %eq3A_3476 = arith.cmpi eq, %gather3A_3455, %eq3A_3475 : vector<16xi32>
      %eq3A_3477 = arith.constant 127 : i32
      %eq3A_3478 = vector.broadcast %eq3A_3477 : i32 to vector<16xi32>
      %eq3A_3479 = arith.cmpi eq, %gather3A_3467, %eq3A_3478 : vector<16xi32>
      %broadcast_in_dim3A_3480 = arith.constant 13 : i32
      %broadcast_in_dim3A_3481 = vector.broadcast %broadcast_in_dim3A_3480 : i32 to vector<16xi32>
      %lt3A_3482 = arith.constant 0 : i32
      %lt3A_3483 = vector.broadcast %lt3A_3482 : i32 to vector<16xi32>
      %lt3A_3484 = arith.cmpi slt, %broadcast_in_dim3A_3481, %lt3A_3483 : vector<16xi32>
      %add3A_3485 = arith.constant 16 : i32
      %add3A_3486 = vector.broadcast %add3A_3485 : i32 to vector<16xi32>
      %add3A_3487 = arith.addi %broadcast_in_dim3A_3481, %add3A_3486 : vector<16xi32>
      %select_n3A_3488 = arith.select %lt3A_3484, %add3A_3487, %broadcast_in_dim3A_3481 : vector<16xi1>, vector<16xi32>
      %broadcast_in_dim3A_3489 = vector.shape_cast %select_n3A_3488 : vector<16xi32> to vector<16x1xi32>
      %gather3A_3490 = vector.shape_cast %broadcast_in_dim3A_3489 : vector<16x1xi32> to vector<16xi32>
      %gather3A_3491 = tpu.dynamic_gather %sub3A_41[%gather3A_3490] in [0] : vector<16xf32>, vector<16xi32> -> vector<16xf32>
      %broadcast_in_dim3A_3492 = arith.constant 13 : i32
      %broadcast_in_dim3A_3493 = vector.broadcast %broadcast_in_dim3A_3492 : i32 to vector<16xi32>
      %lt3A_3494 = arith.constant 0 : i32
      %lt3A_3495 = vector.broadcast %lt3A_3494 : i32 to vector<16xi32>
      %lt3A_3496 = arith.cmpi slt, %broadcast_in_dim3A_3493, %lt3A_3495 : vector<16xi32>
      %add3A_3497 = arith.constant 16 : i32
      %add3A_3498 = vector.broadcast %add3A_3497 : i32 to vector<16xi32>
      %add3A_3499 = arith.addi %broadcast_in_dim3A_3493, %add3A_3498 : vector<16xi32>
      %select_n3A_3500 = arith.select %lt3A_3496, %add3A_3499, %broadcast_in_dim3A_3493 : vector<16xi1>, vector<16xi32>
      %broadcast_in_dim3A_3501 = vector.shape_cast %select_n3A_3500 : vector<16xi32> to vector<16x1xi32>
      %gather3A_3502 = vector.shape_cast %broadcast_in_dim3A_3501 : vector<16x1xi32> to vector<16xi32>
      %gather3A_3503 = tpu.dynamic_gather %sub3A_43[%gather3A_3502] in [0] : vector<16xf32>, vector<16xi32> -> vector<16xf32>
      %broadcast_in_dim3A_3504 = arith.constant 13 : i32
      %broadcast_in_dim3A_3505 = vector.broadcast %broadcast_in_dim3A_3504 : i32 to vector<16xi32>
      %lt3A_3506 = arith.constant 0 : i32
      %lt3A_3507 = vector.broadcast %lt3A_3506 : i32 to vector<16xi32>
      %lt3A_3508 = arith.cmpi slt, %broadcast_in_dim3A_3505, %lt3A_3507 : vector<16xi32>
      %add3A_3509 = arith.constant 16 : i32
      %add3A_3510 = vector.broadcast %add3A_3509 : i32 to vector<16xi32>
      %add3A_3511 = arith.addi %broadcast_in_dim3A_3505, %add3A_3510 : vector<16xi32>
      %select_n3A_3512 = arith.select %lt3A_3508, %add3A_3511, %broadcast_in_dim3A_3505 : vector<16xi1>, vector<16xi32>
      %broadcast_in_dim3A_3513 = vector.shape_cast %select_n3A_3512 : vector<16xi32> to vector<16x1xi32>
      %gather3A_3514 = vector.shape_cast %broadcast_in_dim3A_3513 : vector<16x1xi32> to vector<16xi32>
      %gather3A_3515 = tpu.dynamic_gather %add3A_49[%gather3A_3514] in [0] : vector<16xf32>, vector<16xi32> -> vector<16xf32>
      %add3A_3516 = arith.addi %add3A_76, %min3A_3470 : vector<16xi32>
      %gather3A_3517 = tpu.vector_load_idx %arg14[%add3A_3516] : memref<65024xf32, #tpu.memory_space<vmem>>[vector<16xi32>], vector<16xf32>,
      %select_n3A_3518 = arith.select %eq3A_3476, %get3A_109, %gather3A_3517 : vector<16xi1>, vector<16xf32>
      %add3A_3519 = arith.addi %add3A_76, %min3A_3473 : vector<16xi32>
      %gather3A_3520 = tpu.vector_load_idx %arg14[%add3A_3519] : memref<65024xf32, #tpu.memory_space<vmem>>[vector<16xi32>], vector<16xf32>,
      %select_n3A_3521 = arith.select %eq3A_3479, %get3A_109, %gather3A_3520 : vector<16xi1>, vector<16xf32>
      %mul3A_3522 = arith.mulf %gather3A_3515, %select_n3A_3521 : vector<16xf32>
      %add3A_3523 = arith.addf %gather3A_3491, %mul3A_3522 : vector<16xf32>
      %mul3A_3524 = arith.mulf %select_n3A_3518, %add3A_3523 : vector<16xf32>
      %add3A_3525 = arith.addf %add3A_3407, %mul3A_3524 : vector<16xf32>
      %mul3A_3526 = arith.mulf %gather3A_3503, %select_n3A_3521 : vector<16xf32>
      %add3A_3527 = arith.addf %add3A_3525, %mul3A_3526 : vector<16xf32>
      %add3A_3528 = arith.addi %add3A_85, %min3A_3470 : vector<16xi32>
      %gather3A_3529 = tpu.vector_load_idx %arg14[%add3A_3528] : memref<65024xf32, #tpu.memory_space<vmem>>[vector<16xi32>], vector<16xf32>,
      %select_n3A_3530 = arith.select %eq3A_3476, %get3A_115, %gather3A_3529 : vector<16xi1>, vector<16xf32>
      %add3A_3531 = arith.addi %add3A_85, %min3A_3473 : vector<16xi32>
      %gather3A_3532 = tpu.vector_load_idx %arg14[%add3A_3531] : memref<65024xf32, #tpu.memory_space<vmem>>[vector<16xi32>], vector<16xf32>,
      %select_n3A_3533 = arith.select %eq3A_3479, %get3A_115, %gather3A_3532 : vector<16xi1>, vector<16xf32>
      %mul3A_3534 = arith.mulf %gather3A_3515, %select_n3A_3533 : vector<16xf32>
      %add3A_3535 = arith.addf %gather3A_3491, %mul3A_3534 : vector<16xf32>
      %mul3A_3536 = arith.mulf %select_n3A_3530, %add3A_3535 : vector<16xf32>
      %add3A_3537 = arith.addf %add3A_3419, %mul3A_3536 : vector<16xf32>
      %mul3A_3538 = arith.mulf %gather3A_3503, %select_n3A_3533 : vector<16xf32>
      %add3A_3539 = arith.addf %add3A_3537, %mul3A_3538 : vector<16xf32>
      %add3A_3540 = arith.addi %add3A_94, %min3A_3470 : vector<16xi32>
      %gather3A_3541 = tpu.vector_load_idx %arg14[%add3A_3540] : memref<65024xf32, #tpu.memory_space<vmem>>[vector<16xi32>], vector<16xf32>,
      %select_n3A_3542 = arith.select %eq3A_3476, %get3A_121, %gather3A_3541 : vector<16xi1>, vector<16xf32>
      %add3A_3543 = arith.addi %add3A_94, %min3A_3473 : vector<16xi32>
      %gather3A_3544 = tpu.vector_load_idx %arg14[%add3A_3543] : memref<65024xf32, #tpu.memory_space<vmem>>[vector<16xi32>], vector<16xf32>,
      %select_n3A_3545 = arith.select %eq3A_3479, %get3A_121, %gather3A_3544 : vector<16xi1>, vector<16xf32>
      %mul3A_3546 = arith.mulf %gather3A_3515, %select_n3A_3545 : vector<16xf32>
      %add3A_3547 = arith.addf %gather3A_3491, %mul3A_3546 : vector<16xf32>
      %mul3A_3548 = arith.mulf %select_n3A_3542, %add3A_3547 : vector<16xf32>
      %add3A_3549 = arith.addf %add3A_3431, %mul3A_3548 : vector<16xf32>
      %mul3A_3550 = arith.mulf %gather3A_3503, %select_n3A_3545 : vector<16xf32>
      %add3A_3551 = arith.addf %add3A_3549, %mul3A_3550 : vector<16xf32>
      %add3A_3552 = arith.addi %add3A_103, %min3A_3470 : vector<16xi32>
      %gather3A_3553 = tpu.vector_load_idx %arg14[%add3A_3552] : memref<65024xf32, #tpu.memory_space<vmem>>[vector<16xi32>], vector<16xf32>,
      %select_n3A_3554 = arith.select %eq3A_3476, %get3A_127, %gather3A_3553 : vector<16xi1>, vector<16xf32>
      %add3A_3555 = arith.addi %add3A_103, %min3A_3473 : vector<16xi32>
      %gather3A_3556 = tpu.vector_load_idx %arg14[%add3A_3555] : memref<65024xf32, #tpu.memory_space<vmem>>[vector<16xi32>], vector<16xf32>,
      %select_n3A_3557 = arith.select %eq3A_3479, %get3A_127, %gather3A_3556 : vector<16xi1>, vector<16xf32>
      %mul3A_3558 = arith.mulf %gather3A_3515, %select_n3A_3557 : vector<16xf32>
      %add3A_3559 = arith.addf %gather3A_3491, %mul3A_3558 : vector<16xf32>
      %mul3A_3560 = arith.mulf %select_n3A_3554, %add3A_3559 : vector<16xf32>
      %add3A_3561 = arith.addf %add3A_3443, %mul3A_3560 : vector<16xf32>
      %mul3A_3562 = arith.mulf %gather3A_3503, %select_n3A_3557 : vector<16xf32>
      %add3A_3563 = arith.addf %add3A_3561, %mul3A_3562 : vector<16xf32>
      %broadcast_in_dim3A_3564 = arith.constant 14 : i32
      %broadcast_in_dim3A_3565 = vector.broadcast %broadcast_in_dim3A_3564 : i32 to vector<16xi32>
      %lt3A_3566 = arith.constant 0 : i32
      %lt3A_3567 = vector.broadcast %lt3A_3566 : i32 to vector<16xi32>
      %lt3A_3568 = arith.cmpi slt, %broadcast_in_dim3A_3565, %lt3A_3567 : vector<16xi32>
      %add3A_3569 = arith.constant 16 : i32
      %add3A_3570 = vector.broadcast %add3A_3569 : i32 to vector<16xi32>
      %add3A_3571 = arith.addi %broadcast_in_dim3A_3565, %add3A_3570 : vector<16xi32>
      %select_n3A_3572 = arith.select %lt3A_3568, %add3A_3571, %broadcast_in_dim3A_3565 : vector<16xi1>, vector<16xi32>
      %broadcast_in_dim3A_3573 = vector.shape_cast %select_n3A_3572 : vector<16xi32> to vector<16x1xi32>
      %gather3A_3574 = vector.shape_cast %broadcast_in_dim3A_3573 : vector<16x1xi32> to vector<16xi32>
      %gather3A_3575 = tpu.dynamic_gather %get3A_19[%gather3A_3574] in [0] : vector<16xi32>, vector<16xi32> -> vector<16xi32>
      %broadcast_in_dim3A_3576 = arith.constant 14 : i32
      %broadcast_in_dim3A_3577 = vector.broadcast %broadcast_in_dim3A_3576 : i32 to vector<16xi32>
      %lt3A_3578 = arith.constant 0 : i32
      %lt3A_3579 = vector.broadcast %lt3A_3578 : i32 to vector<16xi32>
      %lt3A_3580 = arith.cmpi slt, %broadcast_in_dim3A_3577, %lt3A_3579 : vector<16xi32>
      %add3A_3581 = arith.constant 16 : i32
      %add3A_3582 = vector.broadcast %add3A_3581 : i32 to vector<16xi32>
      %add3A_3583 = arith.addi %broadcast_in_dim3A_3577, %add3A_3582 : vector<16xi32>
      %select_n3A_3584 = arith.select %lt3A_3580, %add3A_3583, %broadcast_in_dim3A_3577 : vector<16xi1>, vector<16xi32>
      %broadcast_in_dim3A_3585 = vector.shape_cast %select_n3A_3584 : vector<16xi32> to vector<16x1xi32>
      %gather3A_3586 = vector.shape_cast %broadcast_in_dim3A_3585 : vector<16x1xi32> to vector<16xi32>
      %gather3A_3587 = tpu.dynamic_gather %get3A_23[%gather3A_3586] in [0] : vector<16xi32>, vector<16xi32> -> vector<16xi32>
      %min3A_3588 = arith.constant 126 : i32
      %min3A_3589 = vector.broadcast %min3A_3588 : i32 to vector<16xi32>
      %min3A_3590 = arith.minsi %gather3A_3575, %min3A_3589 : vector<16xi32>
      %min3A_3591 = arith.constant 126 : i32
      %min3A_3592 = vector.broadcast %min3A_3591 : i32 to vector<16xi32>
      %min3A_3593 = arith.minsi %gather3A_3587, %min3A_3592 : vector<16xi32>
      %eq3A_3594 = arith.constant 127 : i32
      %eq3A_3595 = vector.broadcast %eq3A_3594 : i32 to vector<16xi32>
      %eq3A_3596 = arith.cmpi eq, %gather3A_3575, %eq3A_3595 : vector<16xi32>
      %eq3A_3597 = arith.constant 127 : i32
      %eq3A_3598 = vector.broadcast %eq3A_3597 : i32 to vector<16xi32>
      %eq3A_3599 = arith.cmpi eq, %gather3A_3587, %eq3A_3598 : vector<16xi32>
      %broadcast_in_dim3A_3600 = arith.constant 14 : i32
      %broadcast_in_dim3A_3601 = vector.broadcast %broadcast_in_dim3A_3600 : i32 to vector<16xi32>
      %lt3A_3602 = arith.constant 0 : i32
      %lt3A_3603 = vector.broadcast %lt3A_3602 : i32 to vector<16xi32>
      %lt3A_3604 = arith.cmpi slt, %broadcast_in_dim3A_3601, %lt3A_3603 : vector<16xi32>
      %add3A_3605 = arith.constant 16 : i32
      %add3A_3606 = vector.broadcast %add3A_3605 : i32 to vector<16xi32>
      %add3A_3607 = arith.addi %broadcast_in_dim3A_3601, %add3A_3606 : vector<16xi32>
      %select_n3A_3608 = arith.select %lt3A_3604, %add3A_3607, %broadcast_in_dim3A_3601 : vector<16xi1>, vector<16xi32>
      %broadcast_in_dim3A_3609 = vector.shape_cast %select_n3A_3608 : vector<16xi32> to vector<16x1xi32>
      %gather3A_3610 = vector.shape_cast %broadcast_in_dim3A_3609 : vector<16x1xi32> to vector<16xi32>
      %gather3A_3611 = tpu.dynamic_gather %sub3A_41[%gather3A_3610] in [0] : vector<16xf32>, vector<16xi32> -> vector<16xf32>
      %broadcast_in_dim3A_3612 = arith.constant 14 : i32
      %broadcast_in_dim3A_3613 = vector.broadcast %broadcast_in_dim3A_3612 : i32 to vector<16xi32>
      %lt3A_3614 = arith.constant 0 : i32
      %lt3A_3615 = vector.broadcast %lt3A_3614 : i32 to vector<16xi32>
      %lt3A_3616 = arith.cmpi slt, %broadcast_in_dim3A_3613, %lt3A_3615 : vector<16xi32>
      %add3A_3617 = arith.constant 16 : i32
      %add3A_3618 = vector.broadcast %add3A_3617 : i32 to vector<16xi32>
      %add3A_3619 = arith.addi %broadcast_in_dim3A_3613, %add3A_3618 : vector<16xi32>
      %select_n3A_3620 = arith.select %lt3A_3616, %add3A_3619, %broadcast_in_dim3A_3613 : vector<16xi1>, vector<16xi32>
      %broadcast_in_dim3A_3621 = vector.shape_cast %select_n3A_3620 : vector<16xi32> to vector<16x1xi32>
      %gather3A_3622 = vector.shape_cast %broadcast_in_dim3A_3621 : vector<16x1xi32> to vector<16xi32>
      %gather3A_3623 = tpu.dynamic_gather %sub3A_43[%gather3A_3622] in [0] : vector<16xf32>, vector<16xi32> -> vector<16xf32>
      %broadcast_in_dim3A_3624 = arith.constant 14 : i32
      %broadcast_in_dim3A_3625 = vector.broadcast %broadcast_in_dim3A_3624 : i32 to vector<16xi32>
      %lt3A_3626 = arith.constant 0 : i32
      %lt3A_3627 = vector.broadcast %lt3A_3626 : i32 to vector<16xi32>
      %lt3A_3628 = arith.cmpi slt, %broadcast_in_dim3A_3625, %lt3A_3627 : vector<16xi32>
      %add3A_3629 = arith.constant 16 : i32
      %add3A_3630 = vector.broadcast %add3A_3629 : i32 to vector<16xi32>
      %add3A_3631 = arith.addi %broadcast_in_dim3A_3625, %add3A_3630 : vector<16xi32>
      %select_n3A_3632 = arith.select %lt3A_3628, %add3A_3631, %broadcast_in_dim3A_3625 : vector<16xi1>, vector<16xi32>
      %broadcast_in_dim3A_3633 = vector.shape_cast %select_n3A_3632 : vector<16xi32> to vector<16x1xi32>
      %gather3A_3634 = vector.shape_cast %broadcast_in_dim3A_3633 : vector<16x1xi32> to vector<16xi32>
      %gather3A_3635 = tpu.dynamic_gather %add3A_49[%gather3A_3634] in [0] : vector<16xf32>, vector<16xi32> -> vector<16xf32>
      %add3A_3636 = arith.addi %add3A_76, %min3A_3590 : vector<16xi32>
      %gather3A_3637 = tpu.vector_load_idx %arg14[%add3A_3636] : memref<65024xf32, #tpu.memory_space<vmem>>[vector<16xi32>], vector<16xf32>,
      %select_n3A_3638 = arith.select %eq3A_3596, %get3A_109, %gather3A_3637 : vector<16xi1>, vector<16xf32>
      %add3A_3639 = arith.addi %add3A_76, %min3A_3593 : vector<16xi32>
      %gather3A_3640 = tpu.vector_load_idx %arg14[%add3A_3639] : memref<65024xf32, #tpu.memory_space<vmem>>[vector<16xi32>], vector<16xf32>,
      %select_n3A_3641 = arith.select %eq3A_3599, %get3A_109, %gather3A_3640 : vector<16xi1>, vector<16xf32>
      %mul3A_3642 = arith.mulf %gather3A_3635, %select_n3A_3641 : vector<16xf32>
      %add3A_3643 = arith.addf %gather3A_3611, %mul3A_3642 : vector<16xf32>
      %mul3A_3644 = arith.mulf %select_n3A_3638, %add3A_3643 : vector<16xf32>
      %add3A_3645 = arith.addf %add3A_3527, %mul3A_3644 : vector<16xf32>
      %mul3A_3646 = arith.mulf %gather3A_3623, %select_n3A_3641 : vector<16xf32>
      %add3A_3647 = arith.addf %add3A_3645, %mul3A_3646 : vector<16xf32>
      %add3A_3648 = arith.addi %add3A_85, %min3A_3590 : vector<16xi32>
      %gather3A_3649 = tpu.vector_load_idx %arg14[%add3A_3648] : memref<65024xf32, #tpu.memory_space<vmem>>[vector<16xi32>], vector<16xf32>,
      %select_n3A_3650 = arith.select %eq3A_3596, %get3A_115, %gather3A_3649 : vector<16xi1>, vector<16xf32>
      %add3A_3651 = arith.addi %add3A_85, %min3A_3593 : vector<16xi32>
      %gather3A_3652 = tpu.vector_load_idx %arg14[%add3A_3651] : memref<65024xf32, #tpu.memory_space<vmem>>[vector<16xi32>], vector<16xf32>,
      %select_n3A_3653 = arith.select %eq3A_3599, %get3A_115, %gather3A_3652 : vector<16xi1>, vector<16xf32>
      %mul3A_3654 = arith.mulf %gather3A_3635, %select_n3A_3653 : vector<16xf32>
      %add3A_3655 = arith.addf %gather3A_3611, %mul3A_3654 : vector<16xf32>
      %mul3A_3656 = arith.mulf %select_n3A_3650, %add3A_3655 : vector<16xf32>
      %add3A_3657 = arith.addf %add3A_3539, %mul3A_3656 : vector<16xf32>
      %mul3A_3658 = arith.mulf %gather3A_3623, %select_n3A_3653 : vector<16xf32>
      %add3A_3659 = arith.addf %add3A_3657, %mul3A_3658 : vector<16xf32>
      %add3A_3660 = arith.addi %add3A_94, %min3A_3590 : vector<16xi32>
      %gather3A_3661 = tpu.vector_load_idx %arg14[%add3A_3660] : memref<65024xf32, #tpu.memory_space<vmem>>[vector<16xi32>], vector<16xf32>,
      %select_n3A_3662 = arith.select %eq3A_3596, %get3A_121, %gather3A_3661 : vector<16xi1>, vector<16xf32>
      %add3A_3663 = arith.addi %add3A_94, %min3A_3593 : vector<16xi32>
      %gather3A_3664 = tpu.vector_load_idx %arg14[%add3A_3663] : memref<65024xf32, #tpu.memory_space<vmem>>[vector<16xi32>], vector<16xf32>,
      %select_n3A_3665 = arith.select %eq3A_3599, %get3A_121, %gather3A_3664 : vector<16xi1>, vector<16xf32>
      %mul3A_3666 = arith.mulf %gather3A_3635, %select_n3A_3665 : vector<16xf32>
      %add3A_3667 = arith.addf %gather3A_3611, %mul3A_3666 : vector<16xf32>
      %mul3A_3668 = arith.mulf %select_n3A_3662, %add3A_3667 : vector<16xf32>
      %add3A_3669 = arith.addf %add3A_3551, %mul3A_3668 : vector<16xf32>
      %mul3A_3670 = arith.mulf %gather3A_3623, %select_n3A_3665 : vector<16xf32>
      %add3A_3671 = arith.addf %add3A_3669, %mul3A_3670 : vector<16xf32>
      %add3A_3672 = arith.addi %add3A_103, %min3A_3590 : vector<16xi32>
      %gather3A_3673 = tpu.vector_load_idx %arg14[%add3A_3672] : memref<65024xf32, #tpu.memory_space<vmem>>[vector<16xi32>], vector<16xf32>,
      %select_n3A_3674 = arith.select %eq3A_3596, %get3A_127, %gather3A_3673 : vector<16xi1>, vector<16xf32>
      %add3A_3675 = arith.addi %add3A_103, %min3A_3593 : vector<16xi32>
      %gather3A_3676 = tpu.vector_load_idx %arg14[%add3A_3675] : memref<65024xf32, #tpu.memory_space<vmem>>[vector<16xi32>], vector<16xf32>,
      %select_n3A_3677 = arith.select %eq3A_3599, %get3A_127, %gather3A_3676 : vector<16xi1>, vector<16xf32>
      %mul3A_3678 = arith.mulf %gather3A_3635, %select_n3A_3677 : vector<16xf32>
      %add3A_3679 = arith.addf %gather3A_3611, %mul3A_3678 : vector<16xf32>
      %mul3A_3680 = arith.mulf %select_n3A_3674, %add3A_3679 : vector<16xf32>
      %add3A_3681 = arith.addf %add3A_3563, %mul3A_3680 : vector<16xf32>
      %mul3A_3682 = arith.mulf %gather3A_3623, %select_n3A_3677 : vector<16xf32>
      %add3A_3683 = arith.addf %add3A_3681, %mul3A_3682 : vector<16xf32>
      %broadcast_in_dim3A_3684 = arith.constant 15 : i32
      %broadcast_in_dim3A_3685 = vector.broadcast %broadcast_in_dim3A_3684 : i32 to vector<16xi32>
      %lt3A_3686 = arith.constant 0 : i32
      %lt3A_3687 = vector.broadcast %lt3A_3686 : i32 to vector<16xi32>
      %lt3A_3688 = arith.cmpi slt, %broadcast_in_dim3A_3685, %lt3A_3687 : vector<16xi32>
      %add3A_3689 = arith.constant 16 : i32
      %add3A_3690 = vector.broadcast %add3A_3689 : i32 to vector<16xi32>
      %add3A_3691 = arith.addi %broadcast_in_dim3A_3685, %add3A_3690 : vector<16xi32>
      %select_n3A_3692 = arith.select %lt3A_3688, %add3A_3691, %broadcast_in_dim3A_3685 : vector<16xi1>, vector<16xi32>
      %broadcast_in_dim3A_3693 = vector.shape_cast %select_n3A_3692 : vector<16xi32> to vector<16x1xi32>
      %gather3A_3694 = vector.shape_cast %broadcast_in_dim3A_3693 : vector<16x1xi32> to vector<16xi32>
      %gather3A_3695 = tpu.dynamic_gather %get3A_19[%gather3A_3694] in [0] : vector<16xi32>, vector<16xi32> -> vector<16xi32>
      %broadcast_in_dim3A_3696 = arith.constant 15 : i32
      %broadcast_in_dim3A_3697 = vector.broadcast %broadcast_in_dim3A_3696 : i32 to vector<16xi32>
      %lt3A_3698 = arith.constant 0 : i32
      %lt3A_3699 = vector.broadcast %lt3A_3698 : i32 to vector<16xi32>
      %lt3A_3700 = arith.cmpi slt, %broadcast_in_dim3A_3697, %lt3A_3699 : vector<16xi32>
      %add3A_3701 = arith.constant 16 : i32
      %add3A_3702 = vector.broadcast %add3A_3701 : i32 to vector<16xi32>
      %add3A_3703 = arith.addi %broadcast_in_dim3A_3697, %add3A_3702 : vector<16xi32>
      %select_n3A_3704 = arith.select %lt3A_3700, %add3A_3703, %broadcast_in_dim3A_3697 : vector<16xi1>, vector<16xi32>
      %broadcast_in_dim3A_3705 = vector.shape_cast %select_n3A_3704 : vector<16xi32> to vector<16x1xi32>
      %gather3A_3706 = vector.shape_cast %broadcast_in_dim3A_3705 : vector<16x1xi32> to vector<16xi32>
      %gather3A_3707 = tpu.dynamic_gather %get3A_23[%gather3A_3706] in [0] : vector<16xi32>, vector<16xi32> -> vector<16xi32>
      %min3A_3708 = arith.constant 126 : i32
      %min3A_3709 = vector.broadcast %min3A_3708 : i32 to vector<16xi32>
      %min3A_3710 = arith.minsi %gather3A_3695, %min3A_3709 : vector<16xi32>
      %min3A_3711 = arith.constant 126 : i32
      %min3A_3712 = vector.broadcast %min3A_3711 : i32 to vector<16xi32>
      %min3A_3713 = arith.minsi %gather3A_3707, %min3A_3712 : vector<16xi32>
      %eq3A_3714 = arith.constant 127 : i32
      %eq3A_3715 = vector.broadcast %eq3A_3714 : i32 to vector<16xi32>
      %eq3A_3716 = arith.cmpi eq, %gather3A_3695, %eq3A_3715 : vector<16xi32>
      %eq3A_3717 = arith.constant 127 : i32
      %eq3A_3718 = vector.broadcast %eq3A_3717 : i32 to vector<16xi32>
      %eq3A_3719 = arith.cmpi eq, %gather3A_3707, %eq3A_3718 : vector<16xi32>
      %broadcast_in_dim3A_3720 = arith.constant 15 : i32
      %broadcast_in_dim3A_3721 = vector.broadcast %broadcast_in_dim3A_3720 : i32 to vector<16xi32>
      %lt3A_3722 = arith.constant 0 : i32
      %lt3A_3723 = vector.broadcast %lt3A_3722 : i32 to vector<16xi32>
      %lt3A_3724 = arith.cmpi slt, %broadcast_in_dim3A_3721, %lt3A_3723 : vector<16xi32>
      %add3A_3725 = arith.constant 16 : i32
      %add3A_3726 = vector.broadcast %add3A_3725 : i32 to vector<16xi32>
      %add3A_3727 = arith.addi %broadcast_in_dim3A_3721, %add3A_3726 : vector<16xi32>
      %select_n3A_3728 = arith.select %lt3A_3724, %add3A_3727, %broadcast_in_dim3A_3721 : vector<16xi1>, vector<16xi32>
      %broadcast_in_dim3A_3729 = vector.shape_cast %select_n3A_3728 : vector<16xi32> to vector<16x1xi32>
      %gather3A_3730 = vector.shape_cast %broadcast_in_dim3A_3729 : vector<16x1xi32> to vector<16xi32>
      %gather3A_3731 = tpu.dynamic_gather %sub3A_41[%gather3A_3730] in [0] : vector<16xf32>, vector<16xi32> -> vector<16xf32>
      %broadcast_in_dim3A_3732 = arith.constant 15 : i32
      %broadcast_in_dim3A_3733 = vector.broadcast %broadcast_in_dim3A_3732 : i32 to vector<16xi32>
      %lt3A_3734 = arith.constant 0 : i32
      %lt3A_3735 = vector.broadcast %lt3A_3734 : i32 to vector<16xi32>
      %lt3A_3736 = arith.cmpi slt, %broadcast_in_dim3A_3733, %lt3A_3735 : vector<16xi32>
      %add3A_3737 = arith.constant 16 : i32
      %add3A_3738 = vector.broadcast %add3A_3737 : i32 to vector<16xi32>
      %add3A_3739 = arith.addi %broadcast_in_dim3A_3733, %add3A_3738 : vector<16xi32>
      %select_n3A_3740 = arith.select %lt3A_3736, %add3A_3739, %broadcast_in_dim3A_3733 : vector<16xi1>, vector<16xi32>
      %broadcast_in_dim3A_3741 = vector.shape_cast %select_n3A_3740 : vector<16xi32> to vector<16x1xi32>
      %gather3A_3742 = vector.shape_cast %broadcast_in_dim3A_3741 : vector<16x1xi32> to vector<16xi32>
      %gather3A_3743 = tpu.dynamic_gather %sub3A_43[%gather3A_3742] in [0] : vector<16xf32>, vector<16xi32> -> vector<16xf32>
      %broadcast_in_dim3A_3744 = arith.constant 15 : i32
      %broadcast_in_dim3A_3745 = vector.broadcast %broadcast_in_dim3A_3744 : i32 to vector<16xi32>
      %lt3A_3746 = arith.constant 0 : i32
      %lt3A_3747 = vector.broadcast %lt3A_3746 : i32 to vector<16xi32>
      %lt3A_3748 = arith.cmpi slt, %broadcast_in_dim3A_3745, %lt3A_3747 : vector<16xi32>
      %add3A_3749 = arith.constant 16 : i32
      %add3A_3750 = vector.broadcast %add3A_3749 : i32 to vector<16xi32>
      %add3A_3751 = arith.addi %broadcast_in_dim3A_3745, %add3A_3750 : vector<16xi32>
      %select_n3A_3752 = arith.select %lt3A_3748, %add3A_3751, %broadcast_in_dim3A_3745 : vector<16xi1>, vector<16xi32>
      %broadcast_in_dim3A_3753 = vector.shape_cast %select_n3A_3752 : vector<16xi32> to vector<16x1xi32>
      %gather3A_3754 = vector.shape_cast %broadcast_in_dim3A_3753 : vector<16x1xi32> to vector<16xi32>
      %gather3A_3755 = tpu.dynamic_gather %add3A_49[%gather3A_3754] in [0] : vector<16xf32>, vector<16xi32> -> vector<16xf32>
      %add3A_3756 = arith.addi %add3A_76, %min3A_3710 : vector<16xi32>
      %gather3A_3757 = tpu.vector_load_idx %arg14[%add3A_3756] : memref<65024xf32, #tpu.memory_space<vmem>>[vector<16xi32>], vector<16xf32>,
      %select_n3A_3758 = arith.select %eq3A_3716, %get3A_109, %gather3A_3757 : vector<16xi1>, vector<16xf32>
      %add3A_3759 = arith.addi %add3A_76, %min3A_3713 : vector<16xi32>
      %gather3A_3760 = tpu.vector_load_idx %arg14[%add3A_3759] : memref<65024xf32, #tpu.memory_space<vmem>>[vector<16xi32>], vector<16xf32>,
      %select_n3A_3761 = arith.select %eq3A_3719, %get3A_109, %gather3A_3760 : vector<16xi1>, vector<16xf32>
      %mul3A_3762 = arith.mulf %gather3A_3755, %select_n3A_3761 : vector<16xf32>
      %add3A_3763 = arith.addf %gather3A_3731, %mul3A_3762 : vector<16xf32>
      %mul3A_3764 = arith.mulf %select_n3A_3758, %add3A_3763 : vector<16xf32>
      %add3A_3765 = arith.addf %add3A_3647, %mul3A_3764 : vector<16xf32>
      %mul3A_3766 = arith.mulf %gather3A_3743, %select_n3A_3761 : vector<16xf32>
      %add3A_3767 = arith.addf %add3A_3765, %mul3A_3766 : vector<16xf32>
      %add3A_3768 = arith.addi %add3A_85, %min3A_3710 : vector<16xi32>
      %gather3A_3769 = tpu.vector_load_idx %arg14[%add3A_3768] : memref<65024xf32, #tpu.memory_space<vmem>>[vector<16xi32>], vector<16xf32>,
      %select_n3A_3770 = arith.select %eq3A_3716, %get3A_115, %gather3A_3769 : vector<16xi1>, vector<16xf32>
      %add3A_3771 = arith.addi %add3A_85, %min3A_3713 : vector<16xi32>
      %gather3A_3772 = tpu.vector_load_idx %arg14[%add3A_3771] : memref<65024xf32, #tpu.memory_space<vmem>>[vector<16xi32>], vector<16xf32>,
      %select_n3A_3773 = arith.select %eq3A_3719, %get3A_115, %gather3A_3772 : vector<16xi1>, vector<16xf32>
      %mul3A_3774 = arith.mulf %gather3A_3755, %select_n3A_3773 : vector<16xf32>
      %add3A_3775 = arith.addf %gather3A_3731, %mul3A_3774 : vector<16xf32>
      %mul3A_3776 = arith.mulf %select_n3A_3770, %add3A_3775 : vector<16xf32>
      %add3A_3777 = arith.addf %add3A_3659, %mul3A_3776 : vector<16xf32>
      %mul3A_3778 = arith.mulf %gather3A_3743, %select_n3A_3773 : vector<16xf32>
      %add3A_3779 = arith.addf %add3A_3777, %mul3A_3778 : vector<16xf32>
      %add3A_3780 = arith.addi %add3A_94, %min3A_3710 : vector<16xi32>
      %gather3A_3781 = tpu.vector_load_idx %arg14[%add3A_3780] : memref<65024xf32, #tpu.memory_space<vmem>>[vector<16xi32>], vector<16xf32>,
      %select_n3A_3782 = arith.select %eq3A_3716, %get3A_121, %gather3A_3781 : vector<16xi1>, vector<16xf32>
      %add3A_3783 = arith.addi %add3A_94, %min3A_3713 : vector<16xi32>
      %gather3A_3784 = tpu.vector_load_idx %arg14[%add3A_3783] : memref<65024xf32, #tpu.memory_space<vmem>>[vector<16xi32>], vector<16xf32>,
      %select_n3A_3785 = arith.select %eq3A_3719, %get3A_121, %gather3A_3784 : vector<16xi1>, vector<16xf32>
      %mul3A_3786 = arith.mulf %gather3A_3755, %select_n3A_3785 : vector<16xf32>
      %add3A_3787 = arith.addf %gather3A_3731, %mul3A_3786 : vector<16xf32>
      %mul3A_3788 = arith.mulf %select_n3A_3782, %add3A_3787 : vector<16xf32>
      %add3A_3789 = arith.addf %add3A_3671, %mul3A_3788 : vector<16xf32>
      %mul3A_3790 = arith.mulf %gather3A_3743, %select_n3A_3785 : vector<16xf32>
      %add3A_3791 = arith.addf %add3A_3789, %mul3A_3790 : vector<16xf32>
      %add3A_3792 = arith.addi %add3A_103, %min3A_3710 : vector<16xi32>
      %gather3A_3793 = tpu.vector_load_idx %arg14[%add3A_3792] : memref<65024xf32, #tpu.memory_space<vmem>>[vector<16xi32>], vector<16xf32>,
      %select_n3A_3794 = arith.select %eq3A_3716, %get3A_127, %gather3A_3793 : vector<16xi1>, vector<16xf32>
      %add3A_3795 = arith.addi %add3A_103, %min3A_3713 : vector<16xi32>
      %gather3A_3796 = tpu.vector_load_idx %arg14[%add3A_3795] : memref<65024xf32, #tpu.memory_space<vmem>>[vector<16xi32>], vector<16xf32>,
      %select_n3A_3797 = arith.select %eq3A_3719, %get3A_127, %gather3A_3796 : vector<16xi1>, vector<16xf32>
      %mul3A_3798 = arith.mulf %gather3A_3755, %select_n3A_3797 : vector<16xf32>
      %add3A_3799 = arith.addf %gather3A_3731, %mul3A_3798 : vector<16xf32>
      %mul3A_3800 = arith.mulf %select_n3A_3794, %add3A_3799 : vector<16xf32>
      %add3A_3801 = arith.addf %add3A_3683, %mul3A_3800 : vector<16xf32>
      %mul3A_3802 = arith.mulf %gather3A_3743, %select_n3A_3797 : vector<16xf32>
      %add3A_3803 = arith.addf %add3A_3801, %mul3A_3802 : vector<16xf32>
      %add3A_3804 = arith.constant 0 : i32
      %add3A_3805 = arith.addi %mul3A_67, %add3A_3804 : i32
      %mul3A_3806 = arith.constant 16 : i32
      %mul3A_3807 = arith.muli %add3A_3805, %mul3A_3806 : i32
      %swap3A = arith.index_cast %mul3A_3807 : i32 to index
      %swap3A_3808 = tpu.vector_load %arg16[%swap3A] {strides = array<i32>} : memref<512xf32, #tpu.memory_space<vmem>>, vector<16xf32>,
      tpu.vector_store %arg16[%swap3A], %add3A_3767 {strides = array<i32>} : memref<512xf32, #tpu.memory_space<vmem>>, vector<16xf32>,
      %add3A_3809 = arith.constant 1 : i32
      %add3A_3810 = arith.addi %mul3A_67, %add3A_3809 : i32
      %mul3A_3811 = arith.constant 16 : i32
      %mul3A_3812 = arith.muli %add3A_3810, %mul3A_3811 : i32
      %swap3A_3813 = arith.index_cast %mul3A_3812 : i32 to index
      %swap3A_3814 = tpu.vector_load %arg16[%swap3A_3813] {strides = array<i32>} : memref<512xf32, #tpu.memory_space<vmem>>, vector<16xf32>,
      tpu.vector_store %arg16[%swap3A_3813], %add3A_3779 {strides = array<i32>} : memref<512xf32, #tpu.memory_space<vmem>>, vector<16xf32>,
      %add3A_3815 = arith.constant 2 : i32
      %add3A_3816 = arith.addi %mul3A_67, %add3A_3815 : i32
      %mul3A_3817 = arith.constant 16 : i32
      %mul3A_3818 = arith.muli %add3A_3816, %mul3A_3817 : i32
      %swap3A_3819 = arith.index_cast %mul3A_3818 : i32 to index
      %swap3A_3820 = tpu.vector_load %arg16[%swap3A_3819] {strides = array<i32>} : memref<512xf32, #tpu.memory_space<vmem>>, vector<16xf32>,
      tpu.vector_store %arg16[%swap3A_3819], %add3A_3791 {strides = array<i32>} : memref<512xf32, #tpu.memory_space<vmem>>, vector<16xf32>,
      %add3A_3821 = arith.constant 3 : i32
      %add3A_3822 = arith.addi %mul3A_67, %add3A_3821 : i32
      %mul3A_3823 = arith.constant 16 : i32
      %mul3A_3824 = arith.muli %add3A_3822, %mul3A_3823 : i32
      %swap3A_3825 = arith.index_cast %mul3A_3824 : i32 to index
      %swap3A_3826 = tpu.vector_load %arg16[%swap3A_3825] {strides = array<i32>} : memref<512xf32, #tpu.memory_space<vmem>>, vector<16xf32>,
      tpu.vector_store %arg16[%swap3A_3825], %add3A_3803 {strides = array<i32>} : memref<512xf32, #tpu.memory_space<vmem>>, vector<16xf32>,
    }
    %scan3A_64 = arith.constant 8 : i32
    "tpu.region"() ({
      %run_scoped3A = tpu.sem_alloc : memref<!tpu.dma_semaphore, #tpu.memory_space<semaphore_mem>>
      %dma_start3A_65 = tpu.memref_slice %arg13[%mul3A_2] : memref<16384xf32, #tpu.memory_space<hbm>> -> memref<512xf32, #tpu.memory_space<hbm>>
      %dma_start3A_66 = tpu.memref_slice %arg13[%mul3A_2] : memref<16384xf32, #tpu.memory_space<hbm>> -> memref<512xf32, #tpu.memory_space<hbm>>
      tpu.enqueue_dma source(%arg16 : memref<512xf32, #tpu.memory_space<vmem>>) target(%dma_start3A_66 : memref<512xf32, #tpu.memory_space<hbm>>) target_semaphore(%run_scoped3A : memref<!tpu.dma_semaphore, #tpu.memory_space<semaphore_mem>>)
      %dma_wait3A_67 = tpu.memref_slice %arg13[%mul3A_2] : memref<16384xf32, #tpu.memory_space<hbm>> -> memref<512xf32, #tpu.memory_space<hbm>>
      %dma_wait3A_68 = tpu.memref_slice %arg13[%mul3A_2] : memref<16384xf32, #tpu.memory_space<hbm>> -> memref<512xf32, #tpu.memory_space<hbm>>
      tpu.wait_dma2 semaphore(%run_scoped3A : memref<!tpu.dma_semaphore, #tpu.memory_space<semaphore_mem>>) src(%arg16 : memref<512xf32, #tpu.memory_space<vmem>>) dst(%dma_wait3A_68 : memref<512xf32, #tpu.memory_space<hbm>>)
      tpu.yield
    }) : () -> ()
    return
  }
}

</mosaic_0001>

<sc_bundles>
// kernel: kernel.3.cloned.1.call-start
scs
__scs_entry_jumppad:
0x0: {  	(pc) =	sbr.rel $0x88, $3  }
0x1: {  	(tag) =	ssettag $0x0;
	lr =	simm.s32 $0x1  }
0x2: {  	[smem:$0x3F96] =	sst lr;
	_ =	strace $0xD0000000  }
0x3: {  	_ = 	snop  }
0x4: {  	_ = 	snop  }
0x5: {  	_ = 	snop  }
0x6: {  	_ = 	snop  }
0x7: {  	_ = 	snop  }
__scs_overlays_trampoline_lowered:
0x8: {  	[smem:$0x3FA5] =	sst s0  }
0x9: {  	[smem:$0x3FA6] =	sst s1  }
0xa: {  	[smem:$0x3FA7] =	sst s2  }
0xb: {  	[smem:$0x3FA8] =	sst s3  }
0xc: {  	[smem:$0x3FA9] =	sst s4  }
0xd: {  	[smem:$0x3FAA] =	sst s5  }
0xe: {  	[smem:$0x3FAB] =	sst s6  }
0xf: {  	[smem:$0x3FAC] =	sst s7  }
0x10: {  	[smem:$0x3FAD] =	sst s8  }
0x11: {  	[smem:$0x3FAE] =	sst s9;
	s0 =	simm.s32 @!p0 $0x0  }
0x12: {  	s1 =	sld [smem:$0x3F94];
	s0 =	simm.s32 @p0 $0x1  }
0x13: {  	[smem:$0x3FAF] =	sst s0;
	s0 =	simm.s32 @!p1 $0x0  }
0x14: {  	s2 =	sld [smem:$0x3F93];
	s0 =	simm.s32 @p1 $0x1  }
0x15: {  	[smem:$0x3FB0] =	sst s0;
	s0 =	simm.s32 @!p2 $0x0  }
0x16: {  	s3 =	sld [smem:$0x3FDB];
	s0 =	simm.s32 @p2 $0x1  }
0x17: {  	s4 =	simm.s32 $0x1BF5;
	[smem:$0x3FB2] =	sst s0  }
0x18: {  	s0 =	sld [smem:$0x3F95];
	_ =	swait.ge [sflag:s4], $0x0  }
0x19: {  	s7 =	sld [smem:$0x3F96]  }
0x1a: {  	s8 =	sadd.s32 $0xFFFFE003, lr  }
0x1b: {  	s9 =	sadd.s32 $0xFFFFFEF7, lr;
	s5 =	simm.s32 $0xFFFFFFFF;
	p2 =	slt.u32 s8, $0xFFFFF086  }
0x1c: {  	p1 =	slt.u32 s9, $0xF7A;
	s5 =	simm.s32 @!p2 $0x0  }
0x1d: {  	s5 =	simm.s32 @p1 $0x1;
	p0 =	seq.s32 s7, s2  }
0x1e: {  	s7 =	smul.u32 @!p0 $0xF7A, s2;
	p2 =	seq.s32 @!p0 s5, $0x0  }
0x1f: {  	s9 =	smul.u32 $0xF7A, s1;
	s8 =	simm.s32 @!p0 $0x1BF5;
	p2 =	por !p2, p0  }
0x20: {  	[sflag:s8] =	ssyncset.s32 @!p0 $0xFFFFF086;
	s6 =	sadd.s32 @!p0 s3, s7;
	s7 =	simm.s32 @!p0 $0x108  }
0x21: {  	s3 =	sadd.s32 s3, s9;
	s6 =	sadd.s32 @!p0 $0x88, s6;
	s7 =	simm.s32 @p2 $0x1082  }
0x22: {  	[simem:s7], [sflag:s8] =	dma.local @!p0 [hbm:s6], $0xF7A  }
0x23: {  	s9 =	sor.u32 $0xD0000000, s2;
	s6 =	simm.s32 $0x108;
	_ =	swait.ge @!p0 [sflag:s8], $0x0  }
0x24: {  	s3 =	sadd.s32 $0x88, s3;
	s6 =	simm.s32 @!p1 $0x1082;
	[sflag:s4] =	ssyncset.s32 $0xFFFFF086  }
0x25: {  	[simem:s6], [sflag:s4] =	dma.local [hbm:s3], $0xF7A  }
0x26: {  	[smem:$0x3F96] =	sst s1;
	(tag) =	ssettag s2;
	_ =	strace s9  }
0x27: {  	s1 =	sld [smem:$0x3FA6]  }
0x28: {  	s2 =	sld [smem:$0x3FA7]  }
0x29: {  	s4 =	sld [smem:$0x3FA9]  }
0x2a: {  	p0 =	seq.s32 s5, $0x0;
	s5 =	sld [smem:$0x3FAA]  }
0x2b: {  	s6 =	sld [smem:$0x3FAB]  }
0x2c: {  	s7 =	sld [smem:$0x3FAC]  }
0x2d: {  	s3 =	simm.s32 $0x108;
	s8 =	sld [smem:$0x3FAD]  }
0x2e: {  	s3 =	simm.s32 @!p0 $0x1082;
	s9 =	sld [smem:$0x3FAE]  }
0x2f: {  	lr =	sadd.s32 s0, s3;
	s0 =	sld [smem:$0x3FA5]  }
0x30: {  	s3 =	sld [smem:$0x3FA8]  }
0x31: {  	[smem:$0x3FB1] =	sst s10  }
0x32: {  	s10 =	sld [smem:$0x3FAF];
	_ =	sdelay $0x3  }
0x33: {  	p0 =	seq.s32 s10, $0x1;
	s10 =	sld [smem:$0x3FB1];
	_ =	sdelay $0x3  }
0x34: {  	[smem:$0x3FB1] =	sst s10  }
0x35: {  	s10 =	sld [smem:$0x3FB0];
	_ =	sdelay $0x3  }
0x36: {  	p1 =	seq.s32 s10, $0x1;
	s10 =	sld [smem:$0x3FB1];
	_ =	sdelay $0x3  }
0x37: {  	[smem:$0x3FB1] =	sst s10  }
0x38: {  	s10 =	sld [smem:$0x3FB2]  }
0x39: {  	_ = 	snop;
	(pc) =	sbr.ind lr, $3  }
0x3a: {  	_ = 	snop  }
0x3b: {  	_ = 	snop  }
0x3c: {  	p2 =	seq.s32 s10, $0x1;
	s10 =	sld [smem:$0x3FB1]  }
0x3d: {  	_ =	shalt  }
0x3e: {  	_ =	shalt  }
0x3f: {  	_ =	shalt  }
0x40: {  	_ =	shalt  }
0x41: {  	_ =	shalt  }
0x42: {  	_ =	shalt  }
0x43: {  	_ =	shalt  }
0x44: {  	_ =	shalt  }
0x45: {  	_ =	shalt  }
0x46: {  	_ =	shalt  }
0x47: {  	_ =	shalt  }
0x48: {  	_ =	shalt  }
0x49: {  	_ =	shalt  }
0x4a: {  	_ =	shalt  }
0x4b: {  	_ =	shalt  }
0x4c: {  	_ =	shalt  }
0x4d: {  	_ =	shalt  }
0x4e: {  	_ =	shalt  }
0x4f: {  	_ =	shalt  }
0x50: {  	_ =	shalt  }
0x51: {  	_ =	shalt  }
0x52: {  	_ =	shalt  }
0x53: {  	_ =	shalt  }
0x54: {  	_ =	shalt  }
0x55: {  	_ =	shalt  }
0x56: {  	_ =	shalt  }
0x57: {  	_ =	shalt  }
0x58: {  	_ =	shalt  }
0x59: {  	_ =	shalt  }
0x5a: {  	_ =	shalt  }
0x5b: {  	_ =	shalt  }
0x5c: {  	_ =	shalt  }
0x5d: {  	_ =	shalt  }
0x5e: {  	_ =	shalt  }
0x5f: {  	_ =	shalt  }
0x60: {  	_ =	shalt  }
0x61: {  	_ =	shalt  }
0x62: {  	_ =	shalt  }
0x63: {  	_ =	shalt  }
0x64: {  	_ =	shalt  }
0x65: {  	_ =	shalt  }
0x66: {  	_ =	shalt  }
0x67: {  	_ =	shalt  }
0x68: {  	_ =	shalt  }
0x69: {  	_ =	shalt  }
0x6a: {  	_ =	shalt  }
0x6b: {  	_ =	shalt  }
0x6c: {  	_ =	shalt  }
0x6d: {  	_ =	shalt  }
0x6e: {  	_ =	shalt  }
0x6f: {  	_ =	shalt  }
0x70: {  	_ =	shalt  }
0x71: {  	_ =	shalt  }
0x72: {  	_ =	shalt  }
0x73: {  	_ =	shalt  }
0x74: {  	_ =	shalt  }
0x75: {  	_ =	shalt  }
0x76: {  	_ =	shalt  }
0x77: {  	_ =	shalt  }
0x78: {  	_ =	shalt  }
0x79: {  	_ =	shalt  }
0x7a: {  	_ =	shalt  }
0x7b: {  	_ =	shalt  }
0x7c: {  	_ =	shalt  }
0x7d: {  	_ =	shalt  }
0x7e: {  	_ =	shalt  }
0x7f: {  	_ =	shalt  }
0x80: {  	_ =	shalt  }
0x81: {  	_ =	shalt  }
0x82: {  	_ =	shalt  }
0x83: {  	_ =	shalt  }
0x84: {  	_ =	shalt  }
0x85: {  	_ =	shalt  }
0x86: {  	_ =	shalt  }
0x87: {  	_ =	shalt  }
.Lfunc_end0:
.L_simem_size_0:
called_computation_lowered:
.L_overlay_start_0:
0x88: {  	s2 =	sld [smem:$0x3FD9]  }
0x89: {  	s3 =	sld [smem:$0x3FFE];
	_ =	sdelay $0x1  }
0x8a: {  	s1 =	srdreg.scid  }
0x8b: {  	s0 =	sand.u32 $0x1, s1  }
0x8c: {  	s17 =	sshll.u32 s0, $0xA;
	s2 =	sadd.s32 s3, s2  }
0x8d: {  	s2 =	sadd.s32 s2, s17  }
0x8e: {  	[smem:$0x3FBD] =	sst s2  }
0x8f: {  	_ = 	snop  }
0x90: {  	s2 =	sld [smem:$0x3FC8]  }
0x91: {  	s18 =	sld [smem:$0x3FC7]  }
0x92: {  	s4 =	sld [smem:$0x3FC6]  }
0x93: {  	s5 =	sld [smem:$0x3FC5]  }
0x94: {  	s6 =	sld [smem:$0x3FC4]  }
0x95: {  	s7 =	sld [smem:$0x3FC3]  }
0x96: {  	s8 =	sld [smem:$0x3FC2]  }
0x97: {  	s9 =	sld [smem:$0x3FC1]  }
0x98: {  	s10 =	sld [smem:$0x3FC0]  }
0x99: {  	s11 =	sld [smem:$0x3FBF]  }
0x9a: {  	s12 =	sld [smem:$0x3FD0];
	(tm) =	ssettm $0x1  }
0x9b: {  	s13 =	sld [smem:$0x3FFB];
	_ =	sdelay $0x3  }
0x9c: {  	_ =	strace s13  }
0x9d: {  	s13 =	sld [smem:$0x3FFC];
	_ =	sdelay $0x3  }
0x9e: {  	_ =	strace s13  }
0x9f: {  	s13 =	sld [smem:$0x3FFD];
	_ =	sdelay $0x3  }
0xa0: {  	_ =	strace s13  }
0xa1: {  	_ =	strace $0x8FFFFFFF  }
0xa2: {  	s19 =	sld [smem:$0x3FDB];
	_ =	sdelay $0x1  }
0xa3: {  	s14 =	simm.s32 $_scs_section_size  }
0xa4: {  	s15 =	simm.s32 $_size__tile_overlayer_lowered;
	s16 =	simm.s32 $_tile_overlayer_lowered  }
0xa5: {  	s22 =	simm.s32 $0x1BFF;
	s21 =	sshll.u32 s16, $0x1;
	s13 =	sadd.s32 s14, s19  }
0xa6: {  	s20 =	sshll.u32 s15, $0x1;
	s17 =	simm.s32 $0x0;
	s15 =	sadd.s32 s21, s13  }
0xa7: {  	[timem:s17], [sflag:s22] =	dma.local [hbm:s15], s20  }
0xa8: {  	_ =	swait.ge [sflag:s22], s20  }
0xa9: {  	s14 =	ssub.s32 $0x0, s20;
	[sflag:s22] =	ssyncset.done $0x0  }
0xaa: {  	[sflag:s22] =	ssyncadd.s32 s14;
	_ =	sdelay $0x1  }
0xab: {  	s23 =	simm.s32 $0x1B8B  }
0xac: {  	_ =	swait.ge [sflag:s23], $0x1  }
0xad: {  	[sflag:s23] =	ssyncset.done $0x0  }
0xae: {  	s25 =	simm.s32 $0x1B8E;
	s24 =	sld [smem:$0x3FFE];
	[sflag:s23] =	ssyncadd.s32 $0xFFFFFFFF  }
0xaf: {  	s26 =	simm.s32 $execute0_lowered;
	[smem:$0x3FD2] =	sst s25  }
0xb0: {  	s15 =	sshll.u32 s26, $0x1;
	_ =	strace $0x80000046;
	[dreg:$0x1] =	wrdreg $0xFFFFFFFF  }
0xb1: {  	s28 =	simm.s32 $_size_execute0_lowered;
	s13 =	sadd.s32 s13, s15;
	[dreg:$0x0] =	wrdreg $0x0  }
0xb2: {  	s15 =	sshll.u32 s28, $0x1;
	[dreg:$0x2] =	wrdreg s13  }
0xb3: {  	[dreg:$0x3] =	wrdreg s15  }
0xb4: {  	[dreg:$0x4] =	wrdreg $0xC0  }
0xb5: {  	_ =	task [dreg:s17], $0x5FFFF  }
0xb6: {  	[dreg:$0x1] =	wrdreg $0xFFFFFFFF  }
0xb7: {  	[dreg:$0x0] =	wrdreg $0x60  }
0xb8: {  	[dreg:$0x2] =	wrdreg s24  }
0xb9: {  	[dreg:$0x3] =	wrdreg s2  }
0xba: {  	[dreg:$0x4] =	wrdreg s18  }
0xbb: {  	[dreg:$0x5] =	wrdreg s4  }
0xbc: {  	[dreg:$0x6] =	wrdreg s5  }
0xbd: {  	[dreg:$0x7] =	wrdreg s6  }
0xbe: {  	[dreg:$0x8] =	wrdreg s7  }
0xbf: {  	[dreg:$0x9] =	wrdreg s8  }
0xc0: {  	[dreg:$0xa] =	wrdreg s9  }
0xc1: {  	[dreg:$0xb] =	wrdreg s10  }
0xc2: {  	[dreg:$0xc] =	wrdreg s11  }
0xc3: {  	[dreg:$0xd] =	wrdreg s12  }
0xc4: {  	[dreg:$0xe] =	wrdreg $0x9  }
0xc5: {  	_ =	task.clear_ibuf [dreg:s17], $0xFFFFF;
	_ =	strace $0x90000046  }
0xc6: {  	s29 =	simm.s32 $0x9;
	_ =	strace $0x80000048  }
0xc7: {  	_ =	swait.ge [sflag:s29], $0x1  }
0xc8: {  	[sflag:s29] =	ssyncadd.s32 $0xFFFFFFFF  }
0xc9: {  	_ =	strace $0x90000048  }
0xca: {  	_ =	sfence  }
0xcb: {  	s30 =	sld [smem:$0x0];
	_ =	sdelay $0x2  }
0xcc: {  	s31 =	sshll.u32 s1, $0xD;
	s1 =	sshrl.u32 s1, $0x2  }
0xcd: {  	s3 =	sand.u32 $0x4000, s31;
	s1 =	sadd.s32 s1, s30  }
0xce: {  	s0 =	sor.u32 s3, s0;
	s1 =	sshll.u32 s1, $0x11  }
0xcf: {  	s0 =	sor.u32 s1, s0  }
0xd0: {  	s0 =	sadd.s32 $0x8F2B, s0  }
0xd1: {  	[sflag:s0] =	ssyncadd.remote.s32 $0x1  }
0xd2: {  	_ =	sfence.sel $0xFFFF  }
0xd3: {  	[dreg:$0x0] =	wrdreg $0xFFFFFFFF;
	(pc) =	sbr.abs _section_cstart, $3  }
0xd4: {  	[dreg:$0x1] =	wrdreg $0xFFFFFFFF  }
0xd5: {  	_ =	task.clear_ibuf [dreg:s17], $0x2FFFF;
	_ =	strace $0x9FFFFFFF  }
0xd6: {  	(tm) =	ssettm $0x7FFFFFFF  }
0xd7: {  	_ =	shalt  }
tec
execute0_lowered:
.L_overlay_start_1:
0x0: {  	(tag) =	ssettag $0x1  }
0x1: {  	s6 =	rddreg [dreg:$0x0]  }
0x2: {  	s9 =	rddreg [dreg:$0x1]  }
0x3: {  	s1 =	rddreg [dreg:$0x3]  }
0x4: {  	s2 =	rddreg [dreg:$0x4]  }
0x5: {  	s3 =	rddreg [dreg:$0x5]  }
0x6: {  	s4 =	rddreg [dreg:$0x6]  }
0x7: {  	s5 =	rddreg [dreg:$0x7]  }
0x8: {  	s7 =	rddreg [dreg:$0x8]  }
0x9: {  	s8 =	rddreg [dreg:$0x9]  }
0xa: {  	s10 =	rddreg [dreg:$0xa];
	s11 =	srdreg.scid  }
0xb: {  	s0 =	stileid.u32;
	s14 =	rddreg [dreg:$0xb]  }
0xc: {  	s17 =	simm.s32 $0x10200;
	s18 =	simm.s32 $0x10280;
	s19 =	simm.s32 $0x10300  }
0xd: {  	s20 =	simm.s32 $0x10380;
	s21 =	simm.s32 $0x10400;
	s22 =	simm.s32 $0x10480  }
0xe: {  	s23 =	simm.s32 $0x10500;
	s24 =	simm.s32 $0x10580;
	s25 =	simm.s32 $0x10600  }
0xf: {  	s28 =	simm.s32 $0x10000;
	s29 =	simm.s32 $0x2;
	s30 =	simm.s32 $0x0  }
0x10: {  	v1 =	vlaneseq.u32;
	vm0 =	vmmov $0xff;
	s12 =	sand.u32 $0x1, s11;
	s13 =	sshll.u32 s0, $0x1;
	s11 =	simm.s32 $0x0  }
0x11: {  	v0 =	vimm.s32 $0x0;
	v2 =	vimm.s32 $0x1;
	v3 =	vimm.s32 $0x2;
	s13 =	sor.u32 s12, s13;
	[smem:$0x7FF] =	sst s11;
	s12 =	ssub.s32 $0x2, s12  }
0x12: {  	v4 =	vimm.s32 $0x3;
	v5 =	vimm.s32 $0x4;
	v6 =	vimm.s32 $0x5;
	s15 =	smul.u32 $0x1FC0, s13;
	s16 =	sshrl.u32 s12, $0x1;
	s31 =	sshll.u32 s13, $0x6  }
0x13: {  	v7 =	vimm.s32 $0x6;
	v8 =	vimm.s32 $0x7;
	v1 =	vmul.u32 $0x7F, v1;
	_ =	strace $0x80000047;
	s26 =	ssub.s32 s12, s16;
	s13 =	sadd.s32 s9, s31  }
0x14: {  	v9 =	vimm.s32 $0x8;
	v63 =	vimm.s32 $0x9;
	v10 =	vimm.s32 $0xA;
	s14 =	sadd.s32 s14, s31;
	s16 =	simm.s32 $0xFE00;
	s6 =	sadd.s32 s15, s6  }
0x15: {  	v32 =	vimm.s32 $0xB;
	v36 =	vimm.s32 $0xD;
	v34 =	vimm.s32 $0x8;
	[tilespmem:$0x1FFF0] =	vst v1;
	s15 =	smax.u32 s26, $0x1;
	s26 =	simm.s32 $0x1;
	s12 =	sadd.s32 $0x400, s6  }
.LBB2_1:
0x16: {  	[tilespmem:s11], [sflag:$0x1] =	stream.linear.gather [hbm4b:s12+s11], $0xFE00, $0x38;
	[tilespmem:$0x10680] =	vst v63  }
0x17: {  	_ = 	snop  }
0x18: {  	[tilespmem:s16], [sflag:$0x1] =	stream.linear.gather [hbm4b:s13+s11], $0x200, $0x38;
	[tilespmem:$0x10680] =	vst v63  }
0x19: {  	s0 =	rddreg [dreg:$0x2]  }
0x1a: {  	[tilespmem:s17], [sflag:$0x1] =	stream.linear.gather [hbm4b:s0+s11], $0x80, $0x38;
	[tilespmem:$0x10680] =	vst v63  }
0x1b: {  	_ = 	snop  }
0x1c: {  	[tilespmem:s18], [sflag:$0x1] =	stream.linear.gather [hbm4b:s1+s11], $0x80, $0x38;
	[tilespmem:$0x10680] =	vst v63  }
0x1d: {  	_ = 	snop  }
0x1e: {  	[tilespmem:s19], [sflag:$0x1] =	stream.linear.gather [hbm4b:s2+s11], $0x80, $0x38;
	[tilespmem:$0x10680] =	vst v63  }
0x1f: {  	_ = 	snop  }
0x20: {  	[tilespmem:s20], [sflag:$0x1] =	stream.linear.gather [hbm4b:s3+s11], $0x80, $0x38;
	[tilespmem:$0x10680] =	vst v63  }
0x21: {  	_ = 	snop  }
0x22: {  	[tilespmem:s21], [sflag:$0x1] =	stream.linear.gather [hbm4b:s4+s11], $0x80, $0x38;
	[tilespmem:$0x10680] =	vst v63  }
0x23: {  	_ = 	snop  }
0x24: {  	[tilespmem:s22], [sflag:$0x1] =	stream.linear.gather [hbm4b:s5+s11], $0x80, $0x38;
	[tilespmem:$0x10680] =	vst v63  }
0x25: {  	_ = 	snop  }
0x26: {  	[tilespmem:s23], [sflag:$0x1] =	stream.linear.gather [hbm4b:s7+s11], $0x80, $0x38;
	[tilespmem:$0x10680] =	vst v63  }
0x27: {  	_ = 	snop  }
0x28: {  	[tilespmem:s24], [sflag:$0x1] =	stream.linear.gather [hbm4b:s8+s11], $0x80, $0x38;
	[tilespmem:$0x10680] =	vst v63  }
0x29: {  	_ = 	snop  }
0x2a: {  	[tilespmem:s25], [sflag:$0x1] =	stream.linear.gather [hbm4b:s10+s11], $0x80, $0x38;
	[tilespmem:$0x10680] =	vst v63  }
0x2b: {  	_ =	swait.ge [sflag:s26], $0xFE00  }
0x2c: {  	[sflag:s26] =	ssyncset.done $0x0  }
0x2d: {  	[sflag:s26] =	ssyncadd.s32 $0xFFFF0200  }
0x2e: {  	_ =	swait.ge [sflag:s26], $0x200  }
0x2f: {  	[sflag:s26] =	ssyncset.done $0x0  }
0x30: {  	[sflag:s26] =	ssyncadd.s32 $0xFFFFFE00  }
0x31: {  	_ =	swait.ge [sflag:s26], $0x80  }
0x32: {  	[sflag:s26] =	ssyncset.done $0x0  }
0x33: {  	[sflag:s26] =	ssyncadd.s32 $0xFFFFFF80  }
0x34: {  	_ =	swait.ge [sflag:s26], $0x80  }
0x35: {  	[sflag:s26] =	ssyncset.done $0x0  }
0x36: {  	[sflag:s26] =	ssyncadd.s32 $0xFFFFFF80  }
0x37: {  	_ =	swait.ge [sflag:s26], $0x80  }
0x38: {  	[sflag:s26] =	ssyncset.done $0x0  }
0x39: {  	[sflag:s26] =	ssyncadd.s32 $0xFFFFFF80  }
0x3a: {  	_ =	swait.ge [sflag:s26], $0x80  }
0x3b: {  	[sflag:s26] =	ssyncset.done $0x0  }
0x3c: {  	[sflag:s26] =	ssyncadd.s32 $0xFFFFFF80  }
0x3d: {  	_ =	swait.ge [sflag:s26], $0x80  }
0x3e: {  	[sflag:s26] =	ssyncset.done $0x0  }
0x3f: {  	[sflag:s26] =	ssyncadd.s32 $0xFFFFFF80  }
0x40: {  	_ =	swait.ge [sflag:s26], $0x80  }
0x41: {  	[sflag:s26] =	ssyncset.done $0x0  }
0x42: {  	[sflag:s26] =	ssyncadd.s32 $0xFFFFFF80  }
0x43: {  	_ =	swait.ge [sflag:s26], $0x80  }
0x44: {  	[sflag:s26] =	ssyncset.done $0x0  }
0x45: {  	[sflag:s26] =	ssyncadd.s32 $0xFFFFFF80  }
0x46: {  	_ =	swait.ge [sflag:s26], $0x80  }
0x47: {  	[sflag:s26] =	ssyncset.done $0x0  }
0x48: {  	[sflag:s26] =	ssyncadd.s32 $0xFFFFFF80  }
0x49: {  	_ =	swait.ge [sflag:s26], $0x80  }
0x4a: {  	[sflag:s26] =	ssyncset.done $0x0  }
0x4b: {  	[sflag:s26] =	ssyncadd.s32 $0xFFFFFF80  }
0x4c: {  	v18 =	vld [tilespmem:$0x10280]  }
0x4d: {  	v21 =	vld [tilespmem:$0x10480]  }
0x4e: {  	v22 =	vld [tilespmem:$0x10488];
	_ =	sdelay $0x3  }
0x4f: {  	v17 =	vadd.f32 v21, v18  }
0x50: {  	v19 =	vsel vm0, $0x0, v22  }
0x51: {  	v17 =	vadd.f32 v19, v17  }
0x52: {  	v23 =	vld [tilespmem:$0x10500]  }
0x53: {  	v20 =	vld [tilespmem:$0x10300];
	(xrf2) =	vadd.scan.msk.f32 $0xffff, v17  }
0x54: {  	v25 =	vld [tilespmem:$0x10580]  }
0x55: {  	v24 =	vld [tilespmem:$0x10508]  }
0x56: {  	v26 =	vld [tilespmem:$0x10588]  }
0x57: {  	v27 =	vld [tilespmem:$0x10600];
	v29 =	vsub.f32 v21, v23  }
0x58: {  	v17 =	vld [tilespmem:$0x10200]  }
0x59: {  	v19 =	vsub.f32 v25, v21;
	v25 =	vsub.f32 v29, v25;
	_ =	sdelay $0x1  }
0x5a: {  	v18 =	vsub.f32 v20, v18  }
0x5b: {  	v30 =	vsub.f32 v22, v24;
	v20 =	vsub.f32 v26, v22  }
0x5c: {  	v21 =	vsub.f32 v23, v21;
	v23 =	vadd.f32 v27, v25;
	v61 =	vperm.xlane v17, v0;
	v25, _, _ =	vpop (xrf2)  }
0x5d: {  	v22 =	vsub.f32 v24, v22;
	v47 =	vperm.xlane v18, v9;
	v11 =	vbroadcast v25, $0xF  }
0x5e: {  	v28 =	vld [tilespmem:$0x10608];
	v50 =	vperm.xlane v18, v63;
	v62 =	vperm.xlane v17, v2;
	vm1 =	vlt.s32 v61, $0x7E  }
0x5f: {  	v31 =	vperm.xlane v17, v3;
	v33 =	vperm.xlane v17, v4;
	[tilespmem:$0x1FF20] =	vst v11;
	v11 =	vnsel vm1, $0x7E, v61  }
0x60: {  	v26 =	vsub.f32 v30, v26;
	v35 =	vperm.xlane v17, v5;
	[tilespmem:$0x1FF30] =	vst v11;
	v11 =	vperm.xlane v18, v0  }
0x61: {  	v37 =	vperm.xlane v17, v6;
	v39 =	vperm.xlane v17, v7;
	vm2 =	vlt.s32 v62, $0x7E  }
0x62: {  	v42 =	vperm.xlane v17, v8;
	v45 =	vperm.xlane v17, v9;
	[tilespmem:$0x1FF40] =	vst v11;
	v11 =	vnsel vm2, $0x7E, v62  }
0x63: {  	v24 =	vadd.f32 v28, v26;
	v49 =	vperm.xlane v17, v63;
	[tilespmem:$0x1FF50] =	vst v11;
	v11 =	vperm.xlane v18, v2  }
0x64: {  	v10 =	vperm.xlane v17, v10;
	vm3 =	vlt.s32 v31, $0x7E;
	vm4 =	vlt.s32 v33, $0x7E  }
0x65: {  	vm5 =	vlt.s32 v35, $0x7E;
	vm6 =	vlt.s32 v37, $0x7E;
	[tilespmem:$0x1FF60] =	vst v11;
	v11 =	vnsel vm3, $0x7E, v31  }
0x66: {  	vm7 =	vlt.s32 v39, $0x7E;
	vm8 =	vlt.s32 v42, $0x7E;
	[tilespmem:$0x1FF70] =	vst v11;
	v11 =	vperm.xlane v18, v3  }
0x67: {  	vm9 =	vlt.s32 v45, $0x7E;
	vm10 =	vlt.s32 v49, $0x7E;
	vm11 =	vlt.s32 v10, $0x7E  }
0x68: {  	vm12 =	veq.s32 v10, $0x7F;
	v38 =	vnsel vm7, $0x7E, v39;
	[tilespmem:$0x1FF80] =	vst v11;
	v11 =	vnsel vm4, $0x7E, v33  }
0x69: {  	vm7 =	veq.s32 v39, $0x7F;
	v39 =	vperm.xlane v18, v7;
	[tilespmem:$0x1FF90] =	vst v11;
	v11 =	vperm.xlane v18, v4  }
0x6a: {  	v40 =	vnsel vm8, $0x7E, v42;
	vm8 =	veq.s32 v42, $0x7F;
	v42 =	vperm.xlane v18, v8  }
0x6b: {  	v43 =	vnsel vm9, $0x7E, v45;
	vm9 =	veq.s32 v45, $0x7F;
	[tilespmem:$0x1FFA0] =	vst v11;
	v11 =	vnsel vm5, $0x7E, v35  }
0x6c: {  	v41 =	vld [tilespmem:$0x10380];
	v48 =	vnsel vm10, $0x7E, v49;
	vm10 =	veq.s32 v49, $0x7F;
	[tilespmem:$0x1FFB0] =	vst v11;
	v11 =	vperm.xlane v18, v5  }
0x6d: {  	v44 =	vld [tilespmem:$0x10388];
	[tilespmem:$0x1FFE0] =	vst v10;
	vm1 =	veq.s32 v61, $0x7F;
	vm2 =	veq.s32 v62, $0x7F;
	vm3 =	veq.s32 v31, $0x7F  }
0x6e: {  	v46 =	vld [tilespmem:$0x10400];
	vm4 =	veq.s32 v33, $0x7F;
	v33 =	vimm.s32 $0xC;
	[tilespmem:$0x1FFC0] =	vst v11;
	v11 =	vnsel vm6, $0x7E, v37  }
0x6f: {  	s31 =	simm.s32 $0xFE20;
	s9 =	simm.s32 $0x10020;
	s6 =	simm.s32 $0x0;
	v49 =	vld [tilespmem:$0x10408];
	vm5 =	veq.s32 v35, $0x7F;
	vm6 =	veq.s32 v37, $0x7F;
	v37 =	vperm.xlane v18, v6;
	[tilespmem:$0x1FFD0] =	vst v11  }
.LBB2_2:
0x70: {  	v9 =	vld [tilespmem:$0x1FF30];
	_ =	sdelay $0x1  }
0x71: {  	v54 =	vld [tilespmem:s31+$0xFFFFFFE0]  }
0x72: {  	s0 =	sadd.s32 $0x7F0, s6;
	v52 =	vld [tilespmem:s31+$0xFFFFFFF0]  }
0x73: {  	v51 =	vld [tilespmem:s31+$0x0];
	v58 =	vadd.s32 s6, v1;
	v56 =	vadd.s32 s0, v1;
	s0 =	sadd.s32 $0xFE0, s6  }
0x74: {  	v14 =	vld [tilespmem:$0x1FF40];
	v53 =	vadd.s32 v58, v9;
	v55 =	vadd.s32 s0, v1;
	s0 =	sadd.s32 $0x17D0, s6  }
0x75: {  	v59 =	vadd.s32 v56, v9;
	v57 =	vadd.s32 s0, v1;
	v1 =	vld [tilespmem:$0x1FF50]  }
0x76: {  	v15 =	vld [tilespmem:$0x1FF70]  }
0x77: {  	v25 =	vld [tilespmem:$0x1FF60];
	v60 =	vadd.s32 v55, v9  }
0x78: {  	v26 =	vld [tilespmem:$0x1FF90];
	v62 =	vadd.s32 v57, v9  }
0x79: {  	v61 =	vld.idx.msk [tilespmem:v53+s11+$0x0], $0xffff  }
0x7a: {  	v59 =	vld.idx.msk [tilespmem:v59+s11+$0x0], $0xffff;
	v63 =	vadd.s32 v58, v1  }
0x7b: {  	v53 =	vld [tilespmem:s31+$0x10];
	v45 =	vadd.s32 v56, v1  }
0x7c: {  	v60 =	vld.idx.msk [tilespmem:v60+s11+$0x0], $0xffff;
	v9 =	vadd.s32 v55, v1  }
0x7d: {  	v10 =	vadd.s32 v57, v1;
	v62 =	vld.idx.msk [tilespmem:v62+s11+$0x0], $0xffff  }
0x7e: {  	v1 =	vld [tilespmem:$0x1FF20]  }
0x7f: {  	v11 =	vadd.s32 v58, v15;
	v12 =	vadd.s32 v56, v15;
	v63 =	vld.idx.msk [tilespmem:v63+s11+$0x0], $0xffff  }
0x80: {  	v16 =	vadd.s32 v56, v26;
	v13 =	vadd.s32 v55, v15;
	v61 =	vsel vm1, v54, v61;
	v45 =	vld.idx.msk [tilespmem:v45+s11+$0x0], $0xffff  }
0x81: {  	v29 =	vadd.s32 v57, v15;
	v59 =	vsel vm1, v52, v59;
	v61 =	vmul.f32 v61, v14;
	v9 =	vld.idx.msk [tilespmem:v9+s11+$0x0], $0xffff  }
0x82: {  	v60 =	vsel vm1, v51, v60;
	v59 =	vmul.f32 v59, v14;
	v10 =	vld.idx.msk [tilespmem:v10+s11+$0x0], $0xffff;
	v62 =	vsel vm1, v53, v62  }
0x83: {  	v15 =	vadd.s32 v58, v26;
	v60 =	vmul.f32 v60, v14;
	v62 =	vmul.f32 v62, v14  }
0x84: {  	v30 =	vadd.s32 v57, v26;
	v11 =	vld.idx.msk [tilespmem:v11+s11+$0x0], $0xffff;
	v61 =	vadd.f32 v61, v1;
	v59 =	vadd.f32 v59, v1  }
0x85: {  	v12 =	vld.idx.msk [tilespmem:v12+s11+$0x0], $0xffff;
	v60 =	vadd.f32 v60, v1;
	v62 =	vadd.f32 v62, v1;
	v1 =	vadd.s32 v55, v26  }
0x86: {  	v13 =	vld.idx.msk [tilespmem:v13+s11+$0x0], $0xffff;
	v63 =	vsel vm2, v54, v63;
	v45 =	vsel vm2, v52, v45;
	v9 =	vsel vm2, v51, v9  }
0x87: {  	v26 =	vld [tilespmem:$0x1FFB0];
	v10 =	vsel vm2, v53, v10;
	v63 =	vmul.f32 v63, v25;
	v45 =	vmul.f32 v45, v25  }
0x88: {  	v9 =	vmul.f32 v9, v25;
	v10 =	vmul.f32 v10, v25;
	v25 =	vld [tilespmem:$0x1FF80]  }
0x89: {  	v14 =	vld.idx.msk [tilespmem:v29+s11+$0x0], $0xffff;
	_ =	sdelay $0x1  }
0x8a: {  	v11 =	vsel vm3, v54, v11  }
0x8b: {  	v27 =	vld [tilespmem:$0x1FFD0];
	v12 =	vsel vm3, v52, v12;
	v13 =	vsel vm3, v51, v13;
	v31 =	vadd.s32 v58, v26  }
0x8c: {  	v16 =	vld.idx.msk [tilespmem:v16+s11+$0x0], $0xffff;
	v61 =	vadd.f32 v63, v61;
	v35 =	vadd.s32 v56, v26;
	v11 =	vmul.f32 v11, v25  }
0x8d: {  	v15 =	vld.idx.msk [tilespmem:v15+s11+$0x0], $0xffff;
	v28 =	vsel vm3, v53, v14;
	v45 =	vadd.f32 v45, v59;
	v12 =	vmul.f32 v12, v25  }
0x8e: {  	v9 =	vadd.f32 v9, v60;
	v1 =	vld.idx.msk [tilespmem:v1+s11+$0x0], $0xffff;
	v13 =	vmul.f32 v13, v25;
	v11 =	vadd.f32 v11, v61  }
0x8f: {  	v61 =	vadd.s32 v55, v26;
	v12 =	vadd.f32 v12, v45;
	v45 =	vadd.s32 v57, v26;
	v26 =	vld [tilespmem:$0x1FFA0]  }
0x90: {  	v9 =	vadd.f32 v13, v9;
	v13 =	vmul.f32 v28, v25;
	v25 =	vadd.s32 v55, v27;
	v59 =	vld.idx.msk [tilespmem:v31+s11+$0x0], $0xffff  }
0x91: {  	v31 =	vld.idx.msk [tilespmem:v35+s11+$0x0], $0xffff;
	v35 =	vadd.s32 v56, v27  }
0x92: {  	v29 =	vsel vm4, v54, v15;
	v15 =	vld.idx.msk [tilespmem:v30+s11+$0x0], $0xffff;
	v30 =	vadd.s32 v58, v27;
	_ =	sdelay $0x1  }
0x93: {  	v1 =	vsel vm4, v51, v1;
	v61 =	vld.idx.msk [tilespmem:v61+s11+$0x0], $0xffff  }
0x94: {  	v16 =	vsel vm4, v52, v16;
	v1 =	vmul.f32 v1, v26;
	v25 =	vld.idx.msk [tilespmem:v25+s11+$0x0], $0xffff  }
0x95: {  	v10 =	vadd.f32 v10, v62;
	v14 =	vmul.f32 v29, v26;
	v16 =	vmul.f32 v16, v26;
	v29 =	vld.idx.msk [tilespmem:v35+s11+$0x0], $0xffff  }
0x96: {  	v1 =	vadd.f32 v1, v9;
	v9 =	vsel vm4, v53, v15;
	v15 =	vld.idx.msk [tilespmem:v30+s11+$0x0], $0xffff;
	v30 =	vadd.s32 v58, v38  }
0x97: {  	v28 =	vsel vm5, v52, v31;
	v31 =	vadd.s32 v56, v38;
	v9 =	vmul.f32 v9, v26;
	v26 =	vld [tilespmem:$0x1FFC0]  }
0x98: {  	v12 =	vadd.f32 v16, v12;
	v16 =	vadd.s32 v57, v27  }
0x99: {  	v10 =	vadd.f32 v13, v10;
	v13 =	vld.idx.msk [tilespmem:v45+s11+$0x0], $0xffff;
	v35 =	vadd.s32 v55, v38  }
0x9a: {  	v59 =	vsel vm5, v54, v59;
	v11 =	vadd.f32 v14, v11;
	v61 =	vsel vm5, v51, v61  }
0x9b: {  	v9 =	vadd.f32 v9, v10;
	v25 =	vsel vm6, v51, v25;
	v63 =	vsel vm6, v54, v15;
	v15 =	vld.idx.msk [tilespmem:v30+s11+$0x0], $0xffff  }
0x9c: {  	v29 =	vsel vm6, v52, v29;
	v30 =	vld.idx.msk [tilespmem:v31+s11+$0x0], $0xffff;
	v31 =	vadd.s32 v58, v40;
	v10 =	vmul.f32 v61, v26  }
0x9d: {  	v14 =	vmul.f32 v59, v26;
	v45 =	vmul.f32 v28, v26;
	v28 =	vld.idx.msk [tilespmem:v16+s11+$0x0], $0xffff;
	v16 =	vadd.s32 v57, v38  }
0x9e: {  	v61 =	vld.idx.msk [tilespmem:v35+s11+$0x0], $0xffff;
	v35 =	vadd.s32 v56, v40;
	v1 =	vadd.f32 v10, v1;
	v10 =	vsel vm5, v53, v13  }
0x9f: {  	v11 =	vadd.f32 v14, v11;
	v13 =	vmul.f32 v63, v37;
	v10 =	vmul.f32 v10, v26  }
0xa0: {  	v25 =	vmul.f32 v25, v37;
	v12 =	vadd.f32 v45, v12;
	v45 =	vmul.f32 v29, v37  }
0xa1: {  	v9 =	vadd.f32 v10, v9;
	v10 =	vadd.f32 v13, v11;
	v11 =	vadd.s32 v55, v40  }
0xa2: {  	v29 =	vsel vm7, v54, v15;
	v15 =	vld.idx.msk [tilespmem:v16+s11+$0x0], $0xffff;
	v16 =	vadd.s32 v57, v40  }
0xa3: {  	v12 =	vadd.f32 v45, v12;
	v1 =	vadd.f32 v25, v1;
	v25 =	vld.idx.msk [tilespmem:v31+s11+$0x0], $0xffff;
	v45 =	vadd.s32 v58, v43  }
0xa4: {  	v59 =	vsel vm7, v52, v30;
	v28 =	vsel vm6, v53, v28;
	v31 =	vld.idx.msk [tilespmem:v35+s11+$0x0], $0xffff;
	v35 =	vadd.s32 v56, v43  }
0xa5: {  	v26 =	vld [tilespmem:$0x1FFE0];
	v14 =	vmul.f32 v29, v39;
	v13 =	vmul.f32 v28, v37;
	v28 =	vadd.s32 v55, v43  }
0xa6: {  	v59 =	vmul.f32 v59, v39;
	v11 =	vld.idx.msk [tilespmem:v11+s11+$0x0], $0xffff  }
0xa7: {  	v63 =	vperm.xlane v41, v0;
	v30 =	vsel vm7, v51, v61;
	v10 =	vadd.f32 v14, v10;
	v14 =	vld.idx.msk [tilespmem:v16+s11+$0x0], $0xffff  }
0xa8: {  	v60 =	vmul.f32 v30, v39;
	v12 =	vadd.f32 v59, v12;
	v9 =	vadd.f32 v13, v9;
	v16 =	vld.idx.msk [tilespmem:v45+s11+$0x0], $0xffff  }
0xa9: {  	v29 =	vsel vm7, v53, v15;
	v15 =	vsel vm8, v54, v25;
	v25 =	vadd.s32 v57, v43;
	v59 =	vld.idx.msk [tilespmem:v35+s11+$0x0], $0xffff  }
0xaa: {  	v30 =	vsel vm8, v52, v31;
	v31 =	vadd.s32 v58, v48;
	v13 =	vmul.f32 v29, v39;
	v35 =	vld.idx.msk [tilespmem:v28+s11+$0x0], $0xffff  }
0xab: {  	v15 =	vmul.f32 v15, v42;
	v45 =	vmul.f32 v30, v42;
	v28 =	vadd.s32 v56, v48  }
0xac: {  	v1 =	vadd.f32 v60, v1;
	v29 =	vadd.s32 v55, v48;
	v9 =	vadd.f32 v13, v9  }
0xad: {  	v61 =	vnsel vm11, $0x7E, v26;
	v10 =	vadd.f32 v15, v10;
	v12 =	vadd.f32 v45, v12  }
0xae: {  	v11 =	vsel vm8, v51, v11;
	v30 =	vsel vm9, v54, v16;
	v15 =	vld.idx.msk [tilespmem:v25+s11+$0x0], $0xffff;
	v16 =	vsel vm9, v52, v59  }
0xaf: {  	v25 =	vld.idx.msk [tilespmem:v31+s11+$0x0], $0xffff;
	v59 =	vperm.xlane v17, v33;
	v11 =	vmul.f32 v11, v42;
	v31 =	vsel vm9, v51, v35  }
0xb0: {  	v35 =	vld.idx.msk [tilespmem:v28+s11+$0x0], $0xffff;
	v28 =	vadd.s32 v57, v48;
	v16 =	vmul.f32 v16, v47;
	v45 =	vmul.f32 v31, v47  }
0xb1: {  	v13 =	vld.idx.msk [tilespmem:v29+s11+$0x0], $0xffff;
	v1 =	vadd.f32 v11, v1;
	v11 =	vsel vm8, v53, v14;
	v14 =	vmul.f32 v30, v47  }
0xb2: {  	v29 =	vadd.s32 v58, v61;
	v12 =	vadd.f32 v16, v12;
	v30 =	vadd.s32 v55, v61  }
0xb3: {  	v11 =	vmul.f32 v11, v42;
	v10 =	vadd.f32 v14, v10;
	v1 =	vadd.f32 v45, v1  }
0xb4: {  	v15 =	vsel vm9, v53, v15;
	v16 =	vsel vm10, v54, v25;
	v25 =	vperm.xlane v17, v32  }
0xb5: {  	v9 =	vadd.f32 v11, v9;
	v11 =	vadd.s32 v56, v61;
	v15 =	vmul.f32 v15, v47  }
0xb6: {  	v16 =	vmul.f32 v16, v50;
	v31 =	vsel vm10, v52, v35;
	v13 =	vsel vm10, v51, v13  }
0xb7: {  	v35 =	vld.idx.msk [tilespmem:v28+s11+$0x0], $0xffff;
	v61 =	vadd.s32 v57, v61;
	vm13 =	vlt.s32 v25, $0x7E;
	v45 =	vmul.f32 v31, v50  }
0xb8: {  	v28 =	vld.idx.msk [tilespmem:v29+s11+$0x0], $0xffff;
	v13 =	vmul.f32 v13, v50;
	v29 =	vnsel vm13, $0x7E, v25;
	v9 =	vadd.f32 v15, v9  }
0xb9: {  	v10 =	vadd.f32 v16, v10;
	v14 =	vld.idx.msk [tilespmem:v30+s11+$0x0], $0xffff;
	vm13 =	vlt.s32 v59, $0x7E;
	v15 =	vadd.s32 v58, v29  }
0xba: {  	v12 =	vadd.f32 v45, v12;
	v1 =	vadd.f32 v13, v1;
	v30 =	vadd.s32 v56, v29  }
0xbb: {  	v31 =	vadd.s32 v55, v29;
	v62 =	vadd.s32 v57, v29;
	v26 =	vnsel vm13, $0x7E, v59;
	v11 =	vld.idx.msk [tilespmem:v11+s11+$0x0], $0xffff  }
0xbc: {  	vm13 =	veq.s32 v25, $0x7F;
	v16 =	vsel vm10, v53, v35;
	v35 =	vimm.s32 $0xA;
	v61 =	vld.idx.msk [tilespmem:v61+s11+$0x0], $0xffff  }
0xbd: {  	v25 =	vperm.xlane v18, v32;
	v27 =	vadd.s32 v58, v26;
	v45 =	vperm.xlane v18, v35  }
0xbe: {  	v60 =	vsel vm12, v54, v28;
	v16 =	vmul.f32 v16, v50;
	v14 =	vsel vm12, v51, v14;
	v15 =	vld.idx.msk [tilespmem:v15+s11+$0x0], $0xffff  }
0xbf: {  	v32 =	vadd.s32 v55, v26;
	v60 =	vmul.f32 v60, v45;
	v14 =	vmul.f32 v14, v45;
	v13 =	vld.idx.msk [tilespmem:v30+s11+$0x0], $0xffff  }
0xc0: {  	v9 =	vadd.f32 v16, v9;
	v16 =	vadd.s32 v56, v26;
	v31 =	vld.idx.msk [tilespmem:v31+s11+$0x0], $0xffff;
	v11 =	vsel vm12, v52, v11  }
0xc1: {  	v30 =	vsel vm12, v53, v61;
	v61 =	vperm.xlane v17, v36;
	v11 =	vmul.f32 v11, v45  }
0xc2: {  	v26 =	vadd.s32 v57, v26;
	v10 =	vadd.f32 v60, v10;
	v1 =	vadd.f32 v14, v1  }
0xc3: {  	v27 =	vld.idx.msk [tilespmem:v27+s11+$0x0], $0xffff;
	vm14 =	vlt.s32 v61, $0x7E;
	v11 =	vadd.f32 v11, v12;
	v15 =	vsel vm13, v54, v15  }
0xc4: {  	v12 =	vmul.f32 v30, v45;
	v45 =	vld.idx.msk [tilespmem:v62+s11+$0x0], $0xffff;
	v13 =	vsel vm13, v52, v13;
	v15 =	vmul.f32 v15, v25  }
0xc5: {  	v14 =	vsel vm13, v51, v31;
	v29 =	vmul.f32 v13, v25;
	v13 =	vld.idx.msk [tilespmem:v16+s11+$0x0], $0xffff;
	v16 =	vperm.xlane v18, v33  }
0xc6: {  	v9 =	vadd.f32 v12, v9;
	v10 =	vadd.f32 v15, v10;
	v15 =	vnsel vm14, $0x7E, v61  }
0xc7: {  	v26 =	vld.idx.msk [tilespmem:v26+s11+$0x0], $0xffff;
	v12 =	vmul.f32 v14, v25;
	v11 =	vadd.f32 v29, v11;
	v30 =	vadd.s32 v58, v15  }
0xc8: {  	v31 =	vld.idx.msk [tilespmem:v32+s11+$0x0], $0xffff;
	vm14 =	veq.s32 v59, $0x7F;
	v29 =	vimm.s32 $0xE;
	v32 =	vadd.s32 v56, v15  }
0xc9: {  	v59 =	vperm.xlane v18, v36;
	v27 =	vsel vm14, v54, v27;
	v33 =	vadd.s32 v55, v15  }
0xca: {  	v1 =	vadd.f32 v12, v1;
	v15 =	vadd.s32 v57, v15;
	v45 =	vsel vm13, v53, v45  }
0xcb: {  	v27 =	vmul.f32 v27, v16;
	v25 =	vmul.f32 v45, v25;
	v13 =	vsel vm14, v52, v13  }
0xcc: {  	v26 =	vsel vm14, v53, v26;
	v28 =	vmul.f32 v13, v16;
	v13 =	vperm.xlane v17, v29;
	v14 =	vld.idx.msk [tilespmem:v30+s11+$0x0], $0xffff  }
0xcd: {  	v10 =	vadd.f32 v27, v10;
	v9 =	vadd.f32 v25, v9;
	v25 =	vsel vm14, v51, v31;
	v30 =	vld.idx.msk [tilespmem:v32+s11+$0x0], $0xffff  }
0xce: {  	v11 =	vadd.f32 v28, v11;
	vm13 =	vlt.s32 v13, $0x7E;
	v27 =	vld.idx.msk [tilespmem:v33+s11+$0x0], $0xffff;
	v25 =	vmul.f32 v25, v16  }
0xcf: {  	v16 =	vmul.f32 v26, v16;
	v15 =	vld.idx.msk [tilespmem:v15+s11+$0x0], $0xffff;
	v31 =	vnsel vm13, $0x7E, v13;
	vm13 =	veq.s32 v61, $0x7F  }
0xd0: {  	v61 =	vperm.xlane v46, v0;
	v26 =	vadd.s32 v58, v31;
	v32 =	vadd.s32 v56, v31  }
0xd1: {  	v1 =	vadd.f32 v25, v1;
	v9 =	vadd.f32 v16, v9;
	v16 =	vimm.s32 $0xF  }
0xd2: {  	v45 =	vadd.s32 v57, v31;
	v16 =	vperm.xlane v17, v16;
	v14 =	vsel vm13, v54, v14  }
0xd3: {  	v12 =	vsel vm13, v52, v30;
	v25 =	vsel vm13, v51, v27;
	v27 =	vadd.s32 v55, v31  }
0xd4: {  	vm14 =	vlt.s32 v16, $0x7E;
	v15 =	vsel vm13, v53, v15;
	vm13 =	vlt.s32 v61, $0x7E  }
0xd5: {  	vm15 =	veq.s32 v16, $0x7F;
	v14 =	vmul.f32 v14, v59;
	v60 =	vnsel vm14, $0x7E, v16  }
0xd6: {  	v12 =	vmul.f32 v12, v59;
	v25 =	vmul.f32 v25, v59;
	v26 =	vld.idx.msk [tilespmem:v26+s11+$0x0], $0xffff;
	v33 =	vadd.s32 v58, v60  }
0xd7: {  	vm14 =	veq.s32 v13, $0x7F;
	v62 =	vnsel vm13, $0x7E, v61;
	v10 =	vadd.f32 v14, v10;
	v14 =	vld.idx.msk [tilespmem:v32+s11+$0x0], $0xffff  }
0xd8: {  	v15 =	vmul.f32 v15, v59;
	v1 =	vadd.f32 v25, v1;
	v25 =	vadd.s32 v56, v60  }
0xd9: {  	vm13 =	vlt.s32 v63, $0x7E;
	v45 =	vld.idx.msk [tilespmem:v45+s11+$0x0], $0xffff;
	v28 =	vadd.s32 v58, v62;
	v32 =	vimm.s32 $0xE  }
0xda: {  	v16 =	vimm.s32 $0xF;
	v59 =	vadd.s32 v55, v62;
	v13 =	vperm.xlane v18, v32;
	v27 =	vld.idx.msk [tilespmem:v27+s11+$0x0], $0xffff  }
0xdb: {  	v11 =	vadd.f32 v12, v11;
	v26 =	vsel vm14, v54, v26;
	v12 =	vld.idx.msk [tilespmem:v33+s11+$0x0], $0xffff;
	v33 =	vadd.s32 v55, v60  }
0xdc: {  	v9 =	vadd.f32 v15, v9;
	v26 =	vmul.f32 v26, v13;
	v14 =	vsel vm14, v52, v14  }
0xdd: {  	v32 =	vadd.s32 v57, v60;
	v15 =	vld.idx.msk [tilespmem:v25+s11+$0x0], $0xffff;
	v25 =	vnsel vm13, $0x7E, v63;
	v14 =	vmul.f32 v14, v13  }
0xde: {  	v16 =	vperm.xlane v18, v16;
	v28 =	vld.idx.msk [tilespmem:v28+s11+$0x0], $0xffff;
	v10 =	vadd.f32 v26, v10;
	v26 =	vadd.s32 v58, v25  }
0xdf: {  	v59 =	vld.idx.msk [tilespmem:v59+s11+$0x0], $0xffff;
	v31 =	vsel vm14, v51, v27;
	v27 =	vsel vm14, v53, v45;
	v11 =	vadd.f32 v14, v11  }
0xe0: {  	v14 =	vmul.f32 v31, v13;
	v13 =	vmul.f32 v27, v13;
	v27 =	vadd.s32 v56, v62;
	v33 =	vld.idx.msk [tilespmem:v33+s11+$0x0], $0xffff  }
0xe1: {  	v60 =	vadd.s32 v57, v62;
	vm13 =	veq.s32 v61, $0x7F;
	v61 =	vperm.xlane v19, v0  }
0xe2: {  	v29 =	vadd.s32 v56, v25;
	v45 =	vld.idx.msk [tilespmem:v32+s11+$0x0], $0xffff;
	vm14 =	veq.s32 v63, $0x7F;
	v12 =	vsel vm15, v54, v12  }
0xe3: {  	v28 =	vsel vm13, v54, v28;
	v31 =	vsel vm15, v52, v15;
	v15 =	vperm.xlane v23, v0;
	v26 =	vld.idx.msk [tilespmem:v26+s11+$0x0], $0xffff  }
0xe4: {  	v59 =	vsel vm13, v51, v59;
	v1 =	vadd.f32 v14, v1;
	v12 =	vmul.f32 v12, v16  }
0xe5: {  	v62 =	vmul.f32 v28, v15;
	v32 =	vsel vm15, v51, v33;
	v33 =	vld.idx.msk [tilespmem:v27+s11+$0x0], $0xffff;
	v27 =	vadd.s32 v55, v25  }
0xe6: {  	v9 =	vadd.f32 v13, v9;
	v13 =	vmul.f32 v31, v16;
	v10 =	vadd.f32 v12, v10  }
0xe7: {  	v45 =	vsel vm15, v53, v45;
	v30 =	vmul.f32 v59, v15;
	v31 =	vadd.f32 v62, v61  }
0xe8: {  	v11 =	vadd.f32 v13, v11;
	v12 =	vmul.f32 v32, v16;
	v26 =	vsel vm14, v54, v26  }
0xe9: {  	v25 =	vadd.s32 v57, v25;
	v14 =	vmul.f32 v31, v26;
	v26 =	vld.idx.msk [tilespmem:v60+s11+$0x0], $0xffff;
	v60 =	vperm.xlane v46, v2  }
0xea: {  	v62 =	vperm.xlane v41, v2;
	v1 =	vadd.f32 v12, v1;
	v12 =	vmul.f32 v45, v16;
	v27 =	vld.idx.msk [tilespmem:v27+s11+$0x0], $0xffff  }
0xeb: {  	v16 =	vperm.xlane v21, v0;
	v13 =	vsel vm13, v52, v33;
	vm15 =	vlt.s32 v60, $0x7E  }
0xec: {  	v29 =	vld.idx.msk [tilespmem:v29+s11+$0x0], $0xffff;
	v33 =	vadd.f32 v30, v61;
	v32 =	vmul.f32 v13, v15;
	v45 =	vnsel vm15, $0x7E, v60  }
0xed: {  	v10 =	vadd.f32 v14, v10;
	v14 =	vmul.f32 v28, v16;
	v63 =	vadd.s32 v58, v45  }
0xee: {  	v28 =	vadd.f32 v32, v61;
	v26 =	vsel vm13, v53, v26;
	vm13 =	vlt.s32 v62, $0x7E  }
0xef: {  	v25 =	vld.idx.msk [tilespmem:v25+s11+$0x0], $0xffff;
	v15 =	vmul.f32 v26, v15;
	v30 =	vnsel vm13, $0x7E, v62;
	v27 =	vsel vm14, v51, v27  }
0xf0: {  	v27 =	vmul.f32 v33, v27;
	v33 =	vmul.f32 v59, v16;
	v59 =	vadd.s32 v55, v45  }
0xf1: {  	v29 =	vsel vm14, v52, v29;
	v15 =	vadd.f32 v15, v61;
	v61 =	vadd.s32 v58, v30  }
0xf2: {  	v10 =	vadd.f32 v10, v14;
	v28 =	vmul.f32 v28, v29;
	v14 =	vadd.s32 v55, v30;
	v29 =	vld.idx.msk [tilespmem:v63+s11+$0x0], $0xffff  }
0xf3: {  	v9 =	vadd.f32 v12, v9;
	v31 =	vadd.s32 v56, v45  }
0xf4: {  	v13 =	vmul.f32 v13, v16;
	v25 =	vsel vm14, v53, v25;
	vm13 =	veq.s32 v60, $0x7F  }
0xf5: {  	v16 =	vmul.f32 v26, v16;
	v11 =	vadd.f32 v28, v11;
	v1 =	vadd.f32 v27, v1;
	v12 =	vld.idx.msk [tilespmem:v59+s11+$0x0], $0xffff  }
0xf6: {  	v27 =	vadd.s32 v56, v30;
	v32 =	vmul.f32 v15, v25;
	v15 =	vperm.xlane v23, v2;
	v25 =	vld.idx.msk [tilespmem:v61+s11+$0x0], $0xffff  }
0xf7: {  	v63 =	vadd.s32 v57, v45;
	v11 =	vadd.f32 v11, v13;
	v14 =	vld.idx.msk [tilespmem:v14+s11+$0x0], $0xffff;
	v26 =	vsel vm13, v54, v29  }
0xf8: {  	v13 =	vperm.xlane v19, v2;
	v9 =	vadd.f32 v32, v9;
	v61 =	vld.idx.msk [tilespmem:v31+s11+$0x0], $0xffff;
	v32 =	vmul.f32 v26, v15  }
0xf9: {  	vm14 =	veq.s32 v62, $0x7F;
	v60 =	vperm.xlane v41, v3;
	v45 =	vperm.xlane v46, v3  }
0xfa: {  	v30 =	vadd.s32 v57, v30;
	v9 =	vadd.f32 v9, v16;
	v16 =	vadd.f32 v32, v13  }
0xfb: {  	v1 =	vadd.f32 v1, v33;
	vm15 =	vlt.s32 v45, $0x7E;
	v27 =	vld.idx.msk [tilespmem:v27+s11+$0x0], $0xffff;
	v25 =	vsel vm14, v54, v25  }
0xfc: {  	v59 =	vperm.xlane v21, v2;
	v33 =	vld.idx.msk [tilespmem:v63+s11+$0x0], $0xffff;
	v12 =	vsel vm13, v51, v12;
	v16 =	vmul.f32 v16, v25  }
0xfd: {  	v14 =	vsel vm14, v51, v14;
	v25 =	vsel vm13, v52, v61;
	v61 =	vnsel vm15, $0x7E, v45  }
0xfe: {  	v10 =	vadd.f32 v16, v10;
	v16 =	vmul.f32 v26, v59;
	v26 =	vadd.s32 v58, v61  }
0xff: {  	v30 =	vld.idx.msk [tilespmem:v30+s11+$0x0], $0xffff;
	v62 =	vmul.f32 v12, v15;
	vm15 =	vlt.s32 v60, $0x7E;
	v32 =	vmul.f32 v25, v15  }
0x100: {  	v12 =	vmul.f32 v12, v59;
	v27 =	vsel vm14, v52, v27;
	v63 =	vnsel vm15, $0x7E, v60  }
0x101: {  	v28 =	vsel vm13, v53, v33;
	v33 =	vadd.s32 v58, v63;
	v29 =	vadd.f32 v32, v13  }
0x102: {  	v62 =	vadd.f32 v62, v13;
	v15 =	vmul.f32 v28, v15;
	v31 =	vadd.s32 v56, v61  }
0x103: {  	vm13 =	veq.s32 v45, $0x7F;
	v25 =	vmul.f32 v25, v59;
	v27 =	vmul.f32 v29, v27;
	v26 =	vld.idx.msk [tilespmem:v26+s11+$0x0], $0xffff  }
0x104: {  	v14 =	vmul.f32 v62, v14;
	v13 =	vadd.f32 v15, v13;
	v15 =	vsel vm14, v53, v30  }
0x105: {  	v10 =	vadd.f32 v10, v16;
	v16 =	vadd.s32 v55, v61;
	v11 =	vadd.f32 v27, v11  }
0x106: {  	v1 =	vadd.f32 v14, v1;
	v13 =	vmul.f32 v13, v15;
	v15 =	vadd.s32 v56, v63;
	v14 =	vld.idx.msk [tilespmem:v33+s11+$0x0], $0xffff  }
0x107: {  	v27 =	vld.idx.msk [tilespmem:v31+s11+$0x0], $0xffff;
	v33 =	vadd.s32 v57, v61;
	v11 =	vadd.f32 v11, v25;
	v25 =	vperm.xlane v23, v3  }
0x108: {  	v45 =	vmul.f32 v28, v59;
	v28 =	vperm.xlane v19, v3;
	v26 =	vsel vm13, v54, v26  }
0x109: {  	v62 =	vadd.s32 v55, v63;
	v9 =	vadd.f32 v13, v9;
	v59 =	vmul.f32 v26, v25  }
0x10a: {  	vm14 =	veq.s32 v60, $0x7F;
	v29 =	vperm.xlane v46, v4;
	v1 =	vadd.f32 v1, v12;
	v12 =	vld.idx.msk [tilespmem:v16+s11+$0x0], $0xffff  }
0x10b: {  	v9 =	vadd.f32 v9, v45;
	v45 =	vadd.s32 v57, v63;
	v15 =	vld.idx.msk [tilespmem:v15+s11+$0x0], $0xffff;
	v16 =	vadd.f32 v59, v28  }
0x10c: {  	vm15 =	vlt.s32 v29, $0x7E;
	v14 =	vsel vm14, v54, v14;
	v27 =	vsel vm13, v52, v27;
	v13 =	vld.idx.msk [tilespmem:v33+s11+$0x0], $0xffff  }
0x10d: {  	v60 =	vnsel vm15, $0x7E, v29;
	v14 =	vmul.f32 v16, v14;
	v16 =	vmul.f32 v27, v25  }
0x10e: {  	v31 =	vperm.xlane v21, v3;
	v30 =	vld.idx.msk [tilespmem:v62+s11+$0x0], $0xffff;
	v61 =	vadd.s32 v58, v60  }
0x10f: {  	v12 =	vsel vm13, v51, v12;
	v59 =	vperm.xlane v41, v4;
	v16 =	vadd.f32 v16, v28  }
0x110: {  	v63 =	vld.idx.msk [tilespmem:v45+s11+$0x0], $0xffff;
	v45 =	vperm.xlane v46, v5;
	v15 =	vsel vm14, v52, v15;
	v32 =	vmul.f32 v12, v25  }
0x111: {  	vm15 =	vlt.s32 v59, $0x7E;
	v13 =	vsel vm13, v53, v13;
	v33 =	vmul.f32 v16, v15  }
0x112: {  	v15 =	vnsel vm15, $0x7E, v59;
	v16 =	vmul.f32 v26, v31;
	v26 =	vadd.f32 v32, v28  }
0x113: {  	v10 =	vadd.f32 v14, v10;
	v14 =	vsel vm14, v51, v30;
	v62 =	vadd.s32 v58, v15  }
0x114: {  	v11 =	vadd.f32 v33, v11;
	v33 =	vadd.s32 v56, v60;
	v14 =	vmul.f32 v26, v14  }
0x115: {  	v26 =	vld.idx.msk [tilespmem:v61+s11+$0x0], $0xffff;
	v10 =	vadd.f32 v10, v16;
	v16 =	vmul.f32 v13, v25;
	v25 =	vadd.s32 v55, v60  }
0x116: {  	v12 =	vmul.f32 v12, v31;
	v27 =	vmul.f32 v27, v31  }
0x117: {  	vm13 =	veq.s32 v29, $0x7F;
	v29 =	vperm.xlane v23, v4;
	v61 =	vadd.f32 v16, v28  }
0x118: {  	v63 =	vsel vm14, v53, v63;
	v11 =	vadd.f32 v11, v27;
	v27 =	vadd.s32 v56, v15;
	v16 =	vld.idx.msk [tilespmem:v62+s11+$0x0], $0xffff  }
0x119: {  	v1 =	vadd.f32 v14, v1;
	v14 =	vmul.f32 v61, v63;
	v61 =	vadd.s32 v55, v15;
	v33 =	vld.idx.msk [tilespmem:v33+s11+$0x0], $0xffff  }
0x11a: {  	vm14 =	veq.s32 v59, $0x7F;
	vm15 =	vlt.s32 v45, $0x7E;
	v26 =	vsel vm13, v54, v26;
	v25 =	vld.idx.msk [tilespmem:v25+s11+$0x0], $0xffff  }
0x11b: {  	v1 =	vadd.f32 v1, v12;
	v12 =	vperm.xlane v19, v4;
	v62 =	vmul.f32 v26, v29  }
0x11c: {  	v59 =	vadd.s32 v57, v60;
	v13 =	vmul.f32 v13, v31;
	v60 =	vnsel vm15, $0x7E, v45  }
0x11d: {  	v15 =	vadd.s32 v57, v15;
	v9 =	vadd.f32 v14, v9;
	v27 =	vld.idx.msk [tilespmem:v27+s11+$0x0], $0xffff;
	v63 =	vadd.f32 v62, v12  }
0x11e: {  	v14 =	vperm.xlane v21, v4;
	v62 =	vperm.xlane v41, v5;
	v16 =	vsel vm14, v54, v16;
	v28 =	vld.idx.msk [tilespmem:v61+s11+$0x0], $0xffff  }
0x11f: {  	v30 =	vsel vm13, v52, v33;
	v16 =	vmul.f32 v63, v16;
	v25 =	vsel vm13, v51, v25  }
0x120: {  	v63 =	vadd.s32 v58, v60;
	v31 =	vmul.f32 v30, v29;
	v33 =	vmul.f32 v25, v29  }
0x121: {  	vm15 =	vlt.s32 v62, $0x7E;
	v10 =	vadd.f32 v16, v10;
	v16 =	vmul.f32 v26, v14  }
0x122: {  	v59 =	vld.idx.msk [tilespmem:v59+s11+$0x0], $0xffff;
	v26 =	vsel vm14, v52, v27;
	v27 =	vadd.f32 v31, v12;
	v31 =	vadd.f32 v33, v12  }
0x123: {  	v32 =	vadd.s32 v56, v60;
	v61 =	vnsel vm15, $0x7E, v62;
	v28 =	vsel vm14, v51, v28  }
0x124: {  	v26 =	vmul.f32 v27, v26;
	v27 =	vmul.f32 v31, v28;
	v28 =	vadd.s32 v58, v61  }
0x125: {  	v9 =	vadd.f32 v9, v13;
	v25 =	vmul.f32 v25, v14;
	v13 =	vld.idx.msk [tilespmem:v63+s11+$0x0], $0xffff  }
0x126: {  	v15 =	vld.idx.msk [tilespmem:v15+s11+$0x0], $0xffff;
	v10 =	vadd.f32 v10, v16;
	v16 =	vmul.f32 v30, v14;
	v11 =	vadd.f32 v26, v11  }
0x127: {  	vm15 =	veq.s32 v45, $0x7F;
	v1 =	vadd.f32 v27, v1;
	v26 =	vsel vm13, v53, v59  }
0x128: {  	v27 =	vadd.s32 v56, v61;
	v11 =	vadd.f32 v11, v16;
	v16 =	vmul.f32 v26, v29;
	v29 =	vld.idx.msk [tilespmem:v32+s11+$0x0], $0xffff  }
0x129: {  	v63 =	vadd.s32 v55, v60;
	v1 =	vadd.f32 v1, v25;
	v25 =	vperm.xlane v23, v5;
	v28 =	vld.idx.msk [tilespmem:v28+s11+$0x0], $0xffff  }
0x12a: {  	v59 =	vadd.s32 v55, v61;
	v13 =	vsel vm15, v54, v13;
	v12 =	vadd.f32 v16, v12  }
0x12b: {  	v15 =	vsel vm14, v53, v15;
	v16 =	vperm.xlane v19, v5;
	v45 =	vmul.f32 v13, v25  }
0x12c: {  	vm13 =	veq.s32 v62, $0x7F;
	v14 =	vmul.f32 v26, v14;
	v12 =	vmul.f32 v12, v15  }
0x12d: {  	v15 =	vld.idx.msk [tilespmem:v27+s11+$0x0], $0xffff;
	v27 =	vadd.s32 v57, v60;
	v31 =	vadd.f32 v45, v16;
	v45 =	vperm.xlane v46, v6  }
0x12e: {  	v30 =	vld.idx.msk [tilespmem:v63+s11+$0x0], $0xffff;
	v29 =	vsel vm15, v52, v29;
	v9 =	vadd.f32 v12, v9;
	v60 =	vsel vm13, v54, v28  }
0x12f: {  	v62 =	vmul.f32 v29, v25;
	vm14 =	vlt.s32 v45, $0x7E;
	v28 =	vld.idx.msk [tilespmem:v59+s11+$0x0], $0xffff;
	v59 =	vperm.xlane v41, v6  }
0x130: {  	v12 =	vmul.f32 v31, v60;
	v31 =	vadd.s32 v57, v61;
	v32 =	vnsel vm14, $0x7E, v45  }
0x131: {  	v61 =	vperm.xlane v21, v5;
	v26 =	vadd.f32 v62, v16;
	v60 =	vadd.s32 v58, v32  }
0x132: {  	vm14 =	vlt.s32 v59, $0x7E;
	v62 =	vadd.s32 v56, v32;
	v15 =	vsel vm13, v52, v15;
	v27 =	vld.idx.msk [tilespmem:v27+s11+$0x0], $0xffff  }
0x133: {  	v9 =	vadd.f32 v9, v14;
	v15 =	vmul.f32 v26, v15;
	v26 =	vsel vm15, v51, v30  }
0x134: {  	v10 =	vadd.f32 v12, v10;
	v13 =	vmul.f32 v13, v61;
	v63 =	vmul.f32 v26, v25  }
0x135: {  	v29 =	vmul.f32 v29, v61;
	v11 =	vadd.f32 v15, v11;
	v15 =	vnsel vm14, $0x7E, v59  }
0x136: {  	v28 =	vsel vm13, v51, v28;
	v30 =	vld.idx.msk [tilespmem:v31+s11+$0x0], $0xffff;
	v12 =	vadd.f32 v63, v16;
	v31 =	vadd.s32 v58, v15  }
0x137: {  	v10 =	vadd.f32 v10, v13;
	v13 =	vadd.s32 v55, v32;
	v27 =	vsel vm15, v53, v27  }
0x138: {  	vm14 =	veq.s32 v59, $0x7F;
	v60 =	vld.idx.msk [tilespmem:v60+s11+$0x0], $0xffff;
	v12 =	vmul.f32 v12, v28;
	v28 =	vmul.f32 v27, v25  }
0x139: {  	v63 =	vadd.s32 v55, v15;
	v11 =	vadd.f32 v11, v29;
	v25 =	vperm.xlane v23, v6  }
0x13a: {  	v29 =	vld.idx.msk [tilespmem:v62+s11+$0x0], $0xffff;
	v1 =	vadd.f32 v12, v1;
	v12 =	vmul.f32 v26, v61;
	v14 =	vadd.f32 v28, v16  }
0x13b: {  	v16 =	vsel vm13, v53, v30;
	vm13 =	veq.s32 v45, $0x7F;
	v28 =	vadd.s32 v56, v15;
	v26 =	vld.idx.msk [tilespmem:v31+s11+$0x0], $0xffff  }
0x13c: {  	v13 =	vld.idx.msk [tilespmem:v13+s11+$0x0], $0xffff;
	v30 =	vperm.xlane v19, v6;
	v15 =	vadd.s32 v57, v15;
	v31 =	vperm.xlane v21, v6  }
0x13d: {  	v14 =	vmul.f32 v14, v16;
	v16 =	vsel vm13, v54, v60;
	v60 =	vmul.f32 v27, v61  }
0x13e: {  	v27 =	vadd.s32 v57, v32;
	v1 =	vadd.f32 v1, v12;
	v62 =	vmul.f32 v16, v25  }
0x13f: {  	v32 =	vperm.xlane v41, v7;
	v16 =	vmul.f32 v16, v31;
	v9 =	vadd.f32 v14, v9  }
0x140: {  	v61 =	vadd.f32 v62, v30;
	v14 =	vld.idx.msk [tilespmem:v28+s11+$0x0], $0xffff;
	v62 =	vsel vm14, v54, v26;
	v26 =	vperm.xlane v46, v7  }
0x141: {  	v13 =	vsel vm13, v51, v13;
	v28 =	vsel vm13, v52, v29;
	v29 =	vld.idx.msk [tilespmem:v63+s11+$0x0], $0xffff;
	v9 =	vadd.f32 v9, v60  }
0x142: {  	v45 =	vmul.f32 v28, v25;
	v60 =	vmul.f32 v13, v25;
	vm15 =	vlt.s32 v26, $0x7E  }
0x143: {  	v13 =	vmul.f32 v13, v31;
	v12 =	vmul.f32 v61, v62;
	v59 =	vnsel vm15, $0x7E, v26  }
0x144: {  	v27 =	vld.idx.msk [tilespmem:v27+s11+$0x0], $0xffff;
	v60 =	vadd.f32 v60, v30;
	vm15 =	vlt.s32 v32, $0x7E;
	v61 =	vadd.s32 v58, v59  }
0x145: {  	v10 =	vadd.f32 v12, v10;
	v12 =	vadd.f32 v45, v30;
	v45 =	vnsel vm15, $0x7E, v32  }
0x146: {  	v15 =	vld.idx.msk [tilespmem:v15+s11+$0x0], $0xffff;
	v14 =	vsel vm14, v52, v14;
	v63 =	vsel vm14, v51, v29;
	v29 =	vadd.s32 v56, v59  }
0x147: {  	v62 =	vadd.s32 v58, v45;
	v12 =	vmul.f32 v12, v14;
	v14 =	vmul.f32 v60, v63  }
0x148: {  	v60 =	vmul.f32 v28, v31;
	v10 =	vadd.f32 v10, v16;
	v16 =	vadd.s32 v56, v45  }
0x149: {  	v27 =	vsel vm13, v53, v27;
	vm13 =	veq.s32 v32, $0x7F;
	v11 =	vadd.f32 v12, v11;
	v28 =	vld.idx.msk [tilespmem:v61+s11+$0x0], $0xffff  }
0x14a: {  	v32 =	vperm.xlane v46, v8;
	v25 =	vmul.f32 v27, v25;
	v1 =	vadd.f32 v14, v1  }
0x14b: {  	v27 =	vmul.f32 v27, v31;
	v11 =	vadd.f32 v11, v60;
	v60 =	vsel vm14, v53, v15;
	v15 =	vld.idx.msk [tilespmem:v29+s11+$0x0], $0xffff  }
0x14c: {  	vm15 =	vlt.s32 v32, $0x7E;
	v61 =	vadd.f32 v25, v30;
	v25 =	vadd.s32 v55, v59;
	v63 =	vld.idx.msk [tilespmem:v62+s11+$0x0], $0xffff  }
0x14d: {  	v1 =	vadd.f32 v1, v13;
	vm14 =	veq.s32 v26, $0x7F;
	v13 =	vperm.xlane v23, v7;
	v14 =	vld.idx.msk [tilespmem:v16+s11+$0x0], $0xffff  }
0x14e: {  	v26 =	vperm.xlane v19, v7;
	v16 =	vadd.s32 v57, v59;
	v28 =	vsel vm14, v54, v28  }
0x14f: {  	v30 =	vadd.s32 v55, v45;
	v12 =	vmul.f32 v61, v60;
	v61 =	vmul.f32 v28, v13  }
0x150: {  	v31 =	vperm.xlane v21, v7;
	v45 =	vadd.s32 v57, v45;
	v60 =	vnsel vm15, $0x7E, v32  }
0x151: {  	v9 =	vadd.f32 v12, v9;
	v15 =	vsel vm14, v52, v15;
	v25 =	vld.idx.msk [tilespmem:v25+s11+$0x0], $0xffff;
	v29 =	vadd.f32 v61, v26  }
0x152: {  	v12 =	vsel vm13, v54, v63;
	v59 =	vmul.f32 v15, v13;
	v62 =	vsel vm13, v52, v14  }
0x153: {  	v14 =	vld.idx.msk [tilespmem:v16+s11+$0x0], $0xffff;
	v61 =	vadd.s32 v58, v60;
	v12 =	vmul.f32 v29, v12;
	v29 =	vperm.xlane v41, v8  }
0x154: {  	v30 =	vld.idx.msk [tilespmem:v30+s11+$0x0], $0xffff;
	v28 =	vmul.f32 v28, v31  }
0x155: {  	v45 =	vld.idx.msk [tilespmem:v45+s11+$0x0], $0xffff;
	v63 =	vmul.f32 v15, v31;
	v59 =	vadd.f32 v59, v26;
	vm15 =	vlt.s32 v29, $0x7E  }
0x156: {  	v16 =	vsel vm14, v51, v25;
	v10 =	vadd.f32 v12, v10;
	v25 =	vnsel vm15, $0x7E, v29  }
0x157: {  	v12 =	vmul.f32 v59, v62;
	v59 =	vmul.f32 v16, v13;
	v62 =	vadd.s32 v58, v25  }
0x158: {  	v14 =	vsel vm14, v53, v14;
	v15 =	vld.idx.msk [tilespmem:v61+s11+$0x0], $0xffff;
	v10 =	vadd.f32 v10, v28;
	v28 =	vadd.s32 v56, v60  }
0x159: {  	v9 =	vadd.f32 v9, v27;
	v13 =	vmul.f32 v14, v13;
	v27 =	vadd.f32 v59, v26  }
0x15a: {  	v61 =	vsel vm13, v51, v30;
	v30 =	vsel vm13, v53, v45;
	vm13 =	veq.s32 v32, $0x7F  }
0x15b: {  	v11 =	vadd.f32 v12, v11;
	v12 =	vmul.f32 v27, v61;
	v27 =	vadd.s32 v55, v60  }
0x15c: {  	v32 =	vperm.xlane v23, v8;
	v13 =	vadd.f32 v13, v26;
	v26 =	vadd.s32 v56, v25;
	v45 =	vld.idx.msk [tilespmem:v62+s11+$0x0], $0xffff  }
0x15d: {  	v59 =	vperm.xlane v19, v8;
	v11 =	vadd.f32 v11, v63;
	v15 =	vsel vm13, v54, v15;
	v28 =	vld.idx.msk [tilespmem:v28+s11+$0x0], $0xffff  }
0x15e: {  	v60 =	vadd.s32 v57, v60;
	v63 =	vmul.f32 v16, v31;
	v61 =	vmul.f32 v15, v32  }
0x15f: {  	v13 =	vmul.f32 v13, v30;
	v30 =	vperm.xlane v49, v0  }
0x160: {  	v1 =	vadd.f32 v12, v1;
	v16 =	vadd.f32 v61, v59;
	v61 =	vadd.s32 v55, v25;
	v27 =	vld.idx.msk [tilespmem:v27+s11+$0x0], $0xffff  }
0x161: {  	vm14 =	veq.s32 v29, $0x7F;
	v9 =	vadd.f32 v13, v9;
	vm15 =	vlt.s32 v30, $0x7E  }
0x162: {  	v1 =	vadd.f32 v1, v63;
	v62 =	vsel vm14, v54, v45;
	v45 =	vld.idx.msk [tilespmem:v26+s11+$0x0], $0xffff;
	v26 =	vsel vm13, v52, v28  }
0x163: {  	v28 =	vld.idx.msk [tilespmem:v60+s11+$0x0], $0xffff;
	v12 =	vmul.f32 v16, v62;
	v16 =	vadd.s32 v57, v25;
	v25 =	vperm.xlane v21, v8  }
0x164: {  	v63 =	vmul.f32 v14, v31;
	v31 =	vnsel vm15, $0x7E, v30;
	v60 =	vmul.f32 v26, v32  }
0x165: {  	v27 =	vsel vm13, v51, v27;
	v10 =	vadd.f32 v12, v10;
	v13 =	vmul.f32 v15, v25;
	v15 =	vld.idx.msk [tilespmem:v61+s11+$0x0], $0xffff  }
0x166: {  	v12 =	vadd.f32 v60, v59;
	v29 =	vmul.f32 v27, v32;
	v60 =	vadd.s32 v58, v31  }
0x167: {  	v9 =	vadd.f32 v9, v63;
	v26 =	vmul.f32 v26, v25;
	v14 =	vsel vm14, v52, v45  }
0x168: {  	v45 =	vperm.xlane v44, v0;
	v61 =	vadd.f32 v29, v59;
	v28 =	vsel vm13, v53, v28  }
0x169: {  	v10 =	vadd.f32 v10, v13;
	v16 =	vld.idx.msk [tilespmem:v16+s11+$0x0], $0xffff;
	v12 =	vmul.f32 v12, v14;
	v62 =	vmul.f32 v28, v32  }
0x16a: {  	v32 =	vadd.s32 v56, v31;
	vm13 =	vlt.s32 v45, $0x7E;
	v63 =	vsel vm14, v51, v15  }
0x16b: {  	v15 =	vnsel vm13, $0x7E, v45;
	v14 =	vadd.f32 v62, v59;
	v59 =	vld.idx.msk [tilespmem:v60+s11+$0x0], $0xffff;
	v60 =	vadd.s32 v55, v31  }
0x16c: {  	v11 =	vadd.f32 v12, v11;
	vm13 =	veq.s32 v45, $0x7F;
	v29 =	vadd.s32 v58, v15  }
0x16d: {  	v31 =	vadd.s32 v57, v31;
	v12 =	vmul.f32 v61, v63;
	v61 =	vmul.f32 v27, v25  }
0x16e: {  	v62 =	vadd.s32 v56, v15;
	v25 =	vmul.f32 v28, v25;
	v16 =	vsel vm14, v53, v16  }
0x16f: {  	v11 =	vadd.f32 v11, v26;
	v26 =	vadd.s32 v55, v15;
	v14 =	vmul.f32 v14, v16;
	v16 =	vld.idx.msk [tilespmem:v32+s11+$0x0], $0xffff  }
0x170: {  	v1 =	vadd.f32 v12, v1;
	vm14 =	veq.s32 v30, $0x7F;
	v12 =	vperm.xlane v24, v0;
	v28 =	vld.idx.msk [tilespmem:v60+s11+$0x0], $0xffff  }
0x171: {  	v15 =	vadd.s32 v57, v15;
	v27 =	vsel vm14, v54, v59;
	v63 =	vld.idx.msk [tilespmem:v29+s11+$0x0], $0xffff;
	v29 =	vperm.xlane v49, v2  }
0x172: {  	v30 =	vperm.xlane v20, v0;
	v1 =	vadd.f32 v1, v61;
	v60 =	vmul.f32 v27, v12  }
0x173: {  	v9 =	vadd.f32 v14, v9;
	v13 =	vld.idx.msk [tilespmem:v62+s11+$0x0], $0xffff;
	v62 =	vperm.xlane v22, v0;
	vm15 =	vlt.s32 v29, $0x7E  }
0x174: {  	v26 =	vld.idx.msk [tilespmem:v26+s11+$0x0], $0xffff;
	v32 =	vadd.f32 v60, v30;
	v60 =	vperm.xlane v44, v2;
	v16 =	vsel vm14, v52, v16  }
0x175: {  	v9 =	vadd.f32 v9, v25;
	v59 =	vnsel vm15, $0x7E, v29;
	v45 =	vmul.f32 v16, v12  }
0x176: {  	v61 =	vadd.s32 v58, v59;
	v28 =	vsel vm14, v51, v28;
	v14 =	vsel vm13, v54, v63  }
0x177: {  	vm15 =	vlt.s32 v60, $0x7E;
	v14 =	vmul.f32 v32, v14;
	v32 =	vadd.f32 v45, v30  }
0x178: {  	v31 =	vld.idx.msk [tilespmem:v31+s11+$0x0], $0xffff;
	v13 =	vsel vm13, v52, v13;
	v63 =	vnsel vm15, $0x7E, v60;
	v45 =	vmul.f32 v28, v12  }
0x179: {  	v26 =	vsel vm13, v51, v26;
	v28 =	vmul.f32 v28, v62;
	v13 =	vmul.f32 v32, v13  }
0x17a: {  	v32 =	vadd.f32 v45, v30;
	v10 =	vadd.f32 v14, v10;
	v14 =	vmul.f32 v27, v62  }
0x17b: {  	v45 =	vadd.s32 v58, v63;
	v27 =	vld.idx.msk [tilespmem:v61+s11+$0x0], $0xffff;
	v61 =	vmul.f32 v16, v62;
	v11 =	vadd.f32 v13, v11  }
0x17c: {  	v16 =	vmul.f32 v32, v26;
	v10 =	vadd.f32 v10, v14;
	v14 =	vld.idx.msk [tilespmem:v15+s11+$0x0], $0xffff;
	v15 =	vadd.s32 v56, v59  }
0x17d: {  	v13 =	vsel vm14, v53, v31;
	vm14 =	veq.s32 v29, $0x7F;
	v29 =	vadd.s32 v57, v59  }
0x17e: {  	v26 =	vadd.s32 v55, v59;
	v31 =	vperm.xlane v20, v2;
	v12 =	vmul.f32 v13, v12  }
0x17f: {  	v11 =	vadd.f32 v11, v61;
	v1 =	vadd.f32 v16, v1;
	v16 =	vperm.xlane v24, v2  }
0x180: {  	v25 =	vld.idx.msk [tilespmem:v45+s11+$0x0], $0xffff;
	v45 =	vadd.s32 v56, v63;
	v12 =	vadd.f32 v12, v30;
	v27 =	vsel vm14, v54, v27  }
0x181: {  	v1 =	vadd.f32 v1, v28;
	v61 =	vmul.f32 v27, v16;
	v14 =	vsel vm13, v53, v14  }
0x182: {  	vm13 =	veq.s32 v60, $0x7F;
	v60 =	vadd.s32 v55, v63;
	v28 =	vld.idx.msk [tilespmem:v29+s11+$0x0], $0xffff;
	v29 =	vperm.xlane v49, v3  }
0x183: {  	v15 =	vld.idx.msk [tilespmem:v15+s11+$0x0], $0xffff;
	v12 =	vmul.f32 v12, v14  }
0x184: {  	v59 =	vadd.f32 v61, v31;
	vm15 =	vlt.s32 v29, $0x7E  }
0x185: {  	v61 =	vsel vm13, v54, v25;
	v25 =	vld.idx.msk [tilespmem:v26+s11+$0x0], $0xffff;
	v26 =	vadd.s32 v57, v63;
	v9 =	vadd.f32 v12, v9  }
0x186: {  	v12 =	vmul.f32 v13, v62;
	v30 =	vld.idx.msk [tilespmem:v45+s11+$0x0], $0xffff;
	v45 =	vnsel vm15, $0x7E, v29;
	v14 =	vmul.f32 v59, v61  }
0x187: {  	v13 =	vperm.xlane v22, v2;
	v59 =	vperm.xlane v44, v3;
	v32 =	vld.idx.msk [tilespmem:v60+s11+$0x0], $0xffff;
	v60 =	vadd.s32 v58, v45  }
0x188: {  	v9 =	vadd.f32 v9, v12;
	v10 =	vadd.f32 v14, v10;
	v14 =	vsel vm14, v52, v15  }
0x189: {  	v12 =	vadd.s32 v55, v45;
	v15 =	vmul.f32 v27, v13;
	v27 =	vmul.f32 v14, v16  }
0x18a: {  	v28 =	vsel vm14, v53, v28;
	v14 =	vmul.f32 v14, v13;
	v25 =	vsel vm14, v51, v25  }
0x18b: {  	v30 =	vsel vm13, v52, v30;
	v27 =	vadd.f32 v27, v31;
	v61 =	vmul.f32 v25, v16  }
0x18c: {  	v26 =	vld.idx.msk [tilespmem:v26+s11+$0x0], $0xffff;
	vm14 =	vlt.s32 v59, $0x7E;
	v10 =	vadd.f32 v10, v15;
	v16 =	vmul.f32 v28, v16  }
0x18d: {  	v27 =	vmul.f32 v27, v30;
	v30 =	vadd.f32 v61, v31;
	v61 =	vnsel vm14, $0x7E, v59  }
0x18e: {  	v32 =	vsel vm13, v51, v32;
	v12 =	vld.idx.msk [tilespmem:v12+s11+$0x0], $0xffff;
	v16 =	vadd.f32 v16, v31;
	v31 =	vadd.s32 v58, v61  }
0x18f: {  	v15 =	vmul.f32 v25, v13;
	v30 =	vmul.f32 v30, v32;
	v32 =	vld.idx.msk [tilespmem:v60+s11+$0x0], $0xffff;
	v60 =	vadd.s32 v56, v45  }
0x190: {  	v13 =	vmul.f32 v28, v13;
	vm14 =	veq.s32 v59, $0x7F;
	v45 =	vadd.s32 v57, v45  }
0x191: {  	v26 =	vsel vm13, v53, v26;
	v11 =	vadd.f32 v27, v11;
	vm13 =	veq.s32 v29, $0x7F  }
0x192: {  	v62 =	vmul.f32 v16, v26;
	v16 =	vperm.xlane v24, v3;
	v26 =	vadd.s32 v56, v61  }
0x193: {  	v1 =	vadd.f32 v30, v1;
	v11 =	vadd.f32 v11, v14;
	v14 =	vperm.xlane v20, v3;
	v25 =	vld.idx.msk [tilespmem:v31+s11+$0x0], $0xffff  }
0x194: {  	v30 =	vperm.xlane v49, v4;
	v12 =	vsel vm13, v51, v12;
	v27 =	vsel vm13, v54, v32;
	v63 =	vld.idx.msk [tilespmem:v60+s11+$0x0], $0xffff  }
0x195: {  	v9 =	vadd.f32 v62, v9;
	v62 =	vadd.s32 v55, v61;
	v28 =	vld.idx.msk [tilespmem:v45+s11+$0x0], $0xffff;
	v60 =	vmul.f32 v27, v16  }
0x196: {  	v1 =	vadd.f32 v1, v15;
	v31 =	vperm.xlane v22, v3;
	v32 =	vadd.s32 v57, v61  }
0x197: {  	vm15 =	vlt.s32 v30, $0x7E;
	v45 =	vperm.xlane v44, v4;
	v15 =	vadd.f32 v60, v14  }
0x198: {  	v9 =	vadd.f32 v9, v13;
	v59 =	vnsel vm15, $0x7E, v30;
	v26 =	vld.idx.msk [tilespmem:v26+s11+$0x0], $0xffff;
	v25 =	vsel vm14, v54, v25  }
0x199: {  	vm15 =	vlt.s32 v45, $0x7E;
	v15 =	vmul.f32 v15, v25;
	v25 =	vsel vm13, v52, v63  }
0x19a: {  	v60 =	vmul.f32 v12, v16;
	v28 =	vsel vm13, v53, v28;
	v63 =	vmul.f32 v25, v16  }
0x19b: {  	v32 =	vld.idx.msk [tilespmem:v32+s11+$0x0], $0xffff;
	v10 =	vadd.f32 v15, v10;
	v15 =	vmul.f32 v27, v31;
	v27 =	vadd.s32 v58, v59  }
0x19c: {  	v13 =	vld.idx.msk [tilespmem:v62+s11+$0x0], $0xffff;
	v61 =	vnsel vm15, $0x7E, v45;
	v16 =	vmul.f32 v28, v16;
	v29 =	vadd.f32 v63, v14  }
0x19d: {  	v62 =	vadd.s32 v56, v59;
	v60 =	vadd.f32 v60, v14;
	v26 =	vsel vm14, v52, v26  }
0x19e: {  	v14 =	vadd.f32 v16, v14;
	v16 =	vadd.s32 v55, v59;
	v26 =	vmul.f32 v29, v26  }
0x19f: {  	v12 =	vmul.f32 v12, v31;
	v29 =	vadd.s32 v58, v61  }
0x1a0: {  	v10 =	vadd.f32 v10, v15;
	v15 =	vsel vm14, v53, v32;
	v11 =	vadd.f32 v26, v11;
	v26 =	vld.idx.msk [tilespmem:v27+s11+$0x0], $0xffff  }
0x1a1: {  	vm13 =	veq.s32 v30, $0x7F;
	v13 =	vsel vm14, v51, v13;
	v32 =	vmul.f32 v14, v15  }
0x1a2: {  	v25 =	vmul.f32 v25, v31;
	v13 =	vmul.f32 v60, v13;
	v15 =	vadd.s32 v56, v61;
	v27 =	vld.idx.msk [tilespmem:v62+s11+$0x0], $0xffff  }
0x1a3: {  	v60 =	vmul.f32 v28, v31;
	v28 =	vperm.xlane v20, v4;
	v9 =	vadd.f32 v32, v9;
	v63 =	vld.idx.msk [tilespmem:v16+s11+$0x0], $0xffff  }
0x1a4: {  	v62 =	vadd.s32 v55, v61;
	v11 =	vadd.f32 v11, v25;
	v25 =	vperm.xlane v24, v4;
	v14 =	vld.idx.msk [tilespmem:v29+s11+$0x0], $0xffff  }
0x1a5: {  	v9 =	vadd.f32 v9, v60;
	v60 =	vadd.s32 v57, v59;
	v26 =	vsel vm13, v54, v26  }
0x1a6: {  	v1 =	vadd.f32 v13, v1;
	v32 =	vadd.s32 v57, v61;
	v29 =	vmul.f32 v26, v25  }
0x1a7: {  	v31 =	vperm.xlane v22, v4;
	vm14 =	veq.s32 v45, $0x7F;
	v45 =	vperm.xlane v44, v5;
	v15 =	vld.idx.msk [tilespmem:v15+s11+$0x0], $0xffff  }
0x1a8: {  	v1 =	vadd.f32 v1, v12;
	v16 =	vadd.f32 v29, v28;
	v29 =	vperm.xlane v49, v5  }
0x1a9: {  	v27 =	vsel vm13, v52, v27;
	v30 =	vld.idx.msk [tilespmem:v62+s11+$0x0], $0xffff;
	v12 =	vsel vm13, v51, v63;
	v14 =	vsel vm14, v54, v14  }
0x1aa: {  	v13 =	vld.idx.msk [tilespmem:v60+s11+$0x0], $0xffff;
	v14 =	vmul.f32 v16, v14;
	v16 =	vmul.f32 v27, v25;
	vm15 =	vlt.s32 v29, $0x7E  }
0x1ab: {  	v62 =	vld.idx.msk [tilespmem:v32+s11+$0x0], $0xffff;
	v32 =	vperm.xlane v49, v6;
	v61 =	vmul.f32 v12, v25;
	v59 =	vnsel vm15, $0x7E, v29  }
0x1ac: {  	v15 =	vsel vm14, v52, v15;
	v16 =	vadd.f32 v16, v28;
	v60 =	vadd.s32 v58, v59  }
0x1ad: {  	vm15 =	vlt.s32 v45, $0x7E;
	v10 =	vadd.f32 v14, v10;
	v63 =	vadd.s32 v56, v59  }
0x1ae: {  	v14 =	vmul.f32 v16, v15;
	v15 =	vnsel vm15, $0x7E, v45;
	v16 =	vmul.f32 v26, v31  }
0x1af: {  	v13 =	vsel vm13, v53, v13;
	v26 =	vadd.f32 v61, v28;
	v61 =	vadd.s32 v58, v15  }
0x1b0: {  	v11 =	vadd.f32 v14, v11;
	v14 =	vsel vm14, v51, v30;
	v10 =	vadd.f32 v10, v16  }
0x1b1: {  	v16 =	vmul.f32 v13, v25;
	v25 =	vadd.s32 v55, v59;
	v14 =	vmul.f32 v26, v14;
	v26 =	vld.idx.msk [tilespmem:v60+s11+$0x0], $0xffff  }
0x1b2: {  	v12 =	vmul.f32 v12, v31;
	v27 =	vmul.f32 v27, v31;
	vm13 =	veq.s32 v29, $0x7F  }
0x1b3: {  	v29 =	vperm.xlane v24, v5;
	vm15 =	vlt.s32 v32, $0x7E;
	v13 =	vmul.f32 v13, v31  }
0x1b4: {  	v11 =	vadd.f32 v11, v27;
	v60 =	vadd.f32 v16, v28;
	v27 =	vadd.s32 v56, v15;
	v16 =	vld.idx.msk [tilespmem:v61+s11+$0x0], $0xffff  }
0x1b5: {  	v1 =	vadd.f32 v14, v1;
	v61 =	vsel vm14, v53, v62;
	v62 =	vld.idx.msk [tilespmem:v63+s11+$0x0], $0xffff;
	v63 =	vadd.s32 v55, v15  }
0x1b6: {  	vm14 =	veq.s32 v45, $0x7F;
	v14 =	vmul.f32 v60, v61;
	v25 =	vld.idx.msk [tilespmem:v25+s11+$0x0], $0xffff;
	v26 =	vsel vm13, v54, v26  }
0x1b7: {  	v1 =	vadd.f32 v1, v12;
	v12 =	vperm.xlane v20, v5;
	v60 =	vmul.f32 v26, v29  }
0x1b8: {  	v45 =	vadd.s32 v57, v59;
	v15 =	vadd.s32 v57, v15;
	v59 =	vnsel vm15, $0x7E, v32  }
0x1b9: {  	v9 =	vadd.f32 v14, v9;
	v14 =	vperm.xlane v22, v5;
	v27 =	vld.idx.msk [tilespmem:v27+s11+$0x0], $0xffff;
	v61 =	vadd.f32 v60, v12  }
0x1ba: {  	v16 =	vsel vm14, v54, v16;
	v30 =	vsel vm13, v52, v62;
	v28 =	vld.idx.msk [tilespmem:v63+s11+$0x0], $0xffff;
	v62 =	vadd.s32 v58, v59  }
0x1bb: {  	v63 =	vadd.s32 v56, v59;
	v25 =	vsel vm13, v51, v25;
	v16 =	vmul.f32 v61, v16  }
0x1bc: {  	v9 =	vadd.f32 v9, v13;
	v31 =	vmul.f32 v30, v29;
	v60 =	vmul.f32 v25, v29  }
0x1bd: {  	v45 =	vld.idx.msk [tilespmem:v45+s11+$0x0], $0xffff;
	v61 =	vperm.xlane v44, v6;
	v10 =	vadd.f32 v16, v10;
	v16 =	vmul.f32 v26, v14  }
0x1be: {  	v26 =	vsel vm14, v52, v27;
	v27 =	vadd.f32 v31, v12;
	v31 =	vadd.f32 v60, v12  }
0x1bf: {  	v15 =	vld.idx.msk [tilespmem:v15+s11+$0x0], $0xffff;
	v25 =	vmul.f32 v25, v14;
	vm15 =	vlt.s32 v61, $0x7E;
	v28 =	vsel vm14, v51, v28  }
0x1c0: {  	v60 =	vnsel vm15, $0x7E, v61;
	v26 =	vmul.f32 v27, v26;
	v27 =	vmul.f32 v31, v28  }
0x1c1: {  	v62 =	vld.idx.msk [tilespmem:v62+s11+$0x0], $0xffff;
	v28 =	vadd.s32 v58, v60;
	v10 =	vadd.f32 v10, v16;
	v16 =	vmul.f32 v30, v14  }
0x1c2: {  	v11 =	vadd.f32 v26, v11;
	v26 =	vsel vm13, v53, v45;
	v45 =	vadd.s32 v55, v59  }
0x1c3: {  	vm15 =	veq.s32 v32, $0x7F;
	v1 =	vadd.f32 v27, v1;
	v27 =	vadd.s32 v56, v60  }
0x1c4: {  	v15 =	vsel vm14, v53, v15;
	v11 =	vadd.f32 v11, v16;
	v16 =	vmul.f32 v26, v29;
	v29 =	vld.idx.msk [tilespmem:v63+s11+$0x0], $0xffff  }
0x1c5: {  	vm13 =	veq.s32 v61, $0x7F;
	v1 =	vadd.f32 v1, v25;
	v25 =	vperm.xlane v24, v6  }
0x1c6: {  	v14 =	vmul.f32 v26, v14;
	v13 =	vsel vm15, v54, v62;
	v28 =	vld.idx.msk [tilespmem:v28+s11+$0x0], $0xffff;
	v12 =	vadd.f32 v16, v12  }
0x1c7: {  	v63 =	vadd.s32 v55, v60;
	v16 =	vperm.xlane v20, v6;
	v62 =	vmul.f32 v13, v25;
	v30 =	vld.idx.msk [tilespmem:v45+s11+$0x0], $0xffff  }
0x1c8: {  	v45 =	vperm.xlane v49, v7;
	v12 =	vmul.f32 v12, v15;
	v15 =	vld.idx.msk [tilespmem:v27+s11+$0x0], $0xffff;
	v27 =	vadd.s32 v57, v59  }
0x1c9: {  	v31 =	vadd.f32 v62, v16;
	v59 =	vperm.xlane v44, v7;
	v29 =	vsel vm15, v52, v29  }
0x1ca: {  	vm14 =	vlt.s32 v45, $0x7E;
	v9 =	vadd.f32 v12, v9;
	v62 =	vmul.f32 v29, v25  }
0x1cb: {  	v61 =	vsel vm13, v54, v28;
	v32 =	vnsel vm14, $0x7E, v45;
	vm14 =	vlt.s32 v59, $0x7E  }
0x1cc: {  	v28 =	vld.idx.msk [tilespmem:v63+s11+$0x0], $0xffff;
	v12 =	vmul.f32 v31, v61;
	v31 =	vadd.s32 v57, v60;
	v26 =	vadd.f32 v62, v16  }
0x1cd: {  	v60 =	vadd.s32 v58, v32;
	v61 =	vperm.xlane v22, v6;
	v15 =	vsel vm13, v52, v15;
	v27 =	vld.idx.msk [tilespmem:v27+s11+$0x0], $0xffff  }
0x1ce: {  	v62 =	vadd.s32 v56, v32;
	v15 =	vmul.f32 v26, v15;
	v26 =	vsel vm15, v51, v30  }
0x1cf: {  	v9 =	vadd.f32 v9, v14;
	v10 =	vadd.f32 v12, v10;
	v63 =	vmul.f32 v26, v25  }
0x1d0: {  	v13 =	vmul.f32 v13, v61;
	v11 =	vadd.f32 v15, v11;
	v15 =	vnsel vm14, $0x7E, v59  }
0x1d1: {  	v29 =	vmul.f32 v29, v61;
	v30 =	vld.idx.msk [tilespmem:v31+s11+$0x0], $0xffff;
	v12 =	vadd.f32 v63, v16;
	v31 =	vadd.s32 v58, v15  }
0x1d2: {  	v28 =	vsel vm13, v51, v28;
	v10 =	vadd.f32 v10, v13;
	v60 =	vld.idx.msk [tilespmem:v60+s11+$0x0], $0xffff;
	v27 =	vsel vm15, v53, v27  }
0x1d3: {  	v13 =	vadd.s32 v55, v32;
	v12 =	vmul.f32 v12, v28;
	v28 =	vmul.f32 v27, v25  }
0x1d4: {  	v32 =	vadd.s32 v57, v32;
	v63 =	vmul.f32 v26, v61;
	v11 =	vadd.f32 v11, v29  }
0x1d5: {  	v29 =	vld.idx.msk [tilespmem:v62+s11+$0x0], $0xffff;
	v62 =	vadd.s32 v55, v15;
	v25 =	vperm.xlane v24, v7;
	v14 =	vadd.f32 v28, v16  }
0x1d6: {  	v1 =	vadd.f32 v12, v1;
	v16 =	vsel vm13, v53, v30;
	vm13 =	veq.s32 v45, $0x7F;
	v26 =	vld.idx.msk [tilespmem:v31+s11+$0x0], $0xffff  }
0x1d7: {  	v28 =	vadd.s32 v56, v15;
	v14 =	vmul.f32 v14, v16;
	v16 =	vsel vm13, v54, v60  }
0x1d8: {  	v30 =	vperm.xlane v20, v7;
	v1 =	vadd.f32 v1, v63;
	v63 =	vld.idx.msk [tilespmem:v13+s11+$0x0], $0xffff;
	v60 =	vmul.f32 v16, v25  }
0x1d9: {  	vm14 =	veq.s32 v59, $0x7F;
	v15 =	vadd.s32 v57, v15;
	v31 =	vperm.xlane v22, v7  }
0x1da: {  	v9 =	vadd.f32 v14, v9;
	v14 =	vperm.xlane v49, v8;
	v60 =	vadd.f32 v60, v30  }
0x1db: {  	v27 =	vmul.f32 v27, v61;
	v26 =	vsel vm14, v54, v26  }
0x1dc: {  	v45 =	vld.idx.msk [tilespmem:v62+s11+$0x0], $0xffff;
	v16 =	vmul.f32 v16, v31;
	vm15 =	vlt.s32 v14, $0x7E;
	v13 =	vmul.f32 v60, v26  }
0x1dd: {  	v26 =	vld.idx.msk [tilespmem:v28+s11+$0x0], $0xffff;
	v59 =	vnsel vm15, $0x7E, v14;
	v12 =	vsel vm13, v51, v63;
	v60 =	vperm.xlane v44, v8  }
0x1de: {  	v15 =	vld.idx.msk [tilespmem:v15+s11+$0x0], $0xffff;
	v28 =	vsel vm13, v52, v29;
	v62 =	vadd.s32 v58, v59;
	v61 =	vmul.f32 v12, v25  }
0x1df: {  	v32 =	vld.idx.msk [tilespmem:v32+s11+$0x0], $0xffff;
	v9 =	vadd.f32 v9, v27;
	v29 =	vmul.f32 v28, v25;
	vm15 =	vlt.s32 v60, $0x7E  }
0x1e0: {  	v10 =	vadd.f32 v13, v10;
	v13 =	vadd.f32 v61, v30;
	v61 =	vnsel vm15, $0x7E, v60  }
0x1e1: {  	v63 =	vsel vm14, v51, v45;
	v29 =	vadd.f32 v29, v30;
	v45 =	vadd.s32 v58, v61  }
0x1e2: {  	v26 =	vsel vm14, v52, v26;
	v13 =	vmul.f32 v13, v63;
	v63 =	vadd.s32 v56, v59  }
0x1e3: {  	v12 =	vmul.f32 v12, v31;
	v15 =	vsel vm14, v53, v15;
	v26 =	vmul.f32 v29, v26;
	v27 =	vld.idx.msk [tilespmem:v62+s11+$0x0], $0xffff  }
0x1e4: {  	v62 =	vadd.s32 v55, v61;
	v1 =	vadd.f32 v13, v1;
	v13 =	vsel vm13, v53, v32  }
0x1e5: {  	v10 =	vadd.f32 v10, v16;
	v16 =	vmul.f32 v28, v31;
	v25 =	vmul.f32 v13, v25  }
0x1e6: {  	vm13 =	veq.s32 v14, $0x7F;
	v11 =	vadd.f32 v26, v11;
	v26 =	vadd.s32 v55, v59;
	v28 =	vld.idx.msk [tilespmem:v45+s11+$0x0], $0xffff  }
0x1e7: {  	v14 =	vperm.xlane v24, v8;
	v32 =	vperm.xlane v20, v8;
	v25 =	vadd.f32 v25, v30;
	v29 =	vld.idx.msk [tilespmem:v63+s11+$0x0], $0xffff  }
0x1e8: {  	v13 =	vmul.f32 v13, v31;
	v30 =	vadd.s32 v56, v61;
	v27 =	vsel vm13, v54, v27  }
0x1e9: {  	vm14 =	veq.s32 v60, $0x7F;
	v31 =	vld.idx.msk [tilespmem:v62+s11+$0x0], $0xffff;
	v45 =	vmul.f32 v27, v14;
	v15 =	vmul.f32 v25, v15  }
0x1ea: {  	v1 =	vadd.f32 v1, v12;
	v11 =	vadd.f32 v11, v16;
	v16 =	vadd.s32 v57, v59  }
0x1eb: {  	v25 =	vld.idx.msk [tilespmem:v26+s11+$0x0], $0xffff;
	v60 =	vadd.f32 v45, v32;
	v9 =	vadd.f32 v15, v9;
	v15 =	vsel vm14, v54, v28  }
0x1ec: {  	v28 =	vperm.xlane v49, v34;
	v26 =	vsel vm13, v52, v29;
	v29 =	vperm.xlane v22, v8  }
0x1ed: {  	v45 =	vadd.s32 v57, v61;
	v12 =	vmul.f32 v60, v15;
	v15 =	vld.idx.msk [tilespmem:v30+s11+$0x0], $0xffff;
	v63 =	vmul.f32 v26, v14  }
0x1ee: {  	vm15 =	vlt.s32 v28, $0x7E;
	v31 =	vsel vm14, v51, v31;
	v9 =	vadd.f32 v9, v13  }
0x1ef: {  	v59 =	vnsel vm15, $0x7E, v28;
	v10 =	vadd.f32 v12, v10;
	v12 =	vld.idx.msk [tilespmem:v16+s11+$0x0], $0xffff;
	v16 =	vperm.xlane v44, v34  }
0x1f0: {  	v27 =	vmul.f32 v27, v29;
	v30 =	vadd.f32 v63, v32;
	v25 =	vsel vm13, v51, v25  }
0x1f1: {  	v61 =	vadd.s32 v58, v59;
	v60 =	vmul.f32 v25, v14;
	vm15 =	vlt.s32 v16, $0x7E  }
0x1f2: {  	v26 =	vmul.f32 v26, v29;
	v15 =	vsel vm14, v52, v15;
	v62 =	vnsel vm15, $0x7E, v16  }
0x1f3: {  	v45 =	vld.idx.msk [tilespmem:v45+s11+$0x0], $0xffff;
	v15 =	vmul.f32 v30, v15;
	v30 =	vadd.f32 v60, v32;
	v60 =	vadd.s32 v58, v62  }
0x1f4: {  	v63 =	vadd.s32 v56, v59;
	v10 =	vadd.f32 v10, v27;
	v12 =	vsel vm13, v53, v12  }
0x1f5: {  	vm13 =	veq.s32 v16, $0x7F;
	v14 =	vmul.f32 v12, v14;
	v11 =	vadd.f32 v15, v11  }
0x1f6: {  	v31 =	vmul.f32 v30, v31;
	v15 =	vld.idx.msk [tilespmem:v61+s11+$0x0], $0xffff;
	v30 =	vadd.s32 v56, v62;
	v12 =	vmul.f32 v12, v29  }
0x1f7: {  	v61 =	vadd.f32 v14, v32;
	v11 =	vadd.f32 v11, v26;
	v26 =	vadd.s32 v55, v59  }
0x1f8: {  	v1 =	vadd.f32 v31, v1;
	v14 =	vmul.f32 v25, v29;
	v25 =	vsel vm14, v53, v45;
	v27 =	vld.idx.msk [tilespmem:v60+s11+$0x0], $0xffff  }
0x1f9: {  	vm14 =	veq.s32 v28, $0x7F;
	v60 =	vadd.s32 v57, v59;
	v13 =	vmul.f32 v61, v25;
	v25 =	vld.idx.msk [tilespmem:v63+s11+$0x0], $0xffff  }
0x1fa: {  	v63 =	vimm.s32 $0x9;
	v1 =	vadd.f32 v1, v14;
	v14 =	vperm.xlane v24, v34  }
0x1fb: {  	v16 =	vld.idx.msk [tilespmem:v30+s11+$0x0], $0xffff;
	v31 =	vperm.xlane v49, v63;
	v9 =	vadd.f32 v13, v9;
	v13 =	vsel vm14, v54, v15  }
0x1fc: {  	v30 =	vadd.s32 v55, v62;
	v15 =	vperm.xlane v20, v34;
	v45 =	vmul.f32 v13, v14;
	v26 =	vld.idx.msk [tilespmem:v26+s11+$0x0], $0xffff  }
0x1fd: {  	v32 =	vperm.xlane v44, v63;
	vm15 =	vlt.s32 v31, $0x7E;
	v27 =	vsel vm13, v54, v27  }
0x1fe: {  	v29 =	vld.idx.msk [tilespmem:v60+s11+$0x0], $0xffff;
	v28 =	vadd.f32 v45, v15;
	v25 =	vsel vm14, v52, v25;
	v45 =	vadd.s32 v57, v62  }
0x1ff: {  	v9 =	vadd.f32 v9, v12;
	v60 =	vperm.xlane v22, v34;
	v61 =	vmul.f32 v25, v14  }
0x200: {  	v62 =	vsel vm13, v52, v16;
	v12 =	vmul.f32 v28, v27;
	v27 =	vnsel vm15, $0x7E, v31  }
0x201: {  	v28 =	vadd.f32 v61, v15;
	v59 =	vadd.s32 v58, v27;
	v26 =	vsel vm14, v51, v26  }
0x202: {  	v16 =	vld.idx.msk [tilespmem:v30+s11+$0x0], $0xffff;
	vm15 =	vlt.s32 v32, $0x7E;
	v10 =	vadd.f32 v12, v10;
	v61 =	vmul.f32 v26, v14  }
0x203: {  	v29 =	vsel vm14, v53, v29;
	v12 =	vmul.f32 v28, v62;
	v30 =	vld.idx.msk [tilespmem:v45+s11+$0x0], $0xffff;
	v45 =	vnsel vm15, $0x7E, v32  }
0x204: {  	v14 =	vmul.f32 v29, v14;
	v28 =	vadd.f32 v61, v15;
	v61 =	vadd.s32 v56, v27  }
0x205: {  	v11 =	vadd.f32 v12, v11;
	v12 =	vmul.f32 v25, v60;
	v25 =	vadd.s32 v58, v45  }
0x206: {  	v13 =	vmul.f32 v13, v60;
	v14 =	vadd.f32 v14, v15;
	v15 =	vadd.s32 v55, v27;
	v59 =	vld.idx.msk [tilespmem:v59+s11+$0x0], $0xffff  }
0x207: {  	v26 =	vmul.f32 v26, v60;
	v62 =	vsel vm13, v51, v16;
	v27 =	vadd.s32 v57, v27  }
0x208: {  	v11 =	vadd.f32 v11, v12;
	v12 =	vmul.f32 v28, v62;
	v62 =	vadd.s32 v56, v45  }
0x209: {  	vm14 =	veq.s32 v32, $0x7F;
	v10 =	vadd.f32 v10, v13;
	v16 =	vsel vm13, v53, v30;
	v30 =	vld.idx.msk [tilespmem:v61+s11+$0x0], $0xffff  }
0x20a: {  	v28 =	vperm.xlane v24, v63;
	vm13 =	veq.s32 v31, $0x7F;
	v1 =	vadd.f32 v12, v1;
	v25 =	vld.idx.msk [tilespmem:v25+s11+$0x0], $0xffff  }
0x20b: {  	v60 =	vmul.f32 v29, v60;
	v14 =	vmul.f32 v14, v16;
	v15 =	vld.idx.msk [tilespmem:v15+s11+$0x0], $0xffff;
	v16 =	vsel vm13, v54, v59  }
0x20c: {  	v12 =	vperm.xlane v20, v63;
	v1 =	vadd.f32 v1, v26;
	v26 =	vld.idx.msk [tilespmem:v27+s11+$0x0], $0xffff;
	v59 =	vmul.f32 v16, v28  }
0x20d: {  	v61 =	vadd.s32 v55, v45;
	v9 =	vadd.f32 v14, v9;
	v27 =	vperm.xlane v49, v35;
	v13 =	vld.idx.msk [tilespmem:v62+s11+$0x0], $0xffff  }
0x20e: {  	v29 =	vperm.xlane v44, v35;
	v62 =	vadd.s32 v57, v45;
	v31 =	vadd.f32 v59, v12  }
0x20f: {  	v9 =	vadd.f32 v9, v60;
	vm15 =	vlt.s32 v27, $0x7E;
	v25 =	vsel vm14, v54, v25  }
0x210: {  	v15 =	vsel vm13, v51, v15;
	v45 =	vmul.f32 v31, v25;
	v25 =	vsel vm13, v52, v30  }
0x211: {  	v30 =	vperm.xlane v22, v63;
	v26 =	vsel vm13, v53, v26;
	vm13 =	vlt.s32 v29, $0x7E  }
0x212: {  	v14 =	vld.idx.msk [tilespmem:v61+s11+$0x0], $0xffff;
	v60 =	vmul.f32 v15, v28;
	v59 =	vmul.f32 v25, v28;
	v13 =	vsel vm14, v52, v13  }
0x213: {  	v28 =	vmul.f32 v26, v28;
	v10 =	vadd.f32 v45, v10;
	v45 =	vnsel vm15, $0x7E, v27  }
0x214: {  	v61 =	vnsel vm13, $0x7E, v29;
	v31 =	vadd.f32 v59, v12;
	v59 =	vadd.s32 v58, v45  }
0x215: {  	v32 =	vld.idx.msk [tilespmem:v62+s11+$0x0], $0xffff;
	v60 =	vadd.f32 v60, v12;
	v12 =	vadd.f32 v28, v12;
	v28 =	vadd.s32 v56, v45  }
0x216: {  	vm13 =	veq.s32 v27, $0x7F;
	v16 =	vmul.f32 v16, v30;
	v27 =	vadd.s32 v55, v61  }
0x217: {  	v26 =	vmul.f32 v26, v30;
	v14 =	vsel vm14, v51, v14;
	v62 =	vadd.s32 v55, v45  }
0x218: {  	v10 =	vadd.f32 v10, v16;
	v13 =	vmul.f32 v31, v13;
	v31 =	vadd.s32 v58, v61  }
0x219: {  	v14 =	vmul.f32 v60, v14;
	v16 =	vadd.s32 v56, v61;
	v60 =	vmul.f32 v15, v30;
	v59 =	vld.idx.msk [tilespmem:v59+s11+$0x0], $0xffff  }
0x21a: {  	v32 =	vsel vm14, v53, v32;
	v11 =	vadd.f32 v13, v11;
	v13 =	vmul.f32 v25, v30;
	v25 =	vld.idx.msk [tilespmem:v28+s11+$0x0], $0xffff  }
0x21b: {  	v33 =	vimm.s32 $0xB;
	v15 =	vperm.xlane v24, v35;
	v12 =	vmul.f32 v12, v32;
	v27 =	vld.idx.msk [tilespmem:v27+s11+$0x0], $0xffff  }
0x21c: {  	v1 =	vadd.f32 v14, v1;
	vm14 =	veq.s32 v29, $0x7F;
	v29 =	vadd.s32 v57, v61;
	v30 =	vld.idx.msk [tilespmem:v62+s11+$0x0], $0xffff  }
0x21d: {  	v32 =	vperm.xlane v49, v33;
	v62 =	vadd.s32 v57, v45;
	v9 =	vadd.f32 v12, v9;
	v12 =	vld.idx.msk [tilespmem:v31+s11+$0x0], $0xffff  }
0x21e: {  	v1 =	vadd.f32 v1, v60;
	v11 =	vadd.f32 v11, v13;
	v28 =	vsel vm13, v54, v59  }
0x21f: {  	v13 =	vperm.xlane v20, v35;
	v60 =	vld.idx.msk [tilespmem:v16+s11+$0x0], $0xffff;
	v25 =	vsel vm13, v52, v25;
	v59 =	vmul.f32 v28, v15  }
0x220: {  	v16 =	vperm.xlane v22, v35;
	vm15 =	vlt.s32 v32, $0x7E;
	v61 =	vmul.f32 v25, v15  }
0x221: {  	v9 =	vadd.f32 v9, v26;
	v35 =	vsel vm14, v51, v27;
	v26 =	vadd.f32 v59, v13  }
0x222: {  	v27 =	vld.idx.msk [tilespmem:v29+s11+$0x0], $0xffff;
	v30 =	vsel vm13, v51, v30;
	v12 =	vsel vm14, v54, v12;
	v45 =	vadd.f32 v61, v13  }
0x223: {  	v31 =	vld.idx.msk [tilespmem:v62+s11+$0x0], $0xffff;
	v59 =	vnsel vm15, $0x7E, v32;
	v12 =	vmul.f32 v26, v12;
	v26 =	vmul.f32 v30, v15  }
0x224: {  	v14 =	vsel vm14, v52, v60;
	v61 =	vadd.s32 v58, v59  }
0x225: {  	v60 =	vperm.xlane v44, v33;
	v62 =	vmul.f32 v45, v14;
	v26 =	vadd.f32 v26, v13  }
0x226: {  	v28 =	vmul.f32 v28, v16;
	v25 =	vmul.f32 v25, v16  }
0x227: {  	v27 =	vsel vm14, v53, v27;
	v11 =	vadd.f32 v62, v11;
	v14 =	vmul.f32 v26, v35  }
0x228: {  	v26 =	vsel vm13, v53, v31;
	vm13 =	vlt.s32 v60, $0x7E;
	v31 =	vadd.s32 v56, v59  }
0x229: {  	v62 =	vld.idx.msk [tilespmem:v61+s11+$0x0], $0xffff;
	v61 =	vadd.s32 v57, v59;
	v15 =	vmul.f32 v26, v15;
	v29 =	vnsel vm13, $0x7E, v60  }
0x22a: {  	v10 =	vadd.f32 v12, v10;
	v45 =	vadd.s32 v58, v29;
	v1 =	vadd.f32 v14, v1  }
0x22b: {  	v35 =	vadd.s32 v56, v29;
	v13 =	vadd.f32 v15, v13;
	v15 =	vmul.f32 v30, v16  }
0x22c: {  	vm14 =	veq.s32 v32, $0x7F;
	v32 =	vperm.xlane v22, v33;
	v10 =	vadd.f32 v10, v28  }
0x22d: {  	v13 =	vmul.f32 v13, v27;
	v27 =	vadd.s32 v55, v59;
	v1 =	vadd.f32 v1, v15;
	v15 =	vld.idx.msk [tilespmem:v31+s11+$0x0], $0xffff  }
0x22e: {  	v11 =	vadd.f32 v11, v25;
	vm13 =	veq.s32 v60, $0x7F;
	v25 =	vadd.s32 v55, v29;
	v31 =	vld.idx.msk [tilespmem:v61+s11+$0x0], $0xffff  }
0x22f: {  	v16 =	vmul.f32 v26, v16;
	v9 =	vadd.f32 v13, v9;
	v13 =	vperm.xlane v24, v33;
	v12 =	vld.idx.msk [tilespmem:v45+s11+$0x0], $0xffff  }
0x230: {  	v26 =	vperm.xlane v20, v33;
	v14 =	vsel vm14, v54, v62;
	v30 =	vld.idx.msk [tilespmem:v35+s11+$0x0], $0xffff;
	v33 =	vimm.s32 $0xC  }
0x231: {  	v59 =	vperm.xlane v44, v33;
	v45 =	vmul.f32 v14, v13;
	v9 =	vadd.f32 v9, v16  }
0x232: {  	v14 =	vmul.f32 v14, v32;
	v16 =	vld.idx.msk [tilespmem:v27+s11+$0x0], $0xffff;
	v27 =	vimm.s32 $0xC;
	v15 =	vsel vm14, v52, v15  }
0x233: {  	v31 =	vsel vm14, v53, v31;
	v27 =	vperm.xlane v49, v27;
	v28 =	vadd.f32 v45, v26  }
0x234: {  	v25 =	vld.idx.msk [tilespmem:v25+s11+$0x0], $0xffff;
	v62 =	vmul.f32 v15, v13;
	v15 =	vmul.f32 v15, v32;
	v12 =	vsel vm13, v54, v12  }
0x235: {  	v30 =	vsel vm13, v52, v30;
	vm15 =	vlt.s32 v27, $0x7E;
	v12 =	vmul.f32 v28, v12  }
0x236: {  	v28 =	vadd.s32 v57, v29;
	v45 =	vadd.f32 v62, v26;
	v29 =	vnsel vm15, $0x7E, v27  }
0x237: {  	vm15 =	vlt.s32 v59, $0x7E;
	v60 =	vadd.s32 v58, v29;
	v16 =	vsel vm14, v51, v16  }
0x238: {  	v10 =	vadd.f32 v12, v10;
	v61 =	vadd.s32 v56, v29;
	v35 =	vmul.f32 v16, v13  }
0x239: {  	v25 =	vsel vm13, v51, v25;
	v12 =	vmul.f32 v45, v30;
	v45 =	vnsel vm15, $0x7E, v59  }
0x23a: {  	v10 =	vadd.f32 v10, v14;
	v14 =	vadd.s32 v55, v29;
	v35 =	vadd.f32 v35, v26  }
0x23b: {  	vm14 =	veq.s32 v59, $0x7F;
	v30 =	vadd.s32 v58, v45;
	v11 =	vadd.f32 v12, v11;
	v28 =	vld.idx.msk [tilespmem:v28+s11+$0x0], $0xffff  }
0x23c: {  	v13 =	vmul.f32 v31, v13;
	v60 =	vld.idx.msk [tilespmem:v60+s11+$0x0], $0xffff;
	v12 =	vmul.f32 v35, v25;
	v25 =	vadd.s32 v56, v45  }
0x23d: {  	v59 =	vperm.xlane v22, v33;
	v31 =	vmul.f32 v31, v32;
	v11 =	vadd.f32 v11, v15;
	v15 =	vld.idx.msk [tilespmem:v61+s11+$0x0], $0xffff  }
0x23e: {  	v13 =	vadd.f32 v13, v26;
	v26 =	vperm.xlane v24, v33;
	v35 =	vmul.f32 v16, v32  }
0x23f: {  	v29 =	vadd.s32 v57, v29;
	v32 =	vperm.xlane v49, v36;
	v61 =	vperm.xlane v44, v36;
	v14 =	vld.idx.msk [tilespmem:v14+s11+$0x0], $0xffff  }
0x240: {  	v16 =	vsel vm13, v53, v28;
	vm13 =	veq.s32 v27, $0x7F;
	v27 =	vld.idx.msk [tilespmem:v30+s11+$0x0], $0xffff;
	v30 =	vadd.s32 v55, v45  }
0x241: {  	v1 =	vadd.f32 v12, v1;
	v12 =	vmul.f32 v13, v16;
	v13 =	vsel vm13, v54, v60;
	v25 =	vld.idx.msk [tilespmem:v25+s11+$0x0], $0xffff  }
0x242: {  	v16 =	vperm.xlane v20, v33;
	v15 =	vsel vm13, v52, v15;
	v62 =	vmul.f32 v13, v26  }
0x243: {  	vm15 =	vlt.s32 v32, $0x7E;
	v1 =	vadd.f32 v1, v35;
	v35 =	vmul.f32 v15, v26  }
0x244: {  	v60 =	vnsel vm15, $0x7E, v32;
	v9 =	vadd.f32 v12, v9;
	v28 =	vadd.f32 v62, v16  }
0x245: {  	v14 =	vsel vm13, v51, v14;
	v27 =	vsel vm14, v54, v27;
	v35 =	vadd.f32 v35, v16;
	v30 =	vld.idx.msk [tilespmem:v30+s11+$0x0], $0xffff  }
0x246: {  	v27 =	vmul.f32 v28, v27;
	v28 =	vadd.s32 v57, v45;
	v25 =	vsel vm14, v52, v25  }
0x247: {  	v29 =	vld.idx.msk [tilespmem:v29+s11+$0x0], $0xffff;
	vm15 =	vlt.s32 v61, $0x7E;
	v45 =	vmul.f32 v35, v25;
	v25 =	vmul.f32 v14, v26  }
0x248: {  	v13 =	vmul.f32 v13, v59;
	v62 =	vadd.s32 v58, v60;
	v9 =	vadd.f32 v9, v31  }
0x249: {  	v15 =	vmul.f32 v15, v59;
	v10 =	vadd.f32 v27, v10;
	v35 =	vadd.f32 v25, v16  }
0x24a: {  	v27 =	vnsel vm15, $0x7E, v61;
	v11 =	vadd.f32 v45, v11;
	v45 =	vsel vm14, v51, v30  }
0x24b: {  	v30 =	vadd.s32 v58, v27;
	v10 =	vadd.f32 v10, v13;
	v25 =	vld.idx.msk [tilespmem:v28+s11+$0x0], $0xffff;
	v12 =	vmul.f32 v35, v45  }
0x24c: {  	v28 =	vsel vm13, v53, v29;
	v45 =	vadd.s32 v56, v60;
	v11 =	vadd.f32 v11, v15  }
0x24d: {  	v29 =	vld.idx.msk [tilespmem:v62+s11+$0x0], $0xffff;
	v62 =	vmul.f32 v14, v59;
	v15 =	vadd.s32 v55, v60;
	v35 =	vmul.f32 v28, v26  }
0x24e: {  	vm13 =	veq.s32 v32, $0x7F;
	v26 =	vadd.s32 v56, v27;
	v1 =	vadd.f32 v12, v1  }
0x24f: {  	v28 =	vmul.f32 v28, v59;
	v12 =	vadd.s32 v55, v27;
	v13 =	vadd.f32 v35, v16  }
0x250: {  	v1 =	vadd.f32 v1, v62;
	v62 =	vimm.s32 $0xE;
	v31 =	vsel vm14, v53, v25;
	v25 =	vld.idx.msk [tilespmem:v30+s11+$0x0], $0xffff  }
0x251: {  	v27 =	vadd.s32 v57, v27;
	v16 =	vperm.xlane v24, v36;
	v14 =	vld.idx.msk [tilespmem:v45+s11+$0x0], $0xffff;
	v32 =	vperm.xlane v49, v62  }
0x252: {  	v45 =	vperm.xlane v22, v36;
	v15 =	vld.idx.msk [tilespmem:v15+s11+$0x0], $0xffff;
	v35 =	vmul.f32 v13, v31;
	v13 =	vsel vm13, v54, v29  }
0x253: {  	vm14 =	veq.s32 v61, $0x7F;
	v29 =	vperm.xlane v20, v36;
	v30 =	vmul.f32 v13, v16  }
0x254: {  	v31 =	vadd.s32 v57, v60;
	v26 =	vld.idx.msk [tilespmem:v26+s11+$0x0], $0xffff;
	vm15 =	vlt.s32 v32, $0x7E;
	v13 =	vmul.f32 v13, v45  }
0x255: {  	v9 =	vadd.f32 v35, v9;
	v35 =	vimm.s32 $0xE;
	v30 =	vadd.f32 v30, v29  }
0x256: {  	v61 =	vperm.xlane v44, v35;
	v25 =	vsel vm14, v54, v25;
	v14 =	vsel vm13, v52, v14  }
0x257: {  	v12 =	vld.idx.msk [tilespmem:v12+s11+$0x0], $0xffff;
	v15 =	vsel vm13, v51, v15;
	v9 =	vadd.f32 v9, v28;
	v25 =	vmul.f32 v30, v25  }
0x258: {  	v30 =	vnsel vm15, $0x7E, v32;
	v60 =	vmul.f32 v14, v16;
	vm15 =	vlt.s32 v61, $0x7E  }
0x259: {  	v31 =	vld.idx.msk [tilespmem:v31+s11+$0x0], $0xffff;
	v26 =	vsel vm14, v52, v26;
	v35 =	vmul.f32 v15, v16;
	v62 =	vadd.s32 v58, v30  }
0x25a: {  	v27 =	vld.idx.msk [tilespmem:v27+s11+$0x0], $0xffff;
	v14 =	vmul.f32 v14, v45;
	v10 =	vadd.f32 v25, v10;
	v25 =	vadd.f32 v60, v29  }
0x25b: {  	v15 =	vmul.f32 v15, v45;
	v60 =	vnsel vm15, $0x7E, v61;
	v35 =	vadd.f32 v35, v29  }
0x25c: {  	v12 =	vsel vm14, v51, v12;
	v25 =	vmul.f32 v25, v26;
	v26 =	vadd.s32 v58, v60  }
0x25d: {  	v10 =	vadd.f32 v10, v13;
	v12 =	vmul.f32 v35, v12;
	v35 =	vimm.s32 $0xE  }
0x25e: {  	v28 =	vsel vm13, v53, v31;
	v59 =	vld.idx.msk [tilespmem:v62+s11+$0x0], $0xffff;
	v11 =	vadd.f32 v25, v11;
	v62 =	vadd.s32 v56, v30  }
0x25f: {  	v16 =	vmul.f32 v28, v16;
	v25 =	vsel vm14, v53, v27;
	v27 =	vadd.s32 v55, v30  }
0x260: {  	v31 =	vadd.s32 v56, v60;
	vm13 =	veq.s32 v61, $0x7F;
	v30 =	vadd.s32 v57, v30  }
0x261: {  	vm14 =	veq.s32 v32, $0x7F;
	v32 =	vimm.s32 $0xE;
	v16 =	vadd.f32 v16, v29  }
0x262: {  	v61 =	vimm.s32 $0xE;
	v1 =	vadd.f32 v12, v1;
	v29 =	vperm.xlane v24, v32;
	v26 =	vld.idx.msk [tilespmem:v26+s11+$0x0], $0xffff  }
0x263: {  	v12 =	vperm.xlane v20, v35;
	v16 =	vmul.f32 v16, v25;
	v25 =	vsel vm14, v54, v59;
	v13 =	vld.idx.msk [tilespmem:v62+s11+$0x0], $0xffff  }
0x264: {  	v35 =	vimm.s32 $0xF;
	v28 =	vmul.f32 v28, v45;
	v27 =	vld.idx.msk [tilespmem:v27+s11+$0x0], $0xffff;
	v59 =	vmul.f32 v25, v29  }
0x265: {  	v11 =	vadd.f32 v11, v14;
	v1 =	vadd.f32 v1, v15;
	v62 =	vadd.s32 v57, v60;
	v30 =	vld.idx.msk [tilespmem:v30+s11+$0x0], $0xffff  }
0x266: {  	v9 =	vadd.f32 v16, v9;
	v16 =	vadd.s32 v55, v60;
	v32 =	vadd.f32 v59, v12  }
0x267: {  	v15 =	vimm.s32 $0xF;
	v59 =	vperm.xlane v49, v35;
	v26 =	vsel vm13, v54, v26  }
0x268: {  	v15 =	vperm.xlane v44, v15;
	v9 =	vadd.f32 v9, v28;
	v60 =	vmul.f32 v32, v26  }
0x269: {  	v26 =	vld.idx.msk [tilespmem:v31+s11+$0x0], $0xffff;
	vm15 =	vlt.s32 v59, $0x7E;
	v13 =	vsel vm14, v52, v13;
	v27 =	vsel vm14, v51, v27  }
0x26a: {  	v45 =	vld.idx.msk [tilespmem:v62+s11+$0x0], $0xffff;
	v30 =	vsel vm14, v53, v30;
	vm14 =	vlt.s32 v15, $0x7E;
	v31 =	vnsel vm15, $0x7E, v59  }
0x26b: {  	v14 =	vld.idx.msk [tilespmem:v16+s11+$0x0], $0xffff;
	v16 =	vmul.f32 v13, v29;
	v32 =	vmul.f32 v27, v29;
	v28 =	vadd.s32 v58, v31  }
0x26c: {  	v29 =	vmul.f32 v30, v29;
	v10 =	vadd.f32 v60, v10;
	v60 =	vnsel vm14, $0x7E, v15  }
0x26d: {  	vm14 =	veq.s32 v15, $0x7F;
	v16 =	vadd.f32 v16, v12;
	v32 =	vadd.f32 v32, v12  }
0x26e: {  	v58 =	vadd.s32 v58, v60;
	v12 =	vadd.f32 v29, v12;
	v26 =	vsel vm13, v52, v26  }
0x26f: {  	v29 =	vadd.s32 v55, v31;
	v16 =	vmul.f32 v16, v26;
	v26 =	vadd.s32 v56, v31  }
0x270: {  	v55 =	vadd.s32 v55, v60;
	v35 =	vadd.s32 v57, v60;
	v62 =	vsel vm13, v53, v45;
	v28 =	vld.idx.msk [tilespmem:v28+s11+$0x0], $0xffff  }
0x271: {  	v45 =	vperm.xlane v22, v61;
	v14 =	vsel vm13, v51, v14;
	v31 =	vadd.s32 v57, v31  }
0x272: {  	v12 =	vmul.f32 v12, v62;
	vm13 =	veq.s32 v59, $0x7F;
	v62 =	vimm.s32 $0xF  }
0x273: {  	v61 =	vmul.f32 v25, v45;
	v25 =	vadd.s32 v56, v60;
	v11 =	vadd.f32 v16, v11;
	v16 =	vld.idx.msk [tilespmem:v58+s11+$0x0], $0xffff  }
0x274: {  	v59 =	vimm.s32 $0xF;
	v14 =	vmul.f32 v32, v14;
	v32 =	vperm.xlane v24, v62;
	v26 =	vld.idx.msk [tilespmem:v26+s11+$0x0], $0xffff  }
0x275: {  	v57 =	vimm.s32 $0xF;
	v13 =	vmul.f32 v13, v45;
	v29 =	vld.idx.msk [tilespmem:v29+s11+$0x0], $0xffff;
	v28 =	vsel vm13, v54, v28  }
0x276: {  	v1 =	vadd.f32 v14, v1;
	v14 =	vperm.xlane v20, v59;
	v31 =	vld.idx.msk [tilespmem:v31+s11+$0x0], $0xffff;
	v60 =	vmul.f32 v28, v32  }
0x277: {  	v27 =	vmul.f32 v27, v45;
	v9 =	vadd.f32 v12, v9;
	v10 =	vadd.f32 v10, v61  }
0x278: {  	v15 =	vmul.f32 v30, v45;
	v11 =	vadd.f32 v11, v13;
	v62 =	vld.idx.msk [tilespmem:v25+s11+$0x0], $0xffff;
	v61 =	vadd.f32 v60, v14  }
0x279: {  	v1 =	vadd.f32 v1, v27;
	v16 =	vsel vm14, v54, v16;
	v25 =	vsel vm13, v52, v26;
	v26 =	vld.idx.msk [tilespmem:v55+s11+$0x0], $0xffff  }
0x27a: {  	v27 =	vsel vm13, v51, v29;
	v54 =	vld.idx.msk [tilespmem:v35+s11+$0x0], $0xffff;
	v12 =	vmul.f32 v61, v16;
	v16 =	vmul.f32 v25, v32  }
0x27b: {  	v9 =	vadd.f32 v9, v15;
	v15 =	vmul.f32 v27, v32;
	v55 =	vsel vm13, v53, v31  }
0x27c: {  	v31 =	vperm.xlane v22, v57;
	v56 =	vadd.f32 v16, v14;
	v16 =	vmul.f32 v55, v32  }
0x27d: {  	v15 =	vadd.f32 v15, v14;
	v13 =	vsel vm14, v52, v62;
	v10 =	vadd.f32 v12, v10  }
0x27e: {  	v12 =	vmul.f32 v56, v13;
	v58 =	vsel vm14, v51, v26;
	v14 =	vadd.f32 v16, v14  }
0x27f: {  	v16 =	vmul.f32 v28, v31;
	v13 =	vmul.f32 v15, v58;
	v15 =	vsel vm14, v53, v54  }
0x280: {  	v60 =	vmul.f32 v25, v31;
	v11 =	vadd.f32 v12, v11;
	v59 =	vmul.f32 v14, v15  }
0x281: {  	p0 =	sne.s32 s6, $0xDE40;
	v61 =	vmul.f32 v27, v31;
	v10 =	vadd.f32 v10, v16;
	v1 =	vadd.f32 v13, v1  }
.Ltmp0:
0x282: {  	v62 =	vmul.f32 v55, v31;
	v11 =	vadd.f32 v11, v60;
	v9 =	vadd.f32 v59, v9;
	(pc) =	sbr.rel @p0 .LBB2_2-.Ltmp0, $4  }
0x283: {  	[tilespmem:s9+$0xFFFFFFE0] =	vst v10;
	v1 =	vadd.f32 v1, v61  }
0x284: {  	v9 =	vadd.f32 v9, v62;
	[tilespmem:s9+$0xFFFFFFF0] =	vst v11  }
0x285: {  	[tilespmem:s9+$0x0] =	vst v1  }
0x286: {  	s6 =	sadd.s32 $0x1FC0, s6;
	s31 =	sadd.s32 $0x40, s31;
	v32 =	vimm.s32 $0xB;
	v1 =	vld [tilespmem:$0x1FFF0];
	[tilespmem:s9+$0x10] =	vst v9;
	s9 =	sadd.s32 $0x40, s9  }
0x287: {  	s30 =	sadd.s32 $0x1, s30  }
0x288: {  	p0 =	sne.s32 s30, s15  }
.Ltmp1:
0x289: {  	_ = 	snop;
	(pc) =	sbr.rel @p0 .LBB2_1-.Ltmp1, $4  }
0x28a: {  	[hbm4b:s14+s11] =	stream.linear.scatter [tilespmem:s28], [sflag:$0x2], $0x200, $0x38;
	[tilespmem:$0x10680] =	vst v63  }
0x28b: {  	_ =	swait.ge [sflag:s29], $0x200  }
0x28c: {  	[sflag:s29] =	ssyncset.done $0x0  }
0x28d: {  	v9 =	vimm.s32 $0x8;
	v10 =	vimm.s32 $0xA;
	[sflag:s29] =	ssyncadd.s32 $0xFFFFFE00  }
0x28e: {  	_ =	sfence.sel $0x180000  }
0x28f: {  	[bflag:$0x0] =	sbarrier.arrive $0xFFFF  }
0x290: {  	_ =	strace $0x90000047  }
0x291: {  	s0 =	stileid.u32;
	[bflag:$0x2] =	sbarrier.arrive $0xFFFF  }
0x292: {  	p0 =	sne.s32 s0, $0x0;
	s0 =	rddreg [dreg:$0xc]  }
0x293: {  	s0 =	sadd.s32 @!p0 $0x100000, s0  }
0x294: {  	[sflag:s0] =	ssyncadd.tile.s32 @!p0 $0x1;
	_ =	shalt  }
.Lfunc_end2:
_tile_overlayer_lowered:
.L_overlay_start_2:
0x295: {  	(tag) =	ssettag $0x2  }
0x296: {  	s0 =	rddreg [dreg:$0x0];
	s2 =	stileid.u32  }
0x297: {  	s1 =	rddreg [dreg:$0x1];
	p0 =	sne.s32 s2, $0x0  }
0x298: {  	s3 =	rddreg [dreg:$0x2];
	[bflag:$0x3] =	sbarrier.arrive $0xFFFF;
	s2 =	simm.s32 @!p0 $0x1C02  }
0x299: {  	[timem:s3], [sflag:s2] =	dma.local @!p0 [hbm:s0], s1  }
0x29a: {  	s0 =	simm.s32 @!p0 $0x2  }
0x29b: {  	_ =	swait.ge @!p0 [sflag:s0], s1  }
0x29c: {  	s1 =	ssub.s32 @!p0 $0x0, s1;
	[sflag:s0] =	ssyncset.done @!p0 $0x0  }
0x29d: {  	[sflag:s0] =	ssyncadd.s32 @!p0 s1  }
0x29e: {  	[bflag:$0x3] =	sbarrier.arrive $0xFFFF  }
0x29f: {  	_ =	shalt  }

</sc_bundles>
